<compile_context>
chip_gen: v7x
topology: tpu7x:2x2x1
jax: 0.10.2.dev20260603
libtpu: 0.0.44.dev20260713+nightly
codegen_flags: <defaults>
</compile_context>

<pallas_src>
import functools

import jax
import jax.numpy as jnp
from jax import lax
from jax.experimental import pallas as pl
from jax.experimental.pallas import tpu as pltpu
from jax.experimental.pallas import tpu_sc as plsc

NC = 2
NS = 16
NW = NC * NS
CHUNK = 128

F32 = jnp.float32


def _sc_mesh():
    return plsc.VectorSubcoreMesh(core_axis_name="c", subcore_axis_name="s",
                                  num_cores=NC, num_subcores=NS)


def _sc_segsum(feat, src2, dst2, n_rows, ka, kb):
    assert ka % 4 == 0 and kb % 4 == 0 and n_rows % (NS * 8) == 0
    rpt = n_rows // NS
    zeros128 = jnp.zeros((n_rows, 128), F32)

    def body(feat_h, s_h, d_h, z128_h, out_h, sidx, didx, rows, acc, isem,
             gsem):
        cid = lax.axis_index("c")
        sid = lax.axis_index("s")
        r0 = sid * rpt
        c0 = jnp.where(cid == 0, sid * ka, NS * ka + sid * kb)
        k = jnp.where(cid == 0, ka, kb)

        pltpu.sync_copy(z128_h.at[pl.ds(r0, rpt)], acc.at[pl.ds(r0, rpt)])
        plsc.subcore_barrier()

        def idx_load(j, p4):
            jc = c0 + jnp.minimum(j, k - 1)
            pltpu.async_copy(s_h.at[jc], sidx[p4], isem[p4])
            pltpu.async_copy(d_h.at[jc], didx[p4], isem[p4])

        def idx_wait(j, p4):
            jc = c0 + jnp.minimum(j, k - 1)
            pltpu.make_async_copy(s_h.at[jc], sidx[p4], isem[p4]).wait()
            pltpu.make_async_copy(d_h.at[jc], didx[p4], isem[p4]).wait()

        for p in range(4):
            idx_load(p, p)

        def slot(j, p4):
            idx_wait(j, p4)
            pltpu.async_copy(feat_h.at[sidx[p4]], rows, gsem).wait()
            pltpu.sync_copy(rows, acc.at[didx[p4]], add=True)
            idx_load(j + 4, p4)

        def step(t, carry):
            j0 = 4 * t
            for p in range(4):
                slot(j0 + p, p)
            return carry

        lax.fori_loop(0, k // 4, step, 0)
        for p in range(4):
            idx_wait(k + p, p)
        plsc.subcore_barrier()

        pltpu.sync_copy(acc.at[pl.ds(r0, rpt)], out_h.at[cid, pl.ds(r0, rpt)])

    kern = pl.kernel(
        body,
        out_type=[jax.ShapeDtypeStruct((NC, n_rows, 128), F32)],
        mesh=_sc_mesh(),
        scratch_types=[
            [pltpu.VMEM((CHUNK,), jnp.int32) for _ in range(4)],
            [pltpu.VMEM((CHUNK,), jnp.int32) for _ in range(4)],
            pltpu.VMEM((CHUNK, 128), F32),
            pltpu.VMEM_SHARED((n_rows, 128), F32),
            [pltpu.SemaphoreType.DMA for _ in range(4)],
            pltpu.SemaphoreType.DMA,
        ],
    )
    return kern(feat, src2, dst2, zeros128)[0]


def _sc_edge_segsum(ea3, dst2, n_rows, k):
    assert k % 4 == 0
    rpt = n_rows // NS
    zeros128 = jnp.zeros((n_rows, 128), F32)

    def body(ea_h, d_h, z128_h, out_h, didx, eat, acc, isem, lsem):
        cid = lax.axis_index("c")
        sid = lax.axis_index("s")
        wid = sid * NC + cid
        r0 = sid * rpt
        c0 = wid * k
        pltpu.sync_copy(z128_h.at[pl.ds(r0, rpt)], acc.at[pl.ds(r0, rpt)])
        plsc.subcore_barrier()

        def idx_load(j, p4):
            pltpu.async_copy(d_h.at[c0 + jnp.minimum(j, k - 1)], didx[p4],
                             isem[p4])

        def idx_wait(j, p4):
            pltpu.make_async_copy(d_h.at[c0 + jnp.minimum(j, k - 1)],
                                  didx[p4], isem[p4]).wait()

        def load(j, p2):
            pltpu.async_copy(ea_h.at[c0 + jnp.minimum(j, k - 1)], eat[p2],
                             lsem[p2])

        def load_wait(j, p2):
            pltpu.make_async_copy(ea_h.at[c0 + jnp.minimum(j, k - 1)],
                                  eat[p2], lsem[p2]).wait()

        def scat(p4, p2):
            pltpu.sync_copy(eat[p2], acc.at[didx[p4]], add=True)

        for p in range(4):
            idx_load(p, p)
        load(0, 0)
        load(1, 1)

        def slot(j, p4, p2):
            load_wait(j, p2)
            idx_wait(j, p4)
            scat(p4, p2)
            load(j + 2, p2)
            idx_load(j + 4, p4)

        def step(t, carry):
            j0 = 4 * t
            slot(j0, 0, 0)
            slot(j0 + 1, 1, 1)
            slot(j0 + 2, 2, 0)
            slot(j0 + 3, 3, 1)
            return carry

        lax.fori_loop(0, k // 4, step, 0)
        load_wait(k, 0)
        load_wait(k + 1, 1)
        for p in range(4):
            idx_wait(k + p, p)
        plsc.subcore_barrier()
        pltpu.sync_copy(acc.at[pl.ds(r0, rpt)], out_h.at[cid, pl.ds(r0, rpt)])

    kern = pl.kernel(
        body,
        out_type=[jax.ShapeDtypeStruct((NC, n_rows, 128), F32)],
        mesh=_sc_mesh(),
        scratch_types=[
            [pltpu.VMEM((CHUNK,), jnp.int32) for _ in range(4)],
            [pltpu.VMEM((CHUNK, 128), F32) for _ in range(2)],
            pltpu.VMEM_SHARED((n_rows, 128), F32),
            [pltpu.SemaphoreType.DMA for _ in range(4)],
            [pltpu.SemaphoreType.DMA for _ in range(2)],
        ],
    )
    return kern(ea3, dst2, zeros128)[0]


TC_BLK = 1000


def _tc_layer1(sa, ea, x, wl, we, wr, b, n):

    def body(sa_ref, ea_ref, x_ref, wl_ref, we_ref, wr_ref, b_ref, out_ref):
        s = sa_ref[0] + sa_ref[1]
        e = ea_ref[0] + ea_ref[1]
        inv = 1.0 / jnp.maximum(e[:, 16:17], 1.0)
        h = (
            jnp.dot(s * inv, wl_ref[...], preferred_element_type=F32,
                    precision=lax.Precision.HIGHEST)
            + jnp.dot(e[:, :16] * inv, we_ref[...], preferred_element_type=F32,
                      precision=lax.Precision.HIGHEST)
            + jnp.dot(x_ref[...], wr_ref[...], preferred_element_type=F32,
                      precision=lax.Precision.HIGHEST)
            + b_ref[...]
        )
        out_ref[...] = jnp.maximum(h, 0.0)

    full = lambda *shape: pl.BlockSpec(shape, lambda i: (0,) * len(shape))
    return pl.pallas_call(
        body,
        grid=(n // TC_BLK,),
        in_specs=[
            pl.BlockSpec((2, TC_BLK, 128), lambda i: (0, i, 0)),
            pl.BlockSpec((2, TC_BLK, 128), lambda i: (0, i, 0)),
            pl.BlockSpec((TC_BLK, 128), lambda i: (i, 0)),
            full(128, 128), full(16, 128), full(128, 128), full(128),
        ],
        out_specs=pl.BlockSpec((TC_BLK, 128), lambda i: (i, 0)),
        out_shape=jax.ShapeDtypeStruct((n, 128), F32),
    )(sa, ea, x, wl, we, wr, b)


def _tc_layer2_attn(sb, ea, h1, wl, we, wr, b, w1, b1, w2, n):

    def body(sb_ref, ea_ref, h1_ref, wl_ref, we_ref, wr_ref, b_ref,
             w1_ref, b1_ref, w2_ref, out_ref):
        s = sb_ref[0] + sb_ref[1]
        e = ea_ref[0] + ea_ref[1]
        inv = 1.0 / jnp.maximum(e[:, 16:17], 1.0)
        h2 = (
            jnp.dot(s * inv, wl_ref[...], preferred_element_type=F32,
                    precision=lax.Precision.HIGHEST)
            + jnp.dot(e[:, :16] * inv, we_ref[...], preferred_element_type=F32,
                      precision=lax.Precision.HIGHEST)
            + jnp.dot(h1_ref[...], wr_ref[...], preferred_element_type=F32,
                      precision=lax.Precision.HIGHEST)
            + b_ref[...]
        )
        h2a = h2[:, :64]
        h2b = h2[:, 64:]
        ua = jnp.tanh(jnp.dot(h2a, w1_ref[...], preferred_element_type=F32,
                              precision=lax.Precision.HIGHEST) + b1_ref[...])
        ub = jnp.tanh(jnp.dot(h2b, w1_ref[...], preferred_element_type=F32,
                              precision=lax.Precision.HIGHEST) + b1_ref[...])
        sa_s = jnp.dot(ua, w2_ref[...], preferred_element_type=F32,
                       precision=lax.Precision.HIGHEST)
        sb_s = jnp.dot(ub, w2_ref[...], preferred_element_type=F32,
                       precision=lax.Precision.HIGHEST)
        m = jnp.maximum(sa_s, sb_s)
        ea_w = jnp.exp(sa_s - m)
        eb_w = jnp.exp(sb_s - m)
        out_ref[...] = (ea_w * h2a + eb_w * h2b) / (ea_w + eb_w)

    full = lambda *shape: pl.BlockSpec(shape, lambda i: (0,) * len(shape))
    return pl.pallas_call(
        body,
        grid=(n // TC_BLK,),
        in_specs=[
            pl.BlockSpec((2, TC_BLK, 128), lambda i: (0, i, 0)),
            pl.BlockSpec((2, TC_BLK, 128), lambda i: (0, i, 0)),
            pl.BlockSpec((TC_BLK, 128), lambda i: (i, 0)),
            full(128, 128), full(16, 128), full(128, 128), full(128),
            full(64, 64), full(64), full(64, 1),
        ],
        out_specs=pl.BlockSpec((TC_BLK, 64), lambda i: (i, 0)),
        out_shape=jax.ShapeDtypeStruct((n, 64), F32),
    )(sb, ea, h1, wl, we, wr, b, w1, b1, w2)


def _block_diag(a, b):
    da0, da1 = a.shape
    db0, db1 = b.shape
    out = jnp.zeros((da0 + db0, da1 + db1), F32)
    out = out.at[:da0, :da1].set(a)
    out = out.at[da0:, da1:].set(b)
    return out


def kernel(x, edge_index, edge_attr, params):
    n, in_ch = x.shape
    e = edge_index.shape[1]
    hid = 64
    ech = edge_attr.shape[1]

    quantum = 4 * NW * CHUNK
    ep = ((e + quantum - 1) // quantum) * quantum
    n_rows = ((n + 1 + NS * 8 - 1) // (NS * 8)) * (NS * 8)

    k = ep // (NW * CHUNK)
    src2 = (jnp.concatenate([edge_index[0],
                             jnp.zeros((ep - e,), jnp.int32)])
            .reshape(NW * k, CHUNK))
    dst2 = (jnp.concatenate([edge_index[1],
                             jnp.full((ep - e,), n, jnp.int32)])
            .reshape(NW * k, CHUNK))
    ea3 = jnp.concatenate([
        edge_attr,
        jnp.ones((e, 1), F32),
        jnp.zeros((e, 128 - ech - 1), F32),
    ], axis=1)
    ea3 = jnp.concatenate([ea3, jnp.zeros((ep - e, 128), F32)], axis=0)
    ea3 = ea3.reshape(NW * k, CHUNK, 128)

    c0, c1 = params["convs"][0], params["convs"][1]
    wl1 = _block_diag(c0[0]["Wl"][:64], c1[0]["Wl"][:64])
    we1 = jnp.concatenate([c0[0]["Wl"][64:], c1[0]["Wl"][64:]], axis=1)
    wr1 = _block_diag(c0[0]["Wr"], c1[0]["Wr"])
    b1v = jnp.concatenate([c0[0]["bl"] + c0[0]["br"],
                           c1[0]["bl"] + c1[0]["br"]])
    wl2 = _block_diag(c0[1]["Wl"][:64], c1[1]["Wl"][:64])
    we2 = jnp.concatenate([c0[1]["Wl"][64:], c1[1]["Wl"][64:]], axis=1)
    wr2 = _block_diag(c0[1]["Wr"], c1[1]["Wr"])
    b2v = jnp.concatenate([c0[1]["bl"] + c0[1]["br"],
                           c1[1]["bl"] + c1[1]["br"]])
    attn = params["attn"]

    ka = k
    kb = 2 * k - ka

    eagg = _sc_edge_segsum(ea3, dst2, n_rows, k)
    sa = _sc_segsum(x, src2, dst2, n_rows, ka, kb)

    h1 = _tc_layer1(sa, eagg, x, wl1, we1, wr1, b1v, n)

    sb = _sc_segsum(h1, src2, dst2, n_rows, ka, kb)

    return _tc_layer2_attn(sb, eagg, h1, wl2, we2, wr2, b2v,
                           attn["W1"], attn["b1"], attn["W2"], n)

# --- scband reference (transcript-rebuilt; emitter-appended) ---
"""Pipeline reference for scband-gra-frank-21869973471650 (READ-ONLY COPY).

The authoritative reference and input builder live on the scoring server;
editing this copy changes nothing except your own understanding.
"""

import jax, jax.numpy as jnp
import numpy as np

N = 10000
E = 320000
IN_CH = 128
HID = 64
EDGE_CH = 16
NUM_LAYERS = 2
INPUT_DIM_LIST = [64, 64]


def _glorot(key, shape):
    lim = float(np.sqrt(6.0 / (shape[0] + shape[1])))
    return jax.random.uniform(key, shape, jnp.float32, -lim, lim)


def setup_inputs(seed: int = 0) -> dict:
    key = jax.random.key(seed)
    ks = jax.random.split(key, 32)
    x = jax.random.normal(ks[0], (N, IN_CH), jnp.float32)
    edge_index = jax.random.randint(ks[1], (2, E), 0, N, dtype=jnp.int32)
    edge_attr = jax.random.normal(ks[2], (E, EDGE_CH), jnp.float32)
    params = {"convs": [], "attn": {}}
    kidx = 3
    for inp_dim in INPUT_DIM_LIST:
        layers = []
        for i in range(NUM_LAYERS):
            in_l = (inp_dim if i == 0 else HID) + EDGE_CH
            in_r = inp_dim if i == 0 else HID
            layers.append({
                "Wl": _glorot(ks[kidx], (in_l, HID)),
                "bl": jnp.zeros((HID,), jnp.float32),
                "Wr": _glorot(ks[kidx + 1], (in_r, HID)),
                "br": jnp.zeros((HID,), jnp.float32),
            })
            kidx += 2
        params["convs"].append(layers)
    params["attn"] = {
        "W1": _glorot(ks[kidx], (HID, HID)),
        "b1": jnp.zeros((HID,), jnp.float32),
        "W2": _glorot(ks[kidx + 1], (HID, 1)),
    }
    return {"x": x, "edge_index": edge_index, "edge_attr": edge_attr, "params": params}


def _conv(h, edge_index, edge_attr, p):
    # GraFrankConv: message = [x_j || e_ij], mean-aggregated by dst, then
    # out = lin_l(agg) + lin_r(x_i)  (SAGE-style with edge features).
    src = edge_index[0]
    dst = edge_index[1]
    msg = jnp.concatenate([jnp.take(h, src, axis=0), edge_attr], axis=-1)  # [E, in+edge]
    n = h.shape[0]
    agg_sum = jax.ops.segment_sum(msg, dst, num_segments=n)
    cnt = jax.ops.segment_sum(jnp.ones((msg.shape[0],), jnp.float32), dst, num_segments=n)
    agg = agg_sum / jnp.maximum(cnt, 1.0)[:, None]
    return agg @ p["Wl"] + p["bl"] + h @ p["Wr"] + p["br"]


def _forward(x, edge_index, edge_attr, params):
    splits = np.cumsum(INPUT_DIM_LIST)[:-1].tolist()
    x_list = jnp.split(x, splits, axis=-1)
    results = []
    for k in range(len(INPUT_DIM_LIST)):
        h = x_list[k]
        for i, p in enumerate(params["convs"][k]):
            h = _conv(h, edge_index, edge_attr, p)
            if i != NUM_LAYERS - 1:
                h = jax.nn.relu(h)
                # dropout p=0.1 is identity in eval mode
        results.append(h)
    stacked = jnp.stack(results, axis=1)  # [N, K, HID]
    a = params["attn"]
    scores = jnp.tanh(stacked @ a["W1"] + a["b1"]) @ a["W2"]  # [N, K, 1]
    attn_w = jax.nn.softmax(scores, axis=1)
    return jnp.sum(attn_w * stacked, axis=1)  # [N, HID]


def reference(x, edge_index, edge_attr, params):
    return _forward(x, edge_index, edge_attr, params)

if __name__ == "__main__":
    import jax
    _d = setup_inputs()
    print(jax.jit(kernel)(*tuple(_d.values())))

</pallas_src>

<mosaic_0001>
#map = affine_map<(d0, d1) -> (0, 0)>
#map1 = affine_map<(d0, d1) -> (0, 0, 0)>
module attributes {stable_mosaic.version = 14 : i64} {
  func.func @body(%arg0: i32, %arg1: i32, %arg2: memref<10000x128xf32, #tpu.memory_space<hbm>>, %arg3: memref<2560x128xi32, #tpu.memory_space<hbm>>, %arg4: memref<2560x128xi32, #tpu.memory_space<hbm>>, %arg5: memref<10112x128xf32, #tpu.memory_space<hbm>>, %arg6: memref<2x10112x128xf32, #tpu.memory_space<hbm>>, %arg7: memref<128xi32, #tpu.memory_space<vmem>>, %arg8: memref<128xi32, #tpu.memory_space<vmem>>, %arg9: memref<128xi32, #tpu.memory_space<vmem>>, %arg10: memref<128xi32, #tpu.memory_space<vmem>>, %arg11: memref<128xi32, #tpu.memory_space<vmem>>, %arg12: memref<128xi32, #tpu.memory_space<vmem>>, %arg13: memref<128xi32, #tpu.memory_space<vmem>>, %arg14: memref<128xi32, #tpu.memory_space<vmem>>, %arg15: memref<128x128xf32, #tpu.memory_space<vmem>>, %arg16: memref<10112x128xf32, #tpu.memory_space<vmem_shared>>, %arg17: memref<!tpu.dma_semaphore, #tpu.memory_space<semaphore_mem>>, %arg18: memref<!tpu.dma_semaphore, #tpu.memory_space<semaphore_mem>>, %arg19: memref<!tpu.dma_semaphore, #tpu.memory_space<semaphore_mem>>, %arg20: memref<!tpu.dma_semaphore, #tpu.memory_space<semaphore_mem>>, %arg21: memref<!tpu.dma_semaphore, #tpu.memory_space<semaphore_mem>>) attributes {dimension_semantics = [#tpu.dimension_semantics<core_parallel>, #tpu.dimension_semantics<subcore_parallel>], iteration_bounds = array<i64: 2, 16>, scalar_prefetch = 0 : i64, scratch_operands = 15 : i64, tpu.core_type = #tpu.core_type<sc_vector_subcore>, window_params = [{transform_indices = #map}, {transform_indices = #map}, {transform_indices = #map}, {transform_indices = #map}, {transform_indices = #map1}]} {
    %mul3A = arith.constant 632 : i32
    %mul3A_0 = arith.muli %arg1, %mul3A : i32
    %eq3A = arith.constant 0 : i32
    %eq3A_1 = arith.cmpi eq, %arg0, %eq3A : i32
    %mul3A_2 = arith.constant 80 : i32
    %mul3A_3 = arith.muli %arg1, %mul3A_2 : i32
    %mul3A_4 = arith.constant 80 : i32
    %mul3A_5 = arith.muli %arg1, %mul3A_4 : i32
    %add3A = arith.constant 1280 : i32
    %add3A_6 = arith.addi %add3A, %mul3A_5 : i32
    %select_n3A = arith.select %eq3A_1, %mul3A_3, %add3A_6 : i32
    %eq3A_7 = arith.constant 0 : i32
    %eq3A_8 = arith.cmpi eq, %arg0, %eq3A_7 : i32
    %jit3A = arith.constant 80 : i32
    %jit3A_9 = arith.constant 80 : i32
    %select_n3A_10 = arith.select %eq3A_8, %jit3A, %jit3A_9 : i32
    "tpu.region"() ({
      %run_scoped3A = tpu.sem_alloc : memref<!tpu.dma_semaphore, #tpu.memory_space<semaphore_mem>>
      %dma_start3A_176 = arith.constant 0 : i32
      %dma_start3A_177 = tpu.memref_slice %arg16[%mul3A_0, %dma_start3A_176] : memref<10112x128xf32, #tpu.memory_space<vmem_shared>> -> memref<632x128xf32, #tpu.memory_space<vmem_shared>>
      %dma_start3A_178 = arith.constant 0 : i32
      %dma_start3A_179 = tpu.memref_slice %arg5[%mul3A_0, %dma_start3A_178] : memref<10112x128xf32, #tpu.memory_space<hbm>> -> memref<632x128xf32, #tpu.memory_space<hbm>>
      tpu.enqueue_dma source(%dma_start3A_179 : memref<632x128xf32, #tpu.memory_space<hbm>>) target(%dma_start3A_177 : memref<632x128xf32, #tpu.memory_space<vmem_shared>>) target_semaphore(%run_scoped3A : memref<!tpu.dma_semaphore, #tpu.memory_space<semaphore_mem>>)
      %dma_wait3A_180 = arith.constant 0 : i32
      %dma_wait3A_181 = tpu.memref_slice %arg16[%mul3A_0, %dma_wait3A_180] : memref<10112x128xf32, #tpu.memory_space<vmem_shared>> -> memref<632x128xf32, #tpu.memory_space<vmem_shared>>
      %dma_wait3A_182 = arith.constant 0 : i32
      %dma_wait3A_183 = tpu.memref_slice %arg5[%mul3A_0, %dma_wait3A_182] : memref<10112x128xf32, #tpu.memory_space<hbm>> -> memref<632x128xf32, #tpu.memory_space<hbm>>
      tpu.wait_dma2 semaphore(%run_scoped3A : memref<!tpu.dma_semaphore, #tpu.memory_space<semaphore_mem>>) src(%dma_wait3A_183 : memref<632x128xf32, #tpu.memory_space<hbm>>) dst(%dma_wait3A_181 : memref<632x128xf32, #tpu.memory_space<vmem_shared>>)
      tpu.yield
    }) : () -> ()
    %barrier3A = arith.constant 0 : index
    tpu.barrier barrier_id(%barrier3A)
    %sub3A = arith.constant 1 : i32
    %sub3A_11 = arith.subi %select_n3A_10, %sub3A : i32
    %min3A = arith.constant 0 : i32
    %min3A_12 = arith.minsi %min3A, %sub3A_11 : i32
    %add3A_13 = arith.addi %select_n3A, %min3A_12 : i32
    %dma_start3A = arith.constant 0 : i32
    %dma_start3A_14 = tpu.memref_slice %arg3[%add3A_13, %dma_start3A] : memref<2560x128xi32, #tpu.memory_space<hbm>> -> memref<1x128xi32, #tpu.memory_space<hbm>>
    %dma_start3A_15 = tpu.memref_squeeze %dma_start3A_14 : memref<1x128xi32, #tpu.memory_space<hbm>> -> memref<128xi32, #tpu.memory_space<hbm>>
    %dma_start3A_16 = arith.constant 0 : i32
    %dma_start3A_17 = tpu.memref_slice %arg3[%add3A_13, %dma_start3A_16] : memref<2560x128xi32, #tpu.memory_space<hbm>> -> memref<1x128xi32, #tpu.memory_space<hbm>>
    %dma_start3A_18 = tpu.memref_squeeze %dma_start3A_17 : memref<1x128xi32, #tpu.memory_space<hbm>> -> memref<128xi32, #tpu.memory_space<hbm>>
    tpu.enqueue_dma source(%dma_start3A_18 : memref<128xi32, #tpu.memory_space<hbm>>) target(%arg7 : memref<128xi32, #tpu.memory_space<vmem>>) target_semaphore(%arg17 : memref<!tpu.dma_semaphore, #tpu.memory_space<semaphore_mem>>)
    %dma_start3A_19 = arith.constant 0 : i32
    %dma_start3A_20 = tpu.memref_slice %arg4[%add3A_13, %dma_start3A_19] : memref<2560x128xi32, #tpu.memory_space<hbm>> -> memref<1x128xi32, #tpu.memory_space<hbm>>
    %dma_start3A_21 = tpu.memref_squeeze %dma_start3A_20 : memref<1x128xi32, #tpu.memory_space<hbm>> -> memref<128xi32, #tpu.memory_space<hbm>>
    %dma_start3A_22 = arith.constant 0 : i32
    %dma_start3A_23 = tpu.memref_slice %arg4[%add3A_13, %dma_start3A_22] : memref<2560x128xi32, #tpu.memory_space<hbm>> -> memref<1x128xi32, #tpu.memory_space<hbm>>
    %dma_start3A_24 = tpu.memref_squeeze %dma_start3A_23 : memref<1x128xi32, #tpu.memory_space<hbm>> -> memref<128xi32, #tpu.memory_space<hbm>>
    tpu.enqueue_dma source(%dma_start3A_24 : memref<128xi32, #tpu.memory_space<hbm>>) target(%arg11 : memref<128xi32, #tpu.memory_space<vmem>>) target_semaphore(%arg17 : memref<!tpu.dma_semaphore, #tpu.memory_space<semaphore_mem>>)
    %sub3A_25 = arith.constant 1 : i32
    %sub3A_26 = arith.subi %select_n3A_10, %sub3A_25 : i32
    %min3A_27 = arith.constant 1 : i32
    %min3A_28 = arith.minsi %min3A_27, %sub3A_26 : i32
    %add3A_29 = arith.addi %select_n3A, %min3A_28 : i32
    %dma_start3A_30 = arith.constant 0 : i32
    %dma_start3A_31 = tpu.memref_slice %arg3[%add3A_29, %dma_start3A_30] : memref<2560x128xi32, #tpu.memory_space<hbm>> -> memref<1x128xi32, #tpu.memory_space<hbm>>
    %dma_start3A_32 = tpu.memref_squeeze %dma_start3A_31 : memref<1x128xi32, #tpu.memory_space<hbm>> -> memref<128xi32, #tpu.memory_space<hbm>>
    %dma_start3A_33 = arith.constant 0 : i32
    %dma_start3A_34 = tpu.memref_slice %arg3[%add3A_29, %dma_start3A_33] : memref<2560x128xi32, #tpu.memory_space<hbm>> -> memref<1x128xi32, #tpu.memory_space<hbm>>
    %dma_start3A_35 = tpu.memref_squeeze %dma_start3A_34 : memref<1x128xi32, #tpu.memory_space<hbm>> -> memref<128xi32, #tpu.memory_space<hbm>>
    tpu.enqueue_dma source(%dma_start3A_35 : memref<128xi32, #tpu.memory_space<hbm>>) target(%arg8 : memref<128xi32, #tpu.memory_space<vmem>>) target_semaphore(%arg18 : memref<!tpu.dma_semaphore, #tpu.memory_space<semaphore_mem>>)
    %dma_start3A_36 = arith.constant 0 : i32
    %dma_start3A_37 = tpu.memref_slice %arg4[%add3A_29, %dma_start3A_36] : memref<2560x128xi32, #tpu.memory_space<hbm>> -> memref<1x128xi32, #tpu.memory_space<hbm>>
    %dma_start3A_38 = tpu.memref_squeeze %dma_start3A_37 : memref<1x128xi32, #tpu.memory_space<hbm>> -> memref<128xi32, #tpu.memory_space<hbm>>
    %dma_start3A_39 = arith.constant 0 : i32
    %dma_start3A_40 = tpu.memref_slice %arg4[%add3A_29, %dma_start3A_39] : memref<2560x128xi32, #tpu.memory_space<hbm>> -> memref<1x128xi32, #tpu.memory_space<hbm>>
    %dma_start3A_41 = tpu.memref_squeeze %dma_start3A_40 : memref<1x128xi32, #tpu.memory_space<hbm>> -> memref<128xi32, #tpu.memory_space<hbm>>
    tpu.enqueue_dma source(%dma_start3A_41 : memref<128xi32, #tpu.memory_space<hbm>>) target(%arg12 : memref<128xi32, #tpu.memory_space<vmem>>) target_semaphore(%arg18 : memref<!tpu.dma_semaphore, #tpu.memory_space<semaphore_mem>>)
    %sub3A_42 = arith.constant 1 : i32
    %sub3A_43 = arith.subi %select_n3A_10, %sub3A_42 : i32
    %min3A_44 = arith.constant 2 : i32
    %min3A_45 = arith.minsi %min3A_44, %sub3A_43 : i32
    %add3A_46 = arith.addi %select_n3A, %min3A_45 : i32
    %dma_start3A_47 = arith.constant 0 : i32
    %dma_start3A_48 = tpu.memref_slice %arg3[%add3A_46, %dma_start3A_47] : memref<2560x128xi32, #tpu.memory_space<hbm>> -> memref<1x128xi32, #tpu.memory_space<hbm>>
    %dma_start3A_49 = tpu.memref_squeeze %dma_start3A_48 : memref<1x128xi32, #tpu.memory_space<hbm>> -> memref<128xi32, #tpu.memory_space<hbm>>
    %dma_start3A_50 = arith.constant 0 : i32
    %dma_start3A_51 = tpu.memref_slice %arg3[%add3A_46, %dma_start3A_50] : memref<2560x128xi32, #tpu.memory_space<hbm>> -> memref<1x128xi32, #tpu.memory_space<hbm>>
    %dma_start3A_52 = tpu.memref_squeeze %dma_start3A_51 : memref<1x128xi32, #tpu.memory_space<hbm>> -> memref<128xi32, #tpu.memory_space<hbm>>
    tpu.enqueue_dma source(%dma_start3A_52 : memref<128xi32, #tpu.memory_space<hbm>>) target(%arg9 : memref<128xi32, #tpu.memory_space<vmem>>) target_semaphore(%arg19 : memref<!tpu.dma_semaphore, #tpu.memory_space<semaphore_mem>>)
    %dma_start3A_53 = arith.constant 0 : i32
    %dma_start3A_54 = tpu.memref_slice %arg4[%add3A_46, %dma_start3A_53] : memref<2560x128xi32, #tpu.memory_space<hbm>> -> memref<1x128xi32, #tpu.memory_space<hbm>>
    %dma_start3A_55 = tpu.memref_squeeze %dma_start3A_54 : memref<1x128xi32, #tpu.memory_space<hbm>> -> memref<128xi32, #tpu.memory_space<hbm>>
    %dma_start3A_56 = arith.constant 0 : i32
    %dma_start3A_57 = tpu.memref_slice %arg4[%add3A_46, %dma_start3A_56] : memref<2560x128xi32, #tpu.memory_space<hbm>> -> memref<1x128xi32, #tpu.memory_space<hbm>>
    %dma_start3A_58 = tpu.memref_squeeze %dma_start3A_57 : memref<1x128xi32, #tpu.memory_space<hbm>> -> memref<128xi32, #tpu.memory_space<hbm>>
    tpu.enqueue_dma source(%dma_start3A_58 : memref<128xi32, #tpu.memory_space<hbm>>) target(%arg13 : memref<128xi32, #tpu.memory_space<vmem>>) target_semaphore(%arg19 : memref<!tpu.dma_semaphore, #tpu.memory_space<semaphore_mem>>)
    %sub3A_59 = arith.constant 1 : i32
    %sub3A_60 = arith.subi %select_n3A_10, %sub3A_59 : i32
    %min3A_61 = arith.constant 3 : i32
    %min3A_62 = arith.minsi %min3A_61, %sub3A_60 : i32
    %add3A_63 = arith.addi %select_n3A, %min3A_62 : i32
    %dma_start3A_64 = arith.constant 0 : i32
    %dma_start3A_65 = tpu.memref_slice %arg3[%add3A_63, %dma_start3A_64] : memref<2560x128xi32, #tpu.memory_space<hbm>> -> memref<1x128xi32, #tpu.memory_space<hbm>>
    %dma_start3A_66 = tpu.memref_squeeze %dma_start3A_65 : memref<1x128xi32, #tpu.memory_space<hbm>> -> memref<128xi32, #tpu.memory_space<hbm>>
    %dma_start3A_67 = arith.constant 0 : i32
    %dma_start3A_68 = tpu.memref_slice %arg3[%add3A_63, %dma_start3A_67] : memref<2560x128xi32, #tpu.memory_space<hbm>> -> memref<1x128xi32, #tpu.memory_space<hbm>>
    %dma_start3A_69 = tpu.memref_squeeze %dma_start3A_68 : memref<1x128xi32, #tpu.memory_space<hbm>> -> memref<128xi32, #tpu.memory_space<hbm>>
    tpu.enqueue_dma source(%dma_start3A_69 : memref<128xi32, #tpu.memory_space<hbm>>) target(%arg10 : memref<128xi32, #tpu.memory_space<vmem>>) target_semaphore(%arg20 : memref<!tpu.dma_semaphore, #tpu.memory_space<semaphore_mem>>)
    %dma_start3A_70 = arith.constant 0 : i32
    %dma_start3A_71 = tpu.memref_slice %arg4[%add3A_63, %dma_start3A_70] : memref<2560x128xi32, #tpu.memory_space<hbm>> -> memref<1x128xi32, #tpu.memory_space<hbm>>
    %dma_start3A_72 = tpu.memref_squeeze %dma_start3A_71 : memref<1x128xi32, #tpu.memory_space<hbm>> -> memref<128xi32, #tpu.memory_space<hbm>>
    %dma_start3A_73 = arith.constant 0 : i32
    %dma_start3A_74 = tpu.memref_slice %arg4[%add3A_63, %dma_start3A_73] : memref<2560x128xi32, #tpu.memory_space<hbm>> -> memref<1x128xi32, #tpu.memory_space<hbm>>
    %dma_start3A_75 = tpu.memref_squeeze %dma_start3A_74 : memref<1x128xi32, #tpu.memory_space<hbm>> -> memref<128xi32, #tpu.memory_space<hbm>>
    tpu.enqueue_dma source(%dma_start3A_75 : memref<128xi32, #tpu.memory_space<hbm>>) target(%arg14 : memref<128xi32, #tpu.memory_space<vmem>>) target_semaphore(%arg20 : memref<!tpu.dma_semaphore, #tpu.memory_space<semaphore_mem>>)
    %jit3A_76 = arith.constant 4 : i32
    %div3A = arith.divsi %select_n3A_10, %jit3A_76 : i32
    %sign3A = arith.constant 0 : i32
    %sign3A_77 = arith.cmpi sgt, %select_n3A_10, %sign3A : i32
    %sign3A_78 = arith.extui %sign3A_77 : i1 to i32
    %sign3A_79 = arith.constant 0 : i32
    %sign3A_80 = arith.cmpi slt, %select_n3A_10, %sign3A_79 : i32
    %sign3A_81 = arith.extui %sign3A_80 : i1 to i32
    %sign3A_82 = arith.subi %sign3A_78, %sign3A_81 : i32
    %sign3A_83 = arith.constant 0 : i32
    %sign3A_84 = arith.cmpi sgt, %jit3A_76, %sign3A_83 : i32
    %sign3A_85 = arith.extui %sign3A_84 : i1 to i32
    %sign3A_86 = arith.constant 0 : i32
    %sign3A_87 = arith.cmpi slt, %jit3A_76, %sign3A_86 : i32
    %sign3A_88 = arith.extui %sign3A_87 : i1 to i32
    %sign3A_89 = arith.subi %sign3A_85, %sign3A_88 : i32
    %ne3A = arith.cmpi ne, %sign3A_82, %sign3A_89 : i32
    %rem3A = arith.remsi %select_n3A_10, %jit3A_76 : i32
    %ne3A_90 = arith.constant 0 : i32
    %ne3A_91 = arith.cmpi ne, %rem3A, %ne3A_90 : i32
    %and3A = arith.andi %ne3A, %ne3A_91 : i1
    %sub3A_92 = arith.constant 1 : i32
    %sub3A_93 = arith.subi %div3A, %sub3A_92 : i32
    %select_n3A_94 = arith.select %and3A, %sub3A_93, %div3A : i32
    %while3A = arith.constant 0 : i32
    %while3A_95 = arith.constant 0 : i32
    %while3A_96 = arith.subi %select_n3A_94, %while3A_95 : i32
    %while3A_97 = arith.addi %while3A_95, %while3A_96 : i32
    %while3A_98 = arith.constant 1 : i32
    %while3A_99 = arith.divsi %while3A_96, %while3A_98 : i32
    %while3A_100 = arith.muli %while3A_99, %while3A_98 : i32
    %while3A_101 = arith.addi %while3A_95, %while3A_100 : i32
    %while3A_102 = arith.constant 1 : i32
    scf.for %while3A_176 = %while3A_95 to %while3A_101 step %while3A_102  : i32 {
      %mul3A_177 = arith.constant 4 : i32
      %mul3A_178 = arith.muli %mul3A_177, %while3A_176 : i32
      %add3A_179 = arith.constant 0 : i32
      %add3A_180 = arith.addi %mul3A_178, %add3A_179 : i32
      %sub3A_181 = arith.constant 1 : i32
      %sub3A_182 = arith.subi %select_n3A_10, %sub3A_181 : i32
      %min3A_183 = arith.minsi %add3A_180, %sub3A_182 : i32
      %add3A_184 = arith.addi %select_n3A, %min3A_183 : i32
      %dma_wait3A_185 = arith.constant 0 : i32
      %dma_wait3A_186 = tpu.memref_slice %arg3[%add3A_184, %dma_wait3A_185] : memref<2560x128xi32, #tpu.memory_space<hbm>> -> memref<1x128xi32, #tpu.memory_space<hbm>>
      %dma_wait3A_187 = tpu.memref_squeeze %dma_wait3A_186 : memref<1x128xi32, #tpu.memory_space<hbm>> -> memref<128xi32, #tpu.memory_space<hbm>>
      %dma_wait3A_188 = arith.constant 0 : i32
      %dma_wait3A_189 = tpu.memref_slice %arg3[%add3A_184, %dma_wait3A_188] : memref<2560x128xi32, #tpu.memory_space<hbm>> -> memref<1x128xi32, #tpu.memory_space<hbm>>
      %dma_wait3A_190 = tpu.memref_squeeze %dma_wait3A_189 : memref<1x128xi32, #tpu.memory_space<hbm>> -> memref<128xi32, #tpu.memory_space<hbm>>
      tpu.wait_dma2 semaphore(%arg17 : memref<!tpu.dma_semaphore, #tpu.memory_space<semaphore_mem>>) src(%dma_wait3A_190 : memref<128xi32, #tpu.memory_space<hbm>>) dst(%arg7 : memref<128xi32, #tpu.memory_space<vmem>>)
      %dma_wait3A_191 = arith.constant 0 : i32
      %dma_wait3A_192 = tpu.memref_slice %arg4[%add3A_184, %dma_wait3A_191] : memref<2560x128xi32, #tpu.memory_space<hbm>> -> memref<1x128xi32, #tpu.memory_space<hbm>>
      %dma_wait3A_193 = tpu.memref_squeeze %dma_wait3A_192 : memref<1x128xi32, #tpu.memory_space<hbm>> -> memref<128xi32, #tpu.memory_space<hbm>>
      %dma_wait3A_194 = arith.constant 0 : i32
      %dma_wait3A_195 = tpu.memref_slice %arg4[%add3A_184, %dma_wait3A_194] : memref<2560x128xi32, #tpu.memory_space<hbm>> -> memref<1x128xi32, #tpu.memory_space<hbm>>
      %dma_wait3A_196 = tpu.memref_squeeze %dma_wait3A_195 : memref<1x128xi32, #tpu.memory_space<hbm>> -> memref<128xi32, #tpu.memory_space<hbm>>
      tpu.wait_dma2 semaphore(%arg17 : memref<!tpu.dma_semaphore, #tpu.memory_space<semaphore_mem>>) src(%dma_wait3A_196 : memref<128xi32, #tpu.memory_space<hbm>>) dst(%arg11 : memref<128xi32, #tpu.memory_space<vmem>>)
      %dma_start3A_197 = arith.constant 0 : i32
      %dma_start3A_198 = arith.constant 0 : i32
      %dma_start3A_199 = tpu.memref_slice %arg2[%dma_start3A_197, %dma_start3A_198] : memref<10000x128xf32, #tpu.memory_space<hbm>> -> memref<10000x128xf32, #tpu.memory_space<hbm>>
      tpu.enqueue_indirect_dma source(%dma_start3A_199 : memref<10000x128xf32, #tpu.memory_space<hbm>>) target(%arg15 : memref<128x128xf32, #tpu.memory_space<vmem>>) offsets(%arg7 : memref<128xi32, #tpu.memory_space<vmem>>) semaphore(%arg21 : memref<!tpu.dma_semaphore, #tpu.memory_space<semaphore_mem>>)
      %dma_wait3A_200 = arith.constant 0 : i32
      %dma_wait3A_201 = arith.constant 0 : i32
      %dma_wait3A_202 = tpu.memref_slice %arg2[%dma_wait3A_200, %dma_wait3A_201] : memref<10000x128xf32, #tpu.memory_space<hbm>> -> memref<10000x128xf32, #tpu.memory_space<hbm>>
      tpu.wait_indirect_dma semaphore(%arg21 : memref<!tpu.dma_semaphore, #tpu.memory_space<semaphore_mem>>) src(%dma_wait3A_202 : memref<10000x128xf32, #tpu.memory_space<hbm>>) dst(%arg15 : memref<128x128xf32, #tpu.memory_space<vmem>>)
      "tpu.region"() ({
        %run_scoped3A = tpu.sem_alloc : memref<!tpu.dma_semaphore, #tpu.memory_space<semaphore_mem>>
        %dma_start3A_347 = arith.constant 0 : i32
        %dma_start3A_348 = arith.constant 0 : i32
        %dma_start3A_349 = tpu.memref_slice %arg16[%dma_start3A_347, %dma_start3A_348] : memref<10112x128xf32, #tpu.memory_space<vmem_shared>> -> memref<10112x128xf32, #tpu.memory_space<vmem_shared>>
        tpu.enqueue_indirect_dma source(%arg15 : memref<128x128xf32, #tpu.memory_space<vmem>>) target(%dma_start3A_349 : memref<10112x128xf32, #tpu.memory_space<vmem_shared>>) offsets(%arg11 : memref<128xi32, #tpu.memory_space<vmem>>) semaphore(%run_scoped3A : memref<!tpu.dma_semaphore, #tpu.memory_space<semaphore_mem>>) {add = true}
        %dma_wait3A_350 = arith.constant 0 : i32
        %dma_wait3A_351 = arith.constant 0 : i32
        %dma_wait3A_352 = tpu.memref_slice %arg16[%dma_wait3A_350, %dma_wait3A_351] : memref<10112x128xf32, #tpu.memory_space<vmem_shared>> -> memref<10112x128xf32, #tpu.memory_space<vmem_shared>>
        tpu.wait_indirect_dma semaphore(%run_scoped3A : memref<!tpu.dma_semaphore, #tpu.memory_space<semaphore_mem>>) src(%arg15 : memref<128x128xf32, #tpu.memory_space<vmem>>) dst(%dma_wait3A_352 : memref<10112x128xf32, #tpu.memory_space<vmem_shared>>)
        tpu.yield
      }) : () -> ()
      %add3A_203 = arith.constant 4 : i32
      %add3A_204 = arith.addi %add3A_180, %add3A_203 : i32
      %sub3A_205 = arith.constant 1 : i32
      %sub3A_206 = arith.subi %select_n3A_10, %sub3A_205 : i32
      %min3A_207 = arith.minsi %add3A_204, %sub3A_206 : i32
      %add3A_208 = arith.addi %select_n3A, %min3A_207 : i32
      %dma_start3A_209 = arith.constant 0 : i32
      %dma_start3A_210 = tpu.memref_slice %arg3[%add3A_208, %dma_start3A_209] : memref<2560x128xi32, #tpu.memory_space<hbm>> -> memref<1x128xi32, #tpu.memory_space<hbm>>
      %dma_start3A_211 = tpu.memref_squeeze %dma_start3A_210 : memref<1x128xi32, #tpu.memory_space<hbm>> -> memref<128xi32, #tpu.memory_space<hbm>>
      %dma_start3A_212 = arith.constant 0 : i32
      %dma_start3A_213 = tpu.memref_slice %arg3[%add3A_208, %dma_start3A_212] : memref<2560x128xi32, #tpu.memory_space<hbm>> -> memref<1x128xi32, #tpu.memory_space<hbm>>
      %dma_start3A_214 = tpu.memref_squeeze %dma_start3A_213 : memref<1x128xi32, #tpu.memory_space<hbm>> -> memref<128xi32, #tpu.memory_space<hbm>>
      tpu.enqueue_dma source(%dma_start3A_214 : memref<128xi32, #tpu.memory_space<hbm>>) target(%arg7 : memref<128xi32, #tpu.memory_space<vmem>>) target_semaphore(%arg17 : memref<!tpu.dma_semaphore, #tpu.memory_space<semaphore_mem>>)
      %dma_start3A_215 = arith.constant 0 : i32
      %dma_start3A_216 = tpu.memref_slice %arg4[%add3A_208, %dma_start3A_215] : memref<2560x128xi32, #tpu.memory_space<hbm>> -> memref<1x128xi32, #tpu.memory_space<hbm>>
      %dma_start3A_217 = tpu.memref_squeeze %dma_start3A_216 : memref<1x128xi32, #tpu.memory_space<hbm>> -> memref<128xi32, #tpu.memory_space<hbm>>
      %dma_start3A_218 = arith.constant 0 : i32
      %dma_start3A_219 = tpu.memref_slice %arg4[%add3A_208, %dma_start3A_218] : memref<2560x128xi32, #tpu.memory_space<hbm>> -> memref<1x128xi32, #tpu.memory_space<hbm>>
      %dma_start3A_220 = tpu.memref_squeeze %dma_start3A_219 : memref<1x128xi32, #tpu.memory_space<hbm>> -> memref<128xi32, #tpu.memory_space<hbm>>
      tpu.enqueue_dma source(%dma_start3A_220 : memref<128xi32, #tpu.memory_space<hbm>>) target(%arg11 : memref<128xi32, #tpu.memory_space<vmem>>) target_semaphore(%arg17 : memref<!tpu.dma_semaphore, #tpu.memory_space<semaphore_mem>>)
      %add3A_221 = arith.constant 1 : i32
      %add3A_222 = arith.addi %mul3A_178, %add3A_221 : i32
      %sub3A_223 = arith.constant 1 : i32
      %sub3A_224 = arith.subi %select_n3A_10, %sub3A_223 : i32
      %min3A_225 = arith.minsi %add3A_222, %sub3A_224 : i32
      %add3A_226 = arith.addi %select_n3A, %min3A_225 : i32
      %dma_wait3A_227 = arith.constant 0 : i32
      %dma_wait3A_228 = tpu.memref_slice %arg3[%add3A_226, %dma_wait3A_227] : memref<2560x128xi32, #tpu.memory_space<hbm>> -> memref<1x128xi32, #tpu.memory_space<hbm>>
      %dma_wait3A_229 = tpu.memref_squeeze %dma_wait3A_228 : memref<1x128xi32, #tpu.memory_space<hbm>> -> memref<128xi32, #tpu.memory_space<hbm>>
      %dma_wait3A_230 = arith.constant 0 : i32
      %dma_wait3A_231 = tpu.memref_slice %arg3[%add3A_226, %dma_wait3A_230] : memref<2560x128xi32, #tpu.memory_space<hbm>> -> memref<1x128xi32, #tpu.memory_space<hbm>>
      %dma_wait3A_232 = tpu.memref_squeeze %dma_wait3A_231 : memref<1x128xi32, #tpu.memory_space<hbm>> -> memref<128xi32, #tpu.memory_space<hbm>>
      tpu.wait_dma2 semaphore(%arg18 : memref<!tpu.dma_semaphore, #tpu.memory_space<semaphore_mem>>) src(%dma_wait3A_232 : memref<128xi32, #tpu.memory_space<hbm>>) dst(%arg8 : memref<128xi32, #tpu.memory_space<vmem>>)
      %dma_wait3A_233 = arith.constant 0 : i32
      %dma_wait3A_234 = tpu.memref_slice %arg4[%add3A_226, %dma_wait3A_233] : memref<2560x128xi32, #tpu.memory_space<hbm>> -> memref<1x128xi32, #tpu.memory_space<hbm>>
      %dma_wait3A_235 = tpu.memref_squeeze %dma_wait3A_234 : memref<1x128xi32, #tpu.memory_space<hbm>> -> memref<128xi32, #tpu.memory_space<hbm>>
      %dma_wait3A_236 = arith.constant 0 : i32
      %dma_wait3A_237 = tpu.memref_slice %arg4[%add3A_226, %dma_wait3A_236] : memref<2560x128xi32, #tpu.memory_space<hbm>> -> memref<1x128xi32, #tpu.memory_space<hbm>>
      %dma_wait3A_238 = tpu.memref_squeeze %dma_wait3A_237 : memref<1x128xi32, #tpu.memory_space<hbm>> -> memref<128xi32, #tpu.memory_space<hbm>>
      tpu.wait_dma2 semaphore(%arg18 : memref<!tpu.dma_semaphore, #tpu.memory_space<semaphore_mem>>) src(%dma_wait3A_238 : memref<128xi32, #tpu.memory_space<hbm>>) dst(%arg12 : memref<128xi32, #tpu.memory_space<vmem>>)
      %dma_start3A_239 = arith.constant 0 : i32
      %dma_start3A_240 = arith.constant 0 : i32
      %dma_start3A_241 = tpu.memref_slice %arg2[%dma_start3A_239, %dma_start3A_240] : memref<10000x128xf32, #tpu.memory_space<hbm>> -> memref<10000x128xf32, #tpu.memory_space<hbm>>
      tpu.enqueue_indirect_dma source(%dma_start3A_241 : memref<10000x128xf32, #tpu.memory_space<hbm>>) target(%arg15 : memref<128x128xf32, #tpu.memory_space<vmem>>) offsets(%arg8 : memref<128xi32, #tpu.memory_space<vmem>>) semaphore(%arg21 : memref<!tpu.dma_semaphore, #tpu.memory_space<semaphore_mem>>)
      %dma_wait3A_242 = arith.constant 0 : i32
      %dma_wait3A_243 = arith.constant 0 : i32
      %dma_wait3A_244 = tpu.memref_slice %arg2[%dma_wait3A_242, %dma_wait3A_243] : memref<10000x128xf32, #tpu.memory_space<hbm>> -> memref<10000x128xf32, #tpu.memory_space<hbm>>
      tpu.wait_indirect_dma semaphore(%arg21 : memref<!tpu.dma_semaphore, #tpu.memory_space<semaphore_mem>>) src(%dma_wait3A_244 : memref<10000x128xf32, #tpu.memory_space<hbm>>) dst(%arg15 : memref<128x128xf32, #tpu.memory_space<vmem>>)
      "tpu.region"() ({
        %run_scoped3A = tpu.sem_alloc : memref<!tpu.dma_semaphore, #tpu.memory_space<semaphore_mem>>
        %dma_start3A_347 = arith.constant 0 : i32
        %dma_start3A_348 = arith.constant 0 : i32
        %dma_start3A_349 = tpu.memref_slice %arg16[%dma_start3A_347, %dma_start3A_348] : memref<10112x128xf32, #tpu.memory_space<vmem_shared>> -> memref<10112x128xf32, #tpu.memory_space<vmem_shared>>
        tpu.enqueue_indirect_dma source(%arg15 : memref<128x128xf32, #tpu.memory_space<vmem>>) target(%dma_start3A_349 : memref<10112x128xf32, #tpu.memory_space<vmem_shared>>) offsets(%arg12 : memref<128xi32, #tpu.memory_space<vmem>>) semaphore(%run_scoped3A : memref<!tpu.dma_semaphore, #tpu.memory_space<semaphore_mem>>) {add = true}
        %dma_wait3A_350 = arith.constant 0 : i32
        %dma_wait3A_351 = arith.constant 0 : i32
        %dma_wait3A_352 = tpu.memref_slice %arg16[%dma_wait3A_350, %dma_wait3A_351] : memref<10112x128xf32, #tpu.memory_space<vmem_shared>> -> memref<10112x128xf32, #tpu.memory_space<vmem_shared>>
        tpu.wait_indirect_dma semaphore(%run_scoped3A : memref<!tpu.dma_semaphore, #tpu.memory_space<semaphore_mem>>) src(%arg15 : memref<128x128xf32, #tpu.memory_space<vmem>>) dst(%dma_wait3A_352 : memref<10112x128xf32, #tpu.memory_space<vmem_shared>>)
        tpu.yield
      }) : () -> ()
      %add3A_245 = arith.constant 4 : i32
      %add3A_246 = arith.addi %add3A_222, %add3A_245 : i32
      %sub3A_247 = arith.constant 1 : i32
      %sub3A_248 = arith.subi %select_n3A_10, %sub3A_247 : i32
      %min3A_249 = arith.minsi %add3A_246, %sub3A_248 : i32
      %add3A_250 = arith.addi %select_n3A, %min3A_249 : i32
      %dma_start3A_251 = arith.constant 0 : i32
      %dma_start3A_252 = tpu.memref_slice %arg3[%add3A_250, %dma_start3A_251] : memref<2560x128xi32, #tpu.memory_space<hbm>> -> memref<1x128xi32, #tpu.memory_space<hbm>>
      %dma_start3A_253 = tpu.memref_squeeze %dma_start3A_252 : memref<1x128xi32, #tpu.memory_space<hbm>> -> memref<128xi32, #tpu.memory_space<hbm>>
      %dma_start3A_254 = arith.constant 0 : i32
      %dma_start3A_255 = tpu.memref_slice %arg3[%add3A_250, %dma_start3A_254] : memref<2560x128xi32, #tpu.memory_space<hbm>> -> memref<1x128xi32, #tpu.memory_space<hbm>>
      %dma_start3A_256 = tpu.memref_squeeze %dma_start3A_255 : memref<1x128xi32, #tpu.memory_space<hbm>> -> memref<128xi32, #tpu.memory_space<hbm>>
      tpu.enqueue_dma source(%dma_start3A_256 : memref<128xi32, #tpu.memory_space<hbm>>) target(%arg8 : memref<128xi32, #tpu.memory_space<vmem>>) target_semaphore(%arg18 : memref<!tpu.dma_semaphore, #tpu.memory_space<semaphore_mem>>)
      %dma_start3A_257 = arith.constant 0 : i32
      %dma_start3A_258 = tpu.memref_slice %arg4[%add3A_250, %dma_start3A_257] : memref<2560x128xi32, #tpu.memory_space<hbm>> -> memref<1x128xi32, #tpu.memory_space<hbm>>
      %dma_start3A_259 = tpu.memref_squeeze %dma_start3A_258 : memref<1x128xi32, #tpu.memory_space<hbm>> -> memref<128xi32, #tpu.memory_space<hbm>>
      %dma_start3A_260 = arith.constant 0 : i32
      %dma_start3A_261 = tpu.memref_slice %arg4[%add3A_250, %dma_start3A_260] : memref<2560x128xi32, #tpu.memory_space<hbm>> -> memref<1x128xi32, #tpu.memory_space<hbm>>
      %dma_start3A_262 = tpu.memref_squeeze %dma_start3A_261 : memref<1x128xi32, #tpu.memory_space<hbm>> -> memref<128xi32, #tpu.memory_space<hbm>>
      tpu.enqueue_dma source(%dma_start3A_262 : memref<128xi32, #tpu.memory_space<hbm>>) target(%arg12 : memref<128xi32, #tpu.memory_space<vmem>>) target_semaphore(%arg18 : memref<!tpu.dma_semaphore, #tpu.memory_space<semaphore_mem>>)
      %add3A_263 = arith.constant 2 : i32
      %add3A_264 = arith.addi %mul3A_178, %add3A_263 : i32
      %sub3A_265 = arith.constant 1 : i32
      %sub3A_266 = arith.subi %select_n3A_10, %sub3A_265 : i32
      %min3A_267 = arith.minsi %add3A_264, %sub3A_266 : i32
      %add3A_268 = arith.addi %select_n3A, %min3A_267 : i32
      %dma_wait3A_269 = arith.constant 0 : i32
      %dma_wait3A_270 = tpu.memref_slice %arg3[%add3A_268, %dma_wait3A_269] : memref<2560x128xi32, #tpu.memory_space<hbm>> -> memref<1x128xi32, #tpu.memory_space<hbm>>
      %dma_wait3A_271 = tpu.memref_squeeze %dma_wait3A_270 : memref<1x128xi32, #tpu.memory_space<hbm>> -> memref<128xi32, #tpu.memory_space<hbm>>
      %dma_wait3A_272 = arith.constant 0 : i32
      %dma_wait3A_273 = tpu.memref_slice %arg3[%add3A_268, %dma_wait3A_272] : memref<2560x128xi32, #tpu.memory_space<hbm>> -> memref<1x128xi32, #tpu.memory_space<hbm>>
      %dma_wait3A_274 = tpu.memref_squeeze %dma_wait3A_273 : memref<1x128xi32, #tpu.memory_space<hbm>> -> memref<128xi32, #tpu.memory_space<hbm>>
      tpu.wait_dma2 semaphore(%arg19 : memref<!tpu.dma_semaphore, #tpu.memory_space<semaphore_mem>>) src(%dma_wait3A_274 : memref<128xi32, #tpu.memory_space<hbm>>) dst(%arg9 : memref<128xi32, #tpu.memory_space<vmem>>)
      %dma_wait3A_275 = arith.constant 0 : i32
      %dma_wait3A_276 = tpu.memref_slice %arg4[%add3A_268, %dma_wait3A_275] : memref<2560x128xi32, #tpu.memory_space<hbm>> -> memref<1x128xi32, #tpu.memory_space<hbm>>
      %dma_wait3A_277 = tpu.memref_squeeze %dma_wait3A_276 : memref<1x128xi32, #tpu.memory_space<hbm>> -> memref<128xi32, #tpu.memory_space<hbm>>
      %dma_wait3A_278 = arith.constant 0 : i32
      %dma_wait3A_279 = tpu.memref_slice %arg4[%add3A_268, %dma_wait3A_278] : memref<2560x128xi32, #tpu.memory_space<hbm>> -> memref<1x128xi32, #tpu.memory_space<hbm>>
      %dma_wait3A_280 = tpu.memref_squeeze %dma_wait3A_279 : memref<1x128xi32, #tpu.memory_space<hbm>> -> memref<128xi32, #tpu.memory_space<hbm>>
      tpu.wait_dma2 semaphore(%arg19 : memref<!tpu.dma_semaphore, #tpu.memory_space<semaphore_mem>>) src(%dma_wait3A_280 : memref<128xi32, #tpu.memory_space<hbm>>) dst(%arg13 : memref<128xi32, #tpu.memory_space<vmem>>)
      %dma_start3A_281 = arith.constant 0 : i32
      %dma_start3A_282 = arith.constant 0 : i32
      %dma_start3A_283 = tpu.memref_slice %arg2[%dma_start3A_281, %dma_start3A_282] : memref<10000x128xf32, #tpu.memory_space<hbm>> -> memref<10000x128xf32, #tpu.memory_space<hbm>>
      tpu.enqueue_indirect_dma source(%dma_start3A_283 : memref<10000x128xf32, #tpu.memory_space<hbm>>) target(%arg15 : memref<128x128xf32, #tpu.memory_space<vmem>>) offsets(%arg9 : memref<128xi32, #tpu.memory_space<vmem>>) semaphore(%arg21 : memref<!tpu.dma_semaphore, #tpu.memory_space<semaphore_mem>>)
      %dma_wait3A_284 = arith.constant 0 : i32
      %dma_wait3A_285 = arith.constant 0 : i32
      %dma_wait3A_286 = tpu.memref_slice %arg2[%dma_wait3A_284, %dma_wait3A_285] : memref<10000x128xf32, #tpu.memory_space<hbm>> -> memref<10000x128xf32, #tpu.memory_space<hbm>>
      tpu.wait_indirect_dma semaphore(%arg21 : memref<!tpu.dma_semaphore, #tpu.memory_space<semaphore_mem>>) src(%dma_wait3A_286 : memref<10000x128xf32, #tpu.memory_space<hbm>>) dst(%arg15 : memref<128x128xf32, #tpu.memory_space<vmem>>)
      "tpu.region"() ({
        %run_scoped3A = tpu.sem_alloc : memref<!tpu.dma_semaphore, #tpu.memory_space<semaphore_mem>>
        %dma_start3A_347 = arith.constant 0 : i32
        %dma_start3A_348 = arith.constant 0 : i32
        %dma_start3A_349 = tpu.memref_slice %arg16[%dma_start3A_347, %dma_start3A_348] : memref<10112x128xf32, #tpu.memory_space<vmem_shared>> -> memref<10112x128xf32, #tpu.memory_space<vmem_shared>>
        tpu.enqueue_indirect_dma source(%arg15 : memref<128x128xf32, #tpu.memory_space<vmem>>) target(%dma_start3A_349 : memref<10112x128xf32, #tpu.memory_space<vmem_shared>>) offsets(%arg13 : memref<128xi32, #tpu.memory_space<vmem>>) semaphore(%run_scoped3A : memref<!tpu.dma_semaphore, #tpu.memory_space<semaphore_mem>>) {add = true}
        %dma_wait3A_350 = arith.constant 0 : i32
        %dma_wait3A_351 = arith.constant 0 : i32
        %dma_wait3A_352 = tpu.memref_slice %arg16[%dma_wait3A_350, %dma_wait3A_351] : memref<10112x128xf32, #tpu.memory_space<vmem_shared>> -> memref<10112x128xf32, #tpu.memory_space<vmem_shared>>
        tpu.wait_indirect_dma semaphore(%run_scoped3A : memref<!tpu.dma_semaphore, #tpu.memory_space<semaphore_mem>>) src(%arg15 : memref<128x128xf32, #tpu.memory_space<vmem>>) dst(%dma_wait3A_352 : memref<10112x128xf32, #tpu.memory_space<vmem_shared>>)
        tpu.yield
      }) : () -> ()
      %add3A_287 = arith.constant 4 : i32
      %add3A_288 = arith.addi %add3A_264, %add3A_287 : i32
      %sub3A_289 = arith.constant 1 : i32
      %sub3A_290 = arith.subi %select_n3A_10, %sub3A_289 : i32
      %min3A_291 = arith.minsi %add3A_288, %sub3A_290 : i32
      %add3A_292 = arith.addi %select_n3A, %min3A_291 : i32
      %dma_start3A_293 = arith.constant 0 : i32
      %dma_start3A_294 = tpu.memref_slice %arg3[%add3A_292, %dma_start3A_293] : memref<2560x128xi32, #tpu.memory_space<hbm>> -> memref<1x128xi32, #tpu.memory_space<hbm>>
      %dma_start3A_295 = tpu.memref_squeeze %dma_start3A_294 : memref<1x128xi32, #tpu.memory_space<hbm>> -> memref<128xi32, #tpu.memory_space<hbm>>
      %dma_start3A_296 = arith.constant 0 : i32
      %dma_start3A_297 = tpu.memref_slice %arg3[%add3A_292, %dma_start3A_296] : memref<2560x128xi32, #tpu.memory_space<hbm>> -> memref<1x128xi32, #tpu.memory_space<hbm>>
      %dma_start3A_298 = tpu.memref_squeeze %dma_start3A_297 : memref<1x128xi32, #tpu.memory_space<hbm>> -> memref<128xi32, #tpu.memory_space<hbm>>
      tpu.enqueue_dma source(%dma_start3A_298 : memref<128xi32, #tpu.memory_space<hbm>>) target(%arg9 : memref<128xi32, #tpu.memory_space<vmem>>) target_semaphore(%arg19 : memref<!tpu.dma_semaphore, #tpu.memory_space<semaphore_mem>>)
      %dma_start3A_299 = arith.constant 0 : i32
      %dma_start3A_300 = tpu.memref_slice %arg4[%add3A_292, %dma_start3A_299] : memref<2560x128xi32, #tpu.memory_space<hbm>> -> memref<1x128xi32, #tpu.memory_space<hbm>>
      %dma_start3A_301 = tpu.memref_squeeze %dma_start3A_300 : memref<1x128xi32, #tpu.memory_space<hbm>> -> memref<128xi32, #tpu.memory_space<hbm>>
      %dma_start3A_302 = arith.constant 0 : i32
      %dma_start3A_303 = tpu.memref_slice %arg4[%add3A_292, %dma_start3A_302] : memref<2560x128xi32, #tpu.memory_space<hbm>> -> memref<1x128xi32, #tpu.memory_space<hbm>>
      %dma_start3A_304 = tpu.memref_squeeze %dma_start3A_303 : memref<1x128xi32, #tpu.memory_space<hbm>> -> memref<128xi32, #tpu.memory_space<hbm>>
      tpu.enqueue_dma source(%dma_start3A_304 : memref<128xi32, #tpu.memory_space<hbm>>) target(%arg13 : memref<128xi32, #tpu.memory_space<vmem>>) target_semaphore(%arg19 : memref<!tpu.dma_semaphore, #tpu.memory_space<semaphore_mem>>)
      %add3A_305 = arith.constant 3 : i32
      %add3A_306 = arith.addi %mul3A_178, %add3A_305 : i32
      %sub3A_307 = arith.constant 1 : i32
      %sub3A_308 = arith.subi %select_n3A_10, %sub3A_307 : i32
      %min3A_309 = arith.minsi %add3A_306, %sub3A_308 : i32
      %add3A_310 = arith.addi %select_n3A, %min3A_309 : i32
      %dma_wait3A_311 = arith.constant 0 : i32
      %dma_wait3A_312 = tpu.memref_slice %arg3[%add3A_310, %dma_wait3A_311] : memref<2560x128xi32, #tpu.memory_space<hbm>> -> memref<1x128xi32, #tpu.memory_space<hbm>>
      %dma_wait3A_313 = tpu.memref_squeeze %dma_wait3A_312 : memref<1x128xi32, #tpu.memory_space<hbm>> -> memref<128xi32, #tpu.memory_space<hbm>>
      %dma_wait3A_314 = arith.constant 0 : i32
      %dma_wait3A_315 = tpu.memref_slice %arg3[%add3A_310, %dma_wait3A_314] : memref<2560x128xi32, #tpu.memory_space<hbm>> -> memref<1x128xi32, #tpu.memory_space<hbm>>
      %dma_wait3A_316 = tpu.memref_squeeze %dma_wait3A_315 : memref<1x128xi32, #tpu.memory_space<hbm>> -> memref<128xi32, #tpu.memory_space<hbm>>
      tpu.wait_dma2 semaphore(%arg20 : memref<!tpu.dma_semaphore, #tpu.memory_space<semaphore_mem>>) src(%dma_wait3A_316 : memref<128xi32, #tpu.memory_space<hbm>>) dst(%arg10 : memref<128xi32, #tpu.memory_space<vmem>>)
      %dma_wait3A_317 = arith.constant 0 : i32
      %dma_wait3A_318 = tpu.memref_slice %arg4[%add3A_310, %dma_wait3A_317] : memref<2560x128xi32, #tpu.memory_space<hbm>> -> memref<1x128xi32, #tpu.memory_space<hbm>>
      %dma_wait3A_319 = tpu.memref_squeeze %dma_wait3A_318 : memref<1x128xi32, #tpu.memory_space<hbm>> -> memref<128xi32, #tpu.memory_space<hbm>>
      %dma_wait3A_320 = arith.constant 0 : i32
      %dma_wait3A_321 = tpu.memref_slice %arg4[%add3A_310, %dma_wait3A_320] : memref<2560x128xi32, #tpu.memory_space<hbm>> -> memref<1x128xi32, #tpu.memory_space<hbm>>
      %dma_wait3A_322 = tpu.memref_squeeze %dma_wait3A_321 : memref<1x128xi32, #tpu.memory_space<hbm>> -> memref<128xi32, #tpu.memory_space<hbm>>
      tpu.wait_dma2 semaphore(%arg20 : memref<!tpu.dma_semaphore, #tpu.memory_space<semaphore_mem>>) src(%dma_wait3A_322 : memref<128xi32, #tpu.memory_space<hbm>>) dst(%arg14 : memref<128xi32, #tpu.memory_space<vmem>>)
      %dma_start3A_323 = arith.constant 0 : i32
      %dma_start3A_324 = arith.constant 0 : i32
      %dma_start3A_325 = tpu.memref_slice %arg2[%dma_start3A_323, %dma_start3A_324] : memref<10000x128xf32, #tpu.memory_space<hbm>> -> memref<10000x128xf32, #tpu.memory_space<hbm>>
      tpu.enqueue_indirect_dma source(%dma_start3A_325 : memref<10000x128xf32, #tpu.memory_space<hbm>>) target(%arg15 : memref<128x128xf32, #tpu.memory_space<vmem>>) offsets(%arg10 : memref<128xi32, #tpu.memory_space<vmem>>) semaphore(%arg21 : memref<!tpu.dma_semaphore, #tpu.memory_space<semaphore_mem>>)
      %dma_wait3A_326 = arith.constant 0 : i32
      %dma_wait3A_327 = arith.constant 0 : i32
      %dma_wait3A_328 = tpu.memref_slice %arg2[%dma_wait3A_326, %dma_wait3A_327] : memref<10000x128xf32, #tpu.memory_space<hbm>> -> memref<10000x128xf32, #tpu.memory_space<hbm>>
      tpu.wait_indirect_dma semaphore(%arg21 : memref<!tpu.dma_semaphore, #tpu.memory_space<semaphore_mem>>) src(%dma_wait3A_328 : memref<10000x128xf32, #tpu.memory_space<hbm>>) dst(%arg15 : memref<128x128xf32, #tpu.memory_space<vmem>>)
      "tpu.region"() ({
        %run_scoped3A = tpu.sem_alloc : memref<!tpu.dma_semaphore, #tpu.memory_space<semaphore_mem>>
        %dma_start3A_347 = arith.constant 0 : i32
        %dma_start3A_348 = arith.constant 0 : i32
        %dma_start3A_349 = tpu.memref_slice %arg16[%dma_start3A_347, %dma_start3A_348] : memref<10112x128xf32, #tpu.memory_space<vmem_shared>> -> memref<10112x128xf32, #tpu.memory_space<vmem_shared>>
        tpu.enqueue_indirect_dma source(%arg15 : memref<128x128xf32, #tpu.memory_space<vmem>>) target(%dma_start3A_349 : memref<10112x128xf32, #tpu.memory_space<vmem_shared>>) offsets(%arg14 : memref<128xi32, #tpu.memory_space<vmem>>) semaphore(%run_scoped3A : memref<!tpu.dma_semaphore, #tpu.memory_space<semaphore_mem>>) {add = true}
        %dma_wait3A_350 = arith.constant 0 : i32
        %dma_wait3A_351 = arith.constant 0 : i32
        %dma_wait3A_352 = tpu.memref_slice %arg16[%dma_wait3A_350, %dma_wait3A_351] : memref<10112x128xf32, #tpu.memory_space<vmem_shared>> -> memref<10112x128xf32, #tpu.memory_space<vmem_shared>>
        tpu.wait_indirect_dma semaphore(%run_scoped3A : memref<!tpu.dma_semaphore, #tpu.memory_space<semaphore_mem>>) src(%arg15 : memref<128x128xf32, #tpu.memory_space<vmem>>) dst(%dma_wait3A_352 : memref<10112x128xf32, #tpu.memory_space<vmem_shared>>)
        tpu.yield
      }) : () -> ()
      %add3A_329 = arith.constant 4 : i32
      %add3A_330 = arith.addi %add3A_306, %add3A_329 : i32
      %sub3A_331 = arith.constant 1 : i32
      %sub3A_332 = arith.subi %select_n3A_10, %sub3A_331 : i32
      %min3A_333 = arith.minsi %add3A_330, %sub3A_332 : i32
      %add3A_334 = arith.addi %select_n3A, %min3A_333 : i32
      %dma_start3A_335 = arith.constant 0 : i32
      %dma_start3A_336 = tpu.memref_slice %arg3[%add3A_334, %dma_start3A_335] : memref<2560x128xi32, #tpu.memory_space<hbm>> -> memref<1x128xi32, #tpu.memory_space<hbm>>
      %dma_start3A_337 = tpu.memref_squeeze %dma_start3A_336 : memref<1x128xi32, #tpu.memory_space<hbm>> -> memref<128xi32, #tpu.memory_space<hbm>>
      %dma_start3A_338 = arith.constant 0 : i32
      %dma_start3A_339 = tpu.memref_slice %arg3[%add3A_334, %dma_start3A_338] : memref<2560x128xi32, #tpu.memory_space<hbm>> -> memref<1x128xi32, #tpu.memory_space<hbm>>
      %dma_start3A_340 = tpu.memref_squeeze %dma_start3A_339 : memref<1x128xi32, #tpu.memory_space<hbm>> -> memref<128xi32, #tpu.memory_space<hbm>>
      tpu.enqueue_dma source(%dma_start3A_340 : memref<128xi32, #tpu.memory_space<hbm>>) target(%arg10 : memref<128xi32, #tpu.memory_space<vmem>>) target_semaphore(%arg20 : memref<!tpu.dma_semaphore, #tpu.memory_space<semaphore_mem>>)
      %dma_start3A_341 = arith.constant 0 : i32
      %dma_start3A_342 = tpu.memref_slice %arg4[%add3A_334, %dma_start3A_341] : memref<2560x128xi32, #tpu.memory_space<hbm>> -> memref<1x128xi32, #tpu.memory_space<hbm>>
      %dma_start3A_343 = tpu.memref_squeeze %dma_start3A_342 : memref<1x128xi32, #tpu.memory_space<hbm>> -> memref<128xi32, #tpu.memory_space<hbm>>
      %dma_start3A_344 = arith.constant 0 : i32
      %dma_start3A_345 = tpu.memref_slice %arg4[%add3A_334, %dma_start3A_344] : memref<2560x128xi32, #tpu.memory_space<hbm>> -> memref<1x128xi32, #tpu.memory_space<hbm>>
      %dma_start3A_346 = tpu.memref_squeeze %dma_start3A_345 : memref<1x128xi32, #tpu.memory_space<hbm>> -> memref<128xi32, #tpu.memory_space<hbm>>
      tpu.enqueue_dma source(%dma_start3A_346 : memref<128xi32, #tpu.memory_space<hbm>>) target(%arg14 : memref<128xi32, #tpu.memory_space<vmem>>) target_semaphore(%arg20 : memref<!tpu.dma_semaphore, #tpu.memory_space<semaphore_mem>>)
    }
    %while3A_103 = arith.constant 1 : i32
    scf.for %while3A_176 = %while3A_101 to %while3A_97 step %while3A_103  : i32 {
      %mul3A_177 = arith.constant 4 : i32
      %mul3A_178 = arith.muli %mul3A_177, %while3A_176 : i32
      %add3A_179 = arith.constant 0 : i32
      %add3A_180 = arith.addi %mul3A_178, %add3A_179 : i32
      %sub3A_181 = arith.constant 1 : i32
      %sub3A_182 = arith.subi %select_n3A_10, %sub3A_181 : i32
      %min3A_183 = arith.minsi %add3A_180, %sub3A_182 : i32
      %add3A_184 = arith.addi %select_n3A, %min3A_183 : i32
      %dma_wait3A_185 = arith.constant 0 : i32
      %dma_wait3A_186 = tpu.memref_slice %arg3[%add3A_184, %dma_wait3A_185] : memref<2560x128xi32, #tpu.memory_space<hbm>> -> memref<1x128xi32, #tpu.memory_space<hbm>>
      %dma_wait3A_187 = tpu.memref_squeeze %dma_wait3A_186 : memref<1x128xi32, #tpu.memory_space<hbm>> -> memref<128xi32, #tpu.memory_space<hbm>>
      %dma_wait3A_188 = arith.constant 0 : i32
      %dma_wait3A_189 = tpu.memref_slice %arg3[%add3A_184, %dma_wait3A_188] : memref<2560x128xi32, #tpu.memory_space<hbm>> -> memref<1x128xi32, #tpu.memory_space<hbm>>
      %dma_wait3A_190 = tpu.memref_squeeze %dma_wait3A_189 : memref<1x128xi32, #tpu.memory_space<hbm>> -> memref<128xi32, #tpu.memory_space<hbm>>
      tpu.wait_dma2 semaphore(%arg17 : memref<!tpu.dma_semaphore, #tpu.memory_space<semaphore_mem>>) src(%dma_wait3A_190 : memref<128xi32, #tpu.memory_space<hbm>>) dst(%arg7 : memref<128xi32, #tpu.memory_space<vmem>>)
      %dma_wait3A_191 = arith.constant 0 : i32
      %dma_wait3A_192 = tpu.memref_slice %arg4[%add3A_184, %dma_wait3A_191] : memref<2560x128xi32, #tpu.memory_space<hbm>> -> memref<1x128xi32, #tpu.memory_space<hbm>>
      %dma_wait3A_193 = tpu.memref_squeeze %dma_wait3A_192 : memref<1x128xi32, #tpu.memory_space<hbm>> -> memref<128xi32, #tpu.memory_space<hbm>>
      %dma_wait3A_194 = arith.constant 0 : i32
      %dma_wait3A_195 = tpu.memref_slice %arg4[%add3A_184, %dma_wait3A_194] : memref<2560x128xi32, #tpu.memory_space<hbm>> -> memref<1x128xi32, #tpu.memory_space<hbm>>
      %dma_wait3A_196 = tpu.memref_squeeze %dma_wait3A_195 : memref<1x128xi32, #tpu.memory_space<hbm>> -> memref<128xi32, #tpu.memory_space<hbm>>
      tpu.wait_dma2 semaphore(%arg17 : memref<!tpu.dma_semaphore, #tpu.memory_space<semaphore_mem>>) src(%dma_wait3A_196 : memref<128xi32, #tpu.memory_space<hbm>>) dst(%arg11 : memref<128xi32, #tpu.memory_space<vmem>>)
      %dma_start3A_197 = arith.constant 0 : i32
      %dma_start3A_198 = arith.constant 0 : i32
      %dma_start3A_199 = tpu.memref_slice %arg2[%dma_start3A_197, %dma_start3A_198] : memref<10000x128xf32, #tpu.memory_space<hbm>> -> memref<10000x128xf32, #tpu.memory_space<hbm>>
      tpu.enqueue_indirect_dma source(%dma_start3A_199 : memref<10000x128xf32, #tpu.memory_space<hbm>>) target(%arg15 : memref<128x128xf32, #tpu.memory_space<vmem>>) offsets(%arg7 : memref<128xi32, #tpu.memory_space<vmem>>) semaphore(%arg21 : memref<!tpu.dma_semaphore, #tpu.memory_space<semaphore_mem>>)
      %dma_wait3A_200 = arith.constant 0 : i32
      %dma_wait3A_201 = arith.constant 0 : i32
      %dma_wait3A_202 = tpu.memref_slice %arg2[%dma_wait3A_200, %dma_wait3A_201] : memref<10000x128xf32, #tpu.memory_space<hbm>> -> memref<10000x128xf32, #tpu.memory_space<hbm>>
      tpu.wait_indirect_dma semaphore(%arg21 : memref<!tpu.dma_semaphore, #tpu.memory_space<semaphore_mem>>) src(%dma_wait3A_202 : memref<10000x128xf32, #tpu.memory_space<hbm>>) dst(%arg15 : memref<128x128xf32, #tpu.memory_space<vmem>>)
      "tpu.region"() ({
        %run_scoped3A = tpu.sem_alloc : memref<!tpu.dma_semaphore, #tpu.memory_space<semaphore_mem>>
        %dma_start3A_347 = arith.constant 0 : i32
        %dma_start3A_348 = arith.constant 0 : i32
        %dma_start3A_349 = tpu.memref_slice %arg16[%dma_start3A_347, %dma_start3A_348] : memref<10112x128xf32, #tpu.memory_space<vmem_shared>> -> memref<10112x128xf32, #tpu.memory_space<vmem_shared>>
        tpu.enqueue_indirect_dma source(%arg15 : memref<128x128xf32, #tpu.memory_space<vmem>>) target(%dma_start3A_349 : memref<10112x128xf32, #tpu.memory_space<vmem_shared>>) offsets(%arg11 : memref<128xi32, #tpu.memory_space<vmem>>) semaphore(%run_scoped3A : memref<!tpu.dma_semaphore, #tpu.memory_space<semaphore_mem>>) {add = true}
        %dma_wait3A_350 = arith.constant 0 : i32
        %dma_wait3A_351 = arith.constant 0 : i32
        %dma_wait3A_352 = tpu.memref_slice %arg16[%dma_wait3A_350, %dma_wait3A_351] : memref<10112x128xf32, #tpu.memory_space<vmem_shared>> -> memref<10112x128xf32, #tpu.memory_space<vmem_shared>>
        tpu.wait_indirect_dma semaphore(%run_scoped3A : memref<!tpu.dma_semaphore, #tpu.memory_space<semaphore_mem>>) src(%arg15 : memref<128x128xf32, #tpu.memory_space<vmem>>) dst(%dma_wait3A_352 : memref<10112x128xf32, #tpu.memory_space<vmem_shared>>)
        tpu.yield
      }) : () -> ()
      %add3A_203 = arith.constant 4 : i32
      %add3A_204 = arith.addi %add3A_180, %add3A_203 : i32
      %sub3A_205 = arith.constant 1 : i32
      %sub3A_206 = arith.subi %select_n3A_10, %sub3A_205 : i32
      %min3A_207 = arith.minsi %add3A_204, %sub3A_206 : i32
      %add3A_208 = arith.addi %select_n3A, %min3A_207 : i32
      %dma_start3A_209 = arith.constant 0 : i32
      %dma_start3A_210 = tpu.memref_slice %arg3[%add3A_208, %dma_start3A_209] : memref<2560x128xi32, #tpu.memory_space<hbm>> -> memref<1x128xi32, #tpu.memory_space<hbm>>
      %dma_start3A_211 = tpu.memref_squeeze %dma_start3A_210 : memref<1x128xi32, #tpu.memory_space<hbm>> -> memref<128xi32, #tpu.memory_space<hbm>>
      %dma_start3A_212 = arith.constant 0 : i32
      %dma_start3A_213 = tpu.memref_slice %arg3[%add3A_208, %dma_start3A_212] : memref<2560x128xi32, #tpu.memory_space<hbm>> -> memref<1x128xi32, #tpu.memory_space<hbm>>
      %dma_start3A_214 = tpu.memref_squeeze %dma_start3A_213 : memref<1x128xi32, #tpu.memory_space<hbm>> -> memref<128xi32, #tpu.memory_space<hbm>>
      tpu.enqueue_dma source(%dma_start3A_214 : memref<128xi32, #tpu.memory_space<hbm>>) target(%arg7 : memref<128xi32, #tpu.memory_space<vmem>>) target_semaphore(%arg17 : memref<!tpu.dma_semaphore, #tpu.memory_space<semaphore_mem>>)
      %dma_start3A_215 = arith.constant 0 : i32
      %dma_start3A_216 = tpu.memref_slice %arg4[%add3A_208, %dma_start3A_215] : memref<2560x128xi32, #tpu.memory_space<hbm>> -> memref<1x128xi32, #tpu.memory_space<hbm>>
      %dma_start3A_217 = tpu.memref_squeeze %dma_start3A_216 : memref<1x128xi32, #tpu.memory_space<hbm>> -> memref<128xi32, #tpu.memory_space<hbm>>
      %dma_start3A_218 = arith.constant 0 : i32
      %dma_start3A_219 = tpu.memref_slice %arg4[%add3A_208, %dma_start3A_218] : memref<2560x128xi32, #tpu.memory_space<hbm>> -> memref<1x128xi32, #tpu.memory_space<hbm>>
      %dma_start3A_220 = tpu.memref_squeeze %dma_start3A_219 : memref<1x128xi32, #tpu.memory_space<hbm>> -> memref<128xi32, #tpu.memory_space<hbm>>
      tpu.enqueue_dma source(%dma_start3A_220 : memref<128xi32, #tpu.memory_space<hbm>>) target(%arg11 : memref<128xi32, #tpu.memory_space<vmem>>) target_semaphore(%arg17 : memref<!tpu.dma_semaphore, #tpu.memory_space<semaphore_mem>>)
      %add3A_221 = arith.constant 1 : i32
      %add3A_222 = arith.addi %mul3A_178, %add3A_221 : i32
      %sub3A_223 = arith.constant 1 : i32
      %sub3A_224 = arith.subi %select_n3A_10, %sub3A_223 : i32
      %min3A_225 = arith.minsi %add3A_222, %sub3A_224 : i32
      %add3A_226 = arith.addi %select_n3A, %min3A_225 : i32
      %dma_wait3A_227 = arith.constant 0 : i32
      %dma_wait3A_228 = tpu.memref_slice %arg3[%add3A_226, %dma_wait3A_227] : memref<2560x128xi32, #tpu.memory_space<hbm>> -> memref<1x128xi32, #tpu.memory_space<hbm>>
      %dma_wait3A_229 = tpu.memref_squeeze %dma_wait3A_228 : memref<1x128xi32, #tpu.memory_space<hbm>> -> memref<128xi32, #tpu.memory_space<hbm>>
      %dma_wait3A_230 = arith.constant 0 : i32
      %dma_wait3A_231 = tpu.memref_slice %arg3[%add3A_226, %dma_wait3A_230] : memref<2560x128xi32, #tpu.memory_space<hbm>> -> memref<1x128xi32, #tpu.memory_space<hbm>>
      %dma_wait3A_232 = tpu.memref_squeeze %dma_wait3A_231 : memref<1x128xi32, #tpu.memory_space<hbm>> -> memref<128xi32, #tpu.memory_space<hbm>>
      tpu.wait_dma2 semaphore(%arg18 : memref<!tpu.dma_semaphore, #tpu.memory_space<semaphore_mem>>) src(%dma_wait3A_232 : memref<128xi32, #tpu.memory_space<hbm>>) dst(%arg8 : memref<128xi32, #tpu.memory_space<vmem>>)
      %dma_wait3A_233 = arith.constant 0 : i32
      %dma_wait3A_234 = tpu.memref_slice %arg4[%add3A_226, %dma_wait3A_233] : memref<2560x128xi32, #tpu.memory_space<hbm>> -> memref<1x128xi32, #tpu.memory_space<hbm>>
      %dma_wait3A_235 = tpu.memref_squeeze %dma_wait3A_234 : memref<1x128xi32, #tpu.memory_space<hbm>> -> memref<128xi32, #tpu.memory_space<hbm>>
      %dma_wait3A_236 = arith.constant 0 : i32
      %dma_wait3A_237 = tpu.memref_slice %arg4[%add3A_226, %dma_wait3A_236] : memref<2560x128xi32, #tpu.memory_space<hbm>> -> memref<1x128xi32, #tpu.memory_space<hbm>>
      %dma_wait3A_238 = tpu.memref_squeeze %dma_wait3A_237 : memref<1x128xi32, #tpu.memory_space<hbm>> -> memref<128xi32, #tpu.memory_space<hbm>>
      tpu.wait_dma2 semaphore(%arg18 : memref<!tpu.dma_semaphore, #tpu.memory_space<semaphore_mem>>) src(%dma_wait3A_238 : memref<128xi32, #tpu.memory_space<hbm>>) dst(%arg12 : memref<128xi32, #tpu.memory_space<vmem>>)
      %dma_start3A_239 = arith.constant 0 : i32
      %dma_start3A_240 = arith.constant 0 : i32
      %dma_start3A_241 = tpu.memref_slice %arg2[%dma_start3A_239, %dma_start3A_240] : memref<10000x128xf32, #tpu.memory_space<hbm>> -> memref<10000x128xf32, #tpu.memory_space<hbm>>
      tpu.enqueue_indirect_dma source(%dma_start3A_241 : memref<10000x128xf32, #tpu.memory_space<hbm>>) target(%arg15 : memref<128x128xf32, #tpu.memory_space<vmem>>) offsets(%arg8 : memref<128xi32, #tpu.memory_space<vmem>>) semaphore(%arg21 : memref<!tpu.dma_semaphore, #tpu.memory_space<semaphore_mem>>)
      %dma_wait3A_242 = arith.constant 0 : i32
      %dma_wait3A_243 = arith.constant 0 : i32
      %dma_wait3A_244 = tpu.memref_slice %arg2[%dma_wait3A_242, %dma_wait3A_243] : memref<10000x128xf32, #tpu.memory_space<hbm>> -> memref<10000x128xf32, #tpu.memory_space<hbm>>
      tpu.wait_indirect_dma semaphore(%arg21 : memref<!tpu.dma_semaphore, #tpu.memory_space<semaphore_mem>>) src(%dma_wait3A_244 : memref<10000x128xf32, #tpu.memory_space<hbm>>) dst(%arg15 : memref<128x128xf32, #tpu.memory_space<vmem>>)
      "tpu.region"() ({
        %run_scoped3A = tpu.sem_alloc : memref<!tpu.dma_semaphore, #tpu.memory_space<semaphore_mem>>
        %dma_start3A_347 = arith.constant 0 : i32
        %dma_start3A_348 = arith.constant 0 : i32
        %dma_start3A_349 = tpu.memref_slice %arg16[%dma_start3A_347, %dma_start3A_348] : memref<10112x128xf32, #tpu.memory_space<vmem_shared>> -> memref<10112x128xf32, #tpu.memory_space<vmem_shared>>
        tpu.enqueue_indirect_dma source(%arg15 : memref<128x128xf32, #tpu.memory_space<vmem>>) target(%dma_start3A_349 : memref<10112x128xf32, #tpu.memory_space<vmem_shared>>) offsets(%arg12 : memref<128xi32, #tpu.memory_space<vmem>>) semaphore(%run_scoped3A : memref<!tpu.dma_semaphore, #tpu.memory_space<semaphore_mem>>) {add = true}
        %dma_wait3A_350 = arith.constant 0 : i32
        %dma_wait3A_351 = arith.constant 0 : i32
        %dma_wait3A_352 = tpu.memref_slice %arg16[%dma_wait3A_350, %dma_wait3A_351] : memref<10112x128xf32, #tpu.memory_space<vmem_shared>> -> memref<10112x128xf32, #tpu.memory_space<vmem_shared>>
        tpu.wait_indirect_dma semaphore(%run_scoped3A : memref<!tpu.dma_semaphore, #tpu.memory_space<semaphore_mem>>) src(%arg15 : memref<128x128xf32, #tpu.memory_space<vmem>>) dst(%dma_wait3A_352 : memref<10112x128xf32, #tpu.memory_space<vmem_shared>>)
        tpu.yield
      }) : () -> ()
      %add3A_245 = arith.constant 4 : i32
      %add3A_246 = arith.addi %add3A_222, %add3A_245 : i32
      %sub3A_247 = arith.constant 1 : i32
      %sub3A_248 = arith.subi %select_n3A_10, %sub3A_247 : i32
      %min3A_249 = arith.minsi %add3A_246, %sub3A_248 : i32
      %add3A_250 = arith.addi %select_n3A, %min3A_249 : i32
      %dma_start3A_251 = arith.constant 0 : i32
      %dma_start3A_252 = tpu.memref_slice %arg3[%add3A_250, %dma_start3A_251] : memref<2560x128xi32, #tpu.memory_space<hbm>> -> memref<1x128xi32, #tpu.memory_space<hbm>>
      %dma_start3A_253 = tpu.memref_squeeze %dma_start3A_252 : memref<1x128xi32, #tpu.memory_space<hbm>> -> memref<128xi32, #tpu.memory_space<hbm>>
      %dma_start3A_254 = arith.constant 0 : i32
      %dma_start3A_255 = tpu.memref_slice %arg3[%add3A_250, %dma_start3A_254] : memref<2560x128xi32, #tpu.memory_space<hbm>> -> memref<1x128xi32, #tpu.memory_space<hbm>>
      %dma_start3A_256 = tpu.memref_squeeze %dma_start3A_255 : memref<1x128xi32, #tpu.memory_space<hbm>> -> memref<128xi32, #tpu.memory_space<hbm>>
      tpu.enqueue_dma source(%dma_start3A_256 : memref<128xi32, #tpu.memory_space<hbm>>) target(%arg8 : memref<128xi32, #tpu.memory_space<vmem>>) target_semaphore(%arg18 : memref<!tpu.dma_semaphore, #tpu.memory_space<semaphore_mem>>)
      %dma_start3A_257 = arith.constant 0 : i32
      %dma_start3A_258 = tpu.memref_slice %arg4[%add3A_250, %dma_start3A_257] : memref<2560x128xi32, #tpu.memory_space<hbm>> -> memref<1x128xi32, #tpu.memory_space<hbm>>
      %dma_start3A_259 = tpu.memref_squeeze %dma_start3A_258 : memref<1x128xi32, #tpu.memory_space<hbm>> -> memref<128xi32, #tpu.memory_space<hbm>>
      %dma_start3A_260 = arith.constant 0 : i32
      %dma_start3A_261 = tpu.memref_slice %arg4[%add3A_250, %dma_start3A_260] : memref<2560x128xi32, #tpu.memory_space<hbm>> -> memref<1x128xi32, #tpu.memory_space<hbm>>
      %dma_start3A_262 = tpu.memref_squeeze %dma_start3A_261 : memref<1x128xi32, #tpu.memory_space<hbm>> -> memref<128xi32, #tpu.memory_space<hbm>>
      tpu.enqueue_dma source(%dma_start3A_262 : memref<128xi32, #tpu.memory_space<hbm>>) target(%arg12 : memref<128xi32, #tpu.memory_space<vmem>>) target_semaphore(%arg18 : memref<!tpu.dma_semaphore, #tpu.memory_space<semaphore_mem>>)
      %add3A_263 = arith.constant 2 : i32
      %add3A_264 = arith.addi %mul3A_178, %add3A_263 : i32
      %sub3A_265 = arith.constant 1 : i32
      %sub3A_266 = arith.subi %select_n3A_10, %sub3A_265 : i32
      %min3A_267 = arith.minsi %add3A_264, %sub3A_266 : i32
      %add3A_268 = arith.addi %select_n3A, %min3A_267 : i32
      %dma_wait3A_269 = arith.constant 0 : i32
      %dma_wait3A_270 = tpu.memref_slice %arg3[%add3A_268, %dma_wait3A_269] : memref<2560x128xi32, #tpu.memory_space<hbm>> -> memref<1x128xi32, #tpu.memory_space<hbm>>
      %dma_wait3A_271 = tpu.memref_squeeze %dma_wait3A_270 : memref<1x128xi32, #tpu.memory_space<hbm>> -> memref<128xi32, #tpu.memory_space<hbm>>
      %dma_wait3A_272 = arith.constant 0 : i32
      %dma_wait3A_273 = tpu.memref_slice %arg3[%add3A_268, %dma_wait3A_272] : memref<2560x128xi32, #tpu.memory_space<hbm>> -> memref<1x128xi32, #tpu.memory_space<hbm>>
      %dma_wait3A_274 = tpu.memref_squeeze %dma_wait3A_273 : memref<1x128xi32, #tpu.memory_space<hbm>> -> memref<128xi32, #tpu.memory_space<hbm>>
      tpu.wait_dma2 semaphore(%arg19 : memref<!tpu.dma_semaphore, #tpu.memory_space<semaphore_mem>>) src(%dma_wait3A_274 : memref<128xi32, #tpu.memory_space<hbm>>) dst(%arg9 : memref<128xi32, #tpu.memory_space<vmem>>)
      %dma_wait3A_275 = arith.constant 0 : i32
      %dma_wait3A_276 = tpu.memref_slice %arg4[%add3A_268, %dma_wait3A_275] : memref<2560x128xi32, #tpu.memory_space<hbm>> -> memref<1x128xi32, #tpu.memory_space<hbm>>
      %dma_wait3A_277 = tpu.memref_squeeze %dma_wait3A_276 : memref<1x128xi32, #tpu.memory_space<hbm>> -> memref<128xi32, #tpu.memory_space<hbm>>
      %dma_wait3A_278 = arith.constant 0 : i32
      %dma_wait3A_279 = tpu.memref_slice %arg4[%add3A_268, %dma_wait3A_278] : memref<2560x128xi32, #tpu.memory_space<hbm>> -> memref<1x128xi32, #tpu.memory_space<hbm>>
      %dma_wait3A_280 = tpu.memref_squeeze %dma_wait3A_279 : memref<1x128xi32, #tpu.memory_space<hbm>> -> memref<128xi32, #tpu.memory_space<hbm>>
      tpu.wait_dma2 semaphore(%arg19 : memref<!tpu.dma_semaphore, #tpu.memory_space<semaphore_mem>>) src(%dma_wait3A_280 : memref<128xi32, #tpu.memory_space<hbm>>) dst(%arg13 : memref<128xi32, #tpu.memory_space<vmem>>)
      %dma_start3A_281 = arith.constant 0 : i32
      %dma_start3A_282 = arith.constant 0 : i32
      %dma_start3A_283 = tpu.memref_slice %arg2[%dma_start3A_281, %dma_start3A_282] : memref<10000x128xf32, #tpu.memory_space<hbm>> -> memref<10000x128xf32, #tpu.memory_space<hbm>>
      tpu.enqueue_indirect_dma source(%dma_start3A_283 : memref<10000x128xf32, #tpu.memory_space<hbm>>) target(%arg15 : memref<128x128xf32, #tpu.memory_space<vmem>>) offsets(%arg9 : memref<128xi32, #tpu.memory_space<vmem>>) semaphore(%arg21 : memref<!tpu.dma_semaphore, #tpu.memory_space<semaphore_mem>>)
      %dma_wait3A_284 = arith.constant 0 : i32
      %dma_wait3A_285 = arith.constant 0 : i32
      %dma_wait3A_286 = tpu.memref_slice %arg2[%dma_wait3A_284, %dma_wait3A_285] : memref<10000x128xf32, #tpu.memory_space<hbm>> -> memref<10000x128xf32, #tpu.memory_space<hbm>>
      tpu.wait_indirect_dma semaphore(%arg21 : memref<!tpu.dma_semaphore, #tpu.memory_space<semaphore_mem>>) src(%dma_wait3A_286 : memref<10000x128xf32, #tpu.memory_space<hbm>>) dst(%arg15 : memref<128x128xf32, #tpu.memory_space<vmem>>)
      "tpu.region"() ({
        %run_scoped3A = tpu.sem_alloc : memref<!tpu.dma_semaphore, #tpu.memory_space<semaphore_mem>>
        %dma_start3A_347 = arith.constant 0 : i32
        %dma_start3A_348 = arith.constant 0 : i32
        %dma_start3A_349 = tpu.memref_slice %arg16[%dma_start3A_347, %dma_start3A_348] : memref<10112x128xf32, #tpu.memory_space<vmem_shared>> -> memref<10112x128xf32, #tpu.memory_space<vmem_shared>>
        tpu.enqueue_indirect_dma source(%arg15 : memref<128x128xf32, #tpu.memory_space<vmem>>) target(%dma_start3A_349 : memref<10112x128xf32, #tpu.memory_space<vmem_shared>>) offsets(%arg13 : memref<128xi32, #tpu.memory_space<vmem>>) semaphore(%run_scoped3A : memref<!tpu.dma_semaphore, #tpu.memory_space<semaphore_mem>>) {add = true}
        %dma_wait3A_350 = arith.constant 0 : i32
        %dma_wait3A_351 = arith.constant 0 : i32
        %dma_wait3A_352 = tpu.memref_slice %arg16[%dma_wait3A_350, %dma_wait3A_351] : memref<10112x128xf32, #tpu.memory_space<vmem_shared>> -> memref<10112x128xf32, #tpu.memory_space<vmem_shared>>
        tpu.wait_indirect_dma semaphore(%run_scoped3A : memref<!tpu.dma_semaphore, #tpu.memory_space<semaphore_mem>>) src(%arg15 : memref<128x128xf32, #tpu.memory_space<vmem>>) dst(%dma_wait3A_352 : memref<10112x128xf32, #tpu.memory_space<vmem_shared>>)
        tpu.yield
      }) : () -> ()
      %add3A_287 = arith.constant 4 : i32
      %add3A_288 = arith.addi %add3A_264, %add3A_287 : i32
      %sub3A_289 = arith.constant 1 : i32
      %sub3A_290 = arith.subi %select_n3A_10, %sub3A_289 : i32
      %min3A_291 = arith.minsi %add3A_288, %sub3A_290 : i32
      %add3A_292 = arith.addi %select_n3A, %min3A_291 : i32
      %dma_start3A_293 = arith.constant 0 : i32
      %dma_start3A_294 = tpu.memref_slice %arg3[%add3A_292, %dma_start3A_293] : memref<2560x128xi32, #tpu.memory_space<hbm>> -> memref<1x128xi32, #tpu.memory_space<hbm>>
      %dma_start3A_295 = tpu.memref_squeeze %dma_start3A_294 : memref<1x128xi32, #tpu.memory_space<hbm>> -> memref<128xi32, #tpu.memory_space<hbm>>
      %dma_start3A_296 = arith.constant 0 : i32
      %dma_start3A_297 = tpu.memref_slice %arg3[%add3A_292, %dma_start3A_296] : memref<2560x128xi32, #tpu.memory_space<hbm>> -> memref<1x128xi32, #tpu.memory_space<hbm>>
      %dma_start3A_298 = tpu.memref_squeeze %dma_start3A_297 : memref<1x128xi32, #tpu.memory_space<hbm>> -> memref<128xi32, #tpu.memory_space<hbm>>
      tpu.enqueue_dma source(%dma_start3A_298 : memref<128xi32, #tpu.memory_space<hbm>>) target(%arg9 : memref<128xi32, #tpu.memory_space<vmem>>) target_semaphore(%arg19 : memref<!tpu.dma_semaphore, #tpu.memory_space<semaphore_mem>>)
      %dma_start3A_299 = arith.constant 0 : i32
      %dma_start3A_300 = tpu.memref_slice %arg4[%add3A_292, %dma_start3A_299] : memref<2560x128xi32, #tpu.memory_space<hbm>> -> memref<1x128xi32, #tpu.memory_space<hbm>>
      %dma_start3A_301 = tpu.memref_squeeze %dma_start3A_300 : memref<1x128xi32, #tpu.memory_space<hbm>> -> memref<128xi32, #tpu.memory_space<hbm>>
      %dma_start3A_302 = arith.constant 0 : i32
      %dma_start3A_303 = tpu.memref_slice %arg4[%add3A_292, %dma_start3A_302] : memref<2560x128xi32, #tpu.memory_space<hbm>> -> memref<1x128xi32, #tpu.memory_space<hbm>>
      %dma_start3A_304 = tpu.memref_squeeze %dma_start3A_303 : memref<1x128xi32, #tpu.memory_space<hbm>> -> memref<128xi32, #tpu.memory_space<hbm>>
      tpu.enqueue_dma source(%dma_start3A_304 : memref<128xi32, #tpu.memory_space<hbm>>) target(%arg13 : memref<128xi32, #tpu.memory_space<vmem>>) target_semaphore(%arg19 : memref<!tpu.dma_semaphore, #tpu.memory_space<semaphore_mem>>)
      %add3A_305 = arith.constant 3 : i32
      %add3A_306 = arith.addi %mul3A_178, %add3A_305 : i32
      %sub3A_307 = arith.constant 1 : i32
      %sub3A_308 = arith.subi %select_n3A_10, %sub3A_307 : i32
      %min3A_309 = arith.minsi %add3A_306, %sub3A_308 : i32
      %add3A_310 = arith.addi %select_n3A, %min3A_309 : i32
      %dma_wait3A_311 = arith.constant 0 : i32
      %dma_wait3A_312 = tpu.memref_slice %arg3[%add3A_310, %dma_wait3A_311] : memref<2560x128xi32, #tpu.memory_space<hbm>> -> memref<1x128xi32, #tpu.memory_space<hbm>>
      %dma_wait3A_313 = tpu.memref_squeeze %dma_wait3A_312 : memref<1x128xi32, #tpu.memory_space<hbm>> -> memref<128xi32, #tpu.memory_space<hbm>>
      %dma_wait3A_314 = arith.constant 0 : i32
      %dma_wait3A_315 = tpu.memref_slice %arg3[%add3A_310, %dma_wait3A_314] : memref<2560x128xi32, #tpu.memory_space<hbm>> -> memref<1x128xi32, #tpu.memory_space<hbm>>
      %dma_wait3A_316 = tpu.memref_squeeze %dma_wait3A_315 : memref<1x128xi32, #tpu.memory_space<hbm>> -> memref<128xi32, #tpu.memory_space<hbm>>
      tpu.wait_dma2 semaphore(%arg20 : memref<!tpu.dma_semaphore, #tpu.memory_space<semaphore_mem>>) src(%dma_wait3A_316 : memref<128xi32, #tpu.memory_space<hbm>>) dst(%arg10 : memref<128xi32, #tpu.memory_space<vmem>>)
      %dma_wait3A_317 = arith.constant 0 : i32
      %dma_wait3A_318 = tpu.memref_slice %arg4[%add3A_310, %dma_wait3A_317] : memref<2560x128xi32, #tpu.memory_space<hbm>> -> memref<1x128xi32, #tpu.memory_space<hbm>>
      %dma_wait3A_319 = tpu.memref_squeeze %dma_wait3A_318 : memref<1x128xi32, #tpu.memory_space<hbm>> -> memref<128xi32, #tpu.memory_space<hbm>>
      %dma_wait3A_320 = arith.constant 0 : i32
      %dma_wait3A_321 = tpu.memref_slice %arg4[%add3A_310, %dma_wait3A_320] : memref<2560x128xi32, #tpu.memory_space<hbm>> -> memref<1x128xi32, #tpu.memory_space<hbm>>
      %dma_wait3A_322 = tpu.memref_squeeze %dma_wait3A_321 : memref<1x128xi32, #tpu.memory_space<hbm>> -> memref<128xi32, #tpu.memory_space<hbm>>
      tpu.wait_dma2 semaphore(%arg20 : memref<!tpu.dma_semaphore, #tpu.memory_space<semaphore_mem>>) src(%dma_wait3A_322 : memref<128xi32, #tpu.memory_space<hbm>>) dst(%arg14 : memref<128xi32, #tpu.memory_space<vmem>>)
      %dma_start3A_323 = arith.constant 0 : i32
      %dma_start3A_324 = arith.constant 0 : i32
      %dma_start3A_325 = tpu.memref_slice %arg2[%dma_start3A_323, %dma_start3A_324] : memref<10000x128xf32, #tpu.memory_space<hbm>> -> memref<10000x128xf32, #tpu.memory_space<hbm>>
      tpu.enqueue_indirect_dma source(%dma_start3A_325 : memref<10000x128xf32, #tpu.memory_space<hbm>>) target(%arg15 : memref<128x128xf32, #tpu.memory_space<vmem>>) offsets(%arg10 : memref<128xi32, #tpu.memory_space<vmem>>) semaphore(%arg21 : memref<!tpu.dma_semaphore, #tpu.memory_space<semaphore_mem>>)
      %dma_wait3A_326 = arith.constant 0 : i32
      %dma_wait3A_327 = arith.constant 0 : i32
      %dma_wait3A_328 = tpu.memref_slice %arg2[%dma_wait3A_326, %dma_wait3A_327] : memref<10000x128xf32, #tpu.memory_space<hbm>> -> memref<10000x128xf32, #tpu.memory_space<hbm>>
      tpu.wait_indirect_dma semaphore(%arg21 : memref<!tpu.dma_semaphore, #tpu.memory_space<semaphore_mem>>) src(%dma_wait3A_328 : memref<10000x128xf32, #tpu.memory_space<hbm>>) dst(%arg15 : memref<128x128xf32, #tpu.memory_space<vmem>>)
      "tpu.region"() ({
        %run_scoped3A = tpu.sem_alloc : memref<!tpu.dma_semaphore, #tpu.memory_space<semaphore_mem>>
        %dma_start3A_347 = arith.constant 0 : i32
        %dma_start3A_348 = arith.constant 0 : i32
        %dma_start3A_349 = tpu.memref_slice %arg16[%dma_start3A_347, %dma_start3A_348] : memref<10112x128xf32, #tpu.memory_space<vmem_shared>> -> memref<10112x128xf32, #tpu.memory_space<vmem_shared>>
        tpu.enqueue_indirect_dma source(%arg15 : memref<128x128xf32, #tpu.memory_space<vmem>>) target(%dma_start3A_349 : memref<10112x128xf32, #tpu.memory_space<vmem_shared>>) offsets(%arg14 : memref<128xi32, #tpu.memory_space<vmem>>) semaphore(%run_scoped3A : memref<!tpu.dma_semaphore, #tpu.memory_space<semaphore_mem>>) {add = true}
        %dma_wait3A_350 = arith.constant 0 : i32
        %dma_wait3A_351 = arith.constant 0 : i32
        %dma_wait3A_352 = tpu.memref_slice %arg16[%dma_wait3A_350, %dma_wait3A_351] : memref<10112x128xf32, #tpu.memory_space<vmem_shared>> -> memref<10112x128xf32, #tpu.memory_space<vmem_shared>>
        tpu.wait_indirect_dma semaphore(%run_scoped3A : memref<!tpu.dma_semaphore, #tpu.memory_space<semaphore_mem>>) src(%arg15 : memref<128x128xf32, #tpu.memory_space<vmem>>) dst(%dma_wait3A_352 : memref<10112x128xf32, #tpu.memory_space<vmem_shared>>)
        tpu.yield
      }) : () -> ()
      %add3A_329 = arith.constant 4 : i32
      %add3A_330 = arith.addi %add3A_306, %add3A_329 : i32
      %sub3A_331 = arith.constant 1 : i32
      %sub3A_332 = arith.subi %select_n3A_10, %sub3A_331 : i32
      %min3A_333 = arith.minsi %add3A_330, %sub3A_332 : i32
      %add3A_334 = arith.addi %select_n3A, %min3A_333 : i32
      %dma_start3A_335 = arith.constant 0 : i32
      %dma_start3A_336 = tpu.memref_slice %arg3[%add3A_334, %dma_start3A_335] : memref<2560x128xi32, #tpu.memory_space<hbm>> -> memref<1x128xi32, #tpu.memory_space<hbm>>
      %dma_start3A_337 = tpu.memref_squeeze %dma_start3A_336 : memref<1x128xi32, #tpu.memory_space<hbm>> -> memref<128xi32, #tpu.memory_space<hbm>>
      %dma_start3A_338 = arith.constant 0 : i32
      %dma_start3A_339 = tpu.memref_slice %arg3[%add3A_334, %dma_start3A_338] : memref<2560x128xi32, #tpu.memory_space<hbm>> -> memref<1x128xi32, #tpu.memory_space<hbm>>
      %dma_start3A_340 = tpu.memref_squeeze %dma_start3A_339 : memref<1x128xi32, #tpu.memory_space<hbm>> -> memref<128xi32, #tpu.memory_space<hbm>>
      tpu.enqueue_dma source(%dma_start3A_340 : memref<128xi32, #tpu.memory_space<hbm>>) target(%arg10 : memref<128xi32, #tpu.memory_space<vmem>>) target_semaphore(%arg20 : memref<!tpu.dma_semaphore, #tpu.memory_space<semaphore_mem>>)
      %dma_start3A_341 = arith.constant 0 : i32
      %dma_start3A_342 = tpu.memref_slice %arg4[%add3A_334, %dma_start3A_341] : memref<2560x128xi32, #tpu.memory_space<hbm>> -> memref<1x128xi32, #tpu.memory_space<hbm>>
      %dma_start3A_343 = tpu.memref_squeeze %dma_start3A_342 : memref<1x128xi32, #tpu.memory_space<hbm>> -> memref<128xi32, #tpu.memory_space<hbm>>
      %dma_start3A_344 = arith.constant 0 : i32
      %dma_start3A_345 = tpu.memref_slice %arg4[%add3A_334, %dma_start3A_344] : memref<2560x128xi32, #tpu.memory_space<hbm>> -> memref<1x128xi32, #tpu.memory_space<hbm>>
      %dma_start3A_346 = tpu.memref_squeeze %dma_start3A_345 : memref<1x128xi32, #tpu.memory_space<hbm>> -> memref<128xi32, #tpu.memory_space<hbm>>
      tpu.enqueue_dma source(%dma_start3A_346 : memref<128xi32, #tpu.memory_space<hbm>>) target(%arg14 : memref<128xi32, #tpu.memory_space<vmem>>) target_semaphore(%arg20 : memref<!tpu.dma_semaphore, #tpu.memory_space<semaphore_mem>>)
    }
    %add3A_104 = arith.constant 0 : i32
    %add3A_105 = arith.addi %select_n3A_10, %add3A_104 : i32
    %sub3A_106 = arith.constant 1 : i32
    %sub3A_107 = arith.subi %select_n3A_10, %sub3A_106 : i32
    %min3A_108 = arith.minsi %add3A_105, %sub3A_107 : i32
    %add3A_109 = arith.addi %select_n3A, %min3A_108 : i32
    %dma_wait3A = arith.constant 0 : i32
    %dma_wait3A_110 = tpu.memref_slice %arg3[%add3A_109, %dma_wait3A] : memref<2560x128xi32, #tpu.memory_space<hbm>> -> memref<1x128xi32, #tpu.memory_space<hbm>>
    %dma_wait3A_111 = tpu.memref_squeeze %dma_wait3A_110 : memref<1x128xi32, #tpu.memory_space<hbm>> -> memref<128xi32, #tpu.memory_space<hbm>>
    %dma_wait3A_112 = arith.constant 0 : i32
    %dma_wait3A_113 = tpu.memref_slice %arg3[%add3A_109, %dma_wait3A_112] : memref<2560x128xi32, #tpu.memory_space<hbm>> -> memref<1x128xi32, #tpu.memory_space<hbm>>
    %dma_wait3A_114 = tpu.memref_squeeze %dma_wait3A_113 : memref<1x128xi32, #tpu.memory_space<hbm>> -> memref<128xi32, #tpu.memory_space<hbm>>
    tpu.wait_dma2 semaphore(%arg17 : memref<!tpu.dma_semaphore, #tpu.memory_space<semaphore_mem>>) src(%dma_wait3A_114 : memref<128xi32, #tpu.memory_space<hbm>>) dst(%arg7 : memref<128xi32, #tpu.memory_space<vmem>>)
    %dma_wait3A_115 = arith.constant 0 : i32
    %dma_wait3A_116 = tpu.memref_slice %arg4[%add3A_109, %dma_wait3A_115] : memref<2560x128xi32, #tpu.memory_space<hbm>> -> memref<1x128xi32, #tpu.memory_space<hbm>>
    %dma_wait3A_117 = tpu.memref_squeeze %dma_wait3A_116 : memref<1x128xi32, #tpu.memory_space<hbm>> -> memref<128xi32, #tpu.memory_space<hbm>>
    %dma_wait3A_118 = arith.constant 0 : i32
    %dma_wait3A_119 = tpu.memref_slice %arg4[%add3A_109, %dma_wait3A_118] : memref<2560x128xi32, #tpu.memory_space<hbm>> -> memref<1x128xi32, #tpu.memory_space<hbm>>
    %dma_wait3A_120 = tpu.memref_squeeze %dma_wait3A_119 : memref<1x128xi32, #tpu.memory_space<hbm>> -> memref<128xi32, #tpu.memory_space<hbm>>
    tpu.wait_dma2 semaphore(%arg17 : memref<!tpu.dma_semaphore, #tpu.memory_space<semaphore_mem>>) src(%dma_wait3A_120 : memref<128xi32, #tpu.memory_space<hbm>>) dst(%arg11 : memref<128xi32, #tpu.memory_space<vmem>>)
    %add3A_121 = arith.constant 1 : i32
    %add3A_122 = arith.addi %select_n3A_10, %add3A_121 : i32
    %sub3A_123 = arith.constant 1 : i32
    %sub3A_124 = arith.subi %select_n3A_10, %sub3A_123 : i32
    %min3A_125 = arith.minsi %add3A_122, %sub3A_124 : i32
    %add3A_126 = arith.addi %select_n3A, %min3A_125 : i32
    %dma_wait3A_127 = arith.constant 0 : i32
    %dma_wait3A_128 = tpu.memref_slice %arg3[%add3A_126, %dma_wait3A_127] : memref<2560x128xi32, #tpu.memory_space<hbm>> -> memref<1x128xi32, #tpu.memory_space<hbm>>
    %dma_wait3A_129 = tpu.memref_squeeze %dma_wait3A_128 : memref<1x128xi32, #tpu.memory_space<hbm>> -> memref<128xi32, #tpu.memory_space<hbm>>
    %dma_wait3A_130 = arith.constant 0 : i32
    %dma_wait3A_131 = tpu.memref_slice %arg3[%add3A_126, %dma_wait3A_130] : memref<2560x128xi32, #tpu.memory_space<hbm>> -> memref<1x128xi32, #tpu.memory_space<hbm>>
    %dma_wait3A_132 = tpu.memref_squeeze %dma_wait3A_131 : memref<1x128xi32, #tpu.memory_space<hbm>> -> memref<128xi32, #tpu.memory_space<hbm>>
    tpu.wait_dma2 semaphore(%arg18 : memref<!tpu.dma_semaphore, #tpu.memory_space<semaphore_mem>>) src(%dma_wait3A_132 : memref<128xi32, #tpu.memory_space<hbm>>) dst(%arg8 : memref<128xi32, #tpu.memory_space<vmem>>)
    %dma_wait3A_133 = arith.constant 0 : i32
    %dma_wait3A_134 = tpu.memref_slice %arg4[%add3A_126, %dma_wait3A_133] : memref<2560x128xi32, #tpu.memory_space<hbm>> -> memref<1x128xi32, #tpu.memory_space<hbm>>
    %dma_wait3A_135 = tpu.memref_squeeze %dma_wait3A_134 : memref<1x128xi32, #tpu.memory_space<hbm>> -> memref<128xi32, #tpu.memory_space<hbm>>
    %dma_wait3A_136 = arith.constant 0 : i32
    %dma_wait3A_137 = tpu.memref_slice %arg4[%add3A_126, %dma_wait3A_136] : memref<2560x128xi32, #tpu.memory_space<hbm>> -> memref<1x128xi32, #tpu.memory_space<hbm>>
    %dma_wait3A_138 = tpu.memref_squeeze %dma_wait3A_137 : memref<1x128xi32, #tpu.memory_space<hbm>> -> memref<128xi32, #tpu.memory_space<hbm>>
    tpu.wait_dma2 semaphore(%arg18 : memref<!tpu.dma_semaphore, #tpu.memory_space<semaphore_mem>>) src(%dma_wait3A_138 : memref<128xi32, #tpu.memory_space<hbm>>) dst(%arg12 : memref<128xi32, #tpu.memory_space<vmem>>)
    %add3A_139 = arith.constant 2 : i32
    %add3A_140 = arith.addi %select_n3A_10, %add3A_139 : i32
    %sub3A_141 = arith.constant 1 : i32
    %sub3A_142 = arith.subi %select_n3A_10, %sub3A_141 : i32
    %min3A_143 = arith.minsi %add3A_140, %sub3A_142 : i32
    %add3A_144 = arith.addi %select_n3A, %min3A_143 : i32
    %dma_wait3A_145 = arith.constant 0 : i32
    %dma_wait3A_146 = tpu.memref_slice %arg3[%add3A_144, %dma_wait3A_145] : memref<2560x128xi32, #tpu.memory_space<hbm>> -> memref<1x128xi32, #tpu.memory_space<hbm>>
    %dma_wait3A_147 = tpu.memref_squeeze %dma_wait3A_146 : memref<1x128xi32, #tpu.memory_space<hbm>> -> memref<128xi32, #tpu.memory_space<hbm>>
    %dma_wait3A_148 = arith.constant 0 : i32
    %dma_wait3A_149 = tpu.memref_slice %arg3[%add3A_144, %dma_wait3A_148] : memref<2560x128xi32, #tpu.memory_space<hbm>> -> memref<1x128xi32, #tpu.memory_space<hbm>>
    %dma_wait3A_150 = tpu.memref_squeeze %dma_wait3A_149 : memref<1x128xi32, #tpu.memory_space<hbm>> -> memref<128xi32, #tpu.memory_space<hbm>>
    tpu.wait_dma2 semaphore(%arg19 : memref<!tpu.dma_semaphore, #tpu.memory_space<semaphore_mem>>) src(%dma_wait3A_150 : memref<128xi32, #tpu.memory_space<hbm>>) dst(%arg9 : memref<128xi32, #tpu.memory_space<vmem>>)
    %dma_wait3A_151 = arith.constant 0 : i32
    %dma_wait3A_152 = tpu.memref_slice %arg4[%add3A_144, %dma_wait3A_151] : memref<2560x128xi32, #tpu.memory_space<hbm>> -> memref<1x128xi32, #tpu.memory_space<hbm>>
    %dma_wait3A_153 = tpu.memref_squeeze %dma_wait3A_152 : memref<1x128xi32, #tpu.memory_space<hbm>> -> memref<128xi32, #tpu.memory_space<hbm>>
    %dma_wait3A_154 = arith.constant 0 : i32
    %dma_wait3A_155 = tpu.memref_slice %arg4[%add3A_144, %dma_wait3A_154] : memref<2560x128xi32, #tpu.memory_space<hbm>> -> memref<1x128xi32, #tpu.memory_space<hbm>>
    %dma_wait3A_156 = tpu.memref_squeeze %dma_wait3A_155 : memref<1x128xi32, #tpu.memory_space<hbm>> -> memref<128xi32, #tpu.memory_space<hbm>>
    tpu.wait_dma2 semaphore(%arg19 : memref<!tpu.dma_semaphore, #tpu.memory_space<semaphore_mem>>) src(%dma_wait3A_156 : memref<128xi32, #tpu.memory_space<hbm>>) dst(%arg13 : memref<128xi32, #tpu.memory_space<vmem>>)
    %add3A_157 = arith.constant 3 : i32
    %add3A_158 = arith.addi %select_n3A_10, %add3A_157 : i32
    %sub3A_159 = arith.constant 1 : i32
    %sub3A_160 = arith.subi %select_n3A_10, %sub3A_159 : i32
    %min3A_161 = arith.minsi %add3A_158, %sub3A_160 : i32
    %add3A_162 = arith.addi %select_n3A, %min3A_161 : i32
    %dma_wait3A_163 = arith.constant 0 : i32
    %dma_wait3A_164 = tpu.memref_slice %arg3[%add3A_162, %dma_wait3A_163] : memref<2560x128xi32, #tpu.memory_space<hbm>> -> memref<1x128xi32, #tpu.memory_space<hbm>>
    %dma_wait3A_165 = tpu.memref_squeeze %dma_wait3A_164 : memref<1x128xi32, #tpu.memory_space<hbm>> -> memref<128xi32, #tpu.memory_space<hbm>>
    %dma_wait3A_166 = arith.constant 0 : i32
    %dma_wait3A_167 = tpu.memref_slice %arg3[%add3A_162, %dma_wait3A_166] : memref<2560x128xi32, #tpu.memory_space<hbm>> -> memref<1x128xi32, #tpu.memory_space<hbm>>
    %dma_wait3A_168 = tpu.memref_squeeze %dma_wait3A_167 : memref<1x128xi32, #tpu.memory_space<hbm>> -> memref<128xi32, #tpu.memory_space<hbm>>
    tpu.wait_dma2 semaphore(%arg20 : memref<!tpu.dma_semaphore, #tpu.memory_space<semaphore_mem>>) src(%dma_wait3A_168 : memref<128xi32, #tpu.memory_space<hbm>>) dst(%arg10 : memref<128xi32, #tpu.memory_space<vmem>>)
    %dma_wait3A_169 = arith.constant 0 : i32
    %dma_wait3A_170 = tpu.memref_slice %arg4[%add3A_162, %dma_wait3A_169] : memref<2560x128xi32, #tpu.memory_space<hbm>> -> memref<1x128xi32, #tpu.memory_space<hbm>>
    %dma_wait3A_171 = tpu.memref_squeeze %dma_wait3A_170 : memref<1x128xi32, #tpu.memory_space<hbm>> -> memref<128xi32, #tpu.memory_space<hbm>>
    %dma_wait3A_172 = arith.constant 0 : i32
    %dma_wait3A_173 = tpu.memref_slice %arg4[%add3A_162, %dma_wait3A_172] : memref<2560x128xi32, #tpu.memory_space<hbm>> -> memref<1x128xi32, #tpu.memory_space<hbm>>
    %dma_wait3A_174 = tpu.memref_squeeze %dma_wait3A_173 : memref<1x128xi32, #tpu.memory_space<hbm>> -> memref<128xi32, #tpu.memory_space<hbm>>
    tpu.wait_dma2 semaphore(%arg20 : memref<!tpu.dma_semaphore, #tpu.memory_space<semaphore_mem>>) src(%dma_wait3A_174 : memref<128xi32, #tpu.memory_space<hbm>>) dst(%arg14 : memref<128xi32, #tpu.memory_space<vmem>>)
    %barrier3A_175 = arith.constant 0 : index
    tpu.barrier barrier_id(%barrier3A_175)
    "tpu.region"() ({
      %run_scoped3A = tpu.sem_alloc : memref<!tpu.dma_semaphore, #tpu.memory_space<semaphore_mem>>
      %dma_start3A_176 = arith.constant 0 : i32
      %dma_start3A_177 = tpu.memref_slice %arg6[%arg0, %mul3A_0, %dma_start3A_176] : memref<2x10112x128xf32, #tpu.memory_space<hbm>> -> memref<1x632x128xf32, #tpu.memory_space<hbm>>
      %dma_start3A_178 = tpu.memref_squeeze %dma_start3A_177 : memref<1x632x128xf32, #tpu.memory_space<hbm>> -> memref<632x128xf32, #tpu.memory_space<hbm>>
      %dma_start3A_179 = arith.constant 0 : i32
      %dma_start3A_180 = tpu.memref_slice %arg16[%mul3A_0, %dma_start3A_179] : memref<10112x128xf32, #tpu.memory_space<vmem_shared>> -> memref<632x128xf32, #tpu.memory_space<vmem_shared>>
      tpu.enqueue_dma source(%dma_start3A_180 : memref<632x128xf32, #tpu.memory_space<vmem_shared>>) target(%dma_start3A_178 : memref<632x128xf32, #tpu.memory_space<hbm>>) target_semaphore(%run_scoped3A : memref<!tpu.dma_semaphore, #tpu.memory_space<semaphore_mem>>)
      %dma_wait3A_181 = arith.constant 0 : i32
      %dma_wait3A_182 = tpu.memref_slice %arg6[%arg0, %mul3A_0, %dma_wait3A_181] : memref<2x10112x128xf32, #tpu.memory_space<hbm>> -> memref<1x632x128xf32, #tpu.memory_space<hbm>>
      %dma_wait3A_183 = tpu.memref_squeeze %dma_wait3A_182 : memref<1x632x128xf32, #tpu.memory_space<hbm>> -> memref<632x128xf32, #tpu.memory_space<hbm>>
      %dma_wait3A_184 = arith.constant 0 : i32
      %dma_wait3A_185 = tpu.memref_slice %arg16[%mul3A_0, %dma_wait3A_184] : memref<10112x128xf32, #tpu.memory_space<vmem_shared>> -> memref<632x128xf32, #tpu.memory_space<vmem_shared>>
      tpu.wait_dma2 semaphore(%run_scoped3A : memref<!tpu.dma_semaphore, #tpu.memory_space<semaphore_mem>>) src(%dma_wait3A_185 : memref<632x128xf32, #tpu.memory_space<vmem_shared>>) dst(%dma_wait3A_183 : memref<632x128xf32, #tpu.memory_space<hbm>>)
      tpu.yield
    }) : () -> ()
    return
  }
}

#map = affine_map<(d0, d1) -> (0, 0, 0)>
#map1 = affine_map<(d0, d1) -> (0, 0)>
module attributes {stable_mosaic.version = 14 : i64} {
  func.func @body(%arg0: i32, %arg1: i32, %arg2: memref<2560x128x128xf32, #tpu.memory_space<hbm>>, %arg3: memref<2560x128xi32, #tpu.memory_space<hbm>>, %arg4: memref<10112x128xf32, #tpu.memory_space<hbm>>, %arg5: memref<2x10112x128xf32, #tpu.memory_space<hbm>>, %arg6: memref<128xi32, #tpu.memory_space<vmem>>, %arg7: memref<128xi32, #tpu.memory_space<vmem>>, %arg8: memref<128xi32, #tpu.memory_space<vmem>>, %arg9: memref<128xi32, #tpu.memory_space<vmem>>, %arg10: memref<128x128xf32, #tpu.memory_space<vmem>>, %arg11: memref<128x128xf32, #tpu.memory_space<vmem>>, %arg12: memref<10112x128xf32, #tpu.memory_space<vmem_shared>>, %arg13: memref<!tpu.dma_semaphore, #tpu.memory_space<semaphore_mem>>, %arg14: memref<!tpu.dma_semaphore, #tpu.memory_space<semaphore_mem>>, %arg15: memref<!tpu.dma_semaphore, #tpu.memory_space<semaphore_mem>>, %arg16: memref<!tpu.dma_semaphore, #tpu.memory_space<semaphore_mem>>, %arg17: memref<!tpu.dma_semaphore, #tpu.memory_space<semaphore_mem>>, %arg18: memref<!tpu.dma_semaphore, #tpu.memory_space<semaphore_mem>>) attributes {dimension_semantics = [#tpu.dimension_semantics<core_parallel>, #tpu.dimension_semantics<subcore_parallel>], iteration_bounds = array<i64: 2, 16>, scalar_prefetch = 0 : i64, scratch_operands = 13 : i64, tpu.core_type = #tpu.core_type<sc_vector_subcore>, window_params = [{transform_indices = #map}, {transform_indices = #map1}, {transform_indices = #map1}, {transform_indices = #map}]} {
    %mul3A = arith.constant 2 : i32
    %mul3A_0 = arith.muli %arg1, %mul3A : i32
    %add3A = arith.addi %mul3A_0, %arg0 : i32
    %mul3A_1 = arith.constant 632 : i32
    %mul3A_2 = arith.muli %arg1, %mul3A_1 : i32
    %mul3A_3 = arith.constant 80 : i32
    %mul3A_4 = arith.muli %add3A, %mul3A_3 : i32
    "tpu.region"() ({
      %run_scoped3A = tpu.sem_alloc : memref<!tpu.dma_semaphore, #tpu.memory_space<semaphore_mem>>
      %dma_start3A_136 = arith.constant 0 : i32
      %dma_start3A_137 = tpu.memref_slice %arg12[%mul3A_2, %dma_start3A_136] : memref<10112x128xf32, #tpu.memory_space<vmem_shared>> -> memref<632x128xf32, #tpu.memory_space<vmem_shared>>
      %dma_start3A_138 = arith.constant 0 : i32
      %dma_start3A_139 = tpu.memref_slice %arg4[%mul3A_2, %dma_start3A_138] : memref<10112x128xf32, #tpu.memory_space<hbm>> -> memref<632x128xf32, #tpu.memory_space<hbm>>
      tpu.enqueue_dma source(%dma_start3A_139 : memref<632x128xf32, #tpu.memory_space<hbm>>) target(%dma_start3A_137 : memref<632x128xf32, #tpu.memory_space<vmem_shared>>) target_semaphore(%run_scoped3A : memref<!tpu.dma_semaphore, #tpu.memory_space<semaphore_mem>>)
      %dma_wait3A_140 = arith.constant 0 : i32
      %dma_wait3A_141 = tpu.memref_slice %arg12[%mul3A_2, %dma_wait3A_140] : memref<10112x128xf32, #tpu.memory_space<vmem_shared>> -> memref<632x128xf32, #tpu.memory_space<vmem_shared>>
      %dma_wait3A_142 = arith.constant 0 : i32
      %dma_wait3A_143 = tpu.memref_slice %arg4[%mul3A_2, %dma_wait3A_142] : memref<10112x128xf32, #tpu.memory_space<hbm>> -> memref<632x128xf32, #tpu.memory_space<hbm>>
      tpu.wait_dma2 semaphore(%run_scoped3A : memref<!tpu.dma_semaphore, #tpu.memory_space<semaphore_mem>>) src(%dma_wait3A_143 : memref<632x128xf32, #tpu.memory_space<hbm>>) dst(%dma_wait3A_141 : memref<632x128xf32, #tpu.memory_space<vmem_shared>>)
      tpu.yield
    }) : () -> ()
    %barrier3A = arith.constant 0 : index
    tpu.barrier barrier_id(%barrier3A)
    %min3A = arith.constant 0 : i32
    %min3A_5 = arith.constant 79 : i32
    %min3A_6 = arith.minsi %min3A, %min3A_5 : i32
    %add3A_7 = arith.addi %mul3A_4, %min3A_6 : i32
    %dma_start3A = arith.constant 0 : i32
    %dma_start3A_8 = tpu.memref_slice %arg3[%add3A_7, %dma_start3A] : memref<2560x128xi32, #tpu.memory_space<hbm>> -> memref<1x128xi32, #tpu.memory_space<hbm>>
    %dma_start3A_9 = tpu.memref_squeeze %dma_start3A_8 : memref<1x128xi32, #tpu.memory_space<hbm>> -> memref<128xi32, #tpu.memory_space<hbm>>
    %dma_start3A_10 = arith.constant 0 : i32
    %dma_start3A_11 = tpu.memref_slice %arg3[%add3A_7, %dma_start3A_10] : memref<2560x128xi32, #tpu.memory_space<hbm>> -> memref<1x128xi32, #tpu.memory_space<hbm>>
    %dma_start3A_12 = tpu.memref_squeeze %dma_start3A_11 : memref<1x128xi32, #tpu.memory_space<hbm>> -> memref<128xi32, #tpu.memory_space<hbm>>
    tpu.enqueue_dma source(%dma_start3A_12 : memref<128xi32, #tpu.memory_space<hbm>>) target(%arg6 : memref<128xi32, #tpu.memory_space<vmem>>) target_semaphore(%arg13 : memref<!tpu.dma_semaphore, #tpu.memory_space<semaphore_mem>>)
    %min3A_13 = arith.constant 1 : i32
    %min3A_14 = arith.constant 79 : i32
    %min3A_15 = arith.minsi %min3A_13, %min3A_14 : i32
    %add3A_16 = arith.addi %mul3A_4, %min3A_15 : i32
    %dma_start3A_17 = arith.constant 0 : i32
    %dma_start3A_18 = tpu.memref_slice %arg3[%add3A_16, %dma_start3A_17] : memref<2560x128xi32, #tpu.memory_space<hbm>> -> memref<1x128xi32, #tpu.memory_space<hbm>>
    %dma_start3A_19 = tpu.memref_squeeze %dma_start3A_18 : memref<1x128xi32, #tpu.memory_space<hbm>> -> memref<128xi32, #tpu.memory_space<hbm>>
    %dma_start3A_20 = arith.constant 0 : i32
    %dma_start3A_21 = tpu.memref_slice %arg3[%add3A_16, %dma_start3A_20] : memref<2560x128xi32, #tpu.memory_space<hbm>> -> memref<1x128xi32, #tpu.memory_space<hbm>>
    %dma_start3A_22 = tpu.memref_squeeze %dma_start3A_21 : memref<1x128xi32, #tpu.memory_space<hbm>> -> memref<128xi32, #tpu.memory_space<hbm>>
    tpu.enqueue_dma source(%dma_start3A_22 : memref<128xi32, #tpu.memory_space<hbm>>) target(%arg7 : memref<128xi32, #tpu.memory_space<vmem>>) target_semaphore(%arg14 : memref<!tpu.dma_semaphore, #tpu.memory_space<semaphore_mem>>)
    %min3A_23 = arith.constant 2 : i32
    %min3A_24 = arith.constant 79 : i32
    %min3A_25 = arith.minsi %min3A_23, %min3A_24 : i32
    %add3A_26 = arith.addi %mul3A_4, %min3A_25 : i32
    %dma_start3A_27 = arith.constant 0 : i32
    %dma_start3A_28 = tpu.memref_slice %arg3[%add3A_26, %dma_start3A_27] : memref<2560x128xi32, #tpu.memory_space<hbm>> -> memref<1x128xi32, #tpu.memory_space<hbm>>
    %dma_start3A_29 = tpu.memref_squeeze %dma_start3A_28 : memref<1x128xi32, #tpu.memory_space<hbm>> -> memref<128xi32, #tpu.memory_space<hbm>>
    %dma_start3A_30 = arith.constant 0 : i32
    %dma_start3A_31 = tpu.memref_slice %arg3[%add3A_26, %dma_start3A_30] : memref<2560x128xi32, #tpu.memory_space<hbm>> -> memref<1x128xi32, #tpu.memory_space<hbm>>
    %dma_start3A_32 = tpu.memref_squeeze %dma_start3A_31 : memref<1x128xi32, #tpu.memory_space<hbm>> -> memref<128xi32, #tpu.memory_space<hbm>>
    tpu.enqueue_dma source(%dma_start3A_32 : memref<128xi32, #tpu.memory_space<hbm>>) target(%arg8 : memref<128xi32, #tpu.memory_space<vmem>>) target_semaphore(%arg15 : memref<!tpu.dma_semaphore, #tpu.memory_space<semaphore_mem>>)
    %min3A_33 = arith.constant 3 : i32
    %min3A_34 = arith.constant 79 : i32
    %min3A_35 = arith.minsi %min3A_33, %min3A_34 : i32
    %add3A_36 = arith.addi %mul3A_4, %min3A_35 : i32
    %dma_start3A_37 = arith.constant 0 : i32
    %dma_start3A_38 = tpu.memref_slice %arg3[%add3A_36, %dma_start3A_37] : memref<2560x128xi32, #tpu.memory_space<hbm>> -> memref<1x128xi32, #tpu.memory_space<hbm>>
    %dma_start3A_39 = tpu.memref_squeeze %dma_start3A_38 : memref<1x128xi32, #tpu.memory_space<hbm>> -> memref<128xi32, #tpu.memory_space<hbm>>
    %dma_start3A_40 = arith.constant 0 : i32
    %dma_start3A_41 = tpu.memref_slice %arg3[%add3A_36, %dma_start3A_40] : memref<2560x128xi32, #tpu.memory_space<hbm>> -> memref<1x128xi32, #tpu.memory_space<hbm>>
    %dma_start3A_42 = tpu.memref_squeeze %dma_start3A_41 : memref<1x128xi32, #tpu.memory_space<hbm>> -> memref<128xi32, #tpu.memory_space<hbm>>
    tpu.enqueue_dma source(%dma_start3A_42 : memref<128xi32, #tpu.memory_space<hbm>>) target(%arg9 : memref<128xi32, #tpu.memory_space<vmem>>) target_semaphore(%arg16 : memref<!tpu.dma_semaphore, #tpu.memory_space<semaphore_mem>>)
    %min3A_43 = arith.constant 0 : i32
    %min3A_44 = arith.constant 79 : i32
    %min3A_45 = arith.minsi %min3A_43, %min3A_44 : i32
    %add3A_46 = arith.addi %mul3A_4, %min3A_45 : i32
    %dma_start3A_47 = arith.constant 0 : i32
    %dma_start3A_48 = arith.constant 0 : i32
    %dma_start3A_49 = tpu.memref_slice %arg2[%add3A_46, %dma_start3A_47, %dma_start3A_48] : memref<2560x128x128xf32, #tpu.memory_space<hbm>> -> memref<1x128x128xf32, #tpu.memory_space<hbm>>
    %dma_start3A_50 = tpu.memref_squeeze %dma_start3A_49 : memref<1x128x128xf32, #tpu.memory_space<hbm>> -> memref<128x128xf32, #tpu.memory_space<hbm>>
    %dma_start3A_51 = arith.constant 0 : i32
    %dma_start3A_52 = arith.constant 0 : i32
    %dma_start3A_53 = tpu.memref_slice %arg2[%add3A_46, %dma_start3A_51, %dma_start3A_52] : memref<2560x128x128xf32, #tpu.memory_space<hbm>> -> memref<1x128x128xf32, #tpu.memory_space<hbm>>
    %dma_start3A_54 = tpu.memref_squeeze %dma_start3A_53 : memref<1x128x128xf32, #tpu.memory_space<hbm>> -> memref<128x128xf32, #tpu.memory_space<hbm>>
    tpu.enqueue_dma source(%dma_start3A_54 : memref<128x128xf32, #tpu.memory_space<hbm>>) target(%arg10 : memref<128x128xf32, #tpu.memory_space<vmem>>) target_semaphore(%arg17 : memref<!tpu.dma_semaphore, #tpu.memory_space<semaphore_mem>>)
    %min3A_55 = arith.constant 1 : i32
    %min3A_56 = arith.constant 79 : i32
    %min3A_57 = arith.minsi %min3A_55, %min3A_56 : i32
    %add3A_58 = arith.addi %mul3A_4, %min3A_57 : i32
    %dma_start3A_59 = arith.constant 0 : i32
    %dma_start3A_60 = arith.constant 0 : i32
    %dma_start3A_61 = tpu.memref_slice %arg2[%add3A_58, %dma_start3A_59, %dma_start3A_60] : memref<2560x128x128xf32, #tpu.memory_space<hbm>> -> memref<1x128x128xf32, #tpu.memory_space<hbm>>
    %dma_start3A_62 = tpu.memref_squeeze %dma_start3A_61 : memref<1x128x128xf32, #tpu.memory_space<hbm>> -> memref<128x128xf32, #tpu.memory_space<hbm>>
    %dma_start3A_63 = arith.constant 0 : i32
    %dma_start3A_64 = arith.constant 0 : i32
    %dma_start3A_65 = tpu.memref_slice %arg2[%add3A_58, %dma_start3A_63, %dma_start3A_64] : memref<2560x128x128xf32, #tpu.memory_space<hbm>> -> memref<1x128x128xf32, #tpu.memory_space<hbm>>
    %dma_start3A_66 = tpu.memref_squeeze %dma_start3A_65 : memref<1x128x128xf32, #tpu.memory_space<hbm>> -> memref<128x128xf32, #tpu.memory_space<hbm>>
    tpu.enqueue_dma source(%dma_start3A_66 : memref<128x128xf32, #tpu.memory_space<hbm>>) target(%arg11 : memref<128x128xf32, #tpu.memory_space<vmem>>) target_semaphore(%arg18 : memref<!tpu.dma_semaphore, #tpu.memory_space<semaphore_mem>>)
    %scan3A = arith.constant 0 : i32
    %scan3A_67 = arith.constant 0 : i32
    %scan3A_68 = arith.constant 20 : i32
    %scan3A_69 = arith.addi %scan3A_67, %scan3A_68 : i32
    %scan3A_70 = arith.constant 1 : i32
    scf.for %scan3A_136 = %scan3A_67 to %scan3A_69 step %scan3A_70  : i32 {
      %mul3A_137 = arith.constant 4 : i32
      %mul3A_138 = arith.muli %mul3A_137, %scan3A_136 : i32
      %min3A_139 = arith.constant 79 : i32
      %min3A_140 = arith.minsi %mul3A_138, %min3A_139 : i32
      %add3A_141 = arith.addi %mul3A_4, %min3A_140 : i32
      %dma_wait3A_142 = arith.constant 0 : i32
      %dma_wait3A_143 = arith.constant 0 : i32
      %dma_wait3A_144 = tpu.memref_slice %arg2[%add3A_141, %dma_wait3A_142, %dma_wait3A_143] : memref<2560x128x128xf32, #tpu.memory_space<hbm>> -> memref<1x128x128xf32, #tpu.memory_space<hbm>>
      %dma_wait3A_145 = tpu.memref_squeeze %dma_wait3A_144 : memref<1x128x128xf32, #tpu.memory_space<hbm>> -> memref<128x128xf32, #tpu.memory_space<hbm>>
      %dma_wait3A_146 = arith.constant 0 : i32
      %dma_wait3A_147 = arith.constant 0 : i32
      %dma_wait3A_148 = tpu.memref_slice %arg2[%add3A_141, %dma_wait3A_146, %dma_wait3A_147] : memref<2560x128x128xf32, #tpu.memory_space<hbm>> -> memref<1x128x128xf32, #tpu.memory_space<hbm>>
      %dma_wait3A_149 = tpu.memref_squeeze %dma_wait3A_148 : memref<1x128x128xf32, #tpu.memory_space<hbm>> -> memref<128x128xf32, #tpu.memory_space<hbm>>
      tpu.wait_dma2 semaphore(%arg17 : memref<!tpu.dma_semaphore, #tpu.memory_space<semaphore_mem>>) src(%dma_wait3A_149 : memref<128x128xf32, #tpu.memory_space<hbm>>) dst(%arg10 : memref<128x128xf32, #tpu.memory_space<vmem>>)
      %min3A_150 = arith.constant 79 : i32
      %min3A_151 = arith.minsi %mul3A_138, %min3A_150 : i32
      %add3A_152 = arith.addi %mul3A_4, %min3A_151 : i32
      %dma_wait3A_153 = arith.constant 0 : i32
      %dma_wait3A_154 = tpu.memref_slice %arg3[%add3A_152, %dma_wait3A_153] : memref<2560x128xi32, #tpu.memory_space<hbm>> -> memref<1x128xi32, #tpu.memory_space<hbm>>
      %dma_wait3A_155 = tpu.memref_squeeze %dma_wait3A_154 : memref<1x128xi32, #tpu.memory_space<hbm>> -> memref<128xi32, #tpu.memory_space<hbm>>
      %dma_wait3A_156 = arith.constant 0 : i32
      %dma_wait3A_157 = tpu.memref_slice %arg3[%add3A_152, %dma_wait3A_156] : memref<2560x128xi32, #tpu.memory_space<hbm>> -> memref<1x128xi32, #tpu.memory_space<hbm>>
      %dma_wait3A_158 = tpu.memref_squeeze %dma_wait3A_157 : memref<1x128xi32, #tpu.memory_space<hbm>> -> memref<128xi32, #tpu.memory_space<hbm>>
      tpu.wait_dma2 semaphore(%arg13 : memref<!tpu.dma_semaphore, #tpu.memory_space<semaphore_mem>>) src(%dma_wait3A_158 : memref<128xi32, #tpu.memory_space<hbm>>) dst(%arg6 : memref<128xi32, #tpu.memory_space<vmem>>)
      "tpu.region"() ({
        %run_scoped3A = tpu.sem_alloc : memref<!tpu.dma_semaphore, #tpu.memory_space<semaphore_mem>>
        %dma_start3A_321 = arith.constant 0 : i32
        %dma_start3A_322 = arith.constant 0 : i32
        %dma_start3A_323 = tpu.memref_slice %arg12[%dma_start3A_321, %dma_start3A_322] : memref<10112x128xf32, #tpu.memory_space<vmem_shared>> -> memref<10112x128xf32, #tpu.memory_space<vmem_shared>>
        tpu.enqueue_indirect_dma source(%arg10 : memref<128x128xf32, #tpu.memory_space<vmem>>) target(%dma_start3A_323 : memref<10112x128xf32, #tpu.memory_space<vmem_shared>>) offsets(%arg6 : memref<128xi32, #tpu.memory_space<vmem>>) semaphore(%run_scoped3A : memref<!tpu.dma_semaphore, #tpu.memory_space<semaphore_mem>>) {add = true}
        %dma_wait3A_324 = arith.constant 0 : i32
        %dma_wait3A_325 = arith.constant 0 : i32
        %dma_wait3A_326 = tpu.memref_slice %arg12[%dma_wait3A_324, %dma_wait3A_325] : memref<10112x128xf32, #tpu.memory_space<vmem_shared>> -> memref<10112x128xf32, #tpu.memory_space<vmem_shared>>
        tpu.wait_indirect_dma semaphore(%run_scoped3A : memref<!tpu.dma_semaphore, #tpu.memory_space<semaphore_mem>>) src(%arg10 : memref<128x128xf32, #tpu.memory_space<vmem>>) dst(%dma_wait3A_326 : memref<10112x128xf32, #tpu.memory_space<vmem_shared>>)
        tpu.yield
      }) : () -> ()
      %add3A_159 = arith.constant 2 : i32
      %add3A_160 = arith.addi %mul3A_138, %add3A_159 : i32
      %min3A_161 = arith.constant 79 : i32
      %min3A_162 = arith.minsi %add3A_160, %min3A_161 : i32
      %add3A_163 = arith.addi %mul3A_4, %min3A_162 : i32
      %dma_start3A_164 = arith.constant 0 : i32
      %dma_start3A_165 = arith.constant 0 : i32
      %dma_start3A_166 = tpu.memref_slice %arg2[%add3A_163, %dma_start3A_164, %dma_start3A_165] : memref<2560x128x128xf32, #tpu.memory_space<hbm>> -> memref<1x128x128xf32, #tpu.memory_space<hbm>>
      %dma_start3A_167 = tpu.memref_squeeze %dma_start3A_166 : memref<1x128x128xf32, #tpu.memory_space<hbm>> -> memref<128x128xf32, #tpu.memory_space<hbm>>
      %dma_start3A_168 = arith.constant 0 : i32
      %dma_start3A_169 = arith.constant 0 : i32
      %dma_start3A_170 = tpu.memref_slice %arg2[%add3A_163, %dma_start3A_168, %dma_start3A_169] : memref<2560x128x128xf32, #tpu.memory_space<hbm>> -> memref<1x128x128xf32, #tpu.memory_space<hbm>>
      %dma_start3A_171 = tpu.memref_squeeze %dma_start3A_170 : memref<1x128x128xf32, #tpu.memory_space<hbm>> -> memref<128x128xf32, #tpu.memory_space<hbm>>
      tpu.enqueue_dma source(%dma_start3A_171 : memref<128x128xf32, #tpu.memory_space<hbm>>) target(%arg10 : memref<128x128xf32, #tpu.memory_space<vmem>>) target_semaphore(%arg17 : memref<!tpu.dma_semaphore, #tpu.memory_space<semaphore_mem>>)
      %add3A_172 = arith.constant 4 : i32
      %add3A_173 = arith.addi %mul3A_138, %add3A_172 : i32
      %min3A_174 = arith.constant 79 : i32
      %min3A_175 = arith.minsi %add3A_173, %min3A_174 : i32
      %add3A_176 = arith.addi %mul3A_4, %min3A_175 : i32
      %dma_start3A_177 = arith.constant 0 : i32
      %dma_start3A_178 = tpu.memref_slice %arg3[%add3A_176, %dma_start3A_177] : memref<2560x128xi32, #tpu.memory_space<hbm>> -> memref<1x128xi32, #tpu.memory_space<hbm>>
      %dma_start3A_179 = tpu.memref_squeeze %dma_start3A_178 : memref<1x128xi32, #tpu.memory_space<hbm>> -> memref<128xi32, #tpu.memory_space<hbm>>
      %dma_start3A_180 = arith.constant 0 : i32
      %dma_start3A_181 = tpu.memref_slice %arg3[%add3A_176, %dma_start3A_180] : memref<2560x128xi32, #tpu.memory_space<hbm>> -> memref<1x128xi32, #tpu.memory_space<hbm>>
      %dma_start3A_182 = tpu.memref_squeeze %dma_start3A_181 : memref<1x128xi32, #tpu.memory_space<hbm>> -> memref<128xi32, #tpu.memory_space<hbm>>
      tpu.enqueue_dma source(%dma_start3A_182 : memref<128xi32, #tpu.memory_space<hbm>>) target(%arg6 : memref<128xi32, #tpu.memory_space<vmem>>) target_semaphore(%arg13 : memref<!tpu.dma_semaphore, #tpu.memory_space<semaphore_mem>>)
      %add3A_183 = arith.constant 1 : i32
      %add3A_184 = arith.addi %mul3A_138, %add3A_183 : i32
      %min3A_185 = arith.constant 79 : i32
      %min3A_186 = arith.minsi %add3A_184, %min3A_185 : i32
      %add3A_187 = arith.addi %mul3A_4, %min3A_186 : i32
      %dma_wait3A_188 = arith.constant 0 : i32
      %dma_wait3A_189 = arith.constant 0 : i32
      %dma_wait3A_190 = tpu.memref_slice %arg2[%add3A_187, %dma_wait3A_188, %dma_wait3A_189] : memref<2560x128x128xf32, #tpu.memory_space<hbm>> -> memref<1x128x128xf32, #tpu.memory_space<hbm>>
      %dma_wait3A_191 = tpu.memref_squeeze %dma_wait3A_190 : memref<1x128x128xf32, #tpu.memory_space<hbm>> -> memref<128x128xf32, #tpu.memory_space<hbm>>
      %dma_wait3A_192 = arith.constant 0 : i32
      %dma_wait3A_193 = arith.constant 0 : i32
      %dma_wait3A_194 = tpu.memref_slice %arg2[%add3A_187, %dma_wait3A_192, %dma_wait3A_193] : memref<2560x128x128xf32, #tpu.memory_space<hbm>> -> memref<1x128x128xf32, #tpu.memory_space<hbm>>
      %dma_wait3A_195 = tpu.memref_squeeze %dma_wait3A_194 : memref<1x128x128xf32, #tpu.memory_space<hbm>> -> memref<128x128xf32, #tpu.memory_space<hbm>>
      tpu.wait_dma2 semaphore(%arg18 : memref<!tpu.dma_semaphore, #tpu.memory_space<semaphore_mem>>) src(%dma_wait3A_195 : memref<128x128xf32, #tpu.memory_space<hbm>>) dst(%arg11 : memref<128x128xf32, #tpu.memory_space<vmem>>)
      %min3A_196 = arith.constant 79 : i32
      %min3A_197 = arith.minsi %add3A_184, %min3A_196 : i32
      %add3A_198 = arith.addi %mul3A_4, %min3A_197 : i32
      %dma_wait3A_199 = arith.constant 0 : i32
      %dma_wait3A_200 = tpu.memref_slice %arg3[%add3A_198, %dma_wait3A_199] : memref<2560x128xi32, #tpu.memory_space<hbm>> -> memref<1x128xi32, #tpu.memory_space<hbm>>
      %dma_wait3A_201 = tpu.memref_squeeze %dma_wait3A_200 : memref<1x128xi32, #tpu.memory_space<hbm>> -> memref<128xi32, #tpu.memory_space<hbm>>
      %dma_wait3A_202 = arith.constant 0 : i32
      %dma_wait3A_203 = tpu.memref_slice %arg3[%add3A_198, %dma_wait3A_202] : memref<2560x128xi32, #tpu.memory_space<hbm>> -> memref<1x128xi32, #tpu.memory_space<hbm>>
      %dma_wait3A_204 = tpu.memref_squeeze %dma_wait3A_203 : memref<1x128xi32, #tpu.memory_space<hbm>> -> memref<128xi32, #tpu.memory_space<hbm>>
      tpu.wait_dma2 semaphore(%arg14 : memref<!tpu.dma_semaphore, #tpu.memory_space<semaphore_mem>>) src(%dma_wait3A_204 : memref<128xi32, #tpu.memory_space<hbm>>) dst(%arg7 : memref<128xi32, #tpu.memory_space<vmem>>)
      "tpu.region"() ({
        %run_scoped3A = tpu.sem_alloc : memref<!tpu.dma_semaphore, #tpu.memory_space<semaphore_mem>>
        %dma_start3A_321 = arith.constant 0 : i32
        %dma_start3A_322 = arith.constant 0 : i32
        %dma_start3A_323 = tpu.memref_slice %arg12[%dma_start3A_321, %dma_start3A_322] : memref<10112x128xf32, #tpu.memory_space<vmem_shared>> -> memref<10112x128xf32, #tpu.memory_space<vmem_shared>>
        tpu.enqueue_indirect_dma source(%arg11 : memref<128x128xf32, #tpu.memory_space<vmem>>) target(%dma_start3A_323 : memref<10112x128xf32, #tpu.memory_space<vmem_shared>>) offsets(%arg7 : memref<128xi32, #tpu.memory_space<vmem>>) semaphore(%run_scoped3A : memref<!tpu.dma_semaphore, #tpu.memory_space<semaphore_mem>>) {add = true}
        %dma_wait3A_324 = arith.constant 0 : i32
        %dma_wait3A_325 = arith.constant 0 : i32
        %dma_wait3A_326 = tpu.memref_slice %arg12[%dma_wait3A_324, %dma_wait3A_325] : memref<10112x128xf32, #tpu.memory_space<vmem_shared>> -> memref<10112x128xf32, #tpu.memory_space<vmem_shared>>
        tpu.wait_indirect_dma semaphore(%run_scoped3A : memref<!tpu.dma_semaphore, #tpu.memory_space<semaphore_mem>>) src(%arg11 : memref<128x128xf32, #tpu.memory_space<vmem>>) dst(%dma_wait3A_326 : memref<10112x128xf32, #tpu.memory_space<vmem_shared>>)
        tpu.yield
      }) : () -> ()
      %add3A_205 = arith.constant 2 : i32
      %add3A_206 = arith.addi %add3A_184, %add3A_205 : i32
      %min3A_207 = arith.constant 79 : i32
      %min3A_208 = arith.minsi %add3A_206, %min3A_207 : i32
      %add3A_209 = arith.addi %mul3A_4, %min3A_208 : i32
      %dma_start3A_210 = arith.constant 0 : i32
      %dma_start3A_211 = arith.constant 0 : i32
      %dma_start3A_212 = tpu.memref_slice %arg2[%add3A_209, %dma_start3A_210, %dma_start3A_211] : memref<2560x128x128xf32, #tpu.memory_space<hbm>> -> memref<1x128x128xf32, #tpu.memory_space<hbm>>
      %dma_start3A_213 = tpu.memref_squeeze %dma_start3A_212 : memref<1x128x128xf32, #tpu.memory_space<hbm>> -> memref<128x128xf32, #tpu.memory_space<hbm>>
      %dma_start3A_214 = arith.constant 0 : i32
      %dma_start3A_215 = arith.constant 0 : i32
      %dma_start3A_216 = tpu.memref_slice %arg2[%add3A_209, %dma_start3A_214, %dma_start3A_215] : memref<2560x128x128xf32, #tpu.memory_space<hbm>> -> memref<1x128x128xf32, #tpu.memory_space<hbm>>
      %dma_start3A_217 = tpu.memref_squeeze %dma_start3A_216 : memref<1x128x128xf32, #tpu.memory_space<hbm>> -> memref<128x128xf32, #tpu.memory_space<hbm>>
      tpu.enqueue_dma source(%dma_start3A_217 : memref<128x128xf32, #tpu.memory_space<hbm>>) target(%arg11 : memref<128x128xf32, #tpu.memory_space<vmem>>) target_semaphore(%arg18 : memref<!tpu.dma_semaphore, #tpu.memory_space<semaphore_mem>>)
      %add3A_218 = arith.constant 4 : i32
      %add3A_219 = arith.addi %add3A_184, %add3A_218 : i32
      %min3A_220 = arith.constant 79 : i32
      %min3A_221 = arith.minsi %add3A_219, %min3A_220 : i32
      %add3A_222 = arith.addi %mul3A_4, %min3A_221 : i32
      %dma_start3A_223 = arith.constant 0 : i32
      %dma_start3A_224 = tpu.memref_slice %arg3[%add3A_222, %dma_start3A_223] : memref<2560x128xi32, #tpu.memory_space<hbm>> -> memref<1x128xi32, #tpu.memory_space<hbm>>
      %dma_start3A_225 = tpu.memref_squeeze %dma_start3A_224 : memref<1x128xi32, #tpu.memory_space<hbm>> -> memref<128xi32, #tpu.memory_space<hbm>>
      %dma_start3A_226 = arith.constant 0 : i32
      %dma_start3A_227 = tpu.memref_slice %arg3[%add3A_222, %dma_start3A_226] : memref<2560x128xi32, #tpu.memory_space<hbm>> -> memref<1x128xi32, #tpu.memory_space<hbm>>
      %dma_start3A_228 = tpu.memref_squeeze %dma_start3A_227 : memref<1x128xi32, #tpu.memory_space<hbm>> -> memref<128xi32, #tpu.memory_space<hbm>>
      tpu.enqueue_dma source(%dma_start3A_228 : memref<128xi32, #tpu.memory_space<hbm>>) target(%arg7 : memref<128xi32, #tpu.memory_space<vmem>>) target_semaphore(%arg14 : memref<!tpu.dma_semaphore, #tpu.memory_space<semaphore_mem>>)
      %add3A_229 = arith.constant 2 : i32
      %add3A_230 = arith.addi %mul3A_138, %add3A_229 : i32
      %min3A_231 = arith.constant 79 : i32
      %min3A_232 = arith.minsi %add3A_230, %min3A_231 : i32
      %add3A_233 = arith.addi %mul3A_4, %min3A_232 : i32
      %dma_wait3A_234 = arith.constant 0 : i32
      %dma_wait3A_235 = arith.constant 0 : i32
      %dma_wait3A_236 = tpu.memref_slice %arg2[%add3A_233, %dma_wait3A_234, %dma_wait3A_235] : memref<2560x128x128xf32, #tpu.memory_space<hbm>> -> memref<1x128x128xf32, #tpu.memory_space<hbm>>
      %dma_wait3A_237 = tpu.memref_squeeze %dma_wait3A_236 : memref<1x128x128xf32, #tpu.memory_space<hbm>> -> memref<128x128xf32, #tpu.memory_space<hbm>>
      %dma_wait3A_238 = arith.constant 0 : i32
      %dma_wait3A_239 = arith.constant 0 : i32
      %dma_wait3A_240 = tpu.memref_slice %arg2[%add3A_233, %dma_wait3A_238, %dma_wait3A_239] : memref<2560x128x128xf32, #tpu.memory_space<hbm>> -> memref<1x128x128xf32, #tpu.memory_space<hbm>>
      %dma_wait3A_241 = tpu.memref_squeeze %dma_wait3A_240 : memref<1x128x128xf32, #tpu.memory_space<hbm>> -> memref<128x128xf32, #tpu.memory_space<hbm>>
      tpu.wait_dma2 semaphore(%arg17 : memref<!tpu.dma_semaphore, #tpu.memory_space<semaphore_mem>>) src(%dma_wait3A_241 : memref<128x128xf32, #tpu.memory_space<hbm>>) dst(%arg10 : memref<128x128xf32, #tpu.memory_space<vmem>>)
      %min3A_242 = arith.constant 79 : i32
      %min3A_243 = arith.minsi %add3A_230, %min3A_242 : i32
      %add3A_244 = arith.addi %mul3A_4, %min3A_243 : i32
      %dma_wait3A_245 = arith.constant 0 : i32
      %dma_wait3A_246 = tpu.memref_slice %arg3[%add3A_244, %dma_wait3A_245] : memref<2560x128xi32, #tpu.memory_space<hbm>> -> memref<1x128xi32, #tpu.memory_space<hbm>>
      %dma_wait3A_247 = tpu.memref_squeeze %dma_wait3A_246 : memref<1x128xi32, #tpu.memory_space<hbm>> -> memref<128xi32, #tpu.memory_space<hbm>>
      %dma_wait3A_248 = arith.constant 0 : i32
      %dma_wait3A_249 = tpu.memref_slice %arg3[%add3A_244, %dma_wait3A_248] : memref<2560x128xi32, #tpu.memory_space<hbm>> -> memref<1x128xi32, #tpu.memory_space<hbm>>
      %dma_wait3A_250 = tpu.memref_squeeze %dma_wait3A_249 : memref<1x128xi32, #tpu.memory_space<hbm>> -> memref<128xi32, #tpu.memory_space<hbm>>
      tpu.wait_dma2 semaphore(%arg15 : memref<!tpu.dma_semaphore, #tpu.memory_space<semaphore_mem>>) src(%dma_wait3A_250 : memref<128xi32, #tpu.memory_space<hbm>>) dst(%arg8 : memref<128xi32, #tpu.memory_space<vmem>>)
      "tpu.region"() ({
        %run_scoped3A = tpu.sem_alloc : memref<!tpu.dma_semaphore, #tpu.memory_space<semaphore_mem>>
        %dma_start3A_321 = arith.constant 0 : i32
        %dma_start3A_322 = arith.constant 0 : i32
        %dma_start3A_323 = tpu.memref_slice %arg12[%dma_start3A_321, %dma_start3A_322] : memref<10112x128xf32, #tpu.memory_space<vmem_shared>> -> memref<10112x128xf32, #tpu.memory_space<vmem_shared>>
        tpu.enqueue_indirect_dma source(%arg10 : memref<128x128xf32, #tpu.memory_space<vmem>>) target(%dma_start3A_323 : memref<10112x128xf32, #tpu.memory_space<vmem_shared>>) offsets(%arg8 : memref<128xi32, #tpu.memory_space<vmem>>) semaphore(%run_scoped3A : memref<!tpu.dma_semaphore, #tpu.memory_space<semaphore_mem>>) {add = true}
        %dma_wait3A_324 = arith.constant 0 : i32
        %dma_wait3A_325 = arith.constant 0 : i32
        %dma_wait3A_326 = tpu.memref_slice %arg12[%dma_wait3A_324, %dma_wait3A_325] : memref<10112x128xf32, #tpu.memory_space<vmem_shared>> -> memref<10112x128xf32, #tpu.memory_space<vmem_shared>>
        tpu.wait_indirect_dma semaphore(%run_scoped3A : memref<!tpu.dma_semaphore, #tpu.memory_space<semaphore_mem>>) src(%arg10 : memref<128x128xf32, #tpu.memory_space<vmem>>) dst(%dma_wait3A_326 : memref<10112x128xf32, #tpu.memory_space<vmem_shared>>)
        tpu.yield
      }) : () -> ()
      %add3A_251 = arith.constant 2 : i32
      %add3A_252 = arith.addi %add3A_230, %add3A_251 : i32
      %min3A_253 = arith.constant 79 : i32
      %min3A_254 = arith.minsi %add3A_252, %min3A_253 : i32
      %add3A_255 = arith.addi %mul3A_4, %min3A_254 : i32
      %dma_start3A_256 = arith.constant 0 : i32
      %dma_start3A_257 = arith.constant 0 : i32
      %dma_start3A_258 = tpu.memref_slice %arg2[%add3A_255, %dma_start3A_256, %dma_start3A_257] : memref<2560x128x128xf32, #tpu.memory_space<hbm>> -> memref<1x128x128xf32, #tpu.memory_space<hbm>>
      %dma_start3A_259 = tpu.memref_squeeze %dma_start3A_258 : memref<1x128x128xf32, #tpu.memory_space<hbm>> -> memref<128x128xf32, #tpu.memory_space<hbm>>
      %dma_start3A_260 = arith.constant 0 : i32
      %dma_start3A_261 = arith.constant 0 : i32
      %dma_start3A_262 = tpu.memref_slice %arg2[%add3A_255, %dma_start3A_260, %dma_start3A_261] : memref<2560x128x128xf32, #tpu.memory_space<hbm>> -> memref<1x128x128xf32, #tpu.memory_space<hbm>>
      %dma_start3A_263 = tpu.memref_squeeze %dma_start3A_262 : memref<1x128x128xf32, #tpu.memory_space<hbm>> -> memref<128x128xf32, #tpu.memory_space<hbm>>
      tpu.enqueue_dma source(%dma_start3A_263 : memref<128x128xf32, #tpu.memory_space<hbm>>) target(%arg10 : memref<128x128xf32, #tpu.memory_space<vmem>>) target_semaphore(%arg17 : memref<!tpu.dma_semaphore, #tpu.memory_space<semaphore_mem>>)
      %add3A_264 = arith.constant 4 : i32
      %add3A_265 = arith.addi %add3A_230, %add3A_264 : i32
      %min3A_266 = arith.constant 79 : i32
      %min3A_267 = arith.minsi %add3A_265, %min3A_266 : i32
      %add3A_268 = arith.addi %mul3A_4, %min3A_267 : i32
      %dma_start3A_269 = arith.constant 0 : i32
      %dma_start3A_270 = tpu.memref_slice %arg3[%add3A_268, %dma_start3A_269] : memref<2560x128xi32, #tpu.memory_space<hbm>> -> memref<1x128xi32, #tpu.memory_space<hbm>>
      %dma_start3A_271 = tpu.memref_squeeze %dma_start3A_270 : memref<1x128xi32, #tpu.memory_space<hbm>> -> memref<128xi32, #tpu.memory_space<hbm>>
      %dma_start3A_272 = arith.constant 0 : i32
      %dma_start3A_273 = tpu.memref_slice %arg3[%add3A_268, %dma_start3A_272] : memref<2560x128xi32, #tpu.memory_space<hbm>> -> memref<1x128xi32, #tpu.memory_space<hbm>>
      %dma_start3A_274 = tpu.memref_squeeze %dma_start3A_273 : memref<1x128xi32, #tpu.memory_space<hbm>> -> memref<128xi32, #tpu.memory_space<hbm>>
      tpu.enqueue_dma source(%dma_start3A_274 : memref<128xi32, #tpu.memory_space<hbm>>) target(%arg8 : memref<128xi32, #tpu.memory_space<vmem>>) target_semaphore(%arg15 : memref<!tpu.dma_semaphore, #tpu.memory_space<semaphore_mem>>)
      %add3A_275 = arith.constant 3 : i32
      %add3A_276 = arith.addi %mul3A_138, %add3A_275 : i32
      %min3A_277 = arith.constant 79 : i32
      %min3A_278 = arith.minsi %add3A_276, %min3A_277 : i32
      %add3A_279 = arith.addi %mul3A_4, %min3A_278 : i32
      %dma_wait3A_280 = arith.constant 0 : i32
      %dma_wait3A_281 = arith.constant 0 : i32
      %dma_wait3A_282 = tpu.memref_slice %arg2[%add3A_279, %dma_wait3A_280, %dma_wait3A_281] : memref<2560x128x128xf32, #tpu.memory_space<hbm>> -> memref<1x128x128xf32, #tpu.memory_space<hbm>>
      %dma_wait3A_283 = tpu.memref_squeeze %dma_wait3A_282 : memref<1x128x128xf32, #tpu.memory_space<hbm>> -> memref<128x128xf32, #tpu.memory_space<hbm>>
      %dma_wait3A_284 = arith.constant 0 : i32
      %dma_wait3A_285 = arith.constant 0 : i32
      %dma_wait3A_286 = tpu.memref_slice %arg2[%add3A_279, %dma_wait3A_284, %dma_wait3A_285] : memref<2560x128x128xf32, #tpu.memory_space<hbm>> -> memref<1x128x128xf32, #tpu.memory_space<hbm>>
      %dma_wait3A_287 = tpu.memref_squeeze %dma_wait3A_286 : memref<1x128x128xf32, #tpu.memory_space<hbm>> -> memref<128x128xf32, #tpu.memory_space<hbm>>
      tpu.wait_dma2 semaphore(%arg18 : memref<!tpu.dma_semaphore, #tpu.memory_space<semaphore_mem>>) src(%dma_wait3A_287 : memref<128x128xf32, #tpu.memory_space<hbm>>) dst(%arg11 : memref<128x128xf32, #tpu.memory_space<vmem>>)
      %min3A_288 = arith.constant 79 : i32
      %min3A_289 = arith.minsi %add3A_276, %min3A_288 : i32
      %add3A_290 = arith.addi %mul3A_4, %min3A_289 : i32
      %dma_wait3A_291 = arith.constant 0 : i32
      %dma_wait3A_292 = tpu.memref_slice %arg3[%add3A_290, %dma_wait3A_291] : memref<2560x128xi32, #tpu.memory_space<hbm>> -> memref<1x128xi32, #tpu.memory_space<hbm>>
      %dma_wait3A_293 = tpu.memref_squeeze %dma_wait3A_292 : memref<1x128xi32, #tpu.memory_space<hbm>> -> memref<128xi32, #tpu.memory_space<hbm>>
      %dma_wait3A_294 = arith.constant 0 : i32
      %dma_wait3A_295 = tpu.memref_slice %arg3[%add3A_290, %dma_wait3A_294] : memref<2560x128xi32, #tpu.memory_space<hbm>> -> memref<1x128xi32, #tpu.memory_space<hbm>>
      %dma_wait3A_296 = tpu.memref_squeeze %dma_wait3A_295 : memref<1x128xi32, #tpu.memory_space<hbm>> -> memref<128xi32, #tpu.memory_space<hbm>>
      tpu.wait_dma2 semaphore(%arg16 : memref<!tpu.dma_semaphore, #tpu.memory_space<semaphore_mem>>) src(%dma_wait3A_296 : memref<128xi32, #tpu.memory_space<hbm>>) dst(%arg9 : memref<128xi32, #tpu.memory_space<vmem>>)
      "tpu.region"() ({
        %run_scoped3A = tpu.sem_alloc : memref<!tpu.dma_semaphore, #tpu.memory_space<semaphore_mem>>
        %dma_start3A_321 = arith.constant 0 : i32
        %dma_start3A_322 = arith.constant 0 : i32
        %dma_start3A_323 = tpu.memref_slice %arg12[%dma_start3A_321, %dma_start3A_322] : memref<10112x128xf32, #tpu.memory_space<vmem_shared>> -> memref<10112x128xf32, #tpu.memory_space<vmem_shared>>
        tpu.enqueue_indirect_dma source(%arg11 : memref<128x128xf32, #tpu.memory_space<vmem>>) target(%dma_start3A_323 : memref<10112x128xf32, #tpu.memory_space<vmem_shared>>) offsets(%arg9 : memref<128xi32, #tpu.memory_space<vmem>>) semaphore(%run_scoped3A : memref<!tpu.dma_semaphore, #tpu.memory_space<semaphore_mem>>) {add = true}
        %dma_wait3A_324 = arith.constant 0 : i32
        %dma_wait3A_325 = arith.constant 0 : i32
        %dma_wait3A_326 = tpu.memref_slice %arg12[%dma_wait3A_324, %dma_wait3A_325] : memref<10112x128xf32, #tpu.memory_space<vmem_shared>> -> memref<10112x128xf32, #tpu.memory_space<vmem_shared>>
        tpu.wait_indirect_dma semaphore(%run_scoped3A : memref<!tpu.dma_semaphore, #tpu.memory_space<semaphore_mem>>) src(%arg11 : memref<128x128xf32, #tpu.memory_space<vmem>>) dst(%dma_wait3A_326 : memref<10112x128xf32, #tpu.memory_space<vmem_shared>>)
        tpu.yield
      }) : () -> ()
      %add3A_297 = arith.constant 2 : i32
      %add3A_298 = arith.addi %add3A_276, %add3A_297 : i32
      %min3A_299 = arith.constant 79 : i32
      %min3A_300 = arith.minsi %add3A_298, %min3A_299 : i32
      %add3A_301 = arith.addi %mul3A_4, %min3A_300 : i32
      %dma_start3A_302 = arith.constant 0 : i32
      %dma_start3A_303 = arith.constant 0 : i32
      %dma_start3A_304 = tpu.memref_slice %arg2[%add3A_301, %dma_start3A_302, %dma_start3A_303] : memref<2560x128x128xf32, #tpu.memory_space<hbm>> -> memref<1x128x128xf32, #tpu.memory_space<hbm>>
      %dma_start3A_305 = tpu.memref_squeeze %dma_start3A_304 : memref<1x128x128xf32, #tpu.memory_space<hbm>> -> memref<128x128xf32, #tpu.memory_space<hbm>>
      %dma_start3A_306 = arith.constant 0 : i32
      %dma_start3A_307 = arith.constant 0 : i32
      %dma_start3A_308 = tpu.memref_slice %arg2[%add3A_301, %dma_start3A_306, %dma_start3A_307] : memref<2560x128x128xf32, #tpu.memory_space<hbm>> -> memref<1x128x128xf32, #tpu.memory_space<hbm>>
      %dma_start3A_309 = tpu.memref_squeeze %dma_start3A_308 : memref<1x128x128xf32, #tpu.memory_space<hbm>> -> memref<128x128xf32, #tpu.memory_space<hbm>>
      tpu.enqueue_dma source(%dma_start3A_309 : memref<128x128xf32, #tpu.memory_space<hbm>>) target(%arg11 : memref<128x128xf32, #tpu.memory_space<vmem>>) target_semaphore(%arg18 : memref<!tpu.dma_semaphore, #tpu.memory_space<semaphore_mem>>)
      %add3A_310 = arith.constant 4 : i32
      %add3A_311 = arith.addi %add3A_276, %add3A_310 : i32
      %min3A_312 = arith.constant 79 : i32
      %min3A_313 = arith.minsi %add3A_311, %min3A_312 : i32
      %add3A_314 = arith.addi %mul3A_4, %min3A_313 : i32
      %dma_start3A_315 = arith.constant 0 : i32
      %dma_start3A_316 = tpu.memref_slice %arg3[%add3A_314, %dma_start3A_315] : memref<2560x128xi32, #tpu.memory_space<hbm>> -> memref<1x128xi32, #tpu.memory_space<hbm>>
      %dma_start3A_317 = tpu.memref_squeeze %dma_start3A_316 : memref<1x128xi32, #tpu.memory_space<hbm>> -> memref<128xi32, #tpu.memory_space<hbm>>
      %dma_start3A_318 = arith.constant 0 : i32
      %dma_start3A_319 = tpu.memref_slice %arg3[%add3A_314, %dma_start3A_318] : memref<2560x128xi32, #tpu.memory_space<hbm>> -> memref<1x128xi32, #tpu.memory_space<hbm>>
      %dma_start3A_320 = tpu.memref_squeeze %dma_start3A_319 : memref<1x128xi32, #tpu.memory_space<hbm>> -> memref<128xi32, #tpu.memory_space<hbm>>
      tpu.enqueue_dma source(%dma_start3A_320 : memref<128xi32, #tpu.memory_space<hbm>>) target(%arg9 : memref<128xi32, #tpu.memory_space<vmem>>) target_semaphore(%arg16 : memref<!tpu.dma_semaphore, #tpu.memory_space<semaphore_mem>>)
    }
    %scan3A_71 = arith.constant 20 : i32
    %min3A_72 = arith.constant 80 : i32
    %min3A_73 = arith.constant 79 : i32
    %min3A_74 = arith.minsi %min3A_72, %min3A_73 : i32
    %add3A_75 = arith.addi %mul3A_4, %min3A_74 : i32
    %dma_wait3A = arith.constant 0 : i32
    %dma_wait3A_76 = arith.constant 0 : i32
    %dma_wait3A_77 = tpu.memref_slice %arg2[%add3A_75, %dma_wait3A, %dma_wait3A_76] : memref<2560x128x128xf32, #tpu.memory_space<hbm>> -> memref<1x128x128xf32, #tpu.memory_space<hbm>>
    %dma_wait3A_78 = tpu.memref_squeeze %dma_wait3A_77 : memref<1x128x128xf32, #tpu.memory_space<hbm>> -> memref<128x128xf32, #tpu.memory_space<hbm>>
    %dma_wait3A_79 = arith.constant 0 : i32
    %dma_wait3A_80 = arith.constant 0 : i32
    %dma_wait3A_81 = tpu.memref_slice %arg2[%add3A_75, %dma_wait3A_79, %dma_wait3A_80] : memref<2560x128x128xf32, #tpu.memory_space<hbm>> -> memref<1x128x128xf32, #tpu.memory_space<hbm>>
    %dma_wait3A_82 = tpu.memref_squeeze %dma_wait3A_81 : memref<1x128x128xf32, #tpu.memory_space<hbm>> -> memref<128x128xf32, #tpu.memory_space<hbm>>
    tpu.wait_dma2 semaphore(%arg17 : memref<!tpu.dma_semaphore, #tpu.memory_space<semaphore_mem>>) src(%dma_wait3A_82 : memref<128x128xf32, #tpu.memory_space<hbm>>) dst(%arg10 : memref<128x128xf32, #tpu.memory_space<vmem>>)
    %min3A_83 = arith.constant 81 : i32
    %min3A_84 = arith.constant 79 : i32
    %min3A_85 = arith.minsi %min3A_83, %min3A_84 : i32
    %add3A_86 = arith.addi %mul3A_4, %min3A_85 : i32
    %dma_wait3A_87 = arith.constant 0 : i32
    %dma_wait3A_88 = arith.constant 0 : i32
    %dma_wait3A_89 = tpu.memref_slice %arg2[%add3A_86, %dma_wait3A_87, %dma_wait3A_88] : memref<2560x128x128xf32, #tpu.memory_space<hbm>> -> memref<1x128x128xf32, #tpu.memory_space<hbm>>
    %dma_wait3A_90 = tpu.memref_squeeze %dma_wait3A_89 : memref<1x128x128xf32, #tpu.memory_space<hbm>> -> memref<128x128xf32, #tpu.memory_space<hbm>>
    %dma_wait3A_91 = arith.constant 0 : i32
    %dma_wait3A_92 = arith.constant 0 : i32
    %dma_wait3A_93 = tpu.memref_slice %arg2[%add3A_86, %dma_wait3A_91, %dma_wait3A_92] : memref<2560x128x128xf32, #tpu.memory_space<hbm>> -> memref<1x128x128xf32, #tpu.memory_space<hbm>>
    %dma_wait3A_94 = tpu.memref_squeeze %dma_wait3A_93 : memref<1x128x128xf32, #tpu.memory_space<hbm>> -> memref<128x128xf32, #tpu.memory_space<hbm>>
    tpu.wait_dma2 semaphore(%arg18 : memref<!tpu.dma_semaphore, #tpu.memory_space<semaphore_mem>>) src(%dma_wait3A_94 : memref<128x128xf32, #tpu.memory_space<hbm>>) dst(%arg11 : memref<128x128xf32, #tpu.memory_space<vmem>>)
    %min3A_95 = arith.constant 80 : i32
    %min3A_96 = arith.constant 79 : i32
    %min3A_97 = arith.minsi %min3A_95, %min3A_96 : i32
    %add3A_98 = arith.addi %mul3A_4, %min3A_97 : i32
    %dma_wait3A_99 = arith.constant 0 : i32
    %dma_wait3A_100 = tpu.memref_slice %arg3[%add3A_98, %dma_wait3A_99] : memref<2560x128xi32, #tpu.memory_space<hbm>> -> memref<1x128xi32, #tpu.memory_space<hbm>>
    %dma_wait3A_101 = tpu.memref_squeeze %dma_wait3A_100 : memref<1x128xi32, #tpu.memory_space<hbm>> -> memref<128xi32, #tpu.memory_space<hbm>>
    %dma_wait3A_102 = arith.constant 0 : i32
    %dma_wait3A_103 = tpu.memref_slice %arg3[%add3A_98, %dma_wait3A_102] : memref<2560x128xi32, #tpu.memory_space<hbm>> -> memref<1x128xi32, #tpu.memory_space<hbm>>
    %dma_wait3A_104 = tpu.memref_squeeze %dma_wait3A_103 : memref<1x128xi32, #tpu.memory_space<hbm>> -> memref<128xi32, #tpu.memory_space<hbm>>
    tpu.wait_dma2 semaphore(%arg13 : memref<!tpu.dma_semaphore, #tpu.memory_space<semaphore_mem>>) src(%dma_wait3A_104 : memref<128xi32, #tpu.memory_space<hbm>>) dst(%arg6 : memref<128xi32, #tpu.memory_space<vmem>>)
    %min3A_105 = arith.constant 81 : i32
    %min3A_106 = arith.constant 79 : i32
    %min3A_107 = arith.minsi %min3A_105, %min3A_106 : i32
    %add3A_108 = arith.addi %mul3A_4, %min3A_107 : i32
    %dma_wait3A_109 = arith.constant 0 : i32
    %dma_wait3A_110 = tpu.memref_slice %arg3[%add3A_108, %dma_wait3A_109] : memref<2560x128xi32, #tpu.memory_space<hbm>> -> memref<1x128xi32, #tpu.memory_space<hbm>>
    %dma_wait3A_111 = tpu.memref_squeeze %dma_wait3A_110 : memref<1x128xi32, #tpu.memory_space<hbm>> -> memref<128xi32, #tpu.memory_space<hbm>>
    %dma_wait3A_112 = arith.constant 0 : i32
    %dma_wait3A_113 = tpu.memref_slice %arg3[%add3A_108, %dma_wait3A_112] : memref<2560x128xi32, #tpu.memory_space<hbm>> -> memref<1x128xi32, #tpu.memory_space<hbm>>
    %dma_wait3A_114 = tpu.memref_squeeze %dma_wait3A_113 : memref<1x128xi32, #tpu.memory_space<hbm>> -> memref<128xi32, #tpu.memory_space<hbm>>
    tpu.wait_dma2 semaphore(%arg14 : memref<!tpu.dma_semaphore, #tpu.memory_space<semaphore_mem>>) src(%dma_wait3A_114 : memref<128xi32, #tpu.memory_space<hbm>>) dst(%arg7 : memref<128xi32, #tpu.memory_space<vmem>>)
    %min3A_115 = arith.constant 82 : i32
    %min3A_116 = arith.constant 79 : i32
    %min3A_117 = arith.minsi %min3A_115, %min3A_116 : i32
    %add3A_118 = arith.addi %mul3A_4, %min3A_117 : i32
    %dma_wait3A_119 = arith.constant 0 : i32
    %dma_wait3A_120 = tpu.memref_slice %arg3[%add3A_118, %dma_wait3A_119] : memref<2560x128xi32, #tpu.memory_space<hbm>> -> memref<1x128xi32, #tpu.memory_space<hbm>>
    %dma_wait3A_121 = tpu.memref_squeeze %dma_wait3A_120 : memref<1x128xi32, #tpu.memory_space<hbm>> -> memref<128xi32, #tpu.memory_space<hbm>>
    %dma_wait3A_122 = arith.constant 0 : i32
    %dma_wait3A_123 = tpu.memref_slice %arg3[%add3A_118, %dma_wait3A_122] : memref<2560x128xi32, #tpu.memory_space<hbm>> -> memref<1x128xi32, #tpu.memory_space<hbm>>
    %dma_wait3A_124 = tpu.memref_squeeze %dma_wait3A_123 : memref<1x128xi32, #tpu.memory_space<hbm>> -> memref<128xi32, #tpu.memory_space<hbm>>
    tpu.wait_dma2 semaphore(%arg15 : memref<!tpu.dma_semaphore, #tpu.memory_space<semaphore_mem>>) src(%dma_wait3A_124 : memref<128xi32, #tpu.memory_space<hbm>>) dst(%arg8 : memref<128xi32, #tpu.memory_space<vmem>>)
    %min3A_125 = arith.constant 83 : i32
    %min3A_126 = arith.constant 79 : i32
    %min3A_127 = arith.minsi %min3A_125, %min3A_126 : i32
    %add3A_128 = arith.addi %mul3A_4, %min3A_127 : i32
    %dma_wait3A_129 = arith.constant 0 : i32
    %dma_wait3A_130 = tpu.memref_slice %arg3[%add3A_128, %dma_wait3A_129] : memref<2560x128xi32, #tpu.memory_space<hbm>> -> memref<1x128xi32, #tpu.memory_space<hbm>>
    %dma_wait3A_131 = tpu.memref_squeeze %dma_wait3A_130 : memref<1x128xi32, #tpu.memory_space<hbm>> -> memref<128xi32, #tpu.memory_space<hbm>>
    %dma_wait3A_132 = arith.constant 0 : i32
    %dma_wait3A_133 = tpu.memref_slice %arg3[%add3A_128, %dma_wait3A_132] : memref<2560x128xi32, #tpu.memory_space<hbm>> -> memref<1x128xi32, #tpu.memory_space<hbm>>
    %dma_wait3A_134 = tpu.memref_squeeze %dma_wait3A_133 : memref<1x128xi32, #tpu.memory_space<hbm>> -> memref<128xi32, #tpu.memory_space<hbm>>
    tpu.wait_dma2 semaphore(%arg16 : memref<!tpu.dma_semaphore, #tpu.memory_space<semaphore_mem>>) src(%dma_wait3A_134 : memref<128xi32, #tpu.memory_space<hbm>>) dst(%arg9 : memref<128xi32, #tpu.memory_space<vmem>>)
    %barrier3A_135 = arith.constant 0 : index
    tpu.barrier barrier_id(%barrier3A_135)
    "tpu.region"() ({
      %run_scoped3A = tpu.sem_alloc : memref<!tpu.dma_semaphore, #tpu.memory_space<semaphore_mem>>
      %dma_start3A_136 = arith.constant 0 : i32
      %dma_start3A_137 = tpu.memref_slice %arg5[%arg0, %mul3A_2, %dma_start3A_136] : memref<2x10112x128xf32, #tpu.memory_space<hbm>> -> memref<1x632x128xf32, #tpu.memory_space<hbm>>
      %dma_start3A_138 = tpu.memref_squeeze %dma_start3A_137 : memref<1x632x128xf32, #tpu.memory_space<hbm>> -> memref<632x128xf32, #tpu.memory_space<hbm>>
      %dma_start3A_139 = arith.constant 0 : i32
      %dma_start3A_140 = tpu.memref_slice %arg12[%mul3A_2, %dma_start3A_139] : memref<10112x128xf32, #tpu.memory_space<vmem_shared>> -> memref<632x128xf32, #tpu.memory_space<vmem_shared>>
      tpu.enqueue_dma source(%dma_start3A_140 : memref<632x128xf32, #tpu.memory_space<vmem_shared>>) target(%dma_start3A_138 : memref<632x128xf32, #tpu.memory_space<hbm>>) target_semaphore(%run_scoped3A : memref<!tpu.dma_semaphore, #tpu.memory_space<semaphore_mem>>)
      %dma_wait3A_141 = arith.constant 0 : i32
      %dma_wait3A_142 = tpu.memref_slice %arg5[%arg0, %mul3A_2, %dma_wait3A_141] : memref<2x10112x128xf32, #tpu.memory_space<hbm>> -> memref<1x632x128xf32, #tpu.memory_space<hbm>>
      %dma_wait3A_143 = tpu.memref_squeeze %dma_wait3A_142 : memref<1x632x128xf32, #tpu.memory_space<hbm>> -> memref<632x128xf32, #tpu.memory_space<hbm>>
      %dma_wait3A_144 = arith.constant 0 : i32
      %dma_wait3A_145 = tpu.memref_slice %arg12[%mul3A_2, %dma_wait3A_144] : memref<10112x128xf32, #tpu.memory_space<vmem_shared>> -> memref<632x128xf32, #tpu.memory_space<vmem_shared>>
      tpu.wait_dma2 semaphore(%run_scoped3A : memref<!tpu.dma_semaphore, #tpu.memory_space<semaphore_mem>>) src(%dma_wait3A_145 : memref<632x128xf32, #tpu.memory_space<vmem_shared>>) dst(%dma_wait3A_143 : memref<632x128xf32, #tpu.memory_space<hbm>>)
      tpu.yield
    }) : () -> ()
    return
  }
}

#map = affine_map<(d0, d1) -> (0, 0)>
#map1 = affine_map<(d0, d1) -> (0, 0, 0)>
module attributes {stable_mosaic.version = 14 : i64} {
  func.func @body(%arg0: i32, %arg1: i32, %arg2: memref<10000x128xf32, #tpu.memory_space<hbm>>, %arg3: memref<2560x128xi32, #tpu.memory_space<hbm>>, %arg4: memref<2560x128xi32, #tpu.memory_space<hbm>>, %arg5: memref<10112x128xf32, #tpu.memory_space<hbm>>, %arg6: memref<2x10112x128xf32, #tpu.memory_space<hbm>>, %arg7: memref<128xi32, #tpu.memory_space<vmem>>, %arg8: memref<128xi32, #tpu.memory_space<vmem>>, %arg9: memref<128xi32, #tpu.memory_space<vmem>>, %arg10: memref<128xi32, #tpu.memory_space<vmem>>, %arg11: memref<128xi32, #tpu.memory_space<vmem>>, %arg12: memref<128xi32, #tpu.memory_space<vmem>>, %arg13: memref<128xi32, #tpu.memory_space<vmem>>, %arg14: memref<128xi32, #tpu.memory_space<vmem>>, %arg15: memref<128x128xf32, #tpu.memory_space<vmem>>, %arg16: memref<10112x128xf32, #tpu.memory_space<vmem_shared>>, %arg17: memref<!tpu.dma_semaphore, #tpu.memory_space<semaphore_mem>>, %arg18: memref<!tpu.dma_semaphore, #tpu.memory_space<semaphore_mem>>, %arg19: memref<!tpu.dma_semaphore, #tpu.memory_space<semaphore_mem>>, %arg20: memref<!tpu.dma_semaphore, #tpu.memory_space<semaphore_mem>>, %arg21: memref<!tpu.dma_semaphore, #tpu.memory_space<semaphore_mem>>) attributes {dimension_semantics = [#tpu.dimension_semantics<core_parallel>, #tpu.dimension_semantics<subcore_parallel>], iteration_bounds = array<i64: 2, 16>, scalar_prefetch = 0 : i64, scratch_operands = 15 : i64, tpu.core_type = #tpu.core_type<sc_vector_subcore>, window_params = [{transform_indices = #map}, {transform_indices = #map}, {transform_indices = #map}, {transform_indices = #map}, {transform_indices = #map1}]} {
    %mul3A = arith.constant 632 : i32
    %mul3A_0 = arith.muli %arg1, %mul3A : i32
    %eq3A = arith.constant 0 : i32
    %eq3A_1 = arith.cmpi eq, %arg0, %eq3A : i32
    %mul3A_2 = arith.constant 80 : i32
    %mul3A_3 = arith.muli %arg1, %mul3A_2 : i32
    %mul3A_4 = arith.constant 80 : i32
    %mul3A_5 = arith.muli %arg1, %mul3A_4 : i32
    %add3A = arith.constant 1280 : i32
    %add3A_6 = arith.addi %add3A, %mul3A_5 : i32
    %select_n3A = arith.select %eq3A_1, %mul3A_3, %add3A_6 : i32
    %eq3A_7 = arith.constant 0 : i32
    %eq3A_8 = arith.cmpi eq, %arg0, %eq3A_7 : i32
    %jit3A = arith.constant 80 : i32
    %jit3A_9 = arith.constant 80 : i32
    %select_n3A_10 = arith.select %eq3A_8, %jit3A, %jit3A_9 : i32
    "tpu.region"() ({
      %run_scoped3A = tpu.sem_alloc : memref<!tpu.dma_semaphore, #tpu.memory_space<semaphore_mem>>
      %dma_start3A_176 = arith.constant 0 : i32
      %dma_start3A_177 = tpu.memref_slice %arg16[%mul3A_0, %dma_start3A_176] : memref<10112x128xf32, #tpu.memory_space<vmem_shared>> -> memref<632x128xf32, #tpu.memory_space<vmem_shared>>
      %dma_start3A_178 = arith.constant 0 : i32
      %dma_start3A_179 = tpu.memref_slice %arg5[%mul3A_0, %dma_start3A_178] : memref<10112x128xf32, #tpu.memory_space<hbm>> -> memref<632x128xf32, #tpu.memory_space<hbm>>
      tpu.enqueue_dma source(%dma_start3A_179 : memref<632x128xf32, #tpu.memory_space<hbm>>) target(%dma_start3A_177 : memref<632x128xf32, #tpu.memory_space<vmem_shared>>) target_semaphore(%run_scoped3A : memref<!tpu.dma_semaphore, #tpu.memory_space<semaphore_mem>>)
      %dma_wait3A_180 = arith.constant 0 : i32
      %dma_wait3A_181 = tpu.memref_slice %arg16[%mul3A_0, %dma_wait3A_180] : memref<10112x128xf32, #tpu.memory_space<vmem_shared>> -> memref<632x128xf32, #tpu.memory_space<vmem_shared>>
      %dma_wait3A_182 = arith.constant 0 : i32
      %dma_wait3A_183 = tpu.memref_slice %arg5[%mul3A_0, %dma_wait3A_182] : memref<10112x128xf32, #tpu.memory_space<hbm>> -> memref<632x128xf32, #tpu.memory_space<hbm>>
      tpu.wait_dma2 semaphore(%run_scoped3A : memref<!tpu.dma_semaphore, #tpu.memory_space<semaphore_mem>>) src(%dma_wait3A_183 : memref<632x128xf32, #tpu.memory_space<hbm>>) dst(%dma_wait3A_181 : memref<632x128xf32, #tpu.memory_space<vmem_shared>>)
      tpu.yield
    }) : () -> ()
    %barrier3A = arith.constant 0 : index
    tpu.barrier barrier_id(%barrier3A)
    %sub3A = arith.constant 1 : i32
    %sub3A_11 = arith.subi %select_n3A_10, %sub3A : i32
    %min3A = arith.constant 0 : i32
    %min3A_12 = arith.minsi %min3A, %sub3A_11 : i32
    %add3A_13 = arith.addi %select_n3A, %min3A_12 : i32
    %dma_start3A = arith.constant 0 : i32
    %dma_start3A_14 = tpu.memref_slice %arg3[%add3A_13, %dma_start3A] : memref<2560x128xi32, #tpu.memory_space<hbm>> -> memref<1x128xi32, #tpu.memory_space<hbm>>
    %dma_start3A_15 = tpu.memref_squeeze %dma_start3A_14 : memref<1x128xi32, #tpu.memory_space<hbm>> -> memref<128xi32, #tpu.memory_space<hbm>>
    %dma_start3A_16 = arith.constant 0 : i32
    %dma_start3A_17 = tpu.memref_slice %arg3[%add3A_13, %dma_start3A_16] : memref<2560x128xi32, #tpu.memory_space<hbm>> -> memref<1x128xi32, #tpu.memory_space<hbm>>
    %dma_start3A_18 = tpu.memref_squeeze %dma_start3A_17 : memref<1x128xi32, #tpu.memory_space<hbm>> -> memref<128xi32, #tpu.memory_space<hbm>>
    tpu.enqueue_dma source(%dma_start3A_18 : memref<128xi32, #tpu.memory_space<hbm>>) target(%arg7 : memref<128xi32, #tpu.memory_space<vmem>>) target_semaphore(%arg17 : memref<!tpu.dma_semaphore, #tpu.memory_space<semaphore_mem>>)
    %dma_start3A_19 = arith.constant 0 : i32
    %dma_start3A_20 = tpu.memref_slice %arg4[%add3A_13, %dma_start3A_19] : memref<2560x128xi32, #tpu.memory_space<hbm>> -> memref<1x128xi32, #tpu.memory_space<hbm>>
    %dma_start3A_21 = tpu.memref_squeeze %dma_start3A_20 : memref<1x128xi32, #tpu.memory_space<hbm>> -> memref<128xi32, #tpu.memory_space<hbm>>
    %dma_start3A_22 = arith.constant 0 : i32
    %dma_start3A_23 = tpu.memref_slice %arg4[%add3A_13, %dma_start3A_22] : memref<2560x128xi32, #tpu.memory_space<hbm>> -> memref<1x128xi32, #tpu.memory_space<hbm>>
    %dma_start3A_24 = tpu.memref_squeeze %dma_start3A_23 : memref<1x128xi32, #tpu.memory_space<hbm>> -> memref<128xi32, #tpu.memory_space<hbm>>
    tpu.enqueue_dma source(%dma_start3A_24 : memref<128xi32, #tpu.memory_space<hbm>>) target(%arg11 : memref<128xi32, #tpu.memory_space<vmem>>) target_semaphore(%arg17 : memref<!tpu.dma_semaphore, #tpu.memory_space<semaphore_mem>>)
    %sub3A_25 = arith.constant 1 : i32
    %sub3A_26 = arith.subi %select_n3A_10, %sub3A_25 : i32
    %min3A_27 = arith.constant 1 : i32
    %min3A_28 = arith.minsi %min3A_27, %sub3A_26 : i32
    %add3A_29 = arith.addi %select_n3A, %min3A_28 : i32
    %dma_start3A_30 = arith.constant 0 : i32
    %dma_start3A_31 = tpu.memref_slice %arg3[%add3A_29, %dma_start3A_30] : memref<2560x128xi32, #tpu.memory_space<hbm>> -> memref<1x128xi32, #tpu.memory_space<hbm>>
    %dma_start3A_32 = tpu.memref_squeeze %dma_start3A_31 : memref<1x128xi32, #tpu.memory_space<hbm>> -> memref<128xi32, #tpu.memory_space<hbm>>
    %dma_start3A_33 = arith.constant 0 : i32
    %dma_start3A_34 = tpu.memref_slice %arg3[%add3A_29, %dma_start3A_33] : memref<2560x128xi32, #tpu.memory_space<hbm>> -> memref<1x128xi32, #tpu.memory_space<hbm>>
    %dma_start3A_35 = tpu.memref_squeeze %dma_start3A_34 : memref<1x128xi32, #tpu.memory_space<hbm>> -> memref<128xi32, #tpu.memory_space<hbm>>
    tpu.enqueue_dma source(%dma_start3A_35 : memref<128xi32, #tpu.memory_space<hbm>>) target(%arg8 : memref<128xi32, #tpu.memory_space<vmem>>) target_semaphore(%arg18 : memref<!tpu.dma_semaphore, #tpu.memory_space<semaphore_mem>>)
    %dma_start3A_36 = arith.constant 0 : i32
    %dma_start3A_37 = tpu.memref_slice %arg4[%add3A_29, %dma_start3A_36] : memref<2560x128xi32, #tpu.memory_space<hbm>> -> memref<1x128xi32, #tpu.memory_space<hbm>>
    %dma_start3A_38 = tpu.memref_squeeze %dma_start3A_37 : memref<1x128xi32, #tpu.memory_space<hbm>> -> memref<128xi32, #tpu.memory_space<hbm>>
    %dma_start3A_39 = arith.constant 0 : i32
    %dma_start3A_40 = tpu.memref_slice %arg4[%add3A_29, %dma_start3A_39] : memref<2560x128xi32, #tpu.memory_space<hbm>> -> memref<1x128xi32, #tpu.memory_space<hbm>>
    %dma_start3A_41 = tpu.memref_squeeze %dma_start3A_40 : memref<1x128xi32, #tpu.memory_space<hbm>> -> memref<128xi32, #tpu.memory_space<hbm>>
    tpu.enqueue_dma source(%dma_start3A_41 : memref<128xi32, #tpu.memory_space<hbm>>) target(%arg12 : memref<128xi32, #tpu.memory_space<vmem>>) target_semaphore(%arg18 : memref<!tpu.dma_semaphore, #tpu.memory_space<semaphore_mem>>)
    %sub3A_42 = arith.constant 1 : i32
    %sub3A_43 = arith.subi %select_n3A_10, %sub3A_42 : i32
    %min3A_44 = arith.constant 2 : i32
    %min3A_45 = arith.minsi %min3A_44, %sub3A_43 : i32
    %add3A_46 = arith.addi %select_n3A, %min3A_45 : i32
    %dma_start3A_47 = arith.constant 0 : i32
    %dma_start3A_48 = tpu.memref_slice %arg3[%add3A_46, %dma_start3A_47] : memref<2560x128xi32, #tpu.memory_space<hbm>> -> memref<1x128xi32, #tpu.memory_space<hbm>>
    %dma_start3A_49 = tpu.memref_squeeze %dma_start3A_48 : memref<1x128xi32, #tpu.memory_space<hbm>> -> memref<128xi32, #tpu.memory_space<hbm>>
    %dma_start3A_50 = arith.constant 0 : i32
    %dma_start3A_51 = tpu.memref_slice %arg3[%add3A_46, %dma_start3A_50] : memref<2560x128xi32, #tpu.memory_space<hbm>> -> memref<1x128xi32, #tpu.memory_space<hbm>>
    %dma_start3A_52 = tpu.memref_squeeze %dma_start3A_51 : memref<1x128xi32, #tpu.memory_space<hbm>> -> memref<128xi32, #tpu.memory_space<hbm>>
    tpu.enqueue_dma source(%dma_start3A_52 : memref<128xi32, #tpu.memory_space<hbm>>) target(%arg9 : memref<128xi32, #tpu.memory_space<vmem>>) target_semaphore(%arg19 : memref<!tpu.dma_semaphore, #tpu.memory_space<semaphore_mem>>)
    %dma_start3A_53 = arith.constant 0 : i32
    %dma_start3A_54 = tpu.memref_slice %arg4[%add3A_46, %dma_start3A_53] : memref<2560x128xi32, #tpu.memory_space<hbm>> -> memref<1x128xi32, #tpu.memory_space<hbm>>
    %dma_start3A_55 = tpu.memref_squeeze %dma_start3A_54 : memref<1x128xi32, #tpu.memory_space<hbm>> -> memref<128xi32, #tpu.memory_space<hbm>>
    %dma_start3A_56 = arith.constant 0 : i32
    %dma_start3A_57 = tpu.memref_slice %arg4[%add3A_46, %dma_start3A_56] : memref<2560x128xi32, #tpu.memory_space<hbm>> -> memref<1x128xi32, #tpu.memory_space<hbm>>
    %dma_start3A_58 = tpu.memref_squeeze %dma_start3A_57 : memref<1x128xi32, #tpu.memory_space<hbm>> -> memref<128xi32, #tpu.memory_space<hbm>>
    tpu.enqueue_dma source(%dma_start3A_58 : memref<128xi32, #tpu.memory_space<hbm>>) target(%arg13 : memref<128xi32, #tpu.memory_space<vmem>>) target_semaphore(%arg19 : memref<!tpu.dma_semaphore, #tpu.memory_space<semaphore_mem>>)
    %sub3A_59 = arith.constant 1 : i32
    %sub3A_60 = arith.subi %select_n3A_10, %sub3A_59 : i32
    %min3A_61 = arith.constant 3 : i32
    %min3A_62 = arith.minsi %min3A_61, %sub3A_60 : i32
    %add3A_63 = arith.addi %select_n3A, %min3A_62 : i32
    %dma_start3A_64 = arith.constant 0 : i32
    %dma_start3A_65 = tpu.memref_slice %arg3[%add3A_63, %dma_start3A_64] : memref<2560x128xi32, #tpu.memory_space<hbm>> -> memref<1x128xi32, #tpu.memory_space<hbm>>
    %dma_start3A_66 = tpu.memref_squeeze %dma_start3A_65 : memref<1x128xi32, #tpu.memory_space<hbm>> -> memref<128xi32, #tpu.memory_space<hbm>>
    %dma_start3A_67 = arith.constant 0 : i32
    %dma_start3A_68 = tpu.memref_slice %arg3[%add3A_63, %dma_start3A_67] : memref<2560x128xi32, #tpu.memory_space<hbm>> -> memref<1x128xi32, #tpu.memory_space<hbm>>
    %dma_start3A_69 = tpu.memref_squeeze %dma_start3A_68 : memref<1x128xi32, #tpu.memory_space<hbm>> -> memref<128xi32, #tpu.memory_space<hbm>>
    tpu.enqueue_dma source(%dma_start3A_69 : memref<128xi32, #tpu.memory_space<hbm>>) target(%arg10 : memref<128xi32, #tpu.memory_space<vmem>>) target_semaphore(%arg20 : memref<!tpu.dma_semaphore, #tpu.memory_space<semaphore_mem>>)
    %dma_start3A_70 = arith.constant 0 : i32
    %dma_start3A_71 = tpu.memref_slice %arg4[%add3A_63, %dma_start3A_70] : memref<2560x128xi32, #tpu.memory_space<hbm>> -> memref<1x128xi32, #tpu.memory_space<hbm>>
    %dma_start3A_72 = tpu.memref_squeeze %dma_start3A_71 : memref<1x128xi32, #tpu.memory_space<hbm>> -> memref<128xi32, #tpu.memory_space<hbm>>
    %dma_start3A_73 = arith.constant 0 : i32
    %dma_start3A_74 = tpu.memref_slice %arg4[%add3A_63, %dma_start3A_73] : memref<2560x128xi32, #tpu.memory_space<hbm>> -> memref<1x128xi32, #tpu.memory_space<hbm>>
    %dma_start3A_75 = tpu.memref_squeeze %dma_start3A_74 : memref<1x128xi32, #tpu.memory_space<hbm>> -> memref<128xi32, #tpu.memory_space<hbm>>
    tpu.enqueue_dma source(%dma_start3A_75 : memref<128xi32, #tpu.memory_space<hbm>>) target(%arg14 : memref<128xi32, #tpu.memory_space<vmem>>) target_semaphore(%arg20 : memref<!tpu.dma_semaphore, #tpu.memory_space<semaphore_mem>>)
    %jit3A_76 = arith.constant 4 : i32
    %div3A = arith.divsi %select_n3A_10, %jit3A_76 : i32
    %sign3A = arith.constant 0 : i32
    %sign3A_77 = arith.cmpi sgt, %select_n3A_10, %sign3A : i32
    %sign3A_78 = arith.extui %sign3A_77 : i1 to i32
    %sign3A_79 = arith.constant 0 : i32
    %sign3A_80 = arith.cmpi slt, %select_n3A_10, %sign3A_79 : i32
    %sign3A_81 = arith.extui %sign3A_80 : i1 to i32
    %sign3A_82 = arith.subi %sign3A_78, %sign3A_81 : i32
    %sign3A_83 = arith.constant 0 : i32
    %sign3A_84 = arith.cmpi sgt, %jit3A_76, %sign3A_83 : i32
    %sign3A_85 = arith.extui %sign3A_84 : i1 to i32
    %sign3A_86 = arith.constant 0 : i32
    %sign3A_87 = arith.cmpi slt, %jit3A_76, %sign3A_86 : i32
    %sign3A_88 = arith.extui %sign3A_87 : i1 to i32
    %sign3A_89 = arith.subi %sign3A_85, %sign3A_88 : i32
    %ne3A = arith.cmpi ne, %sign3A_82, %sign3A_89 : i32
    %rem3A = arith.remsi %select_n3A_10, %jit3A_76 : i32
    %ne3A_90 = arith.constant 0 : i32
    %ne3A_91 = arith.cmpi ne, %rem3A, %ne3A_90 : i32
    %and3A = arith.andi %ne3A, %ne3A_91 : i1
    %sub3A_92 = arith.constant 1 : i32
    %sub3A_93 = arith.subi %div3A, %sub3A_92 : i32
    %select_n3A_94 = arith.select %and3A, %sub3A_93, %div3A : i32
    %while3A = arith.constant 0 : i32
    %while3A_95 = arith.constant 0 : i32
    %while3A_96 = arith.subi %select_n3A_94, %while3A_95 : i32
    %while3A_97 = arith.addi %while3A_95, %while3A_96 : i32
    %while3A_98 = arith.constant 1 : i32
    %while3A_99 = arith.divsi %while3A_96, %while3A_98 : i32
    %while3A_100 = arith.muli %while3A_99, %while3A_98 : i32
    %while3A_101 = arith.addi %while3A_95, %while3A_100 : i32
    %while3A_102 = arith.constant 1 : i32
    scf.for %while3A_176 = %while3A_95 to %while3A_101 step %while3A_102  : i32 {
      %mul3A_177 = arith.constant 4 : i32
      %mul3A_178 = arith.muli %mul3A_177, %while3A_176 : i32
      %add3A_179 = arith.constant 0 : i32
      %add3A_180 = arith.addi %mul3A_178, %add3A_179 : i32
      %sub3A_181 = arith.constant 1 : i32
      %sub3A_182 = arith.subi %select_n3A_10, %sub3A_181 : i32
      %min3A_183 = arith.minsi %add3A_180, %sub3A_182 : i32
      %add3A_184 = arith.addi %select_n3A, %min3A_183 : i32
      %dma_wait3A_185 = arith.constant 0 : i32
      %dma_wait3A_186 = tpu.memref_slice %arg3[%add3A_184, %dma_wait3A_185] : memref<2560x128xi32, #tpu.memory_space<hbm>> -> memref<1x128xi32, #tpu.memory_space<hbm>>
      %dma_wait3A_187 = tpu.memref_squeeze %dma_wait3A_186 : memref<1x128xi32, #tpu.memory_space<hbm>> -> memref<128xi32, #tpu.memory_space<hbm>>
      %dma_wait3A_188 = arith.constant 0 : i32
      %dma_wait3A_189 = tpu.memref_slice %arg3[%add3A_184, %dma_wait3A_188] : memref<2560x128xi32, #tpu.memory_space<hbm>> -> memref<1x128xi32, #tpu.memory_space<hbm>>
      %dma_wait3A_190 = tpu.memref_squeeze %dma_wait3A_189 : memref<1x128xi32, #tpu.memory_space<hbm>> -> memref<128xi32, #tpu.memory_space<hbm>>
      tpu.wait_dma2 semaphore(%arg17 : memref<!tpu.dma_semaphore, #tpu.memory_space<semaphore_mem>>) src(%dma_wait3A_190 : memref<128xi32, #tpu.memory_space<hbm>>) dst(%arg7 : memref<128xi32, #tpu.memory_space<vmem>>)
      %dma_wait3A_191 = arith.constant 0 : i32
      %dma_wait3A_192 = tpu.memref_slice %arg4[%add3A_184, %dma_wait3A_191] : memref<2560x128xi32, #tpu.memory_space<hbm>> -> memref<1x128xi32, #tpu.memory_space<hbm>>
      %dma_wait3A_193 = tpu.memref_squeeze %dma_wait3A_192 : memref<1x128xi32, #tpu.memory_space<hbm>> -> memref<128xi32, #tpu.memory_space<hbm>>
      %dma_wait3A_194 = arith.constant 0 : i32
      %dma_wait3A_195 = tpu.memref_slice %arg4[%add3A_184, %dma_wait3A_194] : memref<2560x128xi32, #tpu.memory_space<hbm>> -> memref<1x128xi32, #tpu.memory_space<hbm>>
      %dma_wait3A_196 = tpu.memref_squeeze %dma_wait3A_195 : memref<1x128xi32, #tpu.memory_space<hbm>> -> memref<128xi32, #tpu.memory_space<hbm>>
      tpu.wait_dma2 semaphore(%arg17 : memref<!tpu.dma_semaphore, #tpu.memory_space<semaphore_mem>>) src(%dma_wait3A_196 : memref<128xi32, #tpu.memory_space<hbm>>) dst(%arg11 : memref<128xi32, #tpu.memory_space<vmem>>)
      %dma_start3A_197 = arith.constant 0 : i32
      %dma_start3A_198 = arith.constant 0 : i32
      %dma_start3A_199 = tpu.memref_slice %arg2[%dma_start3A_197, %dma_start3A_198] : memref<10000x128xf32, #tpu.memory_space<hbm>> -> memref<10000x128xf32, #tpu.memory_space<hbm>>
      tpu.enqueue_indirect_dma source(%dma_start3A_199 : memref<10000x128xf32, #tpu.memory_space<hbm>>) target(%arg15 : memref<128x128xf32, #tpu.memory_space<vmem>>) offsets(%arg7 : memref<128xi32, #tpu.memory_space<vmem>>) semaphore(%arg21 : memref<!tpu.dma_semaphore, #tpu.memory_space<semaphore_mem>>)
      %dma_wait3A_200 = arith.constant 0 : i32
      %dma_wait3A_201 = arith.constant 0 : i32
      %dma_wait3A_202 = tpu.memref_slice %arg2[%dma_wait3A_200, %dma_wait3A_201] : memref<10000x128xf32, #tpu.memory_space<hbm>> -> memref<10000x128xf32, #tpu.memory_space<hbm>>
      tpu.wait_indirect_dma semaphore(%arg21 : memref<!tpu.dma_semaphore, #tpu.memory_space<semaphore_mem>>) src(%dma_wait3A_202 : memref<10000x128xf32, #tpu.memory_space<hbm>>) dst(%arg15 : memref<128x128xf32, #tpu.memory_space<vmem>>)
      "tpu.region"() ({
        %run_scoped3A = tpu.sem_alloc : memref<!tpu.dma_semaphore, #tpu.memory_space<semaphore_mem>>
        %dma_start3A_347 = arith.constant 0 : i32
        %dma_start3A_348 = arith.constant 0 : i32
        %dma_start3A_349 = tpu.memref_slice %arg16[%dma_start3A_347, %dma_start3A_348] : memref<10112x128xf32, #tpu.memory_space<vmem_shared>> -> memref<10112x128xf32, #tpu.memory_space<vmem_shared>>
        tpu.enqueue_indirect_dma source(%arg15 : memref<128x128xf32, #tpu.memory_space<vmem>>) target(%dma_start3A_349 : memref<10112x128xf32, #tpu.memory_space<vmem_shared>>) offsets(%arg11 : memref<128xi32, #tpu.memory_space<vmem>>) semaphore(%run_scoped3A : memref<!tpu.dma_semaphore, #tpu.memory_space<semaphore_mem>>) {add = true}
        %dma_wait3A_350 = arith.constant 0 : i32
        %dma_wait3A_351 = arith.constant 0 : i32
        %dma_wait3A_352 = tpu.memref_slice %arg16[%dma_wait3A_350, %dma_wait3A_351] : memref<10112x128xf32, #tpu.memory_space<vmem_shared>> -> memref<10112x128xf32, #tpu.memory_space<vmem_shared>>
        tpu.wait_indirect_dma semaphore(%run_scoped3A : memref<!tpu.dma_semaphore, #tpu.memory_space<semaphore_mem>>) src(%arg15 : memref<128x128xf32, #tpu.memory_space<vmem>>) dst(%dma_wait3A_352 : memref<10112x128xf32, #tpu.memory_space<vmem_shared>>)
        tpu.yield
      }) : () -> ()
      %add3A_203 = arith.constant 4 : i32
      %add3A_204 = arith.addi %add3A_180, %add3A_203 : i32
      %sub3A_205 = arith.constant 1 : i32
      %sub3A_206 = arith.subi %select_n3A_10, %sub3A_205 : i32
      %min3A_207 = arith.minsi %add3A_204, %sub3A_206 : i32
      %add3A_208 = arith.addi %select_n3A, %min3A_207 : i32
      %dma_start3A_209 = arith.constant 0 : i32
      %dma_start3A_210 = tpu.memref_slice %arg3[%add3A_208, %dma_start3A_209] : memref<2560x128xi32, #tpu.memory_space<hbm>> -> memref<1x128xi32, #tpu.memory_space<hbm>>
      %dma_start3A_211 = tpu.memref_squeeze %dma_start3A_210 : memref<1x128xi32, #tpu.memory_space<hbm>> -> memref<128xi32, #tpu.memory_space<hbm>>
      %dma_start3A_212 = arith.constant 0 : i32
      %dma_start3A_213 = tpu.memref_slice %arg3[%add3A_208, %dma_start3A_212] : memref<2560x128xi32, #tpu.memory_space<hbm>> -> memref<1x128xi32, #tpu.memory_space<hbm>>
      %dma_start3A_214 = tpu.memref_squeeze %dma_start3A_213 : memref<1x128xi32, #tpu.memory_space<hbm>> -> memref<128xi32, #tpu.memory_space<hbm>>
      tpu.enqueue_dma source(%dma_start3A_214 : memref<128xi32, #tpu.memory_space<hbm>>) target(%arg7 : memref<128xi32, #tpu.memory_space<vmem>>) target_semaphore(%arg17 : memref<!tpu.dma_semaphore, #tpu.memory_space<semaphore_mem>>)
      %dma_start3A_215 = arith.constant 0 : i32
      %dma_start3A_216 = tpu.memref_slice %arg4[%add3A_208, %dma_start3A_215] : memref<2560x128xi32, #tpu.memory_space<hbm>> -> memref<1x128xi32, #tpu.memory_space<hbm>>
      %dma_start3A_217 = tpu.memref_squeeze %dma_start3A_216 : memref<1x128xi32, #tpu.memory_space<hbm>> -> memref<128xi32, #tpu.memory_space<hbm>>
      %dma_start3A_218 = arith.constant 0 : i32
      %dma_start3A_219 = tpu.memref_slice %arg4[%add3A_208, %dma_start3A_218] : memref<2560x128xi32, #tpu.memory_space<hbm>> -> memref<1x128xi32, #tpu.memory_space<hbm>>
      %dma_start3A_220 = tpu.memref_squeeze %dma_start3A_219 : memref<1x128xi32, #tpu.memory_space<hbm>> -> memref<128xi32, #tpu.memory_space<hbm>>
      tpu.enqueue_dma source(%dma_start3A_220 : memref<128xi32, #tpu.memory_space<hbm>>) target(%arg11 : memref<128xi32, #tpu.memory_space<vmem>>) target_semaphore(%arg17 : memref<!tpu.dma_semaphore, #tpu.memory_space<semaphore_mem>>)
      %add3A_221 = arith.constant 1 : i32
      %add3A_222 = arith.addi %mul3A_178, %add3A_221 : i32
      %sub3A_223 = arith.constant 1 : i32
      %sub3A_224 = arith.subi %select_n3A_10, %sub3A_223 : i32
      %min3A_225 = arith.minsi %add3A_222, %sub3A_224 : i32
      %add3A_226 = arith.addi %select_n3A, %min3A_225 : i32
      %dma_wait3A_227 = arith.constant 0 : i32
      %dma_wait3A_228 = tpu.memref_slice %arg3[%add3A_226, %dma_wait3A_227] : memref<2560x128xi32, #tpu.memory_space<hbm>> -> memref<1x128xi32, #tpu.memory_space<hbm>>
      %dma_wait3A_229 = tpu.memref_squeeze %dma_wait3A_228 : memref<1x128xi32, #tpu.memory_space<hbm>> -> memref<128xi32, #tpu.memory_space<hbm>>
      %dma_wait3A_230 = arith.constant 0 : i32
      %dma_wait3A_231 = tpu.memref_slice %arg3[%add3A_226, %dma_wait3A_230] : memref<2560x128xi32, #tpu.memory_space<hbm>> -> memref<1x128xi32, #tpu.memory_space<hbm>>
      %dma_wait3A_232 = tpu.memref_squeeze %dma_wait3A_231 : memref<1x128xi32, #tpu.memory_space<hbm>> -> memref<128xi32, #tpu.memory_space<hbm>>
      tpu.wait_dma2 semaphore(%arg18 : memref<!tpu.dma_semaphore, #tpu.memory_space<semaphore_mem>>) src(%dma_wait3A_232 : memref<128xi32, #tpu.memory_space<hbm>>) dst(%arg8 : memref<128xi32, #tpu.memory_space<vmem>>)
      %dma_wait3A_233 = arith.constant 0 : i32
      %dma_wait3A_234 = tpu.memref_slice %arg4[%add3A_226, %dma_wait3A_233] : memref<2560x128xi32, #tpu.memory_space<hbm>> -> memref<1x128xi32, #tpu.memory_space<hbm>>
      %dma_wait3A_235 = tpu.memref_squeeze %dma_wait3A_234 : memref<1x128xi32, #tpu.memory_space<hbm>> -> memref<128xi32, #tpu.memory_space<hbm>>
      %dma_wait3A_236 = arith.constant 0 : i32
      %dma_wait3A_237 = tpu.memref_slice %arg4[%add3A_226, %dma_wait3A_236] : memref<2560x128xi32, #tpu.memory_space<hbm>> -> memref<1x128xi32, #tpu.memory_space<hbm>>
      %dma_wait3A_238 = tpu.memref_squeeze %dma_wait3A_237 : memref<1x128xi32, #tpu.memory_space<hbm>> -> memref<128xi32, #tpu.memory_space<hbm>>
      tpu.wait_dma2 semaphore(%arg18 : memref<!tpu.dma_semaphore, #tpu.memory_space<semaphore_mem>>) src(%dma_wait3A_238 : memref<128xi32, #tpu.memory_space<hbm>>) dst(%arg12 : memref<128xi32, #tpu.memory_space<vmem>>)
      %dma_start3A_239 = arith.constant 0 : i32
      %dma_start3A_240 = arith.constant 0 : i32
      %dma_start3A_241 = tpu.memref_slice %arg2[%dma_start3A_239, %dma_start3A_240] : memref<10000x128xf32, #tpu.memory_space<hbm>> -> memref<10000x128xf32, #tpu.memory_space<hbm>>
      tpu.enqueue_indirect_dma source(%dma_start3A_241 : memref<10000x128xf32, #tpu.memory_space<hbm>>) target(%arg15 : memref<128x128xf32, #tpu.memory_space<vmem>>) offsets(%arg8 : memref<128xi32, #tpu.memory_space<vmem>>) semaphore(%arg21 : memref<!tpu.dma_semaphore, #tpu.memory_space<semaphore_mem>>)
      %dma_wait3A_242 = arith.constant 0 : i32
      %dma_wait3A_243 = arith.constant 0 : i32
      %dma_wait3A_244 = tpu.memref_slice %arg2[%dma_wait3A_242, %dma_wait3A_243] : memref<10000x128xf32, #tpu.memory_space<hbm>> -> memref<10000x128xf32, #tpu.memory_space<hbm>>
      tpu.wait_indirect_dma semaphore(%arg21 : memref<!tpu.dma_semaphore, #tpu.memory_space<semaphore_mem>>) src(%dma_wait3A_244 : memref<10000x128xf32, #tpu.memory_space<hbm>>) dst(%arg15 : memref<128x128xf32, #tpu.memory_space<vmem>>)
      "tpu.region"() ({
        %run_scoped3A = tpu.sem_alloc : memref<!tpu.dma_semaphore, #tpu.memory_space<semaphore_mem>>
        %dma_start3A_347 = arith.constant 0 : i32
        %dma_start3A_348 = arith.constant 0 : i32
        %dma_start3A_349 = tpu.memref_slice %arg16[%dma_start3A_347, %dma_start3A_348] : memref<10112x128xf32, #tpu.memory_space<vmem_shared>> -> memref<10112x128xf32, #tpu.memory_space<vmem_shared>>
        tpu.enqueue_indirect_dma source(%arg15 : memref<128x128xf32, #tpu.memory_space<vmem>>) target(%dma_start3A_349 : memref<10112x128xf32, #tpu.memory_space<vmem_shared>>) offsets(%arg12 : memref<128xi32, #tpu.memory_space<vmem>>) semaphore(%run_scoped3A : memref<!tpu.dma_semaphore, #tpu.memory_space<semaphore_mem>>) {add = true}
        %dma_wait3A_350 = arith.constant 0 : i32
        %dma_wait3A_351 = arith.constant 0 : i32
        %dma_wait3A_352 = tpu.memref_slice %arg16[%dma_wait3A_350, %dma_wait3A_351] : memref<10112x128xf32, #tpu.memory_space<vmem_shared>> -> memref<10112x128xf32, #tpu.memory_space<vmem_shared>>
        tpu.wait_indirect_dma semaphore(%run_scoped3A : memref<!tpu.dma_semaphore, #tpu.memory_space<semaphore_mem>>) src(%arg15 : memref<128x128xf32, #tpu.memory_space<vmem>>) dst(%dma_wait3A_352 : memref<10112x128xf32, #tpu.memory_space<vmem_shared>>)
        tpu.yield
      }) : () -> ()
      %add3A_245 = arith.constant 4 : i32
      %add3A_246 = arith.addi %add3A_222, %add3A_245 : i32
      %sub3A_247 = arith.constant 1 : i32
      %sub3A_248 = arith.subi %select_n3A_10, %sub3A_247 : i32
      %min3A_249 = arith.minsi %add3A_246, %sub3A_248 : i32
      %add3A_250 = arith.addi %select_n3A, %min3A_249 : i32
      %dma_start3A_251 = arith.constant 0 : i32
      %dma_start3A_252 = tpu.memref_slice %arg3[%add3A_250, %dma_start3A_251] : memref<2560x128xi32, #tpu.memory_space<hbm>> -> memref<1x128xi32, #tpu.memory_space<hbm>>
      %dma_start3A_253 = tpu.memref_squeeze %dma_start3A_252 : memref<1x128xi32, #tpu.memory_space<hbm>> -> memref<128xi32, #tpu.memory_space<hbm>>
      %dma_start3A_254 = arith.constant 0 : i32
      %dma_start3A_255 = tpu.memref_slice %arg3[%add3A_250, %dma_start3A_254] : memref<2560x128xi32, #tpu.memory_space<hbm>> -> memref<1x128xi32, #tpu.memory_space<hbm>>
      %dma_start3A_256 = tpu.memref_squeeze %dma_start3A_255 : memref<1x128xi32, #tpu.memory_space<hbm>> -> memref<128xi32, #tpu.memory_space<hbm>>
      tpu.enqueue_dma source(%dma_start3A_256 : memref<128xi32, #tpu.memory_space<hbm>>) target(%arg8 : memref<128xi32, #tpu.memory_space<vmem>>) target_semaphore(%arg18 : memref<!tpu.dma_semaphore, #tpu.memory_space<semaphore_mem>>)
      %dma_start3A_257 = arith.constant 0 : i32
      %dma_start3A_258 = tpu.memref_slice %arg4[%add3A_250, %dma_start3A_257] : memref<2560x128xi32, #tpu.memory_space<hbm>> -> memref<1x128xi32, #tpu.memory_space<hbm>>
      %dma_start3A_259 = tpu.memref_squeeze %dma_start3A_258 : memref<1x128xi32, #tpu.memory_space<hbm>> -> memref<128xi32, #tpu.memory_space<hbm>>
      %dma_start3A_260 = arith.constant 0 : i32
      %dma_start3A_261 = tpu.memref_slice %arg4[%add3A_250, %dma_start3A_260] : memref<2560x128xi32, #tpu.memory_space<hbm>> -> memref<1x128xi32, #tpu.memory_space<hbm>>
      %dma_start3A_262 = tpu.memref_squeeze %dma_start3A_261 : memref<1x128xi32, #tpu.memory_space<hbm>> -> memref<128xi32, #tpu.memory_space<hbm>>
      tpu.enqueue_dma source(%dma_start3A_262 : memref<128xi32, #tpu.memory_space<hbm>>) target(%arg12 : memref<128xi32, #tpu.memory_space<vmem>>) target_semaphore(%arg18 : memref<!tpu.dma_semaphore, #tpu.memory_space<semaphore_mem>>)
      %add3A_263 = arith.constant 2 : i32
      %add3A_264 = arith.addi %mul3A_178, %add3A_263 : i32
      %sub3A_265 = arith.constant 1 : i32
      %sub3A_266 = arith.subi %select_n3A_10, %sub3A_265 : i32
      %min3A_267 = arith.minsi %add3A_264, %sub3A_266 : i32
      %add3A_268 = arith.addi %select_n3A, %min3A_267 : i32
      %dma_wait3A_269 = arith.constant 0 : i32
      %dma_wait3A_270 = tpu.memref_slice %arg3[%add3A_268, %dma_wait3A_269] : memref<2560x128xi32, #tpu.memory_space<hbm>> -> memref<1x128xi32, #tpu.memory_space<hbm>>
      %dma_wait3A_271 = tpu.memref_squeeze %dma_wait3A_270 : memref<1x128xi32, #tpu.memory_space<hbm>> -> memref<128xi32, #tpu.memory_space<hbm>>
      %dma_wait3A_272 = arith.constant 0 : i32
      %dma_wait3A_273 = tpu.memref_slice %arg3[%add3A_268, %dma_wait3A_272] : memref<2560x128xi32, #tpu.memory_space<hbm>> -> memref<1x128xi32, #tpu.memory_space<hbm>>
      %dma_wait3A_274 = tpu.memref_squeeze %dma_wait3A_273 : memref<1x128xi32, #tpu.memory_space<hbm>> -> memref<128xi32, #tpu.memory_space<hbm>>
      tpu.wait_dma2 semaphore(%arg19 : memref<!tpu.dma_semaphore, #tpu.memory_space<semaphore_mem>>) src(%dma_wait3A_274 : memref<128xi32, #tpu.memory_space<hbm>>) dst(%arg9 : memref<128xi32, #tpu.memory_space<vmem>>)
      %dma_wait3A_275 = arith.constant 0 : i32
      %dma_wait3A_276 = tpu.memref_slice %arg4[%add3A_268, %dma_wait3A_275] : memref<2560x128xi32, #tpu.memory_space<hbm>> -> memref<1x128xi32, #tpu.memory_space<hbm>>
      %dma_wait3A_277 = tpu.memref_squeeze %dma_wait3A_276 : memref<1x128xi32, #tpu.memory_space<hbm>> -> memref<128xi32, #tpu.memory_space<hbm>>
      %dma_wait3A_278 = arith.constant 0 : i32
      %dma_wait3A_279 = tpu.memref_slice %arg4[%add3A_268, %dma_wait3A_278] : memref<2560x128xi32, #tpu.memory_space<hbm>> -> memref<1x128xi32, #tpu.memory_space<hbm>>
      %dma_wait3A_280 = tpu.memref_squeeze %dma_wait3A_279 : memref<1x128xi32, #tpu.memory_space<hbm>> -> memref<128xi32, #tpu.memory_space<hbm>>
      tpu.wait_dma2 semaphore(%arg19 : memref<!tpu.dma_semaphore, #tpu.memory_space<semaphore_mem>>) src(%dma_wait3A_280 : memref<128xi32, #tpu.memory_space<hbm>>) dst(%arg13 : memref<128xi32, #tpu.memory_space<vmem>>)
      %dma_start3A_281 = arith.constant 0 : i32
      %dma_start3A_282 = arith.constant 0 : i32
      %dma_start3A_283 = tpu.memref_slice %arg2[%dma_start3A_281, %dma_start3A_282] : memref<10000x128xf32, #tpu.memory_space<hbm>> -> memref<10000x128xf32, #tpu.memory_space<hbm>>
      tpu.enqueue_indirect_dma source(%dma_start3A_283 : memref<10000x128xf32, #tpu.memory_space<hbm>>) target(%arg15 : memref<128x128xf32, #tpu.memory_space<vmem>>) offsets(%arg9 : memref<128xi32, #tpu.memory_space<vmem>>) semaphore(%arg21 : memref<!tpu.dma_semaphore, #tpu.memory_space<semaphore_mem>>)
      %dma_wait3A_284 = arith.constant 0 : i32
      %dma_wait3A_285 = arith.constant 0 : i32
      %dma_wait3A_286 = tpu.memref_slice %arg2[%dma_wait3A_284, %dma_wait3A_285] : memref<10000x128xf32, #tpu.memory_space<hbm>> -> memref<10000x128xf32, #tpu.memory_space<hbm>>
      tpu.wait_indirect_dma semaphore(%arg21 : memref<!tpu.dma_semaphore, #tpu.memory_space<semaphore_mem>>) src(%dma_wait3A_286 : memref<10000x128xf32, #tpu.memory_space<hbm>>) dst(%arg15 : memref<128x128xf32, #tpu.memory_space<vmem>>)
      "tpu.region"() ({
        %run_scoped3A = tpu.sem_alloc : memref<!tpu.dma_semaphore, #tpu.memory_space<semaphore_mem>>
        %dma_start3A_347 = arith.constant 0 : i32
        %dma_start3A_348 = arith.constant 0 : i32
        %dma_start3A_349 = tpu.memref_slice %arg16[%dma_start3A_347, %dma_start3A_348] : memref<10112x128xf32, #tpu.memory_space<vmem_shared>> -> memref<10112x128xf32, #tpu.memory_space<vmem_shared>>
        tpu.enqueue_indirect_dma source(%arg15 : memref<128x128xf32, #tpu.memory_space<vmem>>) target(%dma_start3A_349 : memref<10112x128xf32, #tpu.memory_space<vmem_shared>>) offsets(%arg13 : memref<128xi32, #tpu.memory_space<vmem>>) semaphore(%run_scoped3A : memref<!tpu.dma_semaphore, #tpu.memory_space<semaphore_mem>>) {add = true}
        %dma_wait3A_350 = arith.constant 0 : i32
        %dma_wait3A_351 = arith.constant 0 : i32
        %dma_wait3A_352 = tpu.memref_slice %arg16[%dma_wait3A_350, %dma_wait3A_351] : memref<10112x128xf32, #tpu.memory_space<vmem_shared>> -> memref<10112x128xf32, #tpu.memory_space<vmem_shared>>
        tpu.wait_indirect_dma semaphore(%run_scoped3A : memref<!tpu.dma_semaphore, #tpu.memory_space<semaphore_mem>>) src(%arg15 : memref<128x128xf32, #tpu.memory_space<vmem>>) dst(%dma_wait3A_352 : memref<10112x128xf32, #tpu.memory_space<vmem_shared>>)
        tpu.yield
      }) : () -> ()
      %add3A_287 = arith.constant 4 : i32
      %add3A_288 = arith.addi %add3A_264, %add3A_287 : i32
      %sub3A_289 = arith.constant 1 : i32
      %sub3A_290 = arith.subi %select_n3A_10, %sub3A_289 : i32
      %min3A_291 = arith.minsi %add3A_288, %sub3A_290 : i32
      %add3A_292 = arith.addi %select_n3A, %min3A_291 : i32
      %dma_start3A_293 = arith.constant 0 : i32
      %dma_start3A_294 = tpu.memref_slice %arg3[%add3A_292, %dma_start3A_293] : memref<2560x128xi32, #tpu.memory_space<hbm>> -> memref<1x128xi32, #tpu.memory_space<hbm>>
      %dma_start3A_295 = tpu.memref_squeeze %dma_start3A_294 : memref<1x128xi32, #tpu.memory_space<hbm>> -> memref<128xi32, #tpu.memory_space<hbm>>
      %dma_start3A_296 = arith.constant 0 : i32
      %dma_start3A_297 = tpu.memref_slice %arg3[%add3A_292, %dma_start3A_296] : memref<2560x128xi32, #tpu.memory_space<hbm>> -> memref<1x128xi32, #tpu.memory_space<hbm>>
      %dma_start3A_298 = tpu.memref_squeeze %dma_start3A_297 : memref<1x128xi32, #tpu.memory_space<hbm>> -> memref<128xi32, #tpu.memory_space<hbm>>
      tpu.enqueue_dma source(%dma_start3A_298 : memref<128xi32, #tpu.memory_space<hbm>>) target(%arg9 : memref<128xi32, #tpu.memory_space<vmem>>) target_semaphore(%arg19 : memref<!tpu.dma_semaphore, #tpu.memory_space<semaphore_mem>>)
      %dma_start3A_299 = arith.constant 0 : i32
      %dma_start3A_300 = tpu.memref_slice %arg4[%add3A_292, %dma_start3A_299] : memref<2560x128xi32, #tpu.memory_space<hbm>> -> memref<1x128xi32, #tpu.memory_space<hbm>>
      %dma_start3A_301 = tpu.memref_squeeze %dma_start3A_300 : memref<1x128xi32, #tpu.memory_space<hbm>> -> memref<128xi32, #tpu.memory_space<hbm>>
      %dma_start3A_302 = arith.constant 0 : i32
      %dma_start3A_303 = tpu.memref_slice %arg4[%add3A_292, %dma_start3A_302] : memref<2560x128xi32, #tpu.memory_space<hbm>> -> memref<1x128xi32, #tpu.memory_space<hbm>>
      %dma_start3A_304 = tpu.memref_squeeze %dma_start3A_303 : memref<1x128xi32, #tpu.memory_space<hbm>> -> memref<128xi32, #tpu.memory_space<hbm>>
      tpu.enqueue_dma source(%dma_start3A_304 : memref<128xi32, #tpu.memory_space<hbm>>) target(%arg13 : memref<128xi32, #tpu.memory_space<vmem>>) target_semaphore(%arg19 : memref<!tpu.dma_semaphore, #tpu.memory_space<semaphore_mem>>)
      %add3A_305 = arith.constant 3 : i32
      %add3A_306 = arith.addi %mul3A_178, %add3A_305 : i32
      %sub3A_307 = arith.constant 1 : i32
      %sub3A_308 = arith.subi %select_n3A_10, %sub3A_307 : i32
      %min3A_309 = arith.minsi %add3A_306, %sub3A_308 : i32
      %add3A_310 = arith.addi %select_n3A, %min3A_309 : i32
      %dma_wait3A_311 = arith.constant 0 : i32
      %dma_wait3A_312 = tpu.memref_slice %arg3[%add3A_310, %dma_wait3A_311] : memref<2560x128xi32, #tpu.memory_space<hbm>> -> memref<1x128xi32, #tpu.memory_space<hbm>>
      %dma_wait3A_313 = tpu.memref_squeeze %dma_wait3A_312 : memref<1x128xi32, #tpu.memory_space<hbm>> -> memref<128xi32, #tpu.memory_space<hbm>>
      %dma_wait3A_314 = arith.constant 0 : i32
      %dma_wait3A_315 = tpu.memref_slice %arg3[%add3A_310, %dma_wait3A_314] : memref<2560x128xi32, #tpu.memory_space<hbm>> -> memref<1x128xi32, #tpu.memory_space<hbm>>
      %dma_wait3A_316 = tpu.memref_squeeze %dma_wait3A_315 : memref<1x128xi32, #tpu.memory_space<hbm>> -> memref<128xi32, #tpu.memory_space<hbm>>
      tpu.wait_dma2 semaphore(%arg20 : memref<!tpu.dma_semaphore, #tpu.memory_space<semaphore_mem>>) src(%dma_wait3A_316 : memref<128xi32, #tpu.memory_space<hbm>>) dst(%arg10 : memref<128xi32, #tpu.memory_space<vmem>>)
      %dma_wait3A_317 = arith.constant 0 : i32
      %dma_wait3A_318 = tpu.memref_slice %arg4[%add3A_310, %dma_wait3A_317] : memref<2560x128xi32, #tpu.memory_space<hbm>> -> memref<1x128xi32, #tpu.memory_space<hbm>>
      %dma_wait3A_319 = tpu.memref_squeeze %dma_wait3A_318 : memref<1x128xi32, #tpu.memory_space<hbm>> -> memref<128xi32, #tpu.memory_space<hbm>>
      %dma_wait3A_320 = arith.constant 0 : i32
      %dma_wait3A_321 = tpu.memref_slice %arg4[%add3A_310, %dma_wait3A_320] : memref<2560x128xi32, #tpu.memory_space<hbm>> -> memref<1x128xi32, #tpu.memory_space<hbm>>
      %dma_wait3A_322 = tpu.memref_squeeze %dma_wait3A_321 : memref<1x128xi32, #tpu.memory_space<hbm>> -> memref<128xi32, #tpu.memory_space<hbm>>
      tpu.wait_dma2 semaphore(%arg20 : memref<!tpu.dma_semaphore, #tpu.memory_space<semaphore_mem>>) src(%dma_wait3A_322 : memref<128xi32, #tpu.memory_space<hbm>>) dst(%arg14 : memref<128xi32, #tpu.memory_space<vmem>>)
      %dma_start3A_323 = arith.constant 0 : i32
      %dma_start3A_324 = arith.constant 0 : i32
      %dma_start3A_325 = tpu.memref_slice %arg2[%dma_start3A_323, %dma_start3A_324] : memref<10000x128xf32, #tpu.memory_space<hbm>> -> memref<10000x128xf32, #tpu.memory_space<hbm>>
      tpu.enqueue_indirect_dma source(%dma_start3A_325 : memref<10000x128xf32, #tpu.memory_space<hbm>>) target(%arg15 : memref<128x128xf32, #tpu.memory_space<vmem>>) offsets(%arg10 : memref<128xi32, #tpu.memory_space<vmem>>) semaphore(%arg21 : memref<!tpu.dma_semaphore, #tpu.memory_space<semaphore_mem>>)
      %dma_wait3A_326 = arith.constant 0 : i32
      %dma_wait3A_327 = arith.constant 0 : i32
      %dma_wait3A_328 = tpu.memref_slice %arg2[%dma_wait3A_326, %dma_wait3A_327] : memref<10000x128xf32, #tpu.memory_space<hbm>> -> memref<10000x128xf32, #tpu.memory_space<hbm>>
      tpu.wait_indirect_dma semaphore(%arg21 : memref<!tpu.dma_semaphore, #tpu.memory_space<semaphore_mem>>) src(%dma_wait3A_328 : memref<10000x128xf32, #tpu.memory_space<hbm>>) dst(%arg15 : memref<128x128xf32, #tpu.memory_space<vmem>>)
      "tpu.region"() ({
        %run_scoped3A = tpu.sem_alloc : memref<!tpu.dma_semaphore, #tpu.memory_space<semaphore_mem>>
        %dma_start3A_347 = arith.constant 0 : i32
        %dma_start3A_348 = arith.constant 0 : i32
        %dma_start3A_349 = tpu.memref_slice %arg16[%dma_start3A_347, %dma_start3A_348] : memref<10112x128xf32, #tpu.memory_space<vmem_shared>> -> memref<10112x128xf32, #tpu.memory_space<vmem_shared>>
        tpu.enqueue_indirect_dma source(%arg15 : memref<128x128xf32, #tpu.memory_space<vmem>>) target(%dma_start3A_349 : memref<10112x128xf32, #tpu.memory_space<vmem_shared>>) offsets(%arg14 : memref<128xi32, #tpu.memory_space<vmem>>) semaphore(%run_scoped3A : memref<!tpu.dma_semaphore, #tpu.memory_space<semaphore_mem>>) {add = true}
        %dma_wait3A_350 = arith.constant 0 : i32
        %dma_wait3A_351 = arith.constant 0 : i32
        %dma_wait3A_352 = tpu.memref_slice %arg16[%dma_wait3A_350, %dma_wait3A_351] : memref<10112x128xf32, #tpu.memory_space<vmem_shared>> -> memref<10112x128xf32, #tpu.memory_space<vmem_shared>>
        tpu.wait_indirect_dma semaphore(%run_scoped3A : memref<!tpu.dma_semaphore, #tpu.memory_space<semaphore_mem>>) src(%arg15 : memref<128x128xf32, #tpu.memory_space<vmem>>) dst(%dma_wait3A_352 : memref<10112x128xf32, #tpu.memory_space<vmem_shared>>)
        tpu.yield
      }) : () -> ()
      %add3A_329 = arith.constant 4 : i32
      %add3A_330 = arith.addi %add3A_306, %add3A_329 : i32
      %sub3A_331 = arith.constant 1 : i32
      %sub3A_332 = arith.subi %select_n3A_10, %sub3A_331 : i32
      %min3A_333 = arith.minsi %add3A_330, %sub3A_332 : i32
      %add3A_334 = arith.addi %select_n3A, %min3A_333 : i32
      %dma_start3A_335 = arith.constant 0 : i32
      %dma_start3A_336 = tpu.memref_slice %arg3[%add3A_334, %dma_start3A_335] : memref<2560x128xi32, #tpu.memory_space<hbm>> -> memref<1x128xi32, #tpu.memory_space<hbm>>
      %dma_start3A_337 = tpu.memref_squeeze %dma_start3A_336 : memref<1x128xi32, #tpu.memory_space<hbm>> -> memref<128xi32, #tpu.memory_space<hbm>>
      %dma_start3A_338 = arith.constant 0 : i32
      %dma_start3A_339 = tpu.memref_slice %arg3[%add3A_334, %dma_start3A_338] : memref<2560x128xi32, #tpu.memory_space<hbm>> -> memref<1x128xi32, #tpu.memory_space<hbm>>
      %dma_start3A_340 = tpu.memref_squeeze %dma_start3A_339 : memref<1x128xi32, #tpu.memory_space<hbm>> -> memref<128xi32, #tpu.memory_space<hbm>>
      tpu.enqueue_dma source(%dma_start3A_340 : memref<128xi32, #tpu.memory_space<hbm>>) target(%arg10 : memref<128xi32, #tpu.memory_space<vmem>>) target_semaphore(%arg20 : memref<!tpu.dma_semaphore, #tpu.memory_space<semaphore_mem>>)
      %dma_start3A_341 = arith.constant 0 : i32
      %dma_start3A_342 = tpu.memref_slice %arg4[%add3A_334, %dma_start3A_341] : memref<2560x128xi32, #tpu.memory_space<hbm>> -> memref<1x128xi32, #tpu.memory_space<hbm>>
      %dma_start3A_343 = tpu.memref_squeeze %dma_start3A_342 : memref<1x128xi32, #tpu.memory_space<hbm>> -> memref<128xi32, #tpu.memory_space<hbm>>
      %dma_start3A_344 = arith.constant 0 : i32
      %dma_start3A_345 = tpu.memref_slice %arg4[%add3A_334, %dma_start3A_344] : memref<2560x128xi32, #tpu.memory_space<hbm>> -> memref<1x128xi32, #tpu.memory_space<hbm>>
      %dma_start3A_346 = tpu.memref_squeeze %dma_start3A_345 : memref<1x128xi32, #tpu.memory_space<hbm>> -> memref<128xi32, #tpu.memory_space<hbm>>
      tpu.enqueue_dma source(%dma_start3A_346 : memref<128xi32, #tpu.memory_space<hbm>>) target(%arg14 : memref<128xi32, #tpu.memory_space<vmem>>) target_semaphore(%arg20 : memref<!tpu.dma_semaphore, #tpu.memory_space<semaphore_mem>>)
    }
    %while3A_103 = arith.constant 1 : i32
    scf.for %while3A_176 = %while3A_101 to %while3A_97 step %while3A_103  : i32 {
      %mul3A_177 = arith.constant 4 : i32
      %mul3A_178 = arith.muli %mul3A_177, %while3A_176 : i32
      %add3A_179 = arith.constant 0 : i32
      %add3A_180 = arith.addi %mul3A_178, %add3A_179 : i32
      %sub3A_181 = arith.constant 1 : i32
      %sub3A_182 = arith.subi %select_n3A_10, %sub3A_181 : i32
      %min3A_183 = arith.minsi %add3A_180, %sub3A_182 : i32
      %add3A_184 = arith.addi %select_n3A, %min3A_183 : i32
      %dma_wait3A_185 = arith.constant 0 : i32
      %dma_wait3A_186 = tpu.memref_slice %arg3[%add3A_184, %dma_wait3A_185] : memref<2560x128xi32, #tpu.memory_space<hbm>> -> memref<1x128xi32, #tpu.memory_space<hbm>>
      %dma_wait3A_187 = tpu.memref_squeeze %dma_wait3A_186 : memref<1x128xi32, #tpu.memory_space<hbm>> -> memref<128xi32, #tpu.memory_space<hbm>>
      %dma_wait3A_188 = arith.constant 0 : i32
      %dma_wait3A_189 = tpu.memref_slice %arg3[%add3A_184, %dma_wait3A_188] : memref<2560x128xi32, #tpu.memory_space<hbm>> -> memref<1x128xi32, #tpu.memory_space<hbm>>
      %dma_wait3A_190 = tpu.memref_squeeze %dma_wait3A_189 : memref<1x128xi32, #tpu.memory_space<hbm>> -> memref<128xi32, #tpu.memory_space<hbm>>
      tpu.wait_dma2 semaphore(%arg17 : memref<!tpu.dma_semaphore, #tpu.memory_space<semaphore_mem>>) src(%dma_wait3A_190 : memref<128xi32, #tpu.memory_space<hbm>>) dst(%arg7 : memref<128xi32, #tpu.memory_space<vmem>>)
      %dma_wait3A_191 = arith.constant 0 : i32
      %dma_wait3A_192 = tpu.memref_slice %arg4[%add3A_184, %dma_wait3A_191] : memref<2560x128xi32, #tpu.memory_space<hbm>> -> memref<1x128xi32, #tpu.memory_space<hbm>>
      %dma_wait3A_193 = tpu.memref_squeeze %dma_wait3A_192 : memref<1x128xi32, #tpu.memory_space<hbm>> -> memref<128xi32, #tpu.memory_space<hbm>>
      %dma_wait3A_194 = arith.constant 0 : i32
      %dma_wait3A_195 = tpu.memref_slice %arg4[%add3A_184, %dma_wait3A_194] : memref<2560x128xi32, #tpu.memory_space<hbm>> -> memref<1x128xi32, #tpu.memory_space<hbm>>
      %dma_wait3A_196 = tpu.memref_squeeze %dma_wait3A_195 : memref<1x128xi32, #tpu.memory_space<hbm>> -> memref<128xi32, #tpu.memory_space<hbm>>
      tpu.wait_dma2 semaphore(%arg17 : memref<!tpu.dma_semaphore, #tpu.memory_space<semaphore_mem>>) src(%dma_wait3A_196 : memref<128xi32, #tpu.memory_space<hbm>>) dst(%arg11 : memref<128xi32, #tpu.memory_space<vmem>>)
      %dma_start3A_197 = arith.constant 0 : i32
      %dma_start3A_198 = arith.constant 0 : i32
      %dma_start3A_199 = tpu.memref_slice %arg2[%dma_start3A_197, %dma_start3A_198] : memref<10000x128xf32, #tpu.memory_space<hbm>> -> memref<10000x128xf32, #tpu.memory_space<hbm>>
      tpu.enqueue_indirect_dma source(%dma_start3A_199 : memref<10000x128xf32, #tpu.memory_space<hbm>>) target(%arg15 : memref<128x128xf32, #tpu.memory_space<vmem>>) offsets(%arg7 : memref<128xi32, #tpu.memory_space<vmem>>) semaphore(%arg21 : memref<!tpu.dma_semaphore, #tpu.memory_space<semaphore_mem>>)
      %dma_wait3A_200 = arith.constant 0 : i32
      %dma_wait3A_201 = arith.constant 0 : i32
      %dma_wait3A_202 = tpu.memref_slice %arg2[%dma_wait3A_200, %dma_wait3A_201] : memref<10000x128xf32, #tpu.memory_space<hbm>> -> memref<10000x128xf32, #tpu.memory_space<hbm>>
      tpu.wait_indirect_dma semaphore(%arg21 : memref<!tpu.dma_semaphore, #tpu.memory_space<semaphore_mem>>) src(%dma_wait3A_202 : memref<10000x128xf32, #tpu.memory_space<hbm>>) dst(%arg15 : memref<128x128xf32, #tpu.memory_space<vmem>>)
      "tpu.region"() ({
        %run_scoped3A = tpu.sem_alloc : memref<!tpu.dma_semaphore, #tpu.memory_space<semaphore_mem>>
        %dma_start3A_347 = arith.constant 0 : i32
        %dma_start3A_348 = arith.constant 0 : i32
        %dma_start3A_349 = tpu.memref_slice %arg16[%dma_start3A_347, %dma_start3A_348] : memref<10112x128xf32, #tpu.memory_space<vmem_shared>> -> memref<10112x128xf32, #tpu.memory_space<vmem_shared>>
        tpu.enqueue_indirect_dma source(%arg15 : memref<128x128xf32, #tpu.memory_space<vmem>>) target(%dma_start3A_349 : memref<10112x128xf32, #tpu.memory_space<vmem_shared>>) offsets(%arg11 : memref<128xi32, #tpu.memory_space<vmem>>) semaphore(%run_scoped3A : memref<!tpu.dma_semaphore, #tpu.memory_space<semaphore_mem>>) {add = true}
        %dma_wait3A_350 = arith.constant 0 : i32
        %dma_wait3A_351 = arith.constant 0 : i32
        %dma_wait3A_352 = tpu.memref_slice %arg16[%dma_wait3A_350, %dma_wait3A_351] : memref<10112x128xf32, #tpu.memory_space<vmem_shared>> -> memref<10112x128xf32, #tpu.memory_space<vmem_shared>>
        tpu.wait_indirect_dma semaphore(%run_scoped3A : memref<!tpu.dma_semaphore, #tpu.memory_space<semaphore_mem>>) src(%arg15 : memref<128x128xf32, #tpu.memory_space<vmem>>) dst(%dma_wait3A_352 : memref<10112x128xf32, #tpu.memory_space<vmem_shared>>)
        tpu.yield
      }) : () -> ()
      %add3A_203 = arith.constant 4 : i32
      %add3A_204 = arith.addi %add3A_180, %add3A_203 : i32
      %sub3A_205 = arith.constant 1 : i32
      %sub3A_206 = arith.subi %select_n3A_10, %sub3A_205 : i32
      %min3A_207 = arith.minsi %add3A_204, %sub3A_206 : i32
      %add3A_208 = arith.addi %select_n3A, %min3A_207 : i32
      %dma_start3A_209 = arith.constant 0 : i32
      %dma_start3A_210 = tpu.memref_slice %arg3[%add3A_208, %dma_start3A_209] : memref<2560x128xi32, #tpu.memory_space<hbm>> -> memref<1x128xi32, #tpu.memory_space<hbm>>
      %dma_start3A_211 = tpu.memref_squeeze %dma_start3A_210 : memref<1x128xi32, #tpu.memory_space<hbm>> -> memref<128xi32, #tpu.memory_space<hbm>>
      %dma_start3A_212 = arith.constant 0 : i32
      %dma_start3A_213 = tpu.memref_slice %arg3[%add3A_208, %dma_start3A_212] : memref<2560x128xi32, #tpu.memory_space<hbm>> -> memref<1x128xi32, #tpu.memory_space<hbm>>
      %dma_start3A_214 = tpu.memref_squeeze %dma_start3A_213 : memref<1x128xi32, #tpu.memory_space<hbm>> -> memref<128xi32, #tpu.memory_space<hbm>>
      tpu.enqueue_dma source(%dma_start3A_214 : memref<128xi32, #tpu.memory_space<hbm>>) target(%arg7 : memref<128xi32, #tpu.memory_space<vmem>>) target_semaphore(%arg17 : memref<!tpu.dma_semaphore, #tpu.memory_space<semaphore_mem>>)
      %dma_start3A_215 = arith.constant 0 : i32
      %dma_start3A_216 = tpu.memref_slice %arg4[%add3A_208, %dma_start3A_215] : memref<2560x128xi32, #tpu.memory_space<hbm>> -> memref<1x128xi32, #tpu.memory_space<hbm>>
      %dma_start3A_217 = tpu.memref_squeeze %dma_start3A_216 : memref<1x128xi32, #tpu.memory_space<hbm>> -> memref<128xi32, #tpu.memory_space<hbm>>
      %dma_start3A_218 = arith.constant 0 : i32
      %dma_start3A_219 = tpu.memref_slice %arg4[%add3A_208, %dma_start3A_218] : memref<2560x128xi32, #tpu.memory_space<hbm>> -> memref<1x128xi32, #tpu.memory_space<hbm>>
      %dma_start3A_220 = tpu.memref_squeeze %dma_start3A_219 : memref<1x128xi32, #tpu.memory_space<hbm>> -> memref<128xi32, #tpu.memory_space<hbm>>
      tpu.enqueue_dma source(%dma_start3A_220 : memref<128xi32, #tpu.memory_space<hbm>>) target(%arg11 : memref<128xi32, #tpu.memory_space<vmem>>) target_semaphore(%arg17 : memref<!tpu.dma_semaphore, #tpu.memory_space<semaphore_mem>>)
      %add3A_221 = arith.constant 1 : i32
      %add3A_222 = arith.addi %mul3A_178, %add3A_221 : i32
      %sub3A_223 = arith.constant 1 : i32
      %sub3A_224 = arith.subi %select_n3A_10, %sub3A_223 : i32
      %min3A_225 = arith.minsi %add3A_222, %sub3A_224 : i32
      %add3A_226 = arith.addi %select_n3A, %min3A_225 : i32
      %dma_wait3A_227 = arith.constant 0 : i32
      %dma_wait3A_228 = tpu.memref_slice %arg3[%add3A_226, %dma_wait3A_227] : memref<2560x128xi32, #tpu.memory_space<hbm>> -> memref<1x128xi32, #tpu.memory_space<hbm>>
      %dma_wait3A_229 = tpu.memref_squeeze %dma_wait3A_228 : memref<1x128xi32, #tpu.memory_space<hbm>> -> memref<128xi32, #tpu.memory_space<hbm>>
      %dma_wait3A_230 = arith.constant 0 : i32
      %dma_wait3A_231 = tpu.memref_slice %arg3[%add3A_226, %dma_wait3A_230] : memref<2560x128xi32, #tpu.memory_space<hbm>> -> memref<1x128xi32, #tpu.memory_space<hbm>>
      %dma_wait3A_232 = tpu.memref_squeeze %dma_wait3A_231 : memref<1x128xi32, #tpu.memory_space<hbm>> -> memref<128xi32, #tpu.memory_space<hbm>>
      tpu.wait_dma2 semaphore(%arg18 : memref<!tpu.dma_semaphore, #tpu.memory_space<semaphore_mem>>) src(%dma_wait3A_232 : memref<128xi32, #tpu.memory_space<hbm>>) dst(%arg8 : memref<128xi32, #tpu.memory_space<vmem>>)
      %dma_wait3A_233 = arith.constant 0 : i32
      %dma_wait3A_234 = tpu.memref_slice %arg4[%add3A_226, %dma_wait3A_233] : memref<2560x128xi32, #tpu.memory_space<hbm>> -> memref<1x128xi32, #tpu.memory_space<hbm>>
      %dma_wait3A_235 = tpu.memref_squeeze %dma_wait3A_234 : memref<1x128xi32, #tpu.memory_space<hbm>> -> memref<128xi32, #tpu.memory_space<hbm>>
      %dma_wait3A_236 = arith.constant 0 : i32
      %dma_wait3A_237 = tpu.memref_slice %arg4[%add3A_226, %dma_wait3A_236] : memref<2560x128xi32, #tpu.memory_space<hbm>> -> memref<1x128xi32, #tpu.memory_space<hbm>>
      %dma_wait3A_238 = tpu.memref_squeeze %dma_wait3A_237 : memref<1x128xi32, #tpu.memory_space<hbm>> -> memref<128xi32, #tpu.memory_space<hbm>>
      tpu.wait_dma2 semaphore(%arg18 : memref<!tpu.dma_semaphore, #tpu.memory_space<semaphore_mem>>) src(%dma_wait3A_238 : memref<128xi32, #tpu.memory_space<hbm>>) dst(%arg12 : memref<128xi32, #tpu.memory_space<vmem>>)
      %dma_start3A_239 = arith.constant 0 : i32
      %dma_start3A_240 = arith.constant 0 : i32
      %dma_start3A_241 = tpu.memref_slice %arg2[%dma_start3A_239, %dma_start3A_240] : memref<10000x128xf32, #tpu.memory_space<hbm>> -> memref<10000x128xf32, #tpu.memory_space<hbm>>
      tpu.enqueue_indirect_dma source(%dma_start3A_241 : memref<10000x128xf32, #tpu.memory_space<hbm>>) target(%arg15 : memref<128x128xf32, #tpu.memory_space<vmem>>) offsets(%arg8 : memref<128xi32, #tpu.memory_space<vmem>>) semaphore(%arg21 : memref<!tpu.dma_semaphore, #tpu.memory_space<semaphore_mem>>)
      %dma_wait3A_242 = arith.constant 0 : i32
      %dma_wait3A_243 = arith.constant 0 : i32
      %dma_wait3A_244 = tpu.memref_slice %arg2[%dma_wait3A_242, %dma_wait3A_243] : memref<10000x128xf32, #tpu.memory_space<hbm>> -> memref<10000x128xf32, #tpu.memory_space<hbm>>
      tpu.wait_indirect_dma semaphore(%arg21 : memref<!tpu.dma_semaphore, #tpu.memory_space<semaphore_mem>>) src(%dma_wait3A_244 : memref<10000x128xf32, #tpu.memory_space<hbm>>) dst(%arg15 : memref<128x128xf32, #tpu.memory_space<vmem>>)
      "tpu.region"() ({
        %run_scoped3A = tpu.sem_alloc : memref<!tpu.dma_semaphore, #tpu.memory_space<semaphore_mem>>
        %dma_start3A_347 = arith.constant 0 : i32
        %dma_start3A_348 = arith.constant 0 : i32
        %dma_start3A_349 = tpu.memref_slice %arg16[%dma_start3A_347, %dma_start3A_348] : memref<10112x128xf32, #tpu.memory_space<vmem_shared>> -> memref<10112x128xf32, #tpu.memory_space<vmem_shared>>
        tpu.enqueue_indirect_dma source(%arg15 : memref<128x128xf32, #tpu.memory_space<vmem>>) target(%dma_start3A_349 : memref<10112x128xf32, #tpu.memory_space<vmem_shared>>) offsets(%arg12 : memref<128xi32, #tpu.memory_space<vmem>>) semaphore(%run_scoped3A : memref<!tpu.dma_semaphore, #tpu.memory_space<semaphore_mem>>) {add = true}
        %dma_wait3A_350 = arith.constant 0 : i32
        %dma_wait3A_351 = arith.constant 0 : i32
        %dma_wait3A_352 = tpu.memref_slice %arg16[%dma_wait3A_350, %dma_wait3A_351] : memref<10112x128xf32, #tpu.memory_space<vmem_shared>> -> memref<10112x128xf32, #tpu.memory_space<vmem_shared>>
        tpu.wait_indirect_dma semaphore(%run_scoped3A : memref<!tpu.dma_semaphore, #tpu.memory_space<semaphore_mem>>) src(%arg15 : memref<128x128xf32, #tpu.memory_space<vmem>>) dst(%dma_wait3A_352 : memref<10112x128xf32, #tpu.memory_space<vmem_shared>>)
        tpu.yield
      }) : () -> ()
      %add3A_245 = arith.constant 4 : i32
      %add3A_246 = arith.addi %add3A_222, %add3A_245 : i32
      %sub3A_247 = arith.constant 1 : i32
      %sub3A_248 = arith.subi %select_n3A_10, %sub3A_247 : i32
      %min3A_249 = arith.minsi %add3A_246, %sub3A_248 : i32
      %add3A_250 = arith.addi %select_n3A, %min3A_249 : i32
      %dma_start3A_251 = arith.constant 0 : i32
      %dma_start3A_252 = tpu.memref_slice %arg3[%add3A_250, %dma_start3A_251] : memref<2560x128xi32, #tpu.memory_space<hbm>> -> memref<1x128xi32, #tpu.memory_space<hbm>>
      %dma_start3A_253 = tpu.memref_squeeze %dma_start3A_252 : memref<1x128xi32, #tpu.memory_space<hbm>> -> memref<128xi32, #tpu.memory_space<hbm>>
      %dma_start3A_254 = arith.constant 0 : i32
      %dma_start3A_255 = tpu.memref_slice %arg3[%add3A_250, %dma_start3A_254] : memref<2560x128xi32, #tpu.memory_space<hbm>> -> memref<1x128xi32, #tpu.memory_space<hbm>>
      %dma_start3A_256 = tpu.memref_squeeze %dma_start3A_255 : memref<1x128xi32, #tpu.memory_space<hbm>> -> memref<128xi32, #tpu.memory_space<hbm>>
      tpu.enqueue_dma source(%dma_start3A_256 : memref<128xi32, #tpu.memory_space<hbm>>) target(%arg8 : memref<128xi32, #tpu.memory_space<vmem>>) target_semaphore(%arg18 : memref<!tpu.dma_semaphore, #tpu.memory_space<semaphore_mem>>)
      %dma_start3A_257 = arith.constant 0 : i32
      %dma_start3A_258 = tpu.memref_slice %arg4[%add3A_250, %dma_start3A_257] : memref<2560x128xi32, #tpu.memory_space<hbm>> -> memref<1x128xi32, #tpu.memory_space<hbm>>
      %dma_start3A_259 = tpu.memref_squeeze %dma_start3A_258 : memref<1x128xi32, #tpu.memory_space<hbm>> -> memref<128xi32, #tpu.memory_space<hbm>>
      %dma_start3A_260 = arith.constant 0 : i32
      %dma_start3A_261 = tpu.memref_slice %arg4[%add3A_250, %dma_start3A_260] : memref<2560x128xi32, #tpu.memory_space<hbm>> -> memref<1x128xi32, #tpu.memory_space<hbm>>
      %dma_start3A_262 = tpu.memref_squeeze %dma_start3A_261 : memref<1x128xi32, #tpu.memory_space<hbm>> -> memref<128xi32, #tpu.memory_space<hbm>>
      tpu.enqueue_dma source(%dma_start3A_262 : memref<128xi32, #tpu.memory_space<hbm>>) target(%arg12 : memref<128xi32, #tpu.memory_space<vmem>>) target_semaphore(%arg18 : memref<!tpu.dma_semaphore, #tpu.memory_space<semaphore_mem>>)
      %add3A_263 = arith.constant 2 : i32
      %add3A_264 = arith.addi %mul3A_178, %add3A_263 : i32
      %sub3A_265 = arith.constant 1 : i32
      %sub3A_266 = arith.subi %select_n3A_10, %sub3A_265 : i32
      %min3A_267 = arith.minsi %add3A_264, %sub3A_266 : i32
      %add3A_268 = arith.addi %select_n3A, %min3A_267 : i32
      %dma_wait3A_269 = arith.constant 0 : i32
      %dma_wait3A_270 = tpu.memref_slice %arg3[%add3A_268, %dma_wait3A_269] : memref<2560x128xi32, #tpu.memory_space<hbm>> -> memref<1x128xi32, #tpu.memory_space<hbm>>
      %dma_wait3A_271 = tpu.memref_squeeze %dma_wait3A_270 : memref<1x128xi32, #tpu.memory_space<hbm>> -> memref<128xi32, #tpu.memory_space<hbm>>
      %dma_wait3A_272 = arith.constant 0 : i32
      %dma_wait3A_273 = tpu.memref_slice %arg3[%add3A_268, %dma_wait3A_272] : memref<2560x128xi32, #tpu.memory_space<hbm>> -> memref<1x128xi32, #tpu.memory_space<hbm>>
      %dma_wait3A_274 = tpu.memref_squeeze %dma_wait3A_273 : memref<1x128xi32, #tpu.memory_space<hbm>> -> memref<128xi32, #tpu.memory_space<hbm>>
      tpu.wait_dma2 semaphore(%arg19 : memref<!tpu.dma_semaphore, #tpu.memory_space<semaphore_mem>>) src(%dma_wait3A_274 : memref<128xi32, #tpu.memory_space<hbm>>) dst(%arg9 : memref<128xi32, #tpu.memory_space<vmem>>)
      %dma_wait3A_275 = arith.constant 0 : i32
      %dma_wait3A_276 = tpu.memref_slice %arg4[%add3A_268, %dma_wait3A_275] : memref<2560x128xi32, #tpu.memory_space<hbm>> -> memref<1x128xi32, #tpu.memory_space<hbm>>
      %dma_wait3A_277 = tpu.memref_squeeze %dma_wait3A_276 : memref<1x128xi32, #tpu.memory_space<hbm>> -> memref<128xi32, #tpu.memory_space<hbm>>
      %dma_wait3A_278 = arith.constant 0 : i32
      %dma_wait3A_279 = tpu.memref_slice %arg4[%add3A_268, %dma_wait3A_278] : memref<2560x128xi32, #tpu.memory_space<hbm>> -> memref<1x128xi32, #tpu.memory_space<hbm>>
      %dma_wait3A_280 = tpu.memref_squeeze %dma_wait3A_279 : memref<1x128xi32, #tpu.memory_space<hbm>> -> memref<128xi32, #tpu.memory_space<hbm>>
      tpu.wait_dma2 semaphore(%arg19 : memref<!tpu.dma_semaphore, #tpu.memory_space<semaphore_mem>>) src(%dma_wait3A_280 : memref<128xi32, #tpu.memory_space<hbm>>) dst(%arg13 : memref<128xi32, #tpu.memory_space<vmem>>)
      %dma_start3A_281 = arith.constant 0 : i32
      %dma_start3A_282 = arith.constant 0 : i32
      %dma_start3A_283 = tpu.memref_slice %arg2[%dma_start3A_281, %dma_start3A_282] : memref<10000x128xf32, #tpu.memory_space<hbm>> -> memref<10000x128xf32, #tpu.memory_space<hbm>>
      tpu.enqueue_indirect_dma source(%dma_start3A_283 : memref<10000x128xf32, #tpu.memory_space<hbm>>) target(%arg15 : memref<128x128xf32, #tpu.memory_space<vmem>>) offsets(%arg9 : memref<128xi32, #tpu.memory_space<vmem>>) semaphore(%arg21 : memref<!tpu.dma_semaphore, #tpu.memory_space<semaphore_mem>>)
      %dma_wait3A_284 = arith.constant 0 : i32
      %dma_wait3A_285 = arith.constant 0 : i32
      %dma_wait3A_286 = tpu.memref_slice %arg2[%dma_wait3A_284, %dma_wait3A_285] : memref<10000x128xf32, #tpu.memory_space<hbm>> -> memref<10000x128xf32, #tpu.memory_space<hbm>>
      tpu.wait_indirect_dma semaphore(%arg21 : memref<!tpu.dma_semaphore, #tpu.memory_space<semaphore_mem>>) src(%dma_wait3A_286 : memref<10000x128xf32, #tpu.memory_space<hbm>>) dst(%arg15 : memref<128x128xf32, #tpu.memory_space<vmem>>)
      "tpu.region"() ({
        %run_scoped3A = tpu.sem_alloc : memref<!tpu.dma_semaphore, #tpu.memory_space<semaphore_mem>>
        %dma_start3A_347 = arith.constant 0 : i32
        %dma_start3A_348 = arith.constant 0 : i32
        %dma_start3A_349 = tpu.memref_slice %arg16[%dma_start3A_347, %dma_start3A_348] : memref<10112x128xf32, #tpu.memory_space<vmem_shared>> -> memref<10112x128xf32, #tpu.memory_space<vmem_shared>>
        tpu.enqueue_indirect_dma source(%arg15 : memref<128x128xf32, #tpu.memory_space<vmem>>) target(%dma_start3A_349 : memref<10112x128xf32, #tpu.memory_space<vmem_shared>>) offsets(%arg13 : memref<128xi32, #tpu.memory_space<vmem>>) semaphore(%run_scoped3A : memref<!tpu.dma_semaphore, #tpu.memory_space<semaphore_mem>>) {add = true}
        %dma_wait3A_350 = arith.constant 0 : i32
        %dma_wait3A_351 = arith.constant 0 : i32
        %dma_wait3A_352 = tpu.memref_slice %arg16[%dma_wait3A_350, %dma_wait3A_351] : memref<10112x128xf32, #tpu.memory_space<vmem_shared>> -> memref<10112x128xf32, #tpu.memory_space<vmem_shared>>
        tpu.wait_indirect_dma semaphore(%run_scoped3A : memref<!tpu.dma_semaphore, #tpu.memory_space<semaphore_mem>>) src(%arg15 : memref<128x128xf32, #tpu.memory_space<vmem>>) dst(%dma_wait3A_352 : memref<10112x128xf32, #tpu.memory_space<vmem_shared>>)
        tpu.yield
      }) : () -> ()
      %add3A_287 = arith.constant 4 : i32
      %add3A_288 = arith.addi %add3A_264, %add3A_287 : i32
      %sub3A_289 = arith.constant 1 : i32
      %sub3A_290 = arith.subi %select_n3A_10, %sub3A_289 : i32
      %min3A_291 = arith.minsi %add3A_288, %sub3A_290 : i32
      %add3A_292 = arith.addi %select_n3A, %min3A_291 : i32
      %dma_start3A_293 = arith.constant 0 : i32
      %dma_start3A_294 = tpu.memref_slice %arg3[%add3A_292, %dma_start3A_293] : memref<2560x128xi32, #tpu.memory_space<hbm>> -> memref<1x128xi32, #tpu.memory_space<hbm>>
      %dma_start3A_295 = tpu.memref_squeeze %dma_start3A_294 : memref<1x128xi32, #tpu.memory_space<hbm>> -> memref<128xi32, #tpu.memory_space<hbm>>
      %dma_start3A_296 = arith.constant 0 : i32
      %dma_start3A_297 = tpu.memref_slice %arg3[%add3A_292, %dma_start3A_296] : memref<2560x128xi32, #tpu.memory_space<hbm>> -> memref<1x128xi32, #tpu.memory_space<hbm>>
      %dma_start3A_298 = tpu.memref_squeeze %dma_start3A_297 : memref<1x128xi32, #tpu.memory_space<hbm>> -> memref<128xi32, #tpu.memory_space<hbm>>
      tpu.enqueue_dma source(%dma_start3A_298 : memref<128xi32, #tpu.memory_space<hbm>>) target(%arg9 : memref<128xi32, #tpu.memory_space<vmem>>) target_semaphore(%arg19 : memref<!tpu.dma_semaphore, #tpu.memory_space<semaphore_mem>>)
      %dma_start3A_299 = arith.constant 0 : i32
      %dma_start3A_300 = tpu.memref_slice %arg4[%add3A_292, %dma_start3A_299] : memref<2560x128xi32, #tpu.memory_space<hbm>> -> memref<1x128xi32, #tpu.memory_space<hbm>>
      %dma_start3A_301 = tpu.memref_squeeze %dma_start3A_300 : memref<1x128xi32, #tpu.memory_space<hbm>> -> memref<128xi32, #tpu.memory_space<hbm>>
      %dma_start3A_302 = arith.constant 0 : i32
      %dma_start3A_303 = tpu.memref_slice %arg4[%add3A_292, %dma_start3A_302] : memref<2560x128xi32, #tpu.memory_space<hbm>> -> memref<1x128xi32, #tpu.memory_space<hbm>>
      %dma_start3A_304 = tpu.memref_squeeze %dma_start3A_303 : memref<1x128xi32, #tpu.memory_space<hbm>> -> memref<128xi32, #tpu.memory_space<hbm>>
      tpu.enqueue_dma source(%dma_start3A_304 : memref<128xi32, #tpu.memory_space<hbm>>) target(%arg13 : memref<128xi32, #tpu.memory_space<vmem>>) target_semaphore(%arg19 : memref<!tpu.dma_semaphore, #tpu.memory_space<semaphore_mem>>)
      %add3A_305 = arith.constant 3 : i32
      %add3A_306 = arith.addi %mul3A_178, %add3A_305 : i32
      %sub3A_307 = arith.constant 1 : i32
      %sub3A_308 = arith.subi %select_n3A_10, %sub3A_307 : i32
      %min3A_309 = arith.minsi %add3A_306, %sub3A_308 : i32
      %add3A_310 = arith.addi %select_n3A, %min3A_309 : i32
      %dma_wait3A_311 = arith.constant 0 : i32
      %dma_wait3A_312 = tpu.memref_slice %arg3[%add3A_310, %dma_wait3A_311] : memref<2560x128xi32, #tpu.memory_space<hbm>> -> memref<1x128xi32, #tpu.memory_space<hbm>>
      %dma_wait3A_313 = tpu.memref_squeeze %dma_wait3A_312 : memref<1x128xi32, #tpu.memory_space<hbm>> -> memref<128xi32, #tpu.memory_space<hbm>>
      %dma_wait3A_314 = arith.constant 0 : i32
      %dma_wait3A_315 = tpu.memref_slice %arg3[%add3A_310, %dma_wait3A_314] : memref<2560x128xi32, #tpu.memory_space<hbm>> -> memref<1x128xi32, #tpu.memory_space<hbm>>
      %dma_wait3A_316 = tpu.memref_squeeze %dma_wait3A_315 : memref<1x128xi32, #tpu.memory_space<hbm>> -> memref<128xi32, #tpu.memory_space<hbm>>
      tpu.wait_dma2 semaphore(%arg20 : memref<!tpu.dma_semaphore, #tpu.memory_space<semaphore_mem>>) src(%dma_wait3A_316 : memref<128xi32, #tpu.memory_space<hbm>>) dst(%arg10 : memref<128xi32, #tpu.memory_space<vmem>>)
      %dma_wait3A_317 = arith.constant 0 : i32
      %dma_wait3A_318 = tpu.memref_slice %arg4[%add3A_310, %dma_wait3A_317] : memref<2560x128xi32, #tpu.memory_space<hbm>> -> memref<1x128xi32, #tpu.memory_space<hbm>>
      %dma_wait3A_319 = tpu.memref_squeeze %dma_wait3A_318 : memref<1x128xi32, #tpu.memory_space<hbm>> -> memref<128xi32, #tpu.memory_space<hbm>>
      %dma_wait3A_320 = arith.constant 0 : i32
      %dma_wait3A_321 = tpu.memref_slice %arg4[%add3A_310, %dma_wait3A_320] : memref<2560x128xi32, #tpu.memory_space<hbm>> -> memref<1x128xi32, #tpu.memory_space<hbm>>
      %dma_wait3A_322 = tpu.memref_squeeze %dma_wait3A_321 : memref<1x128xi32, #tpu.memory_space<hbm>> -> memref<128xi32, #tpu.memory_space<hbm>>
      tpu.wait_dma2 semaphore(%arg20 : memref<!tpu.dma_semaphore, #tpu.memory_space<semaphore_mem>>) src(%dma_wait3A_322 : memref<128xi32, #tpu.memory_space<hbm>>) dst(%arg14 : memref<128xi32, #tpu.memory_space<vmem>>)
      %dma_start3A_323 = arith.constant 0 : i32
      %dma_start3A_324 = arith.constant 0 : i32
      %dma_start3A_325 = tpu.memref_slice %arg2[%dma_start3A_323, %dma_start3A_324] : memref<10000x128xf32, #tpu.memory_space<hbm>> -> memref<10000x128xf32, #tpu.memory_space<hbm>>
      tpu.enqueue_indirect_dma source(%dma_start3A_325 : memref<10000x128xf32, #tpu.memory_space<hbm>>) target(%arg15 : memref<128x128xf32, #tpu.memory_space<vmem>>) offsets(%arg10 : memref<128xi32, #tpu.memory_space<vmem>>) semaphore(%arg21 : memref<!tpu.dma_semaphore, #tpu.memory_space<semaphore_mem>>)
      %dma_wait3A_326 = arith.constant 0 : i32
      %dma_wait3A_327 = arith.constant 0 : i32
      %dma_wait3A_328 = tpu.memref_slice %arg2[%dma_wait3A_326, %dma_wait3A_327] : memref<10000x128xf32, #tpu.memory_space<hbm>> -> memref<10000x128xf32, #tpu.memory_space<hbm>>
      tpu.wait_indirect_dma semaphore(%arg21 : memref<!tpu.dma_semaphore, #tpu.memory_space<semaphore_mem>>) src(%dma_wait3A_328 : memref<10000x128xf32, #tpu.memory_space<hbm>>) dst(%arg15 : memref<128x128xf32, #tpu.memory_space<vmem>>)
      "tpu.region"() ({
        %run_scoped3A = tpu.sem_alloc : memref<!tpu.dma_semaphore, #tpu.memory_space<semaphore_mem>>
        %dma_start3A_347 = arith.constant 0 : i32
        %dma_start3A_348 = arith.constant 0 : i32
        %dma_start3A_349 = tpu.memref_slice %arg16[%dma_start3A_347, %dma_start3A_348] : memref<10112x128xf32, #tpu.memory_space<vmem_shared>> -> memref<10112x128xf32, #tpu.memory_space<vmem_shared>>
        tpu.enqueue_indirect_dma source(%arg15 : memref<128x128xf32, #tpu.memory_space<vmem>>) target(%dma_start3A_349 : memref<10112x128xf32, #tpu.memory_space<vmem_shared>>) offsets(%arg14 : memref<128xi32, #tpu.memory_space<vmem>>) semaphore(%run_scoped3A : memref<!tpu.dma_semaphore, #tpu.memory_space<semaphore_mem>>) {add = true}
        %dma_wait3A_350 = arith.constant 0 : i32
        %dma_wait3A_351 = arith.constant 0 : i32
        %dma_wait3A_352 = tpu.memref_slice %arg16[%dma_wait3A_350, %dma_wait3A_351] : memref<10112x128xf32, #tpu.memory_space<vmem_shared>> -> memref<10112x128xf32, #tpu.memory_space<vmem_shared>>
        tpu.wait_indirect_dma semaphore(%run_scoped3A : memref<!tpu.dma_semaphore, #tpu.memory_space<semaphore_mem>>) src(%arg15 : memref<128x128xf32, #tpu.memory_space<vmem>>) dst(%dma_wait3A_352 : memref<10112x128xf32, #tpu.memory_space<vmem_shared>>)
        tpu.yield
      }) : () -> ()
      %add3A_329 = arith.constant 4 : i32
      %add3A_330 = arith.addi %add3A_306, %add3A_329 : i32
      %sub3A_331 = arith.constant 1 : i32
      %sub3A_332 = arith.subi %select_n3A_10, %sub3A_331 : i32
      %min3A_333 = arith.minsi %add3A_330, %sub3A_332 : i32
      %add3A_334 = arith.addi %select_n3A, %min3A_333 : i32
      %dma_start3A_335 = arith.constant 0 : i32
      %dma_start3A_336 = tpu.memref_slice %arg3[%add3A_334, %dma_start3A_335] : memref<2560x128xi32, #tpu.memory_space<hbm>> -> memref<1x128xi32, #tpu.memory_space<hbm>>
      %dma_start3A_337 = tpu.memref_squeeze %dma_start3A_336 : memref<1x128xi32, #tpu.memory_space<hbm>> -> memref<128xi32, #tpu.memory_space<hbm>>
      %dma_start3A_338 = arith.constant 0 : i32
      %dma_start3A_339 = tpu.memref_slice %arg3[%add3A_334, %dma_start3A_338] : memref<2560x128xi32, #tpu.memory_space<hbm>> -> memref<1x128xi32, #tpu.memory_space<hbm>>
      %dma_start3A_340 = tpu.memref_squeeze %dma_start3A_339 : memref<1x128xi32, #tpu.memory_space<hbm>> -> memref<128xi32, #tpu.memory_space<hbm>>
      tpu.enqueue_dma source(%dma_start3A_340 : memref<128xi32, #tpu.memory_space<hbm>>) target(%arg10 : memref<128xi32, #tpu.memory_space<vmem>>) target_semaphore(%arg20 : memref<!tpu.dma_semaphore, #tpu.memory_space<semaphore_mem>>)
      %dma_start3A_341 = arith.constant 0 : i32
      %dma_start3A_342 = tpu.memref_slice %arg4[%add3A_334, %dma_start3A_341] : memref<2560x128xi32, #tpu.memory_space<hbm>> -> memref<1x128xi32, #tpu.memory_space<hbm>>
      %dma_start3A_343 = tpu.memref_squeeze %dma_start3A_342 : memref<1x128xi32, #tpu.memory_space<hbm>> -> memref<128xi32, #tpu.memory_space<hbm>>
      %dma_start3A_344 = arith.constant 0 : i32
      %dma_start3A_345 = tpu.memref_slice %arg4[%add3A_334, %dma_start3A_344] : memref<2560x128xi32, #tpu.memory_space<hbm>> -> memref<1x128xi32, #tpu.memory_space<hbm>>
      %dma_start3A_346 = tpu.memref_squeeze %dma_start3A_345 : memref<1x128xi32, #tpu.memory_space<hbm>> -> memref<128xi32, #tpu.memory_space<hbm>>
      tpu.enqueue_dma source(%dma_start3A_346 : memref<128xi32, #tpu.memory_space<hbm>>) target(%arg14 : memref<128xi32, #tpu.memory_space<vmem>>) target_semaphore(%arg20 : memref<!tpu.dma_semaphore, #tpu.memory_space<semaphore_mem>>)
    }
    %add3A_104 = arith.constant 0 : i32
    %add3A_105 = arith.addi %select_n3A_10, %add3A_104 : i32
    %sub3A_106 = arith.constant 1 : i32
    %sub3A_107 = arith.subi %select_n3A_10, %sub3A_106 : i32
    %min3A_108 = arith.minsi %add3A_105, %sub3A_107 : i32
    %add3A_109 = arith.addi %select_n3A, %min3A_108 : i32
    %dma_wait3A = arith.constant 0 : i32
    %dma_wait3A_110 = tpu.memref_slice %arg3[%add3A_109, %dma_wait3A] : memref<2560x128xi32, #tpu.memory_space<hbm>> -> memref<1x128xi32, #tpu.memory_space<hbm>>
    %dma_wait3A_111 = tpu.memref_squeeze %dma_wait3A_110 : memref<1x128xi32, #tpu.memory_space<hbm>> -> memref<128xi32, #tpu.memory_space<hbm>>
    %dma_wait3A_112 = arith.constant 0 : i32
    %dma_wait3A_113 = tpu.memref_slice %arg3[%add3A_109, %dma_wait3A_112] : memref<2560x128xi32, #tpu.memory_space<hbm>> -> memref<1x128xi32, #tpu.memory_space<hbm>>
    %dma_wait3A_114 = tpu.memref_squeeze %dma_wait3A_113 : memref<1x128xi32, #tpu.memory_space<hbm>> -> memref<128xi32, #tpu.memory_space<hbm>>
    tpu.wait_dma2 semaphore(%arg17 : memref<!tpu.dma_semaphore, #tpu.memory_space<semaphore_mem>>) src(%dma_wait3A_114 : memref<128xi32, #tpu.memory_space<hbm>>) dst(%arg7 : memref<128xi32, #tpu.memory_space<vmem>>)
    %dma_wait3A_115 = arith.constant 0 : i32
    %dma_wait3A_116 = tpu.memref_slice %arg4[%add3A_109, %dma_wait3A_115] : memref<2560x128xi32, #tpu.memory_space<hbm>> -> memref<1x128xi32, #tpu.memory_space<hbm>>
    %dma_wait3A_117 = tpu.memref_squeeze %dma_wait3A_116 : memref<1x128xi32, #tpu.memory_space<hbm>> -> memref<128xi32, #tpu.memory_space<hbm>>
    %dma_wait3A_118 = arith.constant 0 : i32
    %dma_wait3A_119 = tpu.memref_slice %arg4[%add3A_109, %dma_wait3A_118] : memref<2560x128xi32, #tpu.memory_space<hbm>> -> memref<1x128xi32, #tpu.memory_space<hbm>>
    %dma_wait3A_120 = tpu.memref_squeeze %dma_wait3A_119 : memref<1x128xi32, #tpu.memory_space<hbm>> -> memref<128xi32, #tpu.memory_space<hbm>>
    tpu.wait_dma2 semaphore(%arg17 : memref<!tpu.dma_semaphore, #tpu.memory_space<semaphore_mem>>) src(%dma_wait3A_120 : memref<128xi32, #tpu.memory_space<hbm>>) dst(%arg11 : memref<128xi32, #tpu.memory_space<vmem>>)
    %add3A_121 = arith.constant 1 : i32
    %add3A_122 = arith.addi %select_n3A_10, %add3A_121 : i32
    %sub3A_123 = arith.constant 1 : i32
    %sub3A_124 = arith.subi %select_n3A_10, %sub3A_123 : i32
    %min3A_125 = arith.minsi %add3A_122, %sub3A_124 : i32
    %add3A_126 = arith.addi %select_n3A, %min3A_125 : i32
    %dma_wait3A_127 = arith.constant 0 : i32
    %dma_wait3A_128 = tpu.memref_slice %arg3[%add3A_126, %dma_wait3A_127] : memref<2560x128xi32, #tpu.memory_space<hbm>> -> memref<1x128xi32, #tpu.memory_space<hbm>>
    %dma_wait3A_129 = tpu.memref_squeeze %dma_wait3A_128 : memref<1x128xi32, #tpu.memory_space<hbm>> -> memref<128xi32, #tpu.memory_space<hbm>>
    %dma_wait3A_130 = arith.constant 0 : i32
    %dma_wait3A_131 = tpu.memref_slice %arg3[%add3A_126, %dma_wait3A_130] : memref<2560x128xi32, #tpu.memory_space<hbm>> -> memref<1x128xi32, #tpu.memory_space<hbm>>
    %dma_wait3A_132 = tpu.memref_squeeze %dma_wait3A_131 : memref<1x128xi32, #tpu.memory_space<hbm>> -> memref<128xi32, #tpu.memory_space<hbm>>
    tpu.wait_dma2 semaphore(%arg18 : memref<!tpu.dma_semaphore, #tpu.memory_space<semaphore_mem>>) src(%dma_wait3A_132 : memref<128xi32, #tpu.memory_space<hbm>>) dst(%arg8 : memref<128xi32, #tpu.memory_space<vmem>>)
    %dma_wait3A_133 = arith.constant 0 : i32
    %dma_wait3A_134 = tpu.memref_slice %arg4[%add3A_126, %dma_wait3A_133] : memref<2560x128xi32, #tpu.memory_space<hbm>> -> memref<1x128xi32, #tpu.memory_space<hbm>>
    %dma_wait3A_135 = tpu.memref_squeeze %dma_wait3A_134 : memref<1x128xi32, #tpu.memory_space<hbm>> -> memref<128xi32, #tpu.memory_space<hbm>>
    %dma_wait3A_136 = arith.constant 0 : i32
    %dma_wait3A_137 = tpu.memref_slice %arg4[%add3A_126, %dma_wait3A_136] : memref<2560x128xi32, #tpu.memory_space<hbm>> -> memref<1x128xi32, #tpu.memory_space<hbm>>
    %dma_wait3A_138 = tpu.memref_squeeze %dma_wait3A_137 : memref<1x128xi32, #tpu.memory_space<hbm>> -> memref<128xi32, #tpu.memory_space<hbm>>
    tpu.wait_dma2 semaphore(%arg18 : memref<!tpu.dma_semaphore, #tpu.memory_space<semaphore_mem>>) src(%dma_wait3A_138 : memref<128xi32, #tpu.memory_space<hbm>>) dst(%arg12 : memref<128xi32, #tpu.memory_space<vmem>>)
    %add3A_139 = arith.constant 2 : i32
    %add3A_140 = arith.addi %select_n3A_10, %add3A_139 : i32
    %sub3A_141 = arith.constant 1 : i32
    %sub3A_142 = arith.subi %select_n3A_10, %sub3A_141 : i32
    %min3A_143 = arith.minsi %add3A_140, %sub3A_142 : i32
    %add3A_144 = arith.addi %select_n3A, %min3A_143 : i32
    %dma_wait3A_145 = arith.constant 0 : i32
    %dma_wait3A_146 = tpu.memref_slice %arg3[%add3A_144, %dma_wait3A_145] : memref<2560x128xi32, #tpu.memory_space<hbm>> -> memref<1x128xi32, #tpu.memory_space<hbm>>
    %dma_wait3A_147 = tpu.memref_squeeze %dma_wait3A_146 : memref<1x128xi32, #tpu.memory_space<hbm>> -> memref<128xi32, #tpu.memory_space<hbm>>
    %dma_wait3A_148 = arith.constant 0 : i32
    %dma_wait3A_149 = tpu.memref_slice %arg3[%add3A_144, %dma_wait3A_148] : memref<2560x128xi32, #tpu.memory_space<hbm>> -> memref<1x128xi32, #tpu.memory_space<hbm>>
    %dma_wait3A_150 = tpu.memref_squeeze %dma_wait3A_149 : memref<1x128xi32, #tpu.memory_space<hbm>> -> memref<128xi32, #tpu.memory_space<hbm>>
    tpu.wait_dma2 semaphore(%arg19 : memref<!tpu.dma_semaphore, #tpu.memory_space<semaphore_mem>>) src(%dma_wait3A_150 : memref<128xi32, #tpu.memory_space<hbm>>) dst(%arg9 : memref<128xi32, #tpu.memory_space<vmem>>)
    %dma_wait3A_151 = arith.constant 0 : i32
    %dma_wait3A_152 = tpu.memref_slice %arg4[%add3A_144, %dma_wait3A_151] : memref<2560x128xi32, #tpu.memory_space<hbm>> -> memref<1x128xi32, #tpu.memory_space<hbm>>
    %dma_wait3A_153 = tpu.memref_squeeze %dma_wait3A_152 : memref<1x128xi32, #tpu.memory_space<hbm>> -> memref<128xi32, #tpu.memory_space<hbm>>
    %dma_wait3A_154 = arith.constant 0 : i32
    %dma_wait3A_155 = tpu.memref_slice %arg4[%add3A_144, %dma_wait3A_154] : memref<2560x128xi32, #tpu.memory_space<hbm>> -> memref<1x128xi32, #tpu.memory_space<hbm>>
    %dma_wait3A_156 = tpu.memref_squeeze %dma_wait3A_155 : memref<1x128xi32, #tpu.memory_space<hbm>> -> memref<128xi32, #tpu.memory_space<hbm>>
    tpu.wait_dma2 semaphore(%arg19 : memref<!tpu.dma_semaphore, #tpu.memory_space<semaphore_mem>>) src(%dma_wait3A_156 : memref<128xi32, #tpu.memory_space<hbm>>) dst(%arg13 : memref<128xi32, #tpu.memory_space<vmem>>)
    %add3A_157 = arith.constant 3 : i32
    %add3A_158 = arith.addi %select_n3A_10, %add3A_157 : i32
    %sub3A_159 = arith.constant 1 : i32
    %sub3A_160 = arith.subi %select_n3A_10, %sub3A_159 : i32
    %min3A_161 = arith.minsi %add3A_158, %sub3A_160 : i32
    %add3A_162 = arith.addi %select_n3A, %min3A_161 : i32
    %dma_wait3A_163 = arith.constant 0 : i32
    %dma_wait3A_164 = tpu.memref_slice %arg3[%add3A_162, %dma_wait3A_163] : memref<2560x128xi32, #tpu.memory_space<hbm>> -> memref<1x128xi32, #tpu.memory_space<hbm>>
    %dma_wait3A_165 = tpu.memref_squeeze %dma_wait3A_164 : memref<1x128xi32, #tpu.memory_space<hbm>> -> memref<128xi32, #tpu.memory_space<hbm>>
    %dma_wait3A_166 = arith.constant 0 : i32
    %dma_wait3A_167 = tpu.memref_slice %arg3[%add3A_162, %dma_wait3A_166] : memref<2560x128xi32, #tpu.memory_space<hbm>> -> memref<1x128xi32, #tpu.memory_space<hbm>>
    %dma_wait3A_168 = tpu.memref_squeeze %dma_wait3A_167 : memref<1x128xi32, #tpu.memory_space<hbm>> -> memref<128xi32, #tpu.memory_space<hbm>>
    tpu.wait_dma2 semaphore(%arg20 : memref<!tpu.dma_semaphore, #tpu.memory_space<semaphore_mem>>) src(%dma_wait3A_168 : memref<128xi32, #tpu.memory_space<hbm>>) dst(%arg10 : memref<128xi32, #tpu.memory_space<vmem>>)
    %dma_wait3A_169 = arith.constant 0 : i32
    %dma_wait3A_170 = tpu.memref_slice %arg4[%add3A_162, %dma_wait3A_169] : memref<2560x128xi32, #tpu.memory_space<hbm>> -> memref<1x128xi32, #tpu.memory_space<hbm>>
    %dma_wait3A_171 = tpu.memref_squeeze %dma_wait3A_170 : memref<1x128xi32, #tpu.memory_space<hbm>> -> memref<128xi32, #tpu.memory_space<hbm>>
    %dma_wait3A_172 = arith.constant 0 : i32
    %dma_wait3A_173 = tpu.memref_slice %arg4[%add3A_162, %dma_wait3A_172] : memref<2560x128xi32, #tpu.memory_space<hbm>> -> memref<1x128xi32, #tpu.memory_space<hbm>>
    %dma_wait3A_174 = tpu.memref_squeeze %dma_wait3A_173 : memref<1x128xi32, #tpu.memory_space<hbm>> -> memref<128xi32, #tpu.memory_space<hbm>>
    tpu.wait_dma2 semaphore(%arg20 : memref<!tpu.dma_semaphore, #tpu.memory_space<semaphore_mem>>) src(%dma_wait3A_174 : memref<128xi32, #tpu.memory_space<hbm>>) dst(%arg14 : memref<128xi32, #tpu.memory_space<vmem>>)
    %barrier3A_175 = arith.constant 0 : index
    tpu.barrier barrier_id(%barrier3A_175)
    "tpu.region"() ({
      %run_scoped3A = tpu.sem_alloc : memref<!tpu.dma_semaphore, #tpu.memory_space<semaphore_mem>>
      %dma_start3A_176 = arith.constant 0 : i32
      %dma_start3A_177 = tpu.memref_slice %arg6[%arg0, %mul3A_0, %dma_start3A_176] : memref<2x10112x128xf32, #tpu.memory_space<hbm>> -> memref<1x632x128xf32, #tpu.memory_space<hbm>>
      %dma_start3A_178 = tpu.memref_squeeze %dma_start3A_177 : memref<1x632x128xf32, #tpu.memory_space<hbm>> -> memref<632x128xf32, #tpu.memory_space<hbm>>
      %dma_start3A_179 = arith.constant 0 : i32
      %dma_start3A_180 = tpu.memref_slice %arg16[%mul3A_0, %dma_start3A_179] : memref<10112x128xf32, #tpu.memory_space<vmem_shared>> -> memref<632x128xf32, #tpu.memory_space<vmem_shared>>
      tpu.enqueue_dma source(%dma_start3A_180 : memref<632x128xf32, #tpu.memory_space<vmem_shared>>) target(%dma_start3A_178 : memref<632x128xf32, #tpu.memory_space<hbm>>) target_semaphore(%run_scoped3A : memref<!tpu.dma_semaphore, #tpu.memory_space<semaphore_mem>>)
      %dma_wait3A_181 = arith.constant 0 : i32
      %dma_wait3A_182 = tpu.memref_slice %arg6[%arg0, %mul3A_0, %dma_wait3A_181] : memref<2x10112x128xf32, #tpu.memory_space<hbm>> -> memref<1x632x128xf32, #tpu.memory_space<hbm>>
      %dma_wait3A_183 = tpu.memref_squeeze %dma_wait3A_182 : memref<1x632x128xf32, #tpu.memory_space<hbm>> -> memref<632x128xf32, #tpu.memory_space<hbm>>
      %dma_wait3A_184 = arith.constant 0 : i32
      %dma_wait3A_185 = tpu.memref_slice %arg16[%mul3A_0, %dma_wait3A_184] : memref<10112x128xf32, #tpu.memory_space<vmem_shared>> -> memref<632x128xf32, #tpu.memory_space<vmem_shared>>
      tpu.wait_dma2 semaphore(%run_scoped3A : memref<!tpu.dma_semaphore, #tpu.memory_space<semaphore_mem>>) src(%dma_wait3A_185 : memref<632x128xf32, #tpu.memory_space<vmem_shared>>) dst(%dma_wait3A_183 : memref<632x128xf32, #tpu.memory_space<hbm>>)
      tpu.yield
    }) : () -> ()
    return
  }
}

module attributes {stable_mosaic.version = 14 : i64} {
  func.func @body(%arg0: i32, %arg1: memref<2x1000x128xf32, #tpu.memory_space<vmem>>, %arg2: memref<2x1000x128xf32, #tpu.memory_space<vmem>>, %arg3: memref<1000x128xf32, #tpu.memory_space<vmem>>, %arg4: memref<128x128xf32, #tpu.memory_space<vmem>>, %arg5: memref<16x128xf32, #tpu.memory_space<vmem>>, %arg6: memref<128x128xf32, #tpu.memory_space<vmem>>, %arg7: memref<128xf32, #tpu.memory_space<vmem>>, %arg8: memref<1000x128xf32, #tpu.memory_space<vmem>>) attributes {dimension_semantics = [#tpu.dimension_semantics<arbitrary>], iteration_bounds = array<i64: 10>, scalar_prefetch = 0 : i64, scratch_operands = 0 : i64, tpu.core_type = #tpu.core_type<tc>, window_params = [{transform_indices = @transform_0, window_bounds = array<i64: 2, 1000, 128>}, {transform_indices = @transform_1, window_bounds = array<i64: 2, 1000, 128>}, {transform_indices = @transform_2, window_bounds = array<i64: 1000, 128>}, {pipeline_mode = #tpu.pipeline_mode<synchronous>, transform_indices = @transform_3, window_bounds = array<i64: 128, 128>}, {pipeline_mode = #tpu.pipeline_mode<synchronous>, transform_indices = @transform_4, window_bounds = array<i64: 16, 128>}, {pipeline_mode = #tpu.pipeline_mode<synchronous>, transform_indices = @transform_5, window_bounds = array<i64: 128, 128>}, {pipeline_mode = #tpu.pipeline_mode<synchronous>, transform_indices = @transform_6, window_bounds = array<i64: 128>}, {transform_indices = @transform_7, window_bounds = array<i64: 1000, 128>}]} {
    %get3A = arith.constant 0 : index
    %get3A_0 = arith.constant 0 : index
    %get3A_1 = arith.constant 0 : index
    %get3A_2 = vector.load %arg1[%get3A, %get3A_0, %get3A_1] : memref<2x1000x128xf32, #tpu.memory_space<vmem>>, vector<1x1000x128xf32>
    %get3A_3 = vector.shape_cast %get3A_2 : vector<1x1000x128xf32> to vector<1000x128xf32>
    %get3A_4 = arith.constant 1 : index
    %get3A_5 = arith.constant 0 : index
    %get3A_6 = arith.constant 0 : index
    %get3A_7 = vector.load %arg1[%get3A_4, %get3A_5, %get3A_6] : memref<2x1000x128xf32, #tpu.memory_space<vmem>>, vector<1x1000x128xf32>
    %get3A_8 = vector.shape_cast %get3A_7 : vector<1x1000x128xf32> to vector<1000x128xf32>
    %add3A = arith.addf %get3A_3, %get3A_8 : vector<1000x128xf32>
    %get3A_9 = arith.constant 0 : index
    %get3A_10 = arith.constant 0 : index
    %get3A_11 = arith.constant 0 : index
    %get3A_12 = vector.load %arg2[%get3A_9, %get3A_10, %get3A_11] : memref<2x1000x128xf32, #tpu.memory_space<vmem>>, vector<1x1000x128xf32>
    %get3A_13 = vector.shape_cast %get3A_12 : vector<1x1000x128xf32> to vector<1000x128xf32>
    %get3A_14 = arith.constant 1 : index
    %get3A_15 = arith.constant 0 : index
    %get3A_16 = arith.constant 0 : index
    %get3A_17 = vector.load %arg2[%get3A_14, %get3A_15, %get3A_16] : memref<2x1000x128xf32, #tpu.memory_space<vmem>>, vector<1x1000x128xf32>
    %get3A_18 = vector.shape_cast %get3A_17 : vector<1x1000x128xf32> to vector<1000x128xf32>
    %add3A_19 = arith.addf %get3A_13, %get3A_18 : vector<1000x128xf32>
    %slice3A = vector.extract_strided_slice %add3A_19 {offsets = [0, 16], sizes = [1000, 1], strides = [1, 1]} : vector<1000x128xf32> to vector<1000x1xf32>
    %max3A = arith.constant 1.000000e+00 : f32
    %max3A_20 = vector.broadcast %max3A : f32 to vector<1000x1xf32>
    %max3A_21 = arith.maximumf %slice3A, %max3A_20 : vector<1000x1xf32>
    %div3A = arith.constant 1.000000e+00 : f32
    %div3A_22 = vector.broadcast %div3A : f32 to vector<1000x1xf32>
    %div3A_23 = arith.divf %div3A_22, %max3A_21 : vector<1000x1xf32>
    %mul3A = vector.broadcast %div3A_23 : vector<1000x1xf32> to vector<1000x128xf32>
    %mul3A_24 = arith.mulf %add3A, %mul3A : vector<1000x128xf32>
    %get3A_25 = arith.constant 0 : index
    %get3A_26 = arith.constant 0 : index
    %get3A_27 = vector.load %arg4[%get3A_25, %get3A_26] : memref<128x128xf32, #tpu.memory_space<vmem>>, vector<128x128xf32>
    %dot_general3A = arith.constant dense<0.000000e+00> : vector<1000x128xf32>
    %dot_general3A_28 = tpu.matmul %mul3A_24, %get3A_27, %dot_general3A {dimension_numbers = #tpu.dot_dimension_numbers<[1], [0], [0], [1], [0, 0, 1, 1], [], []>, precision = #tpu.contract_precision<fp32>, transpose_lhs_hint = false} : vector<1000x128xf32>, vector<128x128xf32>, vector<1000x128xf32> -> vector<1000x128xf32>
    %slice3A_29 = vector.extract_strided_slice %add3A_19 {offsets = [0, 0], sizes = [1000, 16], strides = [1, 1]} : vector<1000x128xf32> to vector<1000x16xf32>
    %mul3A_30 = vector.broadcast %div3A_23 : vector<1000x1xf32> to vector<1000x16xf32>
    %mul3A_31 = arith.mulf %slice3A_29, %mul3A_30 : vector<1000x16xf32>
    %get3A_32 = arith.constant 0 : index
    %get3A_33 = arith.constant 0 : index
    %get3A_34 = vector.load %arg5[%get3A_32, %get3A_33] : memref<16x128xf32, #tpu.memory_space<vmem>>, vector<16x128xf32>
    %dot_general3A_35 = arith.constant dense<0.000000e+00> : vector<1000x128xf32>
    %dot_general3A_36 = tpu.matmul %mul3A_31, %get3A_34, %dot_general3A_35 {dimension_numbers = #tpu.dot_dimension_numbers<[1], [0], [0], [1], [0, 0, 1, 1], [], []>, precision = #tpu.contract_precision<fp32>, transpose_lhs_hint = false} : vector<1000x16xf32>, vector<16x128xf32>, vector<1000x128xf32> -> vector<1000x128xf32>
    %add3A_37 = arith.addf %dot_general3A_28, %dot_general3A_36 : vector<1000x128xf32>
    %get3A_38 = arith.constant 0 : index
    %get3A_39 = arith.constant 0 : index
    %get3A_40 = vector.load %arg3[%get3A_38, %get3A_39] : memref<1000x128xf32, #tpu.memory_space<vmem>>, vector<1000x128xf32>
    %get3A_41 = arith.constant 0 : index
    %get3A_42 = arith.constant 0 : index
    %get3A_43 = vector.load %arg6[%get3A_41, %get3A_42] : memref<128x128xf32, #tpu.memory_space<vmem>>, vector<128x128xf32>
    %dot_general3A_44 = arith.constant dense<0.000000e+00> : vector<1000x128xf32>
    %dot_general3A_45 = tpu.matmul %get3A_40, %get3A_43, %dot_general3A_44 {dimension_numbers = #tpu.dot_dimension_numbers<[1], [0], [0], [1], [0, 0, 1, 1], [], []>, precision = #tpu.contract_precision<fp32>, transpose_lhs_hint = false} : vector<1000x128xf32>, vector<128x128xf32>, vector<1000x128xf32> -> vector<1000x128xf32>
    %add3A_46 = arith.addf %add3A_37, %dot_general3A_45 : vector<1000x128xf32>
    %get3A_47 = arith.constant 0 : index
    %get3A_48 = vector.load %arg7[%get3A_47] : memref<128xf32, #tpu.memory_space<vmem>>, vector<128xf32>
    %broadcast_in_dim3A = vector.shape_cast %get3A_48 : vector<128xf32> to vector<1x128xf32>
    %add3A_49 = vector.broadcast %broadcast_in_dim3A : vector<1x128xf32> to vector<1000x128xf32>
    %add3A_50 = arith.addf %add3A_46, %add3A_49 : vector<1000x128xf32>
    %max3A_51 = arith.constant 0.000000e+00 : f32
    %max3A_52 = vector.broadcast %max3A_51 : f32 to vector<1000x128xf32>
    %max3A_53 = arith.maximumf %add3A_50, %max3A_52 : vector<1000x128xf32>
    %swap3A = arith.constant 0 : index
    %swap3A_54 = arith.constant 0 : index
    %swap3A_55 = vector.load %arg8[%swap3A, %swap3A_54] : memref<1000x128xf32, #tpu.memory_space<vmem>>, vector<1000x128xf32>
    tpu.vector_store %arg8[%swap3A, %swap3A_54], %max3A_53 {strides = array<i32>} : memref<1000x128xf32, #tpu.memory_space<vmem>>, vector<1000x128xf32>,
    return
  }
  func.func @transform_0(%arg0: i32) -> (i32, i32, i32) {
    %c0_i32 = arith.constant 0 : i32
    %c0_i32_0 = arith.constant 0 : i32
    %c0_i32_1 = arith.constant 0 : i32
    return %c0_i32, %arg0, %c0_i32_0 : i32, i32, i32
  }
  func.func @transform_1(%arg0: i32) -> (i32, i32, i32) {
    %c0_i32 = arith.constant 0 : i32
    %c0_i32_0 = arith.constant 0 : i32
    %c0_i32_1 = arith.constant 0 : i32
    return %c0_i32, %arg0, %c0_i32_0 : i32, i32, i32
  }
  func.func @transform_2(%arg0: i32) -> (i32, i32) {
    %c0_i32 = arith.constant 0 : i32
    %c0_i32_0 = arith.constant 0 : i32
    return %arg0, %c0_i32 : i32, i32
  }
  func.func @transform_3(%arg0: i32) -> (i32, i32) {
    %c0_i32 = arith.constant 0 : i32
    %c0_i32_0 = arith.constant 0 : i32
    %c0_i32_1 = arith.constant 0 : i32
    return %c0_i32, %c0_i32_0 : i32, i32
  }
  func.func @transform_4(%arg0: i32) -> (i32, i32) {
    %c0_i32 = arith.constant 0 : i32
    %c0_i32_0 = arith.constant 0 : i32
    %c0_i32_1 = arith.constant 0 : i32
    return %c0_i32, %c0_i32_0 : i32, i32
  }
  func.func @transform_5(%arg0: i32) -> (i32, i32) {
    %c0_i32 = arith.constant 0 : i32
    %c0_i32_0 = arith.constant 0 : i32
    %c0_i32_1 = arith.constant 0 : i32
    return %c0_i32, %c0_i32_0 : i32, i32
  }
  func.func @transform_6(%arg0: i32) -> i32 {
    %c0_i32 = arith.constant 0 : i32
    %c0_i32_0 = arith.constant 0 : i32
    return %c0_i32 : i32
  }
  func.func @transform_7(%arg0: i32) -> (i32, i32) {
    %c0_i32 = arith.constant 0 : i32
    %c0_i32_0 = arith.constant 0 : i32
    return %arg0, %c0_i32 : i32, i32
  }
}

module attributes {stable_mosaic.version = 14 : i64} {
  func.func @body(%arg0: i32, %arg1: memref<2x1000x128xf32, #tpu.memory_space<vmem>>, %arg2: memref<2x1000x128xf32, #tpu.memory_space<vmem>>, %arg3: memref<1000x128xf32, #tpu.memory_space<vmem>>, %arg4: memref<128x128xf32, #tpu.memory_space<vmem>>, %arg5: memref<16x128xf32, #tpu.memory_space<vmem>>, %arg6: memref<128x128xf32, #tpu.memory_space<vmem>>, %arg7: memref<128xf32, #tpu.memory_space<vmem>>, %arg8: memref<64x64xf32, #tpu.memory_space<vmem>>, %arg9: memref<64xf32, #tpu.memory_space<vmem>>, %arg10: memref<64x1xf32, #tpu.memory_space<vmem>>, %arg11: memref<1000x64xf32, #tpu.memory_space<vmem>>) attributes {dimension_semantics = [#tpu.dimension_semantics<arbitrary>], iteration_bounds = array<i64: 10>, scalar_prefetch = 0 : i64, scratch_operands = 0 : i64, tpu.core_type = #tpu.core_type<tc>, window_params = [{transform_indices = @transform_0, window_bounds = array<i64: 2, 1000, 128>}, {transform_indices = @transform_1, window_bounds = array<i64: 2, 1000, 128>}, {transform_indices = @transform_2, window_bounds = array<i64: 1000, 128>}, {pipeline_mode = #tpu.pipeline_mode<synchronous>, transform_indices = @transform_3, window_bounds = array<i64: 128, 128>}, {pipeline_mode = #tpu.pipeline_mode<synchronous>, transform_indices = @transform_4, window_bounds = array<i64: 16, 128>}, {pipeline_mode = #tpu.pipeline_mode<synchronous>, transform_indices = @transform_5, window_bounds = array<i64: 128, 128>}, {pipeline_mode = #tpu.pipeline_mode<synchronous>, transform_indices = @transform_6, window_bounds = array<i64: 128>}, {pipeline_mode = #tpu.pipeline_mode<synchronous>, transform_indices = @transform_7, window_bounds = array<i64: 64, 64>}, {pipeline_mode = #tpu.pipeline_mode<synchronous>, transform_indices = @transform_8, window_bounds = array<i64: 64>}, {pipeline_mode = #tpu.pipeline_mode<synchronous>, transform_indices = @transform_9, window_bounds = array<i64: 64, 1>}, {transform_indices = @transform_10, window_bounds = array<i64: 1000, 64>}]} {
    %get3A = arith.constant 0 : index
    %get3A_0 = arith.constant 0 : index
    %get3A_1 = arith.constant 0 : index
    %get3A_2 = vector.load %arg1[%get3A, %get3A_0, %get3A_1] : memref<2x1000x128xf32, #tpu.memory_space<vmem>>, vector<1x1000x128xf32>
    %get3A_3 = vector.shape_cast %get3A_2 : vector<1x1000x128xf32> to vector<1000x128xf32>
    %get3A_4 = arith.constant 1 : index
    %get3A_5 = arith.constant 0 : index
    %get3A_6 = arith.constant 0 : index
    %get3A_7 = vector.load %arg1[%get3A_4, %get3A_5, %get3A_6] : memref<2x1000x128xf32, #tpu.memory_space<vmem>>, vector<1x1000x128xf32>
    %get3A_8 = vector.shape_cast %get3A_7 : vector<1x1000x128xf32> to vector<1000x128xf32>
    %add3A = arith.addf %get3A_3, %get3A_8 : vector<1000x128xf32>
    %get3A_9 = arith.constant 0 : index
    %get3A_10 = arith.constant 0 : index
    %get3A_11 = arith.constant 0 : index
    %get3A_12 = vector.load %arg2[%get3A_9, %get3A_10, %get3A_11] : memref<2x1000x128xf32, #tpu.memory_space<vmem>>, vector<1x1000x128xf32>
    %get3A_13 = vector.shape_cast %get3A_12 : vector<1x1000x128xf32> to vector<1000x128xf32>
    %get3A_14 = arith.constant 1 : index
    %get3A_15 = arith.constant 0 : index
    %get3A_16 = arith.constant 0 : index
    %get3A_17 = vector.load %arg2[%get3A_14, %get3A_15, %get3A_16] : memref<2x1000x128xf32, #tpu.memory_space<vmem>>, vector<1x1000x128xf32>
    %get3A_18 = vector.shape_cast %get3A_17 : vector<1x1000x128xf32> to vector<1000x128xf32>
    %add3A_19 = arith.addf %get3A_13, %get3A_18 : vector<1000x128xf32>
    %slice3A = vector.extract_strided_slice %add3A_19 {offsets = [0, 16], sizes = [1000, 1], strides = [1, 1]} : vector<1000x128xf32> to vector<1000x1xf32>
    %max3A = arith.constant 1.000000e+00 : f32
    %max3A_20 = vector.broadcast %max3A : f32 to vector<1000x1xf32>
    %max3A_21 = arith.maximumf %slice3A, %max3A_20 : vector<1000x1xf32>
    %div3A = arith.constant 1.000000e+00 : f32
    %div3A_22 = vector.broadcast %div3A : f32 to vector<1000x1xf32>
    %div3A_23 = arith.divf %div3A_22, %max3A_21 : vector<1000x1xf32>
    %mul3A = vector.broadcast %div3A_23 : vector<1000x1xf32> to vector<1000x128xf32>
    %mul3A_24 = arith.mulf %add3A, %mul3A : vector<1000x128xf32>
    %get3A_25 = arith.constant 0 : index
    %get3A_26 = arith.constant 0 : index
    %get3A_27 = vector.load %arg4[%get3A_25, %get3A_26] : memref<128x128xf32, #tpu.memory_space<vmem>>, vector<128x128xf32>
    %dot_general3A = arith.constant dense<0.000000e+00> : vector<1000x128xf32>
    %dot_general3A_28 = tpu.matmul %mul3A_24, %get3A_27, %dot_general3A {dimension_numbers = #tpu.dot_dimension_numbers<[1], [0], [0], [1], [0, 0, 1, 1], [], []>, precision = #tpu.contract_precision<fp32>, transpose_lhs_hint = false} : vector<1000x128xf32>, vector<128x128xf32>, vector<1000x128xf32> -> vector<1000x128xf32>
    %slice3A_29 = vector.extract_strided_slice %add3A_19 {offsets = [0, 0], sizes = [1000, 16], strides = [1, 1]} : vector<1000x128xf32> to vector<1000x16xf32>
    %mul3A_30 = vector.broadcast %div3A_23 : vector<1000x1xf32> to vector<1000x16xf32>
    %mul3A_31 = arith.mulf %slice3A_29, %mul3A_30 : vector<1000x16xf32>
    %get3A_32 = arith.constant 0 : index
    %get3A_33 = arith.constant 0 : index
    %get3A_34 = vector.load %arg5[%get3A_32, %get3A_33] : memref<16x128xf32, #tpu.memory_space<vmem>>, vector<16x128xf32>
    %dot_general3A_35 = arith.constant dense<0.000000e+00> : vector<1000x128xf32>
    %dot_general3A_36 = tpu.matmul %mul3A_31, %get3A_34, %dot_general3A_35 {dimension_numbers = #tpu.dot_dimension_numbers<[1], [0], [0], [1], [0, 0, 1, 1], [], []>, precision = #tpu.contract_precision<fp32>, transpose_lhs_hint = false} : vector<1000x16xf32>, vector<16x128xf32>, vector<1000x128xf32> -> vector<1000x128xf32>
    %add3A_37 = arith.addf %dot_general3A_28, %dot_general3A_36 : vector<1000x128xf32>
    %get3A_38 = arith.constant 0 : index
    %get3A_39 = arith.constant 0 : index
    %get3A_40 = vector.load %arg3[%get3A_38, %get3A_39] : memref<1000x128xf32, #tpu.memory_space<vmem>>, vector<1000x128xf32>
    %get3A_41 = arith.constant 0 : index
    %get3A_42 = arith.constant 0 : index
    %get3A_43 = vector.load %arg6[%get3A_41, %get3A_42] : memref<128x128xf32, #tpu.memory_space<vmem>>, vector<128x128xf32>
    %dot_general3A_44 = arith.constant dense<0.000000e+00> : vector<1000x128xf32>
    %dot_general3A_45 = tpu.matmul %get3A_40, %get3A_43, %dot_general3A_44 {dimension_numbers = #tpu.dot_dimension_numbers<[1], [0], [0], [1], [0, 0, 1, 1], [], []>, precision = #tpu.contract_precision<fp32>, transpose_lhs_hint = false} : vector<1000x128xf32>, vector<128x128xf32>, vector<1000x128xf32> -> vector<1000x128xf32>
    %add3A_46 = arith.addf %add3A_37, %dot_general3A_45 : vector<1000x128xf32>
    %get3A_47 = arith.constant 0 : index
    %get3A_48 = vector.load %arg7[%get3A_47] : memref<128xf32, #tpu.memory_space<vmem>>, vector<128xf32>
    %broadcast_in_dim3A = vector.shape_cast %get3A_48 : vector<128xf32> to vector<1x128xf32>
    %add3A_49 = vector.broadcast %broadcast_in_dim3A : vector<1x128xf32> to vector<1000x128xf32>
    %add3A_50 = arith.addf %add3A_46, %add3A_49 : vector<1000x128xf32>
    %slice3A_51 = vector.extract_strided_slice %add3A_50 {offsets = [0, 0], sizes = [1000, 64], strides = [1, 1]} : vector<1000x128xf32> to vector<1000x64xf32>
    %slice3A_52 = vector.extract_strided_slice %add3A_50 {offsets = [0, 64], sizes = [1000, 64], strides = [1, 1]} : vector<1000x128xf32> to vector<1000x64xf32>
    %get3A_53 = arith.constant 0 : index
    %get3A_54 = arith.constant 0 : index
    %get3A_55 = vector.load %arg8[%get3A_53, %get3A_54] : memref<64x64xf32, #tpu.memory_space<vmem>>, vector<64x64xf32>
    %dot_general3A_56 = arith.constant dense<0.000000e+00> : vector<1000x64xf32>
    %dot_general3A_57 = tpu.matmul %slice3A_51, %get3A_55, %dot_general3A_56 {dimension_numbers = #tpu.dot_dimension_numbers<[1], [0], [0], [1], [0, 0, 1, 1], [], []>, precision = #tpu.contract_precision<fp32>, transpose_lhs_hint = false} : vector<1000x64xf32>, vector<64x64xf32>, vector<1000x64xf32> -> vector<1000x64xf32>
    %get3A_58 = arith.constant 0 : index
    %get3A_59 = vector.load %arg9[%get3A_58] : memref<64xf32, #tpu.memory_space<vmem>>, vector<64xf32>
    %broadcast_in_dim3A_60 = vector.shape_cast %get3A_59 : vector<64xf32> to vector<1x64xf32>
    %add3A_61 = vector.broadcast %broadcast_in_dim3A_60 : vector<1x64xf32> to vector<1000x64xf32>
    %add3A_62 = arith.addf %dot_general3A_57, %add3A_61 : vector<1000x64xf32>
    %tanh3A = math.tanh %add3A_62 : vector<1000x64xf32>
    %get3A_63 = arith.constant 0 : index
    %get3A_64 = arith.constant 0 : index
    %get3A_65 = vector.load %arg8[%get3A_63, %get3A_64] : memref<64x64xf32, #tpu.memory_space<vmem>>, vector<64x64xf32>
    %dot_general3A_66 = arith.constant dense<0.000000e+00> : vector<1000x64xf32>
    %dot_general3A_67 = tpu.matmul %slice3A_52, %get3A_65, %dot_general3A_66 {dimension_numbers = #tpu.dot_dimension_numbers<[1], [0], [0], [1], [0, 0, 1, 1], [], []>, precision = #tpu.contract_precision<fp32>, transpose_lhs_hint = false} : vector<1000x64xf32>, vector<64x64xf32>, vector<1000x64xf32> -> vector<1000x64xf32>
    %get3A_68 = arith.constant 0 : index
    %get3A_69 = vector.load %arg9[%get3A_68] : memref<64xf32, #tpu.memory_space<vmem>>, vector<64xf32>
    %broadcast_in_dim3A_70 = vector.shape_cast %get3A_69 : vector<64xf32> to vector<1x64xf32>
    %add3A_71 = vector.broadcast %broadcast_in_dim3A_70 : vector<1x64xf32> to vector<1000x64xf32>
    %add3A_72 = arith.addf %dot_general3A_67, %add3A_71 : vector<1000x64xf32>
    %tanh3A_73 = math.tanh %add3A_72 : vector<1000x64xf32>
    %get3A_74 = arith.constant 0 : index
    %get3A_75 = arith.constant 0 : index
    %get3A_76 = vector.load %arg10[%get3A_74, %get3A_75] : memref<64x1xf32, #tpu.memory_space<vmem>>, vector<64x1xf32>
    %dot_general3A_77 = arith.constant dense<0.000000e+00> : vector<1000x1xf32>
    %dot_general3A_78 = tpu.matmul %tanh3A, %get3A_76, %dot_general3A_77 {dimension_numbers = #tpu.dot_dimension_numbers<[1], [0], [0], [1], [0, 0, 1, 1], [], []>, precision = #tpu.contract_precision<fp32>, transpose_lhs_hint = false} : vector<1000x64xf32>, vector<64x1xf32>, vector<1000x1xf32> -> vector<1000x1xf32>
    %get3A_79 = arith.constant 0 : index
    %get3A_80 = arith.constant 0 : index
    %get3A_81 = vector.load %arg10[%get3A_79, %get3A_80] : memref<64x1xf32, #tpu.memory_space<vmem>>, vector<64x1xf32>
    %dot_general3A_82 = arith.constant dense<0.000000e+00> : vector<1000x1xf32>
    %dot_general3A_83 = tpu.matmul %tanh3A_73, %get3A_81, %dot_general3A_82 {dimension_numbers = #tpu.dot_dimension_numbers<[1], [0], [0], [1], [0, 0, 1, 1], [], []>, precision = #tpu.contract_precision<fp32>, transpose_lhs_hint = false} : vector<1000x64xf32>, vector<64x1xf32>, vector<1000x1xf32> -> vector<1000x1xf32>
    %max3A_84 = arith.maximumf %dot_general3A_78, %dot_general3A_83 : vector<1000x1xf32>
    %sub3A = arith.subf %dot_general3A_78, %max3A_84 : vector<1000x1xf32>
    %exp3A = math.exp %sub3A : vector<1000x1xf32>
    %sub3A_85 = arith.subf %dot_general3A_83, %max3A_84 : vector<1000x1xf32>
    %exp3A_86 = math.exp %sub3A_85 : vector<1000x1xf32>
    %mul3A_87 = vector.broadcast %exp3A : vector<1000x1xf32> to vector<1000x64xf32>
    %mul3A_88 = arith.mulf %mul3A_87, %slice3A_51 : vector<1000x64xf32>
    %mul3A_89 = vector.broadcast %exp3A_86 : vector<1000x1xf32> to vector<1000x64xf32>
    %mul3A_90 = arith.mulf %mul3A_89, %slice3A_52 : vector<1000x64xf32>
    %add3A_91 = arith.addf %mul3A_88, %mul3A_90 : vector<1000x64xf32>
    %add3A_92 = arith.addf %exp3A, %exp3A_86 : vector<1000x1xf32>
    %div3A_93 = vector.broadcast %add3A_92 : vector<1000x1xf32> to vector<1000x64xf32>
    %div3A_94 = arith.divf %add3A_91, %div3A_93 : vector<1000x64xf32>
    %swap3A = arith.constant 0 : index
    %swap3A_95 = arith.constant 0 : index
    %swap3A_96 = vector.load %arg11[%swap3A, %swap3A_95] : memref<1000x64xf32, #tpu.memory_space<vmem>>, vector<1000x64xf32>
    tpu.vector_store %arg11[%swap3A, %swap3A_95], %div3A_94 {strides = array<i32>} : memref<1000x64xf32, #tpu.memory_space<vmem>>, vector<1000x64xf32>,
    return
  }
  func.func @transform_0(%arg0: i32) -> (i32, i32, i32) {
    %c0_i32 = arith.constant 0 : i32
    %c0_i32_0 = arith.constant 0 : i32
    %c0_i32_1 = arith.constant 0 : i32
    return %c0_i32, %arg0, %c0_i32_0 : i32, i32, i32
  }
  func.func @transform_1(%arg0: i32) -> (i32, i32, i32) {
    %c0_i32 = arith.constant 0 : i32
    %c0_i32_0 = arith.constant 0 : i32
    %c0_i32_1 = arith.constant 0 : i32
    return %c0_i32, %arg0, %c0_i32_0 : i32, i32, i32
  }
  func.func @transform_2(%arg0: i32) -> (i32, i32) {
    %c0_i32 = arith.constant 0 : i32
    %c0_i32_0 = arith.constant 0 : i32
    return %arg0, %c0_i32 : i32, i32
  }
  func.func @transform_3(%arg0: i32) -> (i32, i32) {
    %c0_i32 = arith.constant 0 : i32
    %c0_i32_0 = arith.constant 0 : i32
    %c0_i32_1 = arith.constant 0 : i32
    return %c0_i32, %c0_i32_0 : i32, i32
  }
  func.func @transform_4(%arg0: i32) -> (i32, i32) {
    %c0_i32 = arith.constant 0 : i32
    %c0_i32_0 = arith.constant 0 : i32
    %c0_i32_1 = arith.constant 0 : i32
    return %c0_i32, %c0_i32_0 : i32, i32
  }
  func.func @transform_5(%arg0: i32) -> (i32, i32) {
    %c0_i32 = arith.constant 0 : i32
    %c0_i32_0 = arith.constant 0 : i32
    %c0_i32_1 = arith.constant 0 : i32
    return %c0_i32, %c0_i32_0 : i32, i32
  }
  func.func @transform_6(%arg0: i32) -> i32 {
    %c0_i32 = arith.constant 0 : i32
    %c0_i32_0 = arith.constant 0 : i32
    return %c0_i32 : i32
  }
  func.func @transform_7(%arg0: i32) -> (i32, i32) {
    %c0_i32 = arith.constant 0 : i32
    %c0_i32_0 = arith.constant 0 : i32
    %c0_i32_1 = arith.constant 0 : i32
    return %c0_i32, %c0_i32_0 : i32, i32
  }
  func.func @transform_8(%arg0: i32) -> i32 {
    %c0_i32 = arith.constant 0 : i32
    %c0_i32_0 = arith.constant 0 : i32
    return %c0_i32 : i32
  }
  func.func @transform_9(%arg0: i32) -> (i32, i32) {
    %c0_i32 = arith.constant 0 : i32
    %c0_i32_0 = arith.constant 0 : i32
    %c0_i32_1 = arith.constant 0 : i32
    return %c0_i32, %c0_i32_0 : i32, i32
  }
  func.func @transform_10(%arg0: i32) -> (i32, i32) {
    %c0_i32 = arith.constant 0 : i32
    %c0_i32_0 = arith.constant 0 : i32
    return %arg0, %c0_i32 : i32, i32
  }
}

</mosaic_0001>

<sc_bundles>
// kernel: kernel.10.cloned.1.call-start
scs
__scs_entry_jumppad:
0x0: {  	(pc) =	sbr.rel $0x88, $3  }
0x1: {  	(tag) =	ssettag $0x0;
	lr =	simm.s32 $0x1  }
0x2: {  	[smem:$0x3F8B] =	sst lr;
	_ =	strace $0xD0000000  }
0x3: {  	_ = 	snop  }
0x4: {  	_ = 	snop  }
0x5: {  	_ = 	snop  }
0x6: {  	_ = 	snop  }
0x7: {  	_ = 	snop  }
__scs_overlays_trampoline_lowered:
0x8: {  	[smem:$0x3F9A] =	sst s0  }
0x9: {  	[smem:$0x3F9B] =	sst s1  }
0xa: {  	[smem:$0x3F9C] =	sst s2  }
0xb: {  	[smem:$0x3F9D] =	sst s3  }
0xc: {  	[smem:$0x3F9E] =	sst s4  }
0xd: {  	[smem:$0x3F9F] =	sst s5  }
0xe: {  	[smem:$0x3FA0] =	sst s6  }
0xf: {  	[smem:$0x3FA1] =	sst s7  }
0x10: {  	[smem:$0x3FA2] =	sst s8  }
0x11: {  	[smem:$0x3FA3] =	sst s9;
	s0 =	simm.s32 @!p0 $0x0  }
0x12: {  	s1 =	sld [smem:$0x3F89];
	s0 =	simm.s32 @p0 $0x1  }
0x13: {  	[smem:$0x3FA4] =	sst s0;
	s0 =	simm.s32 @!p1 $0x0  }
0x14: {  	s2 =	sld [smem:$0x3F88];
	s0 =	simm.s32 @p1 $0x1  }
0x15: {  	[smem:$0x3FA5] =	sst s0;
	s0 =	simm.s32 @!p2 $0x0  }
0x16: {  	s3 =	sld [smem:$0x3FDB];
	s0 =	simm.s32 @p2 $0x1  }
0x17: {  	s4 =	simm.s32 $0x1BF5;
	[smem:$0x3FA7] =	sst s0  }
0x18: {  	s0 =	sld [smem:$0x3F8A];
	_ =	swait.ge [sflag:s4], $0x0  }
0x19: {  	s7 =	sld [smem:$0x3F8B]  }
0x1a: {  	s8 =	sadd.s32 $0xFFFFE003, lr  }
0x1b: {  	s9 =	sadd.s32 $0xFFFFFEF7, lr;
	s5 =	simm.s32 $0xFFFFFFFF;
	p2 =	slt.u32 s8, $0xFFFFF086  }
0x1c: {  	p1 =	slt.u32 s9, $0xF7A;
	s5 =	simm.s32 @!p2 $0x0  }
0x1d: {  	s5 =	simm.s32 @p1 $0x1;
	p0 =	seq.s32 s7, s2  }
0x1e: {  	s7 =	smul.u32 @!p0 $0xF7A, s2;
	p2 =	seq.s32 @!p0 s5, $0x0  }
0x1f: {  	s9 =	smul.u32 $0xF7A, s1;
	s8 =	simm.s32 @!p0 $0x1BF5;
	p2 =	por !p2, p0  }
0x20: {  	[sflag:s8] =	ssyncset.s32 @!p0 $0xFFFFF086;
	s6 =	sadd.s32 @!p0 s3, s7;
	s7 =	simm.s32 @!p0 $0x108  }
0x21: {  	s3 =	sadd.s32 s3, s9;
	s6 =	sadd.s32 @!p0 $0x88, s6;
	s7 =	simm.s32 @p2 $0x1082  }
0x22: {  	[simem:s7], [sflag:s8] =	dma.local @!p0 [hbm:s6], $0xF7A  }
0x23: {  	s9 =	sor.u32 $0xD0000000, s2;
	s6 =	simm.s32 $0x108;
	_ =	swait.ge @!p0 [sflag:s8], $0x0  }
0x24: {  	s3 =	sadd.s32 $0x88, s3;
	s6 =	simm.s32 @!p1 $0x1082;
	[sflag:s4] =	ssyncset.s32 $0xFFFFF086  }
0x25: {  	[simem:s6], [sflag:s4] =	dma.local [hbm:s3], $0xF7A  }
0x26: {  	[smem:$0x3F8B] =	sst s1;
	(tag) =	ssettag s2;
	_ =	strace s9  }
0x27: {  	s1 =	sld [smem:$0x3F9B]  }
0x28: {  	s2 =	sld [smem:$0x3F9C]  }
0x29: {  	s4 =	sld [smem:$0x3F9E]  }
0x2a: {  	p0 =	seq.s32 s5, $0x0;
	s5 =	sld [smem:$0x3F9F]  }
0x2b: {  	s6 =	sld [smem:$0x3FA0]  }
0x2c: {  	s7 =	sld [smem:$0x3FA1]  }
0x2d: {  	s3 =	simm.s32 $0x108;
	s8 =	sld [smem:$0x3FA2]  }
0x2e: {  	s3 =	simm.s32 @!p0 $0x1082;
	s9 =	sld [smem:$0x3FA3]  }
0x2f: {  	lr =	sadd.s32 s0, s3;
	s0 =	sld [smem:$0x3F9A]  }
0x30: {  	s3 =	sld [smem:$0x3F9D]  }
0x31: {  	[smem:$0x3FA6] =	sst s10  }
0x32: {  	s10 =	sld [smem:$0x3FA4];
	_ =	sdelay $0x3  }
0x33: {  	p0 =	seq.s32 s10, $0x1;
	s10 =	sld [smem:$0x3FA6];
	_ =	sdelay $0x3  }
0x34: {  	[smem:$0x3FA6] =	sst s10  }
0x35: {  	s10 =	sld [smem:$0x3FA5];
	_ =	sdelay $0x3  }
0x36: {  	p1 =	seq.s32 s10, $0x1;
	s10 =	sld [smem:$0x3FA6];
	_ =	sdelay $0x3  }
0x37: {  	[smem:$0x3FA6] =	sst s10  }
0x38: {  	s10 =	sld [smem:$0x3FA7]  }
0x39: {  	_ = 	snop;
	(pc) =	sbr.ind lr, $3  }
0x3a: {  	_ = 	snop  }
0x3b: {  	_ = 	snop  }
0x3c: {  	p2 =	seq.s32 s10, $0x1;
	s10 =	sld [smem:$0x3FA6]  }
0x3d: {  	_ =	shalt  }
0x3e: {  	_ =	shalt  }
0x3f: {  	_ =	shalt  }
0x40: {  	_ =	shalt  }
0x41: {  	_ =	shalt  }
0x42: {  	_ =	shalt  }
0x43: {  	_ =	shalt  }
0x44: {  	_ =	shalt  }
0x45: {  	_ =	shalt  }
0x46: {  	_ =	shalt  }
0x47: {  	_ =	shalt  }
0x48: {  	_ =	shalt  }
0x49: {  	_ =	shalt  }
0x4a: {  	_ =	shalt  }
0x4b: {  	_ =	shalt  }
0x4c: {  	_ =	shalt  }
0x4d: {  	_ =	shalt  }
0x4e: {  	_ =	shalt  }
0x4f: {  	_ =	shalt  }
0x50: {  	_ =	shalt  }
0x51: {  	_ =	shalt  }
0x52: {  	_ =	shalt  }
0x53: {  	_ =	shalt  }
0x54: {  	_ =	shalt  }
0x55: {  	_ =	shalt  }
0x56: {  	_ =	shalt  }
0x57: {  	_ =	shalt  }
0x58: {  	_ =	shalt  }
0x59: {  	_ =	shalt  }
0x5a: {  	_ =	shalt  }
0x5b: {  	_ =	shalt  }
0x5c: {  	_ =	shalt  }
0x5d: {  	_ =	shalt  }
0x5e: {  	_ =	shalt  }
0x5f: {  	_ =	shalt  }
0x60: {  	_ =	shalt  }
0x61: {  	_ =	shalt  }
0x62: {  	_ =	shalt  }
0x63: {  	_ =	shalt  }
0x64: {  	_ =	shalt  }
0x65: {  	_ =	shalt  }
0x66: {  	_ =	shalt  }
0x67: {  	_ =	shalt  }
0x68: {  	_ =	shalt  }
0x69: {  	_ =	shalt  }
0x6a: {  	_ =	shalt  }
0x6b: {  	_ =	shalt  }
0x6c: {  	_ =	shalt  }
0x6d: {  	_ =	shalt  }
0x6e: {  	_ =	shalt  }
0x6f: {  	_ =	shalt  }
0x70: {  	_ =	shalt  }
0x71: {  	_ =	shalt  }
0x72: {  	_ =	shalt  }
0x73: {  	_ =	shalt  }
0x74: {  	_ =	shalt  }
0x75: {  	_ =	shalt  }
0x76: {  	_ =	shalt  }
0x77: {  	_ =	shalt  }
0x78: {  	_ =	shalt  }
0x79: {  	_ =	shalt  }
0x7a: {  	_ =	shalt  }
0x7b: {  	_ =	shalt  }
0x7c: {  	_ =	shalt  }
0x7d: {  	_ =	shalt  }
0x7e: {  	_ =	shalt  }
0x7f: {  	_ =	shalt  }
0x80: {  	_ =	shalt  }
0x81: {  	_ =	shalt  }
0x82: {  	_ =	shalt  }
0x83: {  	_ =	shalt  }
0x84: {  	_ =	shalt  }
0x85: {  	_ =	shalt  }
0x86: {  	_ =	shalt  }
0x87: {  	_ =	shalt  }
.Lfunc_end0:
.L_simem_size_0:
called_computation.1_lowered:
.L_overlay_start_0:
0x88: {  	s2 =	sld [smem:$0x3FD9]  }
0x89: {  	s3 =	sld [smem:$0x3FFE];
	_ =	sdelay $0x1  }
0x8a: {  	s1 =	srdreg.scid  }
0x8b: {  	s0 =	sand.u32 $0x1, s1  }
0x8c: {  	s17 =	sshll.u32 s0, $0xA;
	s2 =	sadd.s32 s3, s2  }
0x8d: {  	s2 =	sadd.s32 s2, s17  }
0x8e: {  	[smem:$0x3FB2] =	sst s2  }
0x8f: {  	_ = 	snop  }
0x90: {  	s2 =	sld [smem:$0x3FC9]  }
0x91: {  	s18 =	sld [smem:$0x3FD0];
	(tm) =	ssettm $0x1  }
0x92: {  	s4 =	sld [smem:$0x3FFB];
	_ =	sdelay $0x3  }
0x93: {  	_ =	strace s4  }
0x94: {  	s4 =	sld [smem:$0x3FFC];
	_ =	sdelay $0x3  }
0x95: {  	_ =	strace s4  }
0x96: {  	s4 =	sld [smem:$0x3FFD];
	_ =	sdelay $0x3  }
0x97: {  	_ =	strace s4  }
0x98: {  	_ =	strace $0x8FFFFFFF  }
0x99: {  	s19 =	sld [smem:$0x3FDB];
	_ =	sdelay $0x1  }
0x9a: {  	s5 =	simm.s32 $_scs_section_size  }
0x9b: {  	s6 =	simm.s32 $_size__tile_overlayer_lowered;
	s7 =	simm.s32 $_tile_overlayer_lowered  }
0x9c: {  	s22 =	simm.s32 $0x1BFF;
	s21 =	sshll.u32 s7, $0x1;
	s4 =	sadd.s32 s5, s19  }
0x9d: {  	s8 =	simm.s32 $0x0;
	s20 =	sshll.u32 s6, $0x1;
	s6 =	sadd.s32 s21, s4  }
0x9e: {  	[timem:s8], [sflag:s22] =	dma.local [hbm:s6], s20  }
0x9f: {  	_ =	swait.ge [sflag:s22], s20  }
0xa0: {  	s5 =	ssub.s32 $0x0, s20;
	[sflag:s22] =	ssyncset.done $0x0  }
0xa1: {  	[sflag:s22] =	ssyncadd.s32 s5;
	_ =	sdelay $0x1  }
0xa2: {  	s23 =	simm.s32 $0x1B8B  }
0xa3: {  	_ =	swait.ge [sflag:s23], $0x1  }
0xa4: {  	[sflag:s23] =	ssyncset.done $0x0  }
0xa5: {  	s25 =	simm.s32 $0x1B8E;
	s24 =	sld [smem:$0x3FFE];
	[sflag:s23] =	ssyncadd.s32 $0xFFFFFFFF  }
0xa6: {  	s26 =	simm.s32 $execute0_lowered;
	[smem:$0x3FD2] =	sst s25  }
0xa7: {  	s6 =	sshll.u32 s26, $0x1;
	_ =	strace $0x80000046;
	[dreg:$0x1] =	wrdreg $0xFFFFFFFF  }
0xa8: {  	s28 =	simm.s32 $_size_execute0_lowered;
	s4 =	sadd.s32 s4, s6;
	[dreg:$0x0] =	wrdreg $0x0  }
0xa9: {  	s6 =	sshll.u32 s28, $0x1;
	[dreg:$0x2] =	wrdreg s4  }
0xaa: {  	[dreg:$0x3] =	wrdreg s6  }
0xab: {  	[dreg:$0x4] =	wrdreg $0xC0  }
0xac: {  	_ =	task [dreg:s8], $0x5FFFF  }
0xad: {  	[dreg:$0x1] =	wrdreg $0xFFFFFFFF  }
0xae: {  	[dreg:$0x0] =	wrdreg $0x60  }
0xaf: {  	[dreg:$0x2] =	wrdreg s2  }
0xb0: {  	[dreg:$0x3] =	wrdreg s24  }
0xb1: {  	[dreg:$0x4] =	wrdreg s18  }
0xb2: {  	[dreg:$0x5] =	wrdreg $0x44000  }
0xb3: {  	[dreg:$0x6] =	wrdreg $0xA  }
0xb4: {  	_ =	task.clear_ibuf [dreg:s8], $0x7FFFF;
	_ =	strace $0x90000046  }
0xb5: {  	s29 =	simm.s32 $0xA;
	_ =	strace $0x80000048  }
0xb6: {  	_ =	swait.ge [sflag:s29], $0x1  }
0xb7: {  	[sflag:s29] =	ssyncadd.s32 $0xFFFFFFFF  }
0xb8: {  	_ =	strace $0x90000048  }
0xb9: {  	_ =	sfence  }
0xba: {  	s30 =	sld [smem:$0x0];
	_ =	sdelay $0x2  }
0xbb: {  	s31 =	sshll.u32 s1, $0xD;
	s1 =	sshrl.u32 s1, $0x2  }
0xbc: {  	s3 =	sand.u32 $0x4000, s31;
	s1 =	sadd.s32 s1, s30  }
0xbd: {  	s0 =	sor.u32 s3, s0;
	s1 =	sshll.u32 s1, $0x11  }
0xbe: {  	s0 =	sor.u32 s1, s0  }
0xbf: {  	s0 =	sadd.s32 $0x8F2B, s0  }
0xc0: {  	[sflag:s0] =	ssyncadd.remote.s32 $0x1  }
0xc1: {  	_ =	sfence.sel $0xFFFF  }
0xc2: {  	[dreg:$0x0] =	wrdreg $0xFFFFFFFF;
	(pc) =	sbr.abs _section_cstart, $3  }
0xc3: {  	[dreg:$0x1] =	wrdreg $0xFFFFFFFF  }
0xc4: {  	_ =	task.clear_ibuf [dreg:s8], $0x2FFFF;
	_ =	strace $0x9FFFFFFF  }
0xc5: {  	(tm) =	ssettm $0x7FFFFFFF  }
tec
execute0_lowered:
.L_overlay_start_1:
0x0: {  	(tag) =	ssettag $0x1  }
0x1: {  	s1 =	rddreg [dreg:$0x0]  }
0x2: {  	s0 =	rddreg [dreg:$0x1]  }
0x3: {  	s3 =	rddreg [dreg:$0x2]  }
0x4: {  	s4 =	rddreg [dreg:$0x3];
	s13 =	stileid.u32  }
0x5: {  	s2 =	srdreg.scid;
	s5 =	simm.s32 $0x0;
	s28 =	simm.s32 $0x180  }
0x6: {  	s29 =	simm.s32 $0x380;
	s30 =	simm.s32 $0x1;
	s31 =	simm.s32 $0x400  }
0x7: {  	s7 =	smul.u32 $0x13C00, s13;
	s2 =	sand.u32 $0x1, s2;
	[smem:$0x7FF] =	sst s5  }
0x8: {  	s6 =	sadd.s32 $0x4A00, s0;
	s11 =	smul.u32 $0x4F000, s13;
	s17 =	sshll.u32 s13, $0x6  }
0x9: {  	s8 =	smul.u32 $0x13C000, s2;
	_ =	strace $0x80000047;
	s10 =	ssub.s32 $0x2, s2  }
0xa: {  	p0 =	seq.s32 s2, $0x0;
	s9 =	sshrl.u32 s7, $0x3;
	s12 =	sshrl.u32 s10, $0x1  }
0xb: {  	s15 =	sshrl.u32 s11, $0x2;
	s7 =	sadd.s32 s7, s8;
	s8 =	smul.u32 $0x50, s13  }
0xc: {  	s11 =	simm.s32 $0x0;
	s9 =	sadd.s32 s9, s0;
	s7 =	sshrl.u32 s7, $0x3  }
0xd: {  	s10 =	ssub.s32 s10, s12;
	s0 =	sadd.s32 s7, s0;
	s7 =	sadd.s32 $0x500, s8  }
0xe: {  	s2 =	sadd.s32 s15, s4;
	s16 =	sadd.s32 $0xEA00, s9;
	s7 =	smov.u32 @p0 s8  }
0xf: {  	s9 =	sor.u32 $0x1C06, s17;
	[dreg:$0x5] =	wrdreg s16;
	s18 =	sshll.u32 s7, $0x4  }
0x10: {  	s19 =	sadd.s32 s6, s18;
	s20 =	sor.u32 $0x10, s18;
	s21 =	sadd.s32 s3, s18  }
0x11: {  	s23 =	sor.u32 $0x20, s18;
	s25 =	sor.u32 $0x30, s18;
	[dreg:$0x6] =	wrdreg s19  }
0x12: {  	s18 =	sadd.s32 $0x36200, s0;
	s0 =	simm.s32 $0x5;
	[dreg:$0x7] =	wrdreg s21  }
0x13: {  	s22 =	sadd.s32 s6, s20;
	s8 =	sadd.s32 s3, s20;
	s24 =	sadd.s32 s6, s23  }
0x14: {  	s26 =	sadd.s32 s3, s23;
	s16 =	sadd.s32 s6, s25;
	s17 =	sadd.s32 s3, s25  }
0x15: {  	s19 =	smax.u32 s10, $0x1;
	s20 =	sshrl.u32 s2, $0x3;
	[dreg:$0x8] =	wrdreg s22  }
0x16: {  	s21 =	simm.s32 $0x6;
	s23 =	simm.s32 $0x80;
	[dreg:$0x9] =	wrdreg s8  }
0x17: {  	s25 =	simm.s32 $0x100;
	s2 =	simm.s32 $0x2;
	[dreg:$0xa] =	wrdreg s24  }
0x18: {  	s10 =	simm.s32 $0x4;
	[dreg:$0xb] =	wrdreg s26;
	s22 =	simm.s32 $0x200  }
0x19: {  	s24 =	simm.s32 $0x280;
	s26 =	simm.s32 $0x300;
	s8 =	simm.s32 $0x3  }
.LBB2_1:
0x1a: {  	s12 =	rddreg [dreg:$0x5]  }
0x1b: {  	[spmem:s20], [sflag:s9] =	dma.local [hbm:s12], $0x2780  }
0x1c: {  	_ =	swait.ge [sflag:s21], $0x2780  }
0x1d: {  	[sflag:s21] =	ssyncset.done $0x0  }
0x1e: {  	[sflag:s21] =	ssyncadd.s32 $0xFFFFD880  }
0x1f: {  	[bflag:$0x0] =	sbarrier.arrive $0xFFFF  }
0x20: {  	s13 =	rddreg [dreg:$0x6]  }
0x21: {  	[tilespmem:s5], [sflag:$0x1] =	stream.linear.gather [hbm4b:s13+s5], $0x80, $0x38;
	[tilespmem:$0x18000] =	vst v63  }
0x22: {  	s14 =	rddreg [dreg:$0x7]  }
0x23: {  	[tilespmem:s22], [sflag:$0x1] =	stream.linear.gather [hbm4b:s14+s5], $0x80, $0x38;
	[tilespmem:$0x18000] =	vst v63  }
0x24: {  	s15 =	rddreg [dreg:$0x8]  }
0x25: {  	[tilespmem:s23], [sflag:$0x2] =	stream.linear.gather [hbm4b:s15+s5], $0x80, $0x38;
	[tilespmem:$0x18000] =	vst v63  }
0x26: {  	s13 =	rddreg [dreg:$0x9]  }
0x27: {  	[tilespmem:s24], [sflag:$0x2] =	stream.linear.gather [hbm4b:s13+s5], $0x80, $0x38;
	[tilespmem:$0x18000] =	vst v63  }
0x28: {  	s14 =	rddreg [dreg:$0xa]  }
0x29: {  	[tilespmem:s25], [sflag:$0x3] =	stream.linear.gather [hbm4b:s14+s5], $0x80, $0x38;
	[tilespmem:$0x18000] =	vst v63  }
0x2a: {  	s15 =	rddreg [dreg:$0xb]  }
0x2b: {  	[tilespmem:s26], [sflag:$0x3] =	stream.linear.gather [hbm4b:s15+s5], $0x80, $0x38;
	[tilespmem:$0x18000] =	vst v63  }
0x2c: {  	_ = 	snop  }
0x2d: {  	[tilespmem:s28], [sflag:$0x4] =	stream.linear.gather [hbm4b:s16+s5], $0x80, $0x38;
	[tilespmem:$0x18000] =	vst v63  }
0x2e: {  	_ = 	snop  }
0x2f: {  	[tilespmem:s29], [sflag:$0x4] =	stream.linear.gather [hbm4b:s17+s5], $0x80, $0x38;
	[tilespmem:$0x18000] =	vst v63  }
0x30: {  	_ =	swait.ge [sflag:s30], $0x80  }
0x31: {  	[sflag:s30] =	ssyncset.done $0x0  }
0x32: {  	[sflag:s30] =	ssyncadd.s32 $0xFFFFFF80  }
0x33: {  	_ =	swait.ge [sflag:s30], $0x80  }
0x34: {  	[sflag:s30] =	ssyncset.done $0x0  }
0x35: {  	s13 =	smin.u32 s5, $0x4B;
	[sflag:s30] =	ssyncadd.s32 $0xFFFFFF80  }
0x36: {  	[tilespmem:s31], [sflag:$0x5] =	stream.indirect.gather [hbm4b:s1+s23], $0x80, s5, s23, $0xb8;
	[tilespmem:$0x18000] =	vst v63  }
0x37: {  	s12 =	sadd.s32 $0x4, s13;
	_ =	swait.ge [sflag:s0], $0x4000  }
0x38: {  	s13 =	sadd.s32 s7, s12;
	[sflag:s0] =	ssyncset.done $0x0  }
0x39: {  	s12 =	sshll.u32 s12, $0x4;
	s13 =	sshll.u32 s13, $0x4;
	[sflag:s0] =	ssyncadd.s32 $0xFFFFC000  }
0x3a: {  	[spmem:s4] =	stream.indirect.scatter.add.f32 [tilespmem:s31], [sflag:$0x6], $0x80, s22, s23, $0xb8;
	[tilespmem:$0x18000] =	vst v63  }
0x3b: {  	s12 =	sand.u32 $0x70, s12;
	s13 =	sand.u32 $0x1FF80, s13;
	_ =	swait.ge [sflag:s21], $0x4000  }
0x3c: {  	s12 =	sor.u32 s12, s13;
	[sflag:s21] =	ssyncset.done $0x0  }
0x3d: {  	s13 =	sadd.s32 s6, s12;
	[sflag:s21] =	ssyncadd.s32 $0xFFFFC000  }
0x3e: {  	[tilespmem:s5], [sflag:$0x1] =	stream.linear.gather [hbm4b:s13+s5], $0x80, $0x38;
	[tilespmem:$0x18000] =	vst v63  }
0x3f: {  	s12 =	sadd.s32 s3, s12  }
0x40: {  	[tilespmem:s22], [sflag:$0x1] =	stream.linear.gather [hbm4b:s12+s5], $0x80, $0x38;
	[tilespmem:$0x18000] =	vst v63  }
0x41: {  	_ =	swait.ge [sflag:s2], $0x80  }
0x42: {  	[sflag:s2] =	ssyncset.done $0x0  }
0x43: {  	[sflag:s2] =	ssyncadd.s32 $0xFFFFFF80  }
0x44: {  	_ =	swait.ge [sflag:s2], $0x80  }
0x45: {  	[sflag:s2] =	ssyncset.done $0x0  }
0x46: {  	s14 =	smin.u32 s5, $0x4A;
	[sflag:s2] =	ssyncadd.s32 $0xFFFFFF80  }
0x47: {  	[tilespmem:s31], [sflag:$0x5] =	stream.indirect.gather [hbm4b:s1+s23], $0x80, s23, s23, $0xb8;
	[tilespmem:$0x18000] =	vst v63  }
0x48: {  	s12 =	sadd.s32 $0x5, s14;
	_ =	swait.ge [sflag:s0], $0x4000  }
0x49: {  	s15 =	sadd.s32 s7, s12;
	[sflag:s0] =	ssyncset.done $0x0  }
0x4a: {  	s12 =	sshll.u32 s12, $0x4;
	s13 =	sshll.u32 s15, $0x4;
	[sflag:s0] =	ssyncadd.s32 $0xFFFFC000  }
0x4b: {  	[spmem:s4] =	stream.indirect.scatter.add.f32 [tilespmem:s31], [sflag:$0x6], $0x80, s24, s23, $0xb8;
	[tilespmem:$0x18000] =	vst v63  }
0x4c: {  	s12 =	sand.u32 $0x70, s12;
	s13 =	sand.u32 $0x1FF80, s13;
	_ =	swait.ge [sflag:s21], $0x4000  }
0x4d: {  	s12 =	sor.u32 s12, s13;
	[sflag:s21] =	ssyncset.done $0x0  }
0x4e: {  	s13 =	sadd.s32 s6, s12;
	[sflag:s21] =	ssyncadd.s32 $0xFFFFC000  }
0x4f: {  	[tilespmem:s23], [sflag:$0x2] =	stream.linear.gather [hbm4b:s13+s5], $0x80, $0x38;
	[tilespmem:$0x18000] =	vst v63  }
0x50: {  	s12 =	sadd.s32 s3, s12  }
0x51: {  	[tilespmem:s24], [sflag:$0x2] =	stream.linear.gather [hbm4b:s12+s5], $0x80, $0x38;
	[tilespmem:$0x18000] =	vst v63  }
0x52: {  	_ =	swait.ge [sflag:s8], $0x80  }
0x53: {  	[sflag:s8] =	ssyncset.done $0x0  }
0x54: {  	[sflag:s8] =	ssyncadd.s32 $0xFFFFFF80  }
0x55: {  	_ =	swait.ge [sflag:s8], $0x80  }
0x56: {  	[sflag:s8] =	ssyncset.done $0x0  }
0x57: {  	s14 =	smin.u32 s5, $0x49;
	[sflag:s8] =	ssyncadd.s32 $0xFFFFFF80  }
0x58: {  	[tilespmem:s31], [sflag:$0x5] =	stream.indirect.gather [hbm4b:s1+s23], $0x80, s25, s23, $0xb8;
	[tilespmem:$0x18000] =	vst v63  }
0x59: {  	s12 =	sadd.s32 $0x6, s14;
	_ =	swait.ge [sflag:s0], $0x4000  }
0x5a: {  	s15 =	sadd.s32 s7, s12;
	[sflag:s0] =	ssyncset.done $0x0  }
0x5b: {  	s12 =	sshll.u32 s12, $0x4;
	s13 =	sshll.u32 s15, $0x4;
	[sflag:s0] =	ssyncadd.s32 $0xFFFFC000  }
0x5c: {  	[spmem:s4] =	stream.indirect.scatter.add.f32 [tilespmem:s31], [sflag:$0x6], $0x80, s26, s23, $0xb8;
	[tilespmem:$0x18000] =	vst v63  }
0x5d: {  	s12 =	sand.u32 $0x70, s12;
	s13 =	sand.u32 $0x1FF80, s13;
	_ =	swait.ge [sflag:s21], $0x4000  }
0x5e: {  	s12 =	sor.u32 s12, s13;
	[sflag:s21] =	ssyncset.done $0x0  }
0x5f: {  	s13 =	sadd.s32 s6, s12;
	[sflag:s21] =	ssyncadd.s32 $0xFFFFC000  }
0x60: {  	[tilespmem:s25], [sflag:$0x3] =	stream.linear.gather [hbm4b:s13+s5], $0x80, $0x38;
	[tilespmem:$0x18000] =	vst v63  }
0x61: {  	s12 =	sadd.s32 s3, s12  }
0x62: {  	[tilespmem:s26], [sflag:$0x3] =	stream.linear.gather [hbm4b:s12+s5], $0x80, $0x38;
	[tilespmem:$0x18000] =	vst v63  }
0x63: {  	_ =	swait.ge [sflag:s10], $0x80  }
0x64: {  	[sflag:s10] =	ssyncset.done $0x0  }
0x65: {  	[sflag:s10] =	ssyncadd.s32 $0xFFFFFF80  }
0x66: {  	_ =	swait.ge [sflag:s10], $0x80  }
0x67: {  	[sflag:s10] =	ssyncset.done $0x0  }
0x68: {  	s14 =	smin.u32 s5, $0x48;
	[sflag:s10] =	ssyncadd.s32 $0xFFFFFF80  }
0x69: {  	[tilespmem:s31], [sflag:$0x5] =	stream.indirect.gather [hbm4b:s1+s23], $0x80, s28, s23, $0xb8;
	[tilespmem:$0x18000] =	vst v63  }
0x6a: {  	s12 =	sadd.s32 $0x7, s14;
	_ =	swait.ge [sflag:s0], $0x4000  }
0x6b: {  	s15 =	sadd.s32 s7, s12;
	[sflag:s0] =	ssyncset.done $0x0  }
0x6c: {  	s12 =	sshll.u32 s12, $0x4;
	s13 =	sshll.u32 s15, $0x4;
	[sflag:s0] =	ssyncadd.s32 $0xFFFFC000  }
0x6d: {  	[spmem:s4] =	stream.indirect.scatter.add.f32 [tilespmem:s31], [sflag:$0x6], $0x80, s29, s23, $0xb8;
	[tilespmem:$0x18000] =	vst v63  }
0x6e: {  	s12 =	sand.u32 $0x70, s12;
	s13 =	sand.u32 $0x1FF80, s13;
	_ =	swait.ge [sflag:s21], $0x4000  }
0x6f: {  	s13 =	sor.u32 s12, s13;
	[sflag:s21] =	ssyncset.done $0x0  }
0x70: {  	s12 =	sadd.s32 s6, s13;
	[sflag:s21] =	ssyncadd.s32 $0xFFFFC000  }
0x71: {  	[tilespmem:s28], [sflag:$0x4] =	stream.linear.gather [hbm4b:s12+s5], $0x80, $0x38;
	[tilespmem:$0x18000] =	vst v63  }
0x72: {  	s14 =	sadd.s32 s3, s13;
	s12 =	simm.s32 $0x4  }
.LBB2_2:
0x73: {  	p0 =	sne.s32 s12, $0x4C;
	s13 =	smov.u32 s12;
	s12 =	sadd.s32 $0x4, s12  }
0x74: {  	[tilespmem:s29], [sflag:$0x4] =	stream.linear.gather [hbm4b:s14+s5], $0x80, $0x38;
	[tilespmem:$0x18000] =	vst v63  }
0x75: {  	_ =	swait.ge [sflag:s30], $0x80  }
0x76: {  	[sflag:s30] =	ssyncset.done $0x0  }
0x77: {  	[sflag:s30] =	ssyncadd.s32 $0xFFFFFF80  }
0x78: {  	_ =	swait.ge [sflag:s30], $0x80  }
0x79: {  	[sflag:s30] =	ssyncset.done $0x0  }
0x7a: {  	[sflag:s30] =	ssyncadd.s32 $0xFFFFFF80  }
0x7b: {  	[tilespmem:s31], [sflag:$0x5] =	stream.indirect.gather [hbm4b:s1+s23], $0x80, s5, s23, $0xb8;
	[tilespmem:$0x18000] =	vst v63  }
0x7c: {  	s14 =	smin.u32 s13, $0x4B;
	_ =	swait.ge [sflag:s0], $0x4000  }
0x7d: {  	s14 =	sadd.s32 $0x4, s14;
	[sflag:s0] =	ssyncset.done $0x0  }
0x7e: {  	s15 =	sadd.s32 s7, s14;
	s14 =	sshll.u32 s14, $0x4;
	[sflag:s0] =	ssyncadd.s32 $0xFFFFC000  }
0x7f: {  	[spmem:s4] =	stream.indirect.scatter.add.f32 [tilespmem:s31], [sflag:$0x6], $0x80, s22, s23, $0xb8;
	[tilespmem:$0x18000] =	vst v63  }
0x80: {  	s15 =	sshll.u32 s15, $0x4;
	s14 =	sand.u32 $0x70, s14;
	_ =	swait.ge [sflag:s21], $0x4000  }
0x81: {  	s15 =	sand.u32 $0x1FF80, s15;
	[sflag:s21] =	ssyncset.done $0x0  }
0x82: {  	s14 =	sor.u32 s14, s15;
	[sflag:s21] =	ssyncadd.s32 $0xFFFFC000  }
0x83: {  	s15 =	sadd.s32 s6, s14;
	s14 =	sadd.s32 s3, s14  }
0x84: {  	[tilespmem:s5], [sflag:$0x1] =	stream.linear.gather [hbm4b:s15+s5], $0x80, $0x38;
	[tilespmem:$0x18000] =	vst v63  }
0x85: {  	_ = 	snop  }
0x86: {  	[tilespmem:s22], [sflag:$0x1] =	stream.linear.gather [hbm4b:s14+s5], $0x80, $0x38;
	[tilespmem:$0x18000] =	vst v63  }
0x87: {  	_ =	swait.ge [sflag:s2], $0x80  }
0x88: {  	[sflag:s2] =	ssyncset.done $0x0  }
0x89: {  	[sflag:s2] =	ssyncadd.s32 $0xFFFFFF80  }
0x8a: {  	_ =	swait.ge [sflag:s2], $0x80  }
0x8b: {  	[sflag:s2] =	ssyncset.done $0x0  }
0x8c: {  	s14 =	smin.u32 s13, $0x4A;
	[sflag:s2] =	ssyncadd.s32 $0xFFFFFF80  }
0x8d: {  	[tilespmem:s31], [sflag:$0x5] =	stream.indirect.gather [hbm4b:s1+s23], $0x80, s23, s23, $0xb8;
	[tilespmem:$0x18000] =	vst v63  }
0x8e: {  	s14 =	sadd.s32 $0x5, s14;
	_ =	swait.ge [sflag:s0], $0x4000  }
0x8f: {  	s15 =	sadd.s32 s7, s14;
	s14 =	sshll.u32 s14, $0x4;
	[sflag:s0] =	ssyncset.done $0x0  }
0x90: {  	s15 =	sshll.u32 s15, $0x4;
	s14 =	sand.u32 $0x70, s14;
	[sflag:s0] =	ssyncadd.s32 $0xFFFFC000  }
0x91: {  	[spmem:s4] =	stream.indirect.scatter.add.f32 [tilespmem:s31], [sflag:$0x6], $0x80, s24, s23, $0xb8;
	[tilespmem:$0x18000] =	vst v63  }
0x92: {  	s15 =	sand.u32 $0x1FF80, s15;
	_ =	swait.ge [sflag:s21], $0x4000  }
0x93: {  	s14 =	sor.u32 s14, s15;
	[sflag:s21] =	ssyncset.done $0x0  }
0x94: {  	s15 =	sadd.s32 s6, s14;
	s14 =	sadd.s32 s3, s14;
	[sflag:s21] =	ssyncadd.s32 $0xFFFFC000  }
0x95: {  	[tilespmem:s23], [sflag:$0x2] =	stream.linear.gather [hbm4b:s15+s5], $0x80, $0x38;
	[tilespmem:$0x18000] =	vst v63  }
0x96: {  	_ = 	snop  }
0x97: {  	[tilespmem:s24], [sflag:$0x2] =	stream.linear.gather [hbm4b:s14+s5], $0x80, $0x38;
	[tilespmem:$0x18000] =	vst v63  }
0x98: {  	_ =	swait.ge [sflag:s8], $0x80  }
0x99: {  	[sflag:s8] =	ssyncset.done $0x0  }
0x9a: {  	[sflag:s8] =	ssyncadd.s32 $0xFFFFFF80  }
0x9b: {  	_ =	swait.ge [sflag:s8], $0x80  }
0x9c: {  	[sflag:s8] =	ssyncset.done $0x0  }
0x9d: {  	s14 =	smin.u32 s13, $0x49;
	[sflag:s8] =	ssyncadd.s32 $0xFFFFFF80  }
0x9e: {  	[tilespmem:s31], [sflag:$0x5] =	stream.indirect.gather [hbm4b:s1+s23], $0x80, s25, s23, $0xb8;
	[tilespmem:$0x18000] =	vst v63  }
0x9f: {  	s14 =	sadd.s32 $0x6, s14;
	_ =	swait.ge [sflag:s0], $0x4000  }
0xa0: {  	s15 =	sadd.s32 s7, s14;
	s14 =	sshll.u32 s14, $0x4;
	[sflag:s0] =	ssyncset.done $0x0  }
0xa1: {  	s15 =	sshll.u32 s15, $0x4;
	s14 =	sand.u32 $0x70, s14;
	[sflag:s0] =	ssyncadd.s32 $0xFFFFC000  }
0xa2: {  	[spmem:s4] =	stream.indirect.scatter.add.f32 [tilespmem:s31], [sflag:$0x6], $0x80, s26, s23, $0xb8;
	[tilespmem:$0x18000] =	vst v63  }
0xa3: {  	s15 =	sand.u32 $0x1FF80, s15;
	_ =	swait.ge [sflag:s21], $0x4000  }
0xa4: {  	s14 =	sor.u32 s14, s15;
	[sflag:s21] =	ssyncset.done $0x0  }
0xa5: {  	s15 =	sadd.s32 s6, s14;
	s14 =	sadd.s32 s3, s14;
	[sflag:s21] =	ssyncadd.s32 $0xFFFFC000  }
0xa6: {  	[tilespmem:s25], [sflag:$0x3] =	stream.linear.gather [hbm4b:s15+s5], $0x80, $0x38;
	[tilespmem:$0x18000] =	vst v63  }
0xa7: {  	_ = 	snop  }
0xa8: {  	[tilespmem:s26], [sflag:$0x3] =	stream.linear.gather [hbm4b:s14+s5], $0x80, $0x38;
	[tilespmem:$0x18000] =	vst v63  }
0xa9: {  	_ =	swait.ge [sflag:s10], $0x80  }
0xaa: {  	[sflag:s10] =	ssyncset.done $0x0  }
0xab: {  	[sflag:s10] =	ssyncadd.s32 $0xFFFFFF80  }
0xac: {  	_ =	swait.ge [sflag:s10], $0x80  }
0xad: {  	[sflag:s10] =	ssyncset.done $0x0  }
0xae: {  	s13 =	smin.u32 s13, $0x48;
	[sflag:s10] =	ssyncadd.s32 $0xFFFFFF80  }
0xaf: {  	[tilespmem:s31], [sflag:$0x5] =	stream.indirect.gather [hbm4b:s1+s23], $0x80, s28, s23, $0xb8;
	[tilespmem:$0x18000] =	vst v63  }
0xb0: {  	s13 =	sadd.s32 $0x7, s13;
	_ =	swait.ge [sflag:s0], $0x4000  }
0xb1: {  	s14 =	sadd.s32 s7, s13;
	s13 =	sshll.u32 s13, $0x4;
	[sflag:s0] =	ssyncset.done $0x0  }
0xb2: {  	s14 =	sshll.u32 s14, $0x4;
	s13 =	sand.u32 $0x70, s13;
	[sflag:s0] =	ssyncadd.s32 $0xFFFFC000  }
0xb3: {  	[spmem:s4] =	stream.indirect.scatter.add.f32 [tilespmem:s31], [sflag:$0x6], $0x80, s29, s23, $0xb8;
	[tilespmem:$0x18000] =	vst v63  }
.Ltmp0:
0xb4: {  	_ = 	snop;
	(pc) =	sbr.rel @p0 .LBB2_2-.Ltmp0, $4  }
0xb5: {  	s14 =	sand.u32 $0x1FF80, s14;
	_ =	swait.ge [sflag:s21], $0x4000  }
0xb6: {  	s13 =	sor.u32 s13, s14;
	[sflag:s21] =	ssyncset.done $0x0  }
0xb7: {  	s15 =	sadd.s32 s6, s13;
	s14 =	sadd.s32 s3, s13;
	[sflag:s21] =	ssyncadd.s32 $0xFFFFC000  }
0xb8: {  	[tilespmem:s28], [sflag:$0x4] =	stream.linear.gather [hbm4b:s15+s5], $0x80, $0x38;
	[tilespmem:$0x18000] =	vst v63  }
0xb9: {  	[tilespmem:s29], [sflag:$0x4] =	stream.linear.gather [hbm4b:s14+s5], $0x80, $0x38;
	[tilespmem:$0x18000] =	vst v63  }
0xba: {  	_ =	swait.ge [sflag:s30], $0x80  }
0xbb: {  	[sflag:s30] =	ssyncset.done $0x0  }
0xbc: {  	[sflag:s30] =	ssyncadd.s32 $0xFFFFFF80  }
0xbd: {  	_ =	swait.ge [sflag:s30], $0x80  }
0xbe: {  	[sflag:s30] =	ssyncset.done $0x0  }
0xbf: {  	[sflag:s30] =	ssyncadd.s32 $0xFFFFFF80  }
0xc0: {  	_ =	swait.ge [sflag:s2], $0x80  }
0xc1: {  	[sflag:s2] =	ssyncset.done $0x0  }
0xc2: {  	[sflag:s2] =	ssyncadd.s32 $0xFFFFFF80  }
0xc3: {  	_ =	swait.ge [sflag:s2], $0x80  }
0xc4: {  	[sflag:s2] =	ssyncset.done $0x0  }
0xc5: {  	[sflag:s2] =	ssyncadd.s32 $0xFFFFFF80  }
0xc6: {  	_ =	swait.ge [sflag:s8], $0x80  }
0xc7: {  	[sflag:s8] =	ssyncset.done $0x0  }
0xc8: {  	[sflag:s8] =	ssyncadd.s32 $0xFFFFFF80  }
0xc9: {  	_ =	swait.ge [sflag:s8], $0x80  }
0xca: {  	[sflag:s8] =	ssyncset.done $0x0  }
0xcb: {  	[sflag:s8] =	ssyncadd.s32 $0xFFFFFF80  }
0xcc: {  	_ =	swait.ge [sflag:s10], $0x80  }
0xcd: {  	[sflag:s10] =	ssyncset.done $0x0  }
0xce: {  	[sflag:s10] =	ssyncadd.s32 $0xFFFFFF80  }
0xcf: {  	_ =	swait.ge [sflag:s10], $0x80  }
0xd0: {  	s11 =	sadd.s32 $0x1, s11;
	[sflag:s10] =	ssyncset.done $0x0  }
0xd1: {  	p0 =	sne.s32 s11, s19;
	[sflag:s10] =	ssyncadd.s32 $0xFFFFFF80  }
.Ltmp1:
0xd2: {  	[bflag:$0x0] =	sbarrier.arrive $0xFFFF;
	(pc) =	sbr.rel @p0 .LBB2_1-.Ltmp1, $4  }
0xd3: {  	[hbm:s18], [sflag:s9] =	dma.local [spmem:s20], $0x2780  }
0xd4: {  	_ =	swait.ge [sflag:s21], $0x2780  }
0xd5: {  	[sflag:s21] =	ssyncset.done $0x0  }
0xd6: {  	[sflag:s21] =	ssyncadd.s32 $0xFFFFD880  }
0xd7: {  	_ =	sfence.sel $0x180000  }
0xd8: {  	[bflag:$0x0] =	sbarrier.arrive $0xFFFF  }
0xd9: {  	_ =	strace $0x90000047  }
0xda: {  	s0 =	stileid.u32;
	[bflag:$0x2] =	sbarrier.arrive $0xFFFF  }
0xdb: {  	p0 =	sne.s32 s0, $0x0;
	s0 =	rddreg [dreg:$0x4]  }
0xdc: {  	s0 =	sadd.s32 @!p0 $0x100000, s0  }
0xdd: {  	[sflag:s0] =	ssyncadd.tile.s32 @!p0 $0x1;
	_ =	shalt  }
.Lfunc_end2:
_tile_overlayer_lowered:
.L_overlay_start_2:
0xde: {  	(tag) =	ssettag $0x2  }
0xdf: {  	s0 =	rddreg [dreg:$0x0];
	s2 =	stileid.u32  }
0xe0: {  	s1 =	rddreg [dreg:$0x1];
	p0 =	sne.s32 s2, $0x0  }
0xe1: {  	s3 =	rddreg [dreg:$0x2];
	[bflag:$0x3] =	sbarrier.arrive $0xFFFF;
	s2 =	simm.s32 @!p0 $0x1C06  }
0xe2: {  	[timem:s3], [sflag:s2] =	dma.local @!p0 [hbm:s0], s1  }
0xe3: {  	s0 =	simm.s32 @!p0 $0x6  }
0xe4: {  	_ =	swait.ge @!p0 [sflag:s0], s1  }
0xe5: {  	s1 =	ssub.s32 @!p0 $0x0, s1;
	[sflag:s0] =	ssyncset.done @!p0 $0x0  }
0xe6: {  	[sflag:s0] =	ssyncadd.s32 @!p0 s1  }
0xe7: {  	[bflag:$0x3] =	sbarrier.arrive $0xFFFF  }
0xe8: {  	_ =	shalt  }

// kernel: kernel.13.cloned.1.call-start
scs
__scs_entry_jumppad:
0x0: {  	(pc) =	sbr.rel $0x88, $3  }
0x1: {  	(tag) =	ssettag $0x0;
	lr =	simm.s32 $0x1  }
0x2: {  	[smem:$0x3F8B] =	sst lr;
	_ =	strace $0xD0000000  }
0x3: {  	_ = 	snop  }
0x4: {  	_ = 	snop  }
0x5: {  	_ = 	snop  }
0x6: {  	_ = 	snop  }
0x7: {  	_ = 	snop  }
__scs_overlays_trampoline_lowered:
0x8: {  	[smem:$0x3F9A] =	sst s0  }
0x9: {  	[smem:$0x3F9B] =	sst s1  }
0xa: {  	[smem:$0x3F9C] =	sst s2  }
0xb: {  	[smem:$0x3F9D] =	sst s3  }
0xc: {  	[smem:$0x3F9E] =	sst s4  }
0xd: {  	[smem:$0x3F9F] =	sst s5  }
0xe: {  	[smem:$0x3FA0] =	sst s6  }
0xf: {  	[smem:$0x3FA1] =	sst s7  }
0x10: {  	[smem:$0x3FA2] =	sst s8  }
0x11: {  	[smem:$0x3FA3] =	sst s9;
	s0 =	simm.s32 @!p0 $0x0  }
0x12: {  	s1 =	sld [smem:$0x3F89];
	s0 =	simm.s32 @p0 $0x1  }
0x13: {  	[smem:$0x3FA4] =	sst s0;
	s0 =	simm.s32 @!p1 $0x0  }
0x14: {  	s2 =	sld [smem:$0x3F88];
	s0 =	simm.s32 @p1 $0x1  }
0x15: {  	[smem:$0x3FA5] =	sst s0;
	s0 =	simm.s32 @!p2 $0x0  }
0x16: {  	s3 =	sld [smem:$0x3FDB];
	s0 =	simm.s32 @p2 $0x1  }
0x17: {  	s4 =	simm.s32 $0x1BF5;
	[smem:$0x3FA7] =	sst s0  }
0x18: {  	s0 =	sld [smem:$0x3F8A];
	_ =	swait.ge [sflag:s4], $0x0  }
0x19: {  	s7 =	sld [smem:$0x3F8B]  }
0x1a: {  	s8 =	sadd.s32 $0xFFFFE003, lr  }
0x1b: {  	s9 =	sadd.s32 $0xFFFFFEF7, lr;
	s5 =	simm.s32 $0xFFFFFFFF;
	p2 =	slt.u32 s8, $0xFFFFF086  }
0x1c: {  	p1 =	slt.u32 s9, $0xF7A;
	s5 =	simm.s32 @!p2 $0x0  }
0x1d: {  	s5 =	simm.s32 @p1 $0x1;
	p0 =	seq.s32 s7, s2  }
0x1e: {  	s7 =	smul.u32 @!p0 $0xF7A, s2;
	p2 =	seq.s32 @!p0 s5, $0x0  }
0x1f: {  	s9 =	smul.u32 $0xF7A, s1;
	s8 =	simm.s32 @!p0 $0x1BF5;
	p2 =	por !p2, p0  }
0x20: {  	[sflag:s8] =	ssyncset.s32 @!p0 $0xFFFFF086;
	s6 =	sadd.s32 @!p0 s3, s7;
	s7 =	simm.s32 @!p0 $0x108  }
0x21: {  	s3 =	sadd.s32 s3, s9;
	s6 =	sadd.s32 @!p0 $0x88, s6;
	s7 =	simm.s32 @p2 $0x1082  }
0x22: {  	[simem:s7], [sflag:s8] =	dma.local @!p0 [hbm:s6], $0xF7A  }
0x23: {  	s9 =	sor.u32 $0xD0000000, s2;
	s6 =	simm.s32 $0x108;
	_ =	swait.ge @!p0 [sflag:s8], $0x0  }
0x24: {  	s3 =	sadd.s32 $0x88, s3;
	s6 =	simm.s32 @!p1 $0x1082;
	[sflag:s4] =	ssyncset.s32 $0xFFFFF086  }
0x25: {  	[simem:s6], [sflag:s4] =	dma.local [hbm:s3], $0xF7A  }
0x26: {  	[smem:$0x3F8B] =	sst s1;
	(tag) =	ssettag s2;
	_ =	strace s9  }
0x27: {  	s1 =	sld [smem:$0x3F9B]  }
0x28: {  	s2 =	sld [smem:$0x3F9C]  }
0x29: {  	s4 =	sld [smem:$0x3F9E]  }
0x2a: {  	p0 =	seq.s32 s5, $0x0;
	s5 =	sld [smem:$0x3F9F]  }
0x2b: {  	s6 =	sld [smem:$0x3FA0]  }
0x2c: {  	s7 =	sld [smem:$0x3FA1]  }
0x2d: {  	s3 =	simm.s32 $0x108;
	s8 =	sld [smem:$0x3FA2]  }
0x2e: {  	s3 =	simm.s32 @!p0 $0x1082;
	s9 =	sld [smem:$0x3FA3]  }
0x2f: {  	lr =	sadd.s32 s0, s3;
	s0 =	sld [smem:$0x3F9A]  }
0x30: {  	s3 =	sld [smem:$0x3F9D]  }
0x31: {  	[smem:$0x3FA6] =	sst s10  }
0x32: {  	s10 =	sld [smem:$0x3FA4];
	_ =	sdelay $0x3  }
0x33: {  	p0 =	seq.s32 s10, $0x1;
	s10 =	sld [smem:$0x3FA6];
	_ =	sdelay $0x3  }
0x34: {  	[smem:$0x3FA6] =	sst s10  }
0x35: {  	s10 =	sld [smem:$0x3FA5];
	_ =	sdelay $0x3  }
0x36: {  	p1 =	seq.s32 s10, $0x1;
	s10 =	sld [smem:$0x3FA6];
	_ =	sdelay $0x3  }
0x37: {  	[smem:$0x3FA6] =	sst s10  }
0x38: {  	s10 =	sld [smem:$0x3FA7]  }
0x39: {  	_ = 	snop;
	(pc) =	sbr.ind lr, $3  }
0x3a: {  	_ = 	snop  }
0x3b: {  	_ = 	snop  }
0x3c: {  	p2 =	seq.s32 s10, $0x1;
	s10 =	sld [smem:$0x3FA6]  }
0x3d: {  	_ =	shalt  }
0x3e: {  	_ =	shalt  }
0x3f: {  	_ =	shalt  }
0x40: {  	_ =	shalt  }
0x41: {  	_ =	shalt  }
0x42: {  	_ =	shalt  }
0x43: {  	_ =	shalt  }
0x44: {  	_ =	shalt  }
0x45: {  	_ =	shalt  }
0x46: {  	_ =	shalt  }
0x47: {  	_ =	shalt  }
0x48: {  	_ =	shalt  }
0x49: {  	_ =	shalt  }
0x4a: {  	_ =	shalt  }
0x4b: {  	_ =	shalt  }
0x4c: {  	_ =	shalt  }
0x4d: {  	_ =	shalt  }
0x4e: {  	_ =	shalt  }
0x4f: {  	_ =	shalt  }
0x50: {  	_ =	shalt  }
0x51: {  	_ =	shalt  }
0x52: {  	_ =	shalt  }
0x53: {  	_ =	shalt  }
0x54: {  	_ =	shalt  }
0x55: {  	_ =	shalt  }
0x56: {  	_ =	shalt  }
0x57: {  	_ =	shalt  }
0x58: {  	_ =	shalt  }
0x59: {  	_ =	shalt  }
0x5a: {  	_ =	shalt  }
0x5b: {  	_ =	shalt  }
0x5c: {  	_ =	shalt  }
0x5d: {  	_ =	shalt  }
0x5e: {  	_ =	shalt  }
0x5f: {  	_ =	shalt  }
0x60: {  	_ =	shalt  }
0x61: {  	_ =	shalt  }
0x62: {  	_ =	shalt  }
0x63: {  	_ =	shalt  }
0x64: {  	_ =	shalt  }
0x65: {  	_ =	shalt  }
0x66: {  	_ =	shalt  }
0x67: {  	_ =	shalt  }
0x68: {  	_ =	shalt  }
0x69: {  	_ =	shalt  }
0x6a: {  	_ =	shalt  }
0x6b: {  	_ =	shalt  }
0x6c: {  	_ =	shalt  }
0x6d: {  	_ =	shalt  }
0x6e: {  	_ =	shalt  }
0x6f: {  	_ =	shalt  }
0x70: {  	_ =	shalt  }
0x71: {  	_ =	shalt  }
0x72: {  	_ =	shalt  }
0x73: {  	_ =	shalt  }
0x74: {  	_ =	shalt  }
0x75: {  	_ =	shalt  }
0x76: {  	_ =	shalt  }
0x77: {  	_ =	shalt  }
0x78: {  	_ =	shalt  }
0x79: {  	_ =	shalt  }
0x7a: {  	_ =	shalt  }
0x7b: {  	_ =	shalt  }
0x7c: {  	_ =	shalt  }
0x7d: {  	_ =	shalt  }
0x7e: {  	_ =	shalt  }
0x7f: {  	_ =	shalt  }
0x80: {  	_ =	shalt  }
0x81: {  	_ =	shalt  }
0x82: {  	_ =	shalt  }
0x83: {  	_ =	shalt  }
0x84: {  	_ =	shalt  }
0x85: {  	_ =	shalt  }
0x86: {  	_ =	shalt  }
0x87: {  	_ =	shalt  }
.Lfunc_end0:
.L_simem_size_0:
called_computation.2_lowered:
.L_overlay_start_0:
0x88: {  	s2 =	sld [smem:$0x3FD9]  }
0x89: {  	s3 =	sld [smem:$0x3FFE];
	_ =	sdelay $0x1  }
0x8a: {  	s1 =	srdreg.scid  }
0x8b: {  	s0 =	sand.u32 $0x1, s1  }
0x8c: {  	s17 =	sshll.u32 s0, $0xA;
	s2 =	sadd.s32 s3, s2  }
0x8d: {  	s2 =	sadd.s32 s2, s17  }
0x8e: {  	[smem:$0x3FB2] =	sst s2  }
0x8f: {  	_ = 	snop  }
0x90: {  	s2 =	sld [smem:$0x3FD0];
	(tm) =	ssettm $0x1  }
0x91: {  	s18 =	sld [smem:$0x3FFB];
	_ =	sdelay $0x3  }
0x92: {  	_ =	strace s18  }
0x93: {  	s3 =	sld [smem:$0x3FFC];
	_ =	sdelay $0x3  }
0x94: {  	_ =	strace s3  }
0x95: {  	s3 =	sld [smem:$0x3FFD];
	_ =	sdelay $0x3  }
0x96: {  	_ =	strace s3  }
0x97: {  	_ =	strace $0x8FFFFFFF  }
0x98: {  	s19 =	sld [smem:$0x3FDB];
	_ =	sdelay $0x1  }
0x99: {  	s4 =	simm.s32 $_scs_section_size  }
0x9a: {  	s5 =	simm.s32 $_size__tile_overlayer_lowered;
	s6 =	simm.s32 $_tile_overlayer_lowered  }
0x9b: {  	s22 =	simm.s32 $0x1BFF;
	s21 =	sshll.u32 s6, $0x1;
	s3 =	sadd.s32 s4, s19  }
0x9c: {  	s7 =	simm.s32 $0x0;
	s20 =	sshll.u32 s5, $0x1;
	s5 =	sadd.s32 s21, s3  }
0x9d: {  	[timem:s7], [sflag:s22] =	dma.local [hbm:s5], s20  }
0x9e: {  	_ =	swait.ge [sflag:s22], s20  }
0x9f: {  	s4 =	ssub.s32 $0x0, s20;
	[sflag:s22] =	ssyncset.done $0x0  }
0xa0: {  	[sflag:s22] =	ssyncadd.s32 s4;
	_ =	sdelay $0x1  }
0xa1: {  	s23 =	simm.s32 $0x1B8B  }
0xa2: {  	_ =	swait.ge [sflag:s23], $0x1  }
0xa3: {  	[sflag:s23] =	ssyncset.done $0x0  }
0xa4: {  	s25 =	simm.s32 $0x1B8E;
	s24 =	sld [smem:$0x3FFE];
	[sflag:s23] =	ssyncadd.s32 $0xFFFFFFFF  }
0xa5: {  	s26 =	simm.s32 $execute0_lowered;
	[smem:$0x3FD2] =	sst s25  }
0xa6: {  	s5 =	sshll.u32 s26, $0x1;
	_ =	strace $0x8000004C;
	[dreg:$0x1] =	wrdreg $0xFFFFFFFF  }
0xa7: {  	s28 =	simm.s32 $_size_execute0_lowered;
	s3 =	sadd.s32 s3, s5;
	[dreg:$0x0] =	wrdreg $0x0  }
0xa8: {  	s5 =	sshll.u32 s28, $0x1;
	[dreg:$0x2] =	wrdreg s3  }
0xa9: {  	[dreg:$0x3] =	wrdreg s5  }
0xaa: {  	[dreg:$0x4] =	wrdreg $0xC0  }
0xab: {  	_ =	task [dreg:s7], $0x5FFFF  }
0xac: {  	[dreg:$0x1] =	wrdreg $0xFFFFFFFF  }
0xad: {  	[dreg:$0x0] =	wrdreg $0x60  }
0xae: {  	[dreg:$0x2] =	wrdreg s24  }
0xaf: {  	[dreg:$0x3] =	wrdreg s2  }
0xb0: {  	[dreg:$0x4] =	wrdreg $0x44000  }
0xb1: {  	[dreg:$0x5] =	wrdreg $0x9  }
0xb2: {  	_ =	task.clear_ibuf [dreg:s7], $0x6FFFF;
	_ =	strace $0x9000004C  }
0xb3: {  	s29 =	simm.s32 $0x9;
	_ =	strace $0x8000004E  }
0xb4: {  	_ =	swait.ge [sflag:s29], $0x1  }
0xb5: {  	[sflag:s29] =	ssyncadd.s32 $0xFFFFFFFF  }
0xb6: {  	_ =	strace $0x9000004E  }
0xb7: {  	_ =	sfence  }
0xb8: {  	s30 =	sld [smem:$0x0];
	_ =	sdelay $0x2  }
0xb9: {  	s31 =	sshll.u32 s1, $0xD;
	s1 =	sshrl.u32 s1, $0x2  }
0xba: {  	s3 =	sand.u32 $0x4000, s31;
	s1 =	sadd.s32 s1, s30  }
0xbb: {  	s0 =	sor.u32 s3, s0;
	s1 =	sshll.u32 s1, $0x11  }
0xbc: {  	s0 =	sor.u32 s1, s0  }
0xbd: {  	s0 =	sadd.s32 $0x8F2B, s0  }
0xbe: {  	[sflag:s0] =	ssyncadd.remote.s32 $0x1  }
0xbf: {  	_ =	sfence.sel $0xFFFF  }
0xc0: {  	[dreg:$0x0] =	wrdreg $0xFFFFFFFF;
	(pc) =	sbr.abs _section_cstart, $3  }
0xc1: {  	[dreg:$0x1] =	wrdreg $0xFFFFFFFF  }
0xc2: {  	_ =	task.clear_ibuf [dreg:s7], $0x2FFFF;
	_ =	strace $0x9FFFFFFF  }
0xc3: {  	(tm) =	ssettm $0x7FFFFFFF  }
tec
execute0_lowered:
.L_overlay_start_1:
0x0: {  	(tag) =	ssettag $0x1  }
0x1: {  	s0 =	rddreg [dreg:$0x0]  }
0x2: {  	s2 =	rddreg [dreg:$0x1]  }
0x3: {  	s3 =	rddreg [dreg:$0x2]  }
0x4: {  	s13 =	stileid.u32;
	s1 =	srdreg.scid  }
0x5: {  	s4 =	simm.s32 $0x0;
	s28 =	simm.s32 $0x180;
	s29 =	simm.s32 $0x380  }
0x6: {  	s30 =	simm.s32 $0x1;
	s31 =	simm.s32 $0x400;
	s7 =	smul.u32 $0x13C00, s13  }
0x7: {  	s1 =	sand.u32 $0x1, s1;
	[smem:$0x7FF] =	sst s4;
	s5 =	sadd.s32 $0x36200, s0  }
0x8: {  	s6 =	sadd.s32 $0x4A00, s0;
	s11 =	smul.u32 $0x4F000, s13;
	s17 =	sshll.u32 s13, $0x6  }
0x9: {  	s8 =	smul.u32 $0x13C000, s1;
	_ =	strace $0x8000004D;
	s10 =	ssub.s32 $0x2, s1  }
0xa: {  	p0 =	seq.s32 s1, $0x0;
	s9 =	sshrl.u32 s7, $0x3;
	s12 =	sshrl.u32 s10, $0x1  }
0xb: {  	s15 =	sshrl.u32 s11, $0x2;
	s7 =	sadd.s32 s7, s8;
	s8 =	smul.u32 $0x50, s13  }
0xc: {  	s11 =	simm.s32 $0x0;
	s9 =	sadd.s32 s9, s0;
	s7 =	sshrl.u32 s7, $0x3  }
0xd: {  	s10 =	ssub.s32 s10, s12;
	s0 =	sadd.s32 s7, s0;
	s7 =	sadd.s32 $0x500, s8  }
0xe: {  	s1 =	sadd.s32 s15, s3;
	s16 =	sadd.s32 $0xEA00, s9;
	s7 =	smov.u32 @p0 s8  }
0xf: {  	s9 =	sor.u32 $0x1C06, s17;
	[dreg:$0x4] =	wrdreg s16;
	s18 =	sshll.u32 s7, $0x4  }
0x10: {  	s19 =	sadd.s32 s6, s18;
	s20 =	sor.u32 $0x10, s18;
	s21 =	sadd.s32 s2, s18  }
0x11: {  	s23 =	sor.u32 $0x20, s18;
	s25 =	sor.u32 $0x30, s18;
	[dreg:$0x5] =	wrdreg s19  }
0x12: {  	s18 =	sadd.s32 $0xD4200, s0;
	s0 =	simm.s32 $0x5;
	[dreg:$0x6] =	wrdreg s21  }
0x13: {  	s22 =	sadd.s32 s6, s20;
	s8 =	sadd.s32 s2, s20;
	s24 =	sadd.s32 s6, s23  }
0x14: {  	s26 =	sadd.s32 s2, s23;
	s16 =	sadd.s32 s6, s25;
	s17 =	sadd.s32 s2, s25  }
0x15: {  	s19 =	smax.u32 s10, $0x1;
	s20 =	sshrl.u32 s1, $0x3;
	[dreg:$0x7] =	wrdreg s22  }
0x16: {  	s21 =	simm.s32 $0x6;
	s23 =	simm.s32 $0x80;
	[dreg:$0x8] =	wrdreg s8  }
0x17: {  	s25 =	simm.s32 $0x100;
	s1 =	simm.s32 $0x2;
	[dreg:$0x9] =	wrdreg s24  }
0x18: {  	s10 =	simm.s32 $0x4;
	[dreg:$0xa] =	wrdreg s26;
	s22 =	simm.s32 $0x200  }
0x19: {  	s24 =	simm.s32 $0x280;
	s26 =	simm.s32 $0x300;
	s8 =	simm.s32 $0x3  }
.LBB2_1:
0x1a: {  	s12 =	rddreg [dreg:$0x4]  }
0x1b: {  	[spmem:s20], [sflag:s9] =	dma.local [hbm:s12], $0x2780  }
0x1c: {  	_ =	swait.ge [sflag:s21], $0x2780  }
0x1d: {  	[sflag:s21] =	ssyncset.done $0x0  }
0x1e: {  	[sflag:s21] =	ssyncadd.s32 $0xFFFFD880  }
0x1f: {  	[bflag:$0x0] =	sbarrier.arrive $0xFFFF  }
0x20: {  	s13 =	rddreg [dreg:$0x5]  }
0x21: {  	[tilespmem:s4], [sflag:$0x1] =	stream.linear.gather [hbm4b:s13+s4], $0x80, $0x38;
	[tilespmem:$0x18000] =	vst v63  }
0x22: {  	s14 =	rddreg [dreg:$0x6]  }
0x23: {  	[tilespmem:s22], [sflag:$0x1] =	stream.linear.gather [hbm4b:s14+s4], $0x80, $0x38;
	[tilespmem:$0x18000] =	vst v63  }
0x24: {  	s15 =	rddreg [dreg:$0x7]  }
0x25: {  	[tilespmem:s23], [sflag:$0x2] =	stream.linear.gather [hbm4b:s15+s4], $0x80, $0x38;
	[tilespmem:$0x18000] =	vst v63  }
0x26: {  	s13 =	rddreg [dreg:$0x8]  }
0x27: {  	[tilespmem:s24], [sflag:$0x2] =	stream.linear.gather [hbm4b:s13+s4], $0x80, $0x38;
	[tilespmem:$0x18000] =	vst v63  }
0x28: {  	s14 =	rddreg [dreg:$0x9]  }
0x29: {  	[tilespmem:s25], [sflag:$0x3] =	stream.linear.gather [hbm4b:s14+s4], $0x80, $0x38;
	[tilespmem:$0x18000] =	vst v63  }
0x2a: {  	s15 =	rddreg [dreg:$0xa]  }
0x2b: {  	[tilespmem:s26], [sflag:$0x3] =	stream.linear.gather [hbm4b:s15+s4], $0x80, $0x38;
	[tilespmem:$0x18000] =	vst v63  }
0x2c: {  	_ = 	snop  }
0x2d: {  	[tilespmem:s28], [sflag:$0x4] =	stream.linear.gather [hbm4b:s16+s4], $0x80, $0x38;
	[tilespmem:$0x18000] =	vst v63  }
0x2e: {  	_ = 	snop  }
0x2f: {  	[tilespmem:s29], [sflag:$0x4] =	stream.linear.gather [hbm4b:s17+s4], $0x80, $0x38;
	[tilespmem:$0x18000] =	vst v63  }
0x30: {  	_ =	swait.ge [sflag:s30], $0x80  }
0x31: {  	[sflag:s30] =	ssyncset.done $0x0  }
0x32: {  	[sflag:s30] =	ssyncadd.s32 $0xFFFFFF80  }
0x33: {  	_ =	swait.ge [sflag:s30], $0x80  }
0x34: {  	[sflag:s30] =	ssyncset.done $0x0  }
0x35: {  	s13 =	smin.u32 s4, $0x4B;
	[sflag:s30] =	ssyncadd.s32 $0xFFFFFF80  }
0x36: {  	[tilespmem:s31], [sflag:$0x5] =	stream.indirect.gather [hbm4b:s5+s23], $0x80, s4, s23, $0xb8;
	[tilespmem:$0x18000] =	vst v63  }
0x37: {  	s12 =	sadd.s32 $0x4, s13;
	_ =	swait.ge [sflag:s0], $0x4000  }
0x38: {  	s13 =	sadd.s32 s7, s12;
	[sflag:s0] =	ssyncset.done $0x0  }
0x39: {  	s12 =	sshll.u32 s12, $0x4;
	s13 =	sshll.u32 s13, $0x4;
	[sflag:s0] =	ssyncadd.s32 $0xFFFFC000  }
0x3a: {  	[spmem:s3] =	stream.indirect.scatter.add.f32 [tilespmem:s31], [sflag:$0x6], $0x80, s22, s23, $0xb8;
	[tilespmem:$0x18000] =	vst v63  }
0x3b: {  	s12 =	sand.u32 $0x70, s12;
	s13 =	sand.u32 $0x1FF80, s13;
	_ =	swait.ge [sflag:s21], $0x4000  }
0x3c: {  	s12 =	sor.u32 s12, s13;
	[sflag:s21] =	ssyncset.done $0x0  }
0x3d: {  	s13 =	sadd.s32 s6, s12;
	[sflag:s21] =	ssyncadd.s32 $0xFFFFC000  }
0x3e: {  	[tilespmem:s4], [sflag:$0x1] =	stream.linear.gather [hbm4b:s13+s4], $0x80, $0x38;
	[tilespmem:$0x18000] =	vst v63  }
0x3f: {  	s12 =	sadd.s32 s2, s12  }
0x40: {  	[tilespmem:s22], [sflag:$0x1] =	stream.linear.gather [hbm4b:s12+s4], $0x80, $0x38;
	[tilespmem:$0x18000] =	vst v63  }
0x41: {  	_ =	swait.ge [sflag:s1], $0x80  }
0x42: {  	[sflag:s1] =	ssyncset.done $0x0  }
0x43: {  	[sflag:s1] =	ssyncadd.s32 $0xFFFFFF80  }
0x44: {  	_ =	swait.ge [sflag:s1], $0x80  }
0x45: {  	[sflag:s1] =	ssyncset.done $0x0  }
0x46: {  	s14 =	smin.u32 s4, $0x4A;
	[sflag:s1] =	ssyncadd.s32 $0xFFFFFF80  }
0x47: {  	[tilespmem:s31], [sflag:$0x5] =	stream.indirect.gather [hbm4b:s5+s23], $0x80, s23, s23, $0xb8;
	[tilespmem:$0x18000] =	vst v63  }
0x48: {  	s12 =	sadd.s32 $0x5, s14;
	_ =	swait.ge [sflag:s0], $0x4000  }
0x49: {  	s15 =	sadd.s32 s7, s12;
	[sflag:s0] =	ssyncset.done $0x0  }
0x4a: {  	s12 =	sshll.u32 s12, $0x4;
	s13 =	sshll.u32 s15, $0x4;
	[sflag:s0] =	ssyncadd.s32 $0xFFFFC000  }
0x4b: {  	[spmem:s3] =	stream.indirect.scatter.add.f32 [tilespmem:s31], [sflag:$0x6], $0x80, s24, s23, $0xb8;
	[tilespmem:$0x18000] =	vst v63  }
0x4c: {  	s12 =	sand.u32 $0x70, s12;
	s13 =	sand.u32 $0x1FF80, s13;
	_ =	swait.ge [sflag:s21], $0x4000  }
0x4d: {  	s12 =	sor.u32 s12, s13;
	[sflag:s21] =	ssyncset.done $0x0  }
0x4e: {  	s13 =	sadd.s32 s6, s12;
	[sflag:s21] =	ssyncadd.s32 $0xFFFFC000  }
0x4f: {  	[tilespmem:s23], [sflag:$0x2] =	stream.linear.gather [hbm4b:s13+s4], $0x80, $0x38;
	[tilespmem:$0x18000] =	vst v63  }
0x50: {  	s12 =	sadd.s32 s2, s12  }
0x51: {  	[tilespmem:s24], [sflag:$0x2] =	stream.linear.gather [hbm4b:s12+s4], $0x80, $0x38;
	[tilespmem:$0x18000] =	vst v63  }
0x52: {  	_ =	swait.ge [sflag:s8], $0x80  }
0x53: {  	[sflag:s8] =	ssyncset.done $0x0  }
0x54: {  	[sflag:s8] =	ssyncadd.s32 $0xFFFFFF80  }
0x55: {  	_ =	swait.ge [sflag:s8], $0x80  }
0x56: {  	[sflag:s8] =	ssyncset.done $0x0  }
0x57: {  	s14 =	smin.u32 s4, $0x49;
	[sflag:s8] =	ssyncadd.s32 $0xFFFFFF80  }
0x58: {  	[tilespmem:s31], [sflag:$0x5] =	stream.indirect.gather [hbm4b:s5+s23], $0x80, s25, s23, $0xb8;
	[tilespmem:$0x18000] =	vst v63  }
0x59: {  	s12 =	sadd.s32 $0x6, s14;
	_ =	swait.ge [sflag:s0], $0x4000  }
0x5a: {  	s15 =	sadd.s32 s7, s12;
	[sflag:s0] =	ssyncset.done $0x0  }
0x5b: {  	s12 =	sshll.u32 s12, $0x4;
	s13 =	sshll.u32 s15, $0x4;
	[sflag:s0] =	ssyncadd.s32 $0xFFFFC000  }
0x5c: {  	[spmem:s3] =	stream.indirect.scatter.add.f32 [tilespmem:s31], [sflag:$0x6], $0x80, s26, s23, $0xb8;
	[tilespmem:$0x18000] =	vst v63  }
0x5d: {  	s12 =	sand.u32 $0x70, s12;
	s13 =	sand.u32 $0x1FF80, s13;
	_ =	swait.ge [sflag:s21], $0x4000  }
0x5e: {  	s12 =	sor.u32 s12, s13;
	[sflag:s21] =	ssyncset.done $0x0  }
0x5f: {  	s13 =	sadd.s32 s6, s12;
	[sflag:s21] =	ssyncadd.s32 $0xFFFFC000  }
0x60: {  	[tilespmem:s25], [sflag:$0x3] =	stream.linear.gather [hbm4b:s13+s4], $0x80, $0x38;
	[tilespmem:$0x18000] =	vst v63  }
0x61: {  	s12 =	sadd.s32 s2, s12  }
0x62: {  	[tilespmem:s26], [sflag:$0x3] =	stream.linear.gather [hbm4b:s12+s4], $0x80, $0x38;
	[tilespmem:$0x18000] =	vst v63  }
0x63: {  	_ =	swait.ge [sflag:s10], $0x80  }
0x64: {  	[sflag:s10] =	ssyncset.done $0x0  }
0x65: {  	[sflag:s10] =	ssyncadd.s32 $0xFFFFFF80  }
0x66: {  	_ =	swait.ge [sflag:s10], $0x80  }
0x67: {  	[sflag:s10] =	ssyncset.done $0x0  }
0x68: {  	s14 =	smin.u32 s4, $0x48;
	[sflag:s10] =	ssyncadd.s32 $0xFFFFFF80  }
0x69: {  	[tilespmem:s31], [sflag:$0x5] =	stream.indirect.gather [hbm4b:s5+s23], $0x80, s28, s23, $0xb8;
	[tilespmem:$0x18000] =	vst v63  }
0x6a: {  	s12 =	sadd.s32 $0x7, s14;
	_ =	swait.ge [sflag:s0], $0x4000  }
0x6b: {  	s15 =	sadd.s32 s7, s12;
	[sflag:s0] =	ssyncset.done $0x0  }
0x6c: {  	s12 =	sshll.u32 s12, $0x4;
	s13 =	sshll.u32 s15, $0x4;
	[sflag:s0] =	ssyncadd.s32 $0xFFFFC000  }
0x6d: {  	[spmem:s3] =	stream.indirect.scatter.add.f32 [tilespmem:s31], [sflag:$0x6], $0x80, s29, s23, $0xb8;
	[tilespmem:$0x18000] =	vst v63  }
0x6e: {  	s12 =	sand.u32 $0x70, s12;
	s13 =	sand.u32 $0x1FF80, s13;
	_ =	swait.ge [sflag:s21], $0x4000  }
0x6f: {  	s13 =	sor.u32 s12, s13;
	[sflag:s21] =	ssyncset.done $0x0  }
0x70: {  	s12 =	sadd.s32 s6, s13;
	[sflag:s21] =	ssyncadd.s32 $0xFFFFC000  }
0x71: {  	[tilespmem:s28], [sflag:$0x4] =	stream.linear.gather [hbm4b:s12+s4], $0x80, $0x38;
	[tilespmem:$0x18000] =	vst v63  }
0x72: {  	s14 =	sadd.s32 s2, s13;
	s12 =	simm.s32 $0x4  }
.LBB2_2:
0x73: {  	p0 =	sne.s32 s12, $0x4C;
	s13 =	smov.u32 s12;
	s12 =	sadd.s32 $0x4, s12  }
0x74: {  	[tilespmem:s29], [sflag:$0x4] =	stream.linear.gather [hbm4b:s14+s4], $0x80, $0x38;
	[tilespmem:$0x18000] =	vst v63  }
0x75: {  	_ =	swait.ge [sflag:s30], $0x80  }
0x76: {  	[sflag:s30] =	ssyncset.done $0x0  }
0x77: {  	[sflag:s30] =	ssyncadd.s32 $0xFFFFFF80  }
0x78: {  	_ =	swait.ge [sflag:s30], $0x80  }
0x79: {  	[sflag:s30] =	ssyncset.done $0x0  }
0x7a: {  	[sflag:s30] =	ssyncadd.s32 $0xFFFFFF80  }
0x7b: {  	[tilespmem:s31], [sflag:$0x5] =	stream.indirect.gather [hbm4b:s5+s23], $0x80, s4, s23, $0xb8;
	[tilespmem:$0x18000] =	vst v63  }
0x7c: {  	s14 =	smin.u32 s13, $0x4B;
	_ =	swait.ge [sflag:s0], $0x4000  }
0x7d: {  	s14 =	sadd.s32 $0x4, s14;
	[sflag:s0] =	ssyncset.done $0x0  }
0x7e: {  	s15 =	sadd.s32 s7, s14;
	s14 =	sshll.u32 s14, $0x4;
	[sflag:s0] =	ssyncadd.s32 $0xFFFFC000  }
0x7f: {  	[spmem:s3] =	stream.indirect.scatter.add.f32 [tilespmem:s31], [sflag:$0x6], $0x80, s22, s23, $0xb8;
	[tilespmem:$0x18000] =	vst v63  }
0x80: {  	s15 =	sshll.u32 s15, $0x4;
	s14 =	sand.u32 $0x70, s14;
	_ =	swait.ge [sflag:s21], $0x4000  }
0x81: {  	s15 =	sand.u32 $0x1FF80, s15;
	[sflag:s21] =	ssyncset.done $0x0  }
0x82: {  	s14 =	sor.u32 s14, s15;
	[sflag:s21] =	ssyncadd.s32 $0xFFFFC000  }
0x83: {  	s15 =	sadd.s32 s6, s14;
	s14 =	sadd.s32 s2, s14  }
0x84: {  	[tilespmem:s4], [sflag:$0x1] =	stream.linear.gather [hbm4b:s15+s4], $0x80, $0x38;
	[tilespmem:$0x18000] =	vst v63  }
0x85: {  	_ = 	snop  }
0x86: {  	[tilespmem:s22], [sflag:$0x1] =	stream.linear.gather [hbm4b:s14+s4], $0x80, $0x38;
	[tilespmem:$0x18000] =	vst v63  }
0x87: {  	_ =	swait.ge [sflag:s1], $0x80  }
0x88: {  	[sflag:s1] =	ssyncset.done $0x0  }
0x89: {  	[sflag:s1] =	ssyncadd.s32 $0xFFFFFF80  }
0x8a: {  	_ =	swait.ge [sflag:s1], $0x80  }
0x8b: {  	[sflag:s1] =	ssyncset.done $0x0  }
0x8c: {  	s14 =	smin.u32 s13, $0x4A;
	[sflag:s1] =	ssyncadd.s32 $0xFFFFFF80  }
0x8d: {  	[tilespmem:s31], [sflag:$0x5] =	stream.indirect.gather [hbm4b:s5+s23], $0x80, s23, s23, $0xb8;
	[tilespmem:$0x18000] =	vst v63  }
0x8e: {  	s14 =	sadd.s32 $0x5, s14;
	_ =	swait.ge [sflag:s0], $0x4000  }
0x8f: {  	s15 =	sadd.s32 s7, s14;
	s14 =	sshll.u32 s14, $0x4;
	[sflag:s0] =	ssyncset.done $0x0  }
0x90: {  	s15 =	sshll.u32 s15, $0x4;
	s14 =	sand.u32 $0x70, s14;
	[sflag:s0] =	ssyncadd.s32 $0xFFFFC000  }
0x91: {  	[spmem:s3] =	stream.indirect.scatter.add.f32 [tilespmem:s31], [sflag:$0x6], $0x80, s24, s23, $0xb8;
	[tilespmem:$0x18000] =	vst v63  }
0x92: {  	s15 =	sand.u32 $0x1FF80, s15;
	_ =	swait.ge [sflag:s21], $0x4000  }
0x93: {  	s14 =	sor.u32 s14, s15;
	[sflag:s21] =	ssyncset.done $0x0  }
0x94: {  	s15 =	sadd.s32 s6, s14;
	s14 =	sadd.s32 s2, s14;
	[sflag:s21] =	ssyncadd.s32 $0xFFFFC000  }
0x95: {  	[tilespmem:s23], [sflag:$0x2] =	stream.linear.gather [hbm4b:s15+s4], $0x80, $0x38;
	[tilespmem:$0x18000] =	vst v63  }
0x96: {  	_ = 	snop  }
0x97: {  	[tilespmem:s24], [sflag:$0x2] =	stream.linear.gather [hbm4b:s14+s4], $0x80, $0x38;
	[tilespmem:$0x18000] =	vst v63  }
0x98: {  	_ =	swait.ge [sflag:s8], $0x80  }
0x99: {  	[sflag:s8] =	ssyncset.done $0x0  }
0x9a: {  	[sflag:s8] =	ssyncadd.s32 $0xFFFFFF80  }
0x9b: {  	_ =	swait.ge [sflag:s8], $0x80  }
0x9c: {  	[sflag:s8] =	ssyncset.done $0x0  }
0x9d: {  	s14 =	smin.u32 s13, $0x49;
	[sflag:s8] =	ssyncadd.s32 $0xFFFFFF80  }
0x9e: {  	[tilespmem:s31], [sflag:$0x5] =	stream.indirect.gather [hbm4b:s5+s23], $0x80, s25, s23, $0xb8;
	[tilespmem:$0x18000] =	vst v63  }
0x9f: {  	s14 =	sadd.s32 $0x6, s14;
	_ =	swait.ge [sflag:s0], $0x4000  }
0xa0: {  	s15 =	sadd.s32 s7, s14;
	s14 =	sshll.u32 s14, $0x4;
	[sflag:s0] =	ssyncset.done $0x0  }
0xa1: {  	s15 =	sshll.u32 s15, $0x4;
	s14 =	sand.u32 $0x70, s14;
	[sflag:s0] =	ssyncadd.s32 $0xFFFFC000  }
0xa2: {  	[spmem:s3] =	stream.indirect.scatter.add.f32 [tilespmem:s31], [sflag:$0x6], $0x80, s26, s23, $0xb8;
	[tilespmem:$0x18000] =	vst v63  }
0xa3: {  	s15 =	sand.u32 $0x1FF80, s15;
	_ =	swait.ge [sflag:s21], $0x4000  }
0xa4: {  	s14 =	sor.u32 s14, s15;
	[sflag:s21] =	ssyncset.done $0x0  }
0xa5: {  	s15 =	sadd.s32 s6, s14;
	s14 =	sadd.s32 s2, s14;
	[sflag:s21] =	ssyncadd.s32 $0xFFFFC000  }
0xa6: {  	[tilespmem:s25], [sflag:$0x3] =	stream.linear.gather [hbm4b:s15+s4], $0x80, $0x38;
	[tilespmem:$0x18000] =	vst v63  }
0xa7: {  	_ = 	snop  }
0xa8: {  	[tilespmem:s26], [sflag:$0x3] =	stream.linear.gather [hbm4b:s14+s4], $0x80, $0x38;
	[tilespmem:$0x18000] =	vst v63  }
0xa9: {  	_ =	swait.ge [sflag:s10], $0x80  }
0xaa: {  	[sflag:s10] =	ssyncset.done $0x0  }
0xab: {  	[sflag:s10] =	ssyncadd.s32 $0xFFFFFF80  }
0xac: {  	_ =	swait.ge [sflag:s10], $0x80  }
0xad: {  	[sflag:s10] =	ssyncset.done $0x0  }
0xae: {  	s13 =	smin.u32 s13, $0x48;
	[sflag:s10] =	ssyncadd.s32 $0xFFFFFF80  }
0xaf: {  	[tilespmem:s31], [sflag:$0x5] =	stream.indirect.gather [hbm4b:s5+s23], $0x80, s28, s23, $0xb8;
	[tilespmem:$0x18000] =	vst v63  }
0xb0: {  	s13 =	sadd.s32 $0x7, s13;
	_ =	swait.ge [sflag:s0], $0x4000  }
0xb1: {  	s14 =	sadd.s32 s7, s13;
	s13 =	sshll.u32 s13, $0x4;
	[sflag:s0] =	ssyncset.done $0x0  }
0xb2: {  	s14 =	sshll.u32 s14, $0x4;
	s13 =	sand.u32 $0x70, s13;
	[sflag:s0] =	ssyncadd.s32 $0xFFFFC000  }
0xb3: {  	[spmem:s3] =	stream.indirect.scatter.add.f32 [tilespmem:s31], [sflag:$0x6], $0x80, s29, s23, $0xb8;
	[tilespmem:$0x18000] =	vst v63  }
.Ltmp0:
0xb4: {  	_ = 	snop;
	(pc) =	sbr.rel @p0 .LBB2_2-.Ltmp0, $4  }
0xb5: {  	s14 =	sand.u32 $0x1FF80, s14;
	_ =	swait.ge [sflag:s21], $0x4000  }
0xb6: {  	s13 =	sor.u32 s13, s14;
	[sflag:s21] =	ssyncset.done $0x0  }
0xb7: {  	s15 =	sadd.s32 s6, s13;
	s14 =	sadd.s32 s2, s13;
	[sflag:s21] =	ssyncadd.s32 $0xFFFFC000  }
0xb8: {  	[tilespmem:s28], [sflag:$0x4] =	stream.linear.gather [hbm4b:s15+s4], $0x80, $0x38;
	[tilespmem:$0x18000] =	vst v63  }
0xb9: {  	[tilespmem:s29], [sflag:$0x4] =	stream.linear.gather [hbm4b:s14+s4], $0x80, $0x38;
	[tilespmem:$0x18000] =	vst v63  }
0xba: {  	_ =	swait.ge [sflag:s30], $0x80  }
0xbb: {  	[sflag:s30] =	ssyncset.done $0x0  }
0xbc: {  	[sflag:s30] =	ssyncadd.s32 $0xFFFFFF80  }
0xbd: {  	_ =	swait.ge [sflag:s30], $0x80  }
0xbe: {  	[sflag:s30] =	ssyncset.done $0x0  }
0xbf: {  	[sflag:s30] =	ssyncadd.s32 $0xFFFFFF80  }
0xc0: {  	_ =	swait.ge [sflag:s1], $0x80  }
0xc1: {  	[sflag:s1] =	ssyncset.done $0x0  }
0xc2: {  	[sflag:s1] =	ssyncadd.s32 $0xFFFFFF80  }
0xc3: {  	_ =	swait.ge [sflag:s1], $0x80  }
0xc4: {  	[sflag:s1] =	ssyncset.done $0x0  }
0xc5: {  	[sflag:s1] =	ssyncadd.s32 $0xFFFFFF80  }
0xc6: {  	_ =	swait.ge [sflag:s8], $0x80  }
0xc7: {  	[sflag:s8] =	ssyncset.done $0x0  }
0xc8: {  	[sflag:s8] =	ssyncadd.s32 $0xFFFFFF80  }
0xc9: {  	_ =	swait.ge [sflag:s8], $0x80  }
0xca: {  	[sflag:s8] =	ssyncset.done $0x0  }
0xcb: {  	[sflag:s8] =	ssyncadd.s32 $0xFFFFFF80  }
0xcc: {  	_ =	swait.ge [sflag:s10], $0x80  }
0xcd: {  	[sflag:s10] =	ssyncset.done $0x0  }
0xce: {  	[sflag:s10] =	ssyncadd.s32 $0xFFFFFF80  }
0xcf: {  	_ =	swait.ge [sflag:s10], $0x80  }
0xd0: {  	s11 =	sadd.s32 $0x1, s11;
	[sflag:s10] =	ssyncset.done $0x0  }
0xd1: {  	p0 =	sne.s32 s11, s19;
	[sflag:s10] =	ssyncadd.s32 $0xFFFFFF80  }
.Ltmp1:
0xd2: {  	[bflag:$0x0] =	sbarrier.arrive $0xFFFF;
	(pc) =	sbr.rel @p0 .LBB2_1-.Ltmp1, $4  }
0xd3: {  	[hbm:s18], [sflag:s9] =	dma.local [spmem:s20], $0x2780  }
0xd4: {  	_ =	swait.ge [sflag:s21], $0x2780  }
0xd5: {  	[sflag:s21] =	ssyncset.done $0x0  }
0xd6: {  	[sflag:s21] =	ssyncadd.s32 $0xFFFFD880  }
0xd7: {  	_ =	sfence.sel $0x180000  }
0xd8: {  	[bflag:$0x0] =	sbarrier.arrive $0xFFFF  }
0xd9: {  	_ =	strace $0x9000004D  }
0xda: {  	s0 =	stileid.u32;
	[bflag:$0x2] =	sbarrier.arrive $0xFFFF  }
0xdb: {  	p0 =	sne.s32 s0, $0x0;
	s0 =	rddreg [dreg:$0x3]  }
0xdc: {  	s0 =	sadd.s32 @!p0 $0x100000, s0  }
0xdd: {  	[sflag:s0] =	ssyncadd.tile.s32 @!p0 $0x1;
	_ =	shalt  }
.Lfunc_end2:
_tile_overlayer_lowered:
.L_overlay_start_2:
0xde: {  	(tag) =	ssettag $0x2  }
0xdf: {  	s0 =	rddreg [dreg:$0x0];
	s2 =	stileid.u32  }
0xe0: {  	s1 =	rddreg [dreg:$0x1];
	p0 =	sne.s32 s2, $0x0  }
0xe1: {  	s3 =	rddreg [dreg:$0x2];
	[bflag:$0x3] =	sbarrier.arrive $0xFFFF;
	s2 =	simm.s32 @!p0 $0x1C06  }
0xe2: {  	[timem:s3], [sflag:s2] =	dma.local @!p0 [hbm:s0], s1  }
0xe3: {  	s0 =	simm.s32 @!p0 $0x6  }
0xe4: {  	_ =	swait.ge @!p0 [sflag:s0], s1  }
0xe5: {  	s1 =	ssub.s32 @!p0 $0x0, s1;
	[sflag:s0] =	ssyncset.done @!p0 $0x0  }
0xe6: {  	[sflag:s0] =	ssyncadd.s32 @!p0 s1  }
0xe7: {  	[bflag:$0x3] =	sbarrier.arrive $0xFFFF  }
0xe8: {  	_ =	shalt  }

// kernel: kernel.7.cloned.1.call-start
scs
__scs_entry_jumppad:
0x0: {  	(pc) =	sbr.rel $0x88, $3  }
0x1: {  	(tag) =	ssettag $0x0;
	lr =	simm.s32 $0x1  }
0x2: {  	[smem:$0x3F8B] =	sst lr;
	_ =	strace $0xD0000000  }
0x3: {  	_ = 	snop  }
0x4: {  	_ = 	snop  }
0x5: {  	_ = 	snop  }
0x6: {  	_ = 	snop  }
0x7: {  	_ = 	snop  }
__scs_overlays_trampoline_lowered:
0x8: {  	[smem:$0x3F9A] =	sst s0  }
0x9: {  	[smem:$0x3F9B] =	sst s1  }
0xa: {  	[smem:$0x3F9C] =	sst s2  }
0xb: {  	[smem:$0x3F9D] =	sst s3  }
0xc: {  	[smem:$0x3F9E] =	sst s4  }
0xd: {  	[smem:$0x3F9F] =	sst s5  }
0xe: {  	[smem:$0x3FA0] =	sst s6  }
0xf: {  	[smem:$0x3FA1] =	sst s7  }
0x10: {  	[smem:$0x3FA2] =	sst s8  }
0x11: {  	[smem:$0x3FA3] =	sst s9;
	s0 =	simm.s32 @!p0 $0x0  }
0x12: {  	s1 =	sld [smem:$0x3F89];
	s0 =	simm.s32 @p0 $0x1  }
0x13: {  	[smem:$0x3FA4] =	sst s0;
	s0 =	simm.s32 @!p1 $0x0  }
0x14: {  	s2 =	sld [smem:$0x3F88];
	s0 =	simm.s32 @p1 $0x1  }
0x15: {  	[smem:$0x3FA5] =	sst s0;
	s0 =	simm.s32 @!p2 $0x0  }
0x16: {  	s3 =	sld [smem:$0x3FDB];
	s0 =	simm.s32 @p2 $0x1  }
0x17: {  	s4 =	simm.s32 $0x1BF5;
	[smem:$0x3FA7] =	sst s0  }
0x18: {  	s0 =	sld [smem:$0x3F8A];
	_ =	swait.ge [sflag:s4], $0x0  }
0x19: {  	s7 =	sld [smem:$0x3F8B]  }
0x1a: {  	s8 =	sadd.s32 $0xFFFFE003, lr  }
0x1b: {  	s9 =	sadd.s32 $0xFFFFFEF7, lr;
	s5 =	simm.s32 $0xFFFFFFFF;
	p2 =	slt.u32 s8, $0xFFFFF086  }
0x1c: {  	p1 =	slt.u32 s9, $0xF7A;
	s5 =	simm.s32 @!p2 $0x0  }
0x1d: {  	s5 =	simm.s32 @p1 $0x1;
	p0 =	seq.s32 s7, s2  }
0x1e: {  	s7 =	smul.u32 @!p0 $0xF7A, s2;
	p2 =	seq.s32 @!p0 s5, $0x0  }
0x1f: {  	s9 =	smul.u32 $0xF7A, s1;
	s8 =	simm.s32 @!p0 $0x1BF5;
	p2 =	por !p2, p0  }
0x20: {  	[sflag:s8] =	ssyncset.s32 @!p0 $0xFFFFF086;
	s6 =	sadd.s32 @!p0 s3, s7;
	s7 =	simm.s32 @!p0 $0x108  }
0x21: {  	s3 =	sadd.s32 s3, s9;
	s6 =	sadd.s32 @!p0 $0x88, s6;
	s7 =	simm.s32 @p2 $0x1082  }
0x22: {  	[simem:s7], [sflag:s8] =	dma.local @!p0 [hbm:s6], $0xF7A  }
0x23: {  	s9 =	sor.u32 $0xD0000000, s2;
	s6 =	simm.s32 $0x108;
	_ =	swait.ge @!p0 [sflag:s8], $0x0  }
0x24: {  	s3 =	sadd.s32 $0x88, s3;
	s6 =	simm.s32 @!p1 $0x1082;
	[sflag:s4] =	ssyncset.s32 $0xFFFFF086  }
0x25: {  	[simem:s6], [sflag:s4] =	dma.local [hbm:s3], $0xF7A  }
0x26: {  	[smem:$0x3F8B] =	sst s1;
	(tag) =	ssettag s2;
	_ =	strace s9  }
0x27: {  	s1 =	sld [smem:$0x3F9B]  }
0x28: {  	s2 =	sld [smem:$0x3F9C]  }
0x29: {  	s4 =	sld [smem:$0x3F9E]  }
0x2a: {  	p0 =	seq.s32 s5, $0x0;
	s5 =	sld [smem:$0x3F9F]  }
0x2b: {  	s6 =	sld [smem:$0x3FA0]  }
0x2c: {  	s7 =	sld [smem:$0x3FA1]  }
0x2d: {  	s3 =	simm.s32 $0x108;
	s8 =	sld [smem:$0x3FA2]  }
0x2e: {  	s3 =	simm.s32 @!p0 $0x1082;
	s9 =	sld [smem:$0x3FA3]  }
0x2f: {  	lr =	sadd.s32 s0, s3;
	s0 =	sld [smem:$0x3F9A]  }
0x30: {  	s3 =	sld [smem:$0x3F9D]  }
0x31: {  	[smem:$0x3FA6] =	sst s10  }
0x32: {  	s10 =	sld [smem:$0x3FA4];
	_ =	sdelay $0x3  }
0x33: {  	p0 =	seq.s32 s10, $0x1;
	s10 =	sld [smem:$0x3FA6];
	_ =	sdelay $0x3  }
0x34: {  	[smem:$0x3FA6] =	sst s10  }
0x35: {  	s10 =	sld [smem:$0x3FA5];
	_ =	sdelay $0x3  }
0x36: {  	p1 =	seq.s32 s10, $0x1;
	s10 =	sld [smem:$0x3FA6];
	_ =	sdelay $0x3  }
0x37: {  	[smem:$0x3FA6] =	sst s10  }
0x38: {  	s10 =	sld [smem:$0x3FA7]  }
0x39: {  	_ = 	snop;
	(pc) =	sbr.ind lr, $3  }
0x3a: {  	_ = 	snop  }
0x3b: {  	_ = 	snop  }
0x3c: {  	p2 =	seq.s32 s10, $0x1;
	s10 =	sld [smem:$0x3FA6]  }
0x3d: {  	_ =	shalt  }
0x3e: {  	_ =	shalt  }
0x3f: {  	_ =	shalt  }
0x40: {  	_ =	shalt  }
0x41: {  	_ =	shalt  }
0x42: {  	_ =	shalt  }
0x43: {  	_ =	shalt  }
0x44: {  	_ =	shalt  }
0x45: {  	_ =	shalt  }
0x46: {  	_ =	shalt  }
0x47: {  	_ =	shalt  }
0x48: {  	_ =	shalt  }
0x49: {  	_ =	shalt  }
0x4a: {  	_ =	shalt  }
0x4b: {  	_ =	shalt  }
0x4c: {  	_ =	shalt  }
0x4d: {  	_ =	shalt  }
0x4e: {  	_ =	shalt  }
0x4f: {  	_ =	shalt  }
0x50: {  	_ =	shalt  }
0x51: {  	_ =	shalt  }
0x52: {  	_ =	shalt  }
0x53: {  	_ =	shalt  }
0x54: {  	_ =	shalt  }
0x55: {  	_ =	shalt  }
0x56: {  	_ =	shalt  }
0x57: {  	_ =	shalt  }
0x58: {  	_ =	shalt  }
0x59: {  	_ =	shalt  }
0x5a: {  	_ =	shalt  }
0x5b: {  	_ =	shalt  }
0x5c: {  	_ =	shalt  }
0x5d: {  	_ =	shalt  }
0x5e: {  	_ =	shalt  }
0x5f: {  	_ =	shalt  }
0x60: {  	_ =	shalt  }
0x61: {  	_ =	shalt  }
0x62: {  	_ =	shalt  }
0x63: {  	_ =	shalt  }
0x64: {  	_ =	shalt  }
0x65: {  	_ =	shalt  }
0x66: {  	_ =	shalt  }
0x67: {  	_ =	shalt  }
0x68: {  	_ =	shalt  }
0x69: {  	_ =	shalt  }
0x6a: {  	_ =	shalt  }
0x6b: {  	_ =	shalt  }
0x6c: {  	_ =	shalt  }
0x6d: {  	_ =	shalt  }
0x6e: {  	_ =	shalt  }
0x6f: {  	_ =	shalt  }
0x70: {  	_ =	shalt  }
0x71: {  	_ =	shalt  }
0x72: {  	_ =	shalt  }
0x73: {  	_ =	shalt  }
0x74: {  	_ =	shalt  }
0x75: {  	_ =	shalt  }
0x76: {  	_ =	shalt  }
0x77: {  	_ =	shalt  }
0x78: {  	_ =	shalt  }
0x79: {  	_ =	shalt  }
0x7a: {  	_ =	shalt  }
0x7b: {  	_ =	shalt  }
0x7c: {  	_ =	shalt  }
0x7d: {  	_ =	shalt  }
0x7e: {  	_ =	shalt  }
0x7f: {  	_ =	shalt  }
0x80: {  	_ =	shalt  }
0x81: {  	_ =	shalt  }
0x82: {  	_ =	shalt  }
0x83: {  	_ =	shalt  }
0x84: {  	_ =	shalt  }
0x85: {  	_ =	shalt  }
0x86: {  	_ =	shalt  }
0x87: {  	_ =	shalt  }
.Lfunc_end0:
.L_simem_size_0:
called_computation_lowered:
.L_overlay_start_0:
0x88: {  	s2 =	sld [smem:$0x3FD9]  }
0x89: {  	s3 =	sld [smem:$0x3FFE];
	_ =	sdelay $0x1  }
0x8a: {  	s1 =	srdreg.scid  }
0x8b: {  	s0 =	sand.u32 $0x1, s1  }
0x8c: {  	s17 =	sshll.u32 s0, $0xA;
	s2 =	sadd.s32 s3, s2  }
0x8d: {  	s2 =	sadd.s32 s2, s17  }
0x8e: {  	[smem:$0x3FB2] =	sst s2  }
0x8f: {  	_ = 	snop  }
0x90: {  	s18 =	sld [smem:$0x3FD0];
	(tm) =	ssettm $0x1  }
0x91: {  	s19 =	sld [smem:$0x3FFB];
	_ =	sdelay $0x3  }
0x92: {  	_ =	strace s19  }
0x93: {  	s2 =	sld [smem:$0x3FFC];
	_ =	sdelay $0x3  }
0x94: {  	_ =	strace s2  }
0x95: {  	s2 =	sld [smem:$0x3FFD];
	_ =	sdelay $0x3  }
0x96: {  	_ =	strace s2  }
0x97: {  	_ =	strace $0x8FFFFFFF  }
0x98: {  	s20 =	sld [smem:$0x3FDB];
	_ =	sdelay $0x1  }
0x99: {  	s4 =	simm.s32 $_scs_section_size  }
0x9a: {  	s5 =	simm.s32 $_size__tile_overlayer_lowered;
	s6 =	simm.s32 $_tile_overlayer_lowered  }
0x9b: {  	s7 =	simm.s32 $0x1BFF;
	s21 =	sshll.u32 s6, $0x1;
	s4 =	sadd.s32 s4, s20  }
0x9c: {  	s22 =	simm.s32 $0x0;
	s5 =	sshll.u32 s5, $0x1;
	s6 =	sadd.s32 s21, s4  }
0x9d: {  	[timem:s22], [sflag:s7] =	dma.local [hbm:s6], s5  }
0x9e: {  	_ =	swait.ge [sflag:s7], s5  }
0x9f: {  	s5 =	ssub.s32 $0x0, s5;
	[sflag:s7] =	ssyncset.done $0x0  }
0xa0: {  	[sflag:s7] =	ssyncadd.s32 s5;
	_ =	sdelay $0x1  }
0xa1: {  	s23 =	simm.s32 $0x1B8B  }
0xa2: {  	_ =	swait.ge [sflag:s23], $0x1  }
0xa3: {  	[sflag:s23] =	ssyncset.done $0x0  }
0xa4: {  	[sflag:s23] =	ssyncadd.s32 $0xFFFFFFFF  }
0xa5: {  	s5 =	sld [smem:$0x0]  }
0xa6: {  	s6 =	sand.u32 $0xFFFFFFFE, s1  }
0xa7: {  	p0 =	sne.s32 s1, s6  }
0xa8: {  	s6 =	sshll.u32 @p0 s6, $0xE  }
0xa9: {  	s6 =	sadd.s32 @p0 $0x11B8D, s6;
	s7 =	sshll.u32 @p0 s5, $0x11  }
0xaa: {  	s6 =	sor.u32 @p0 s7, s6  }
0xab: {  	[sflag:s6] =	ssyncadd.remote.s32 @p0 $0x1;
	_ =	sdelay $0x1  }
0xac: {  	s6 =	simm.s32 @p0 $0x1B8D  }
0xad: {  	_ =	swait.eq @p0 [sflag:s6], $0x1  }
0xae: {  	[sflag:s6] =	ssyncadd.s32 @p0 $0xFFFFFFFF  }
0xaf: {  	s7 =	sshll.u32 @!p0 s1, $0xE  }
0xb0: {  	s7 =	sor.u32 @!p0 $0x4000, s7;
	s6 =	simm.s32 @!p0 $0x1B8D  }
0xb1: {  	s5 =	sshll.u32 @!p0 s5, $0x11;
	s7 =	sadd.s32 @!p0 $0x11B8D, s7;
	_ =	swait.eq @!p0 [sflag:s6], $0x1  }
0xb2: {  	s5 =	sor.u32 @!p0 s5, s7;
	[sflag:s6] =	ssyncadd.s32 @!p0 $0xFFFFFFFF  }
0xb3: {  	s25 =	simm.s32 $0x1B8E;
	s24 =	sld [smem:$0x3FFE];
	[sflag:s5] =	ssyncadd.remote.s32 @!p0 $0x1  }
0xb4: {  	s26 =	simm.s32 $execute0_lowered;
	[smem:$0x3FD2] =	sst s25  }
0xb5: {  	s6 =	sshll.u32 s26, $0x1;
	_ =	strace $0x80000049;
	[dreg:$0x1] =	wrdreg $0xFFFFFFFF  }
0xb6: {  	s28 =	simm.s32 $_size_execute0_lowered;
	s4 =	sadd.s32 s4, s6;
	[dreg:$0x0] =	wrdreg $0x0  }
0xb7: {  	s6 =	sshll.u32 s28, $0x1;
	[dreg:$0x2] =	wrdreg s4  }
0xb8: {  	[dreg:$0x3] =	wrdreg s6  }
0xb9: {  	[dreg:$0x4] =	wrdreg $0xC0  }
0xba: {  	_ =	task [dreg:s22], $0x5FFFF  }
0xbb: {  	[dreg:$0x1] =	wrdreg $0xFFFFFFFF  }
0xbc: {  	[dreg:$0x0] =	wrdreg $0x60  }
0xbd: {  	[dreg:$0x2] =	wrdreg s24  }
0xbe: {  	[dreg:$0x3] =	wrdreg s18  }
0xbf: {  	[dreg:$0x4] =	wrdreg $0x82000  }
0xc0: {  	[dreg:$0x5] =	wrdreg $0x9  }
0xc1: {  	_ =	task.clear_ibuf [dreg:s22], $0x6FFFF;
	_ =	strace $0x90000049  }
0xc2: {  	s29 =	simm.s32 $0x9;
	_ =	strace $0x8000004B  }
0xc3: {  	_ =	swait.ge [sflag:s29], $0x1  }
0xc4: {  	[sflag:s29] =	ssyncadd.s32 $0xFFFFFFFF  }
0xc5: {  	_ =	strace $0x9000004B  }
0xc6: {  	_ =	sfence  }
0xc7: {  	s30 =	sld [smem:$0x0];
	_ =	sdelay $0x2  }
0xc8: {  	s31 =	sshll.u32 s1, $0xD;
	s1 =	sshrl.u32 s1, $0x2  }
0xc9: {  	s4 =	sand.u32 $0x4000, s31;
	s1 =	sadd.s32 s1, s30  }
0xca: {  	s0 =	sor.u32 s4, s0;
	s1 =	sshll.u32 s1, $0x11  }
0xcb: {  	s0 =	sor.u32 s1, s0  }
0xcc: {  	s0 =	sadd.s32 $0x8F2B, s0  }
0xcd: {  	[sflag:s0] =	ssyncadd.remote.s32 $0x1  }
0xce: {  	_ =	sfence.sel $0xFFFF  }
0xcf: {  	[dreg:$0x0] =	wrdreg $0xFFFFFFFF;
	(pc) =	sbr.abs _section_cstart, $3  }
0xd0: {  	[dreg:$0x1] =	wrdreg $0xFFFFFFFF  }
0xd1: {  	_ =	task.clear_ibuf [dreg:s22], $0x2FFFF;
	_ =	strace $0x9FFFFFFF  }
0xd2: {  	(tm) =	ssettm $0x7FFFFFFF  }
0xd3: {  	_ =	shalt  }
tec
execute0_lowered:
.L_overlay_start_1:
0x0: {  	(tag) =	ssettag $0x1  }
0x1: {  	s0 =	rddreg [dreg:$0x0]  }
0x2: {  	s2 =	rddreg [dreg:$0x1]  }
0x3: {  	s3 =	rddreg [dreg:$0x2];
	s4 =	simm.s32 $0x0;
	s14 =	stileid.u32  }
0x4: {  	s1 =	srdreg.scid;
	s28 =	simm.s32 $0x1;
	s29 =	simm.s32 $0x6  }
0x5: {  	s30 =	simm.s32 $0x2;
	s31 =	simm.s32 $0x3;
	s6 =	smul.u32 $0x13C00, s14  }
0x6: {  	[smem:$0x7FF] =	sst s4;
	s1 =	sand.u32 $0x1, s1;
	s11 =	smul.u32 $0x4F000, s14  }
0x7: {  	s8 =	sshll.u32 s14, $0x1;
	s5 =	sadd.s32 $0xA49200, s0;
	s22 =	smul.u32 $0xA0, s14  }
0x8: {  	s23 =	sshll.u32 s14, $0x6;
	_ =	strace $0x8000004A;
	s7 =	smul.u32 $0x13C000, s1  }
0x9: {  	s10 =	sor.u32 s1, s8;
	s19 =	ssub.s32 $0x2, s1;
	s1 =	smul.u32 $0x50, s1  }
0xa: {  	s9 =	sshrl.u32 s6, $0x3;
	s20 =	sshrl.u32 s19, $0x1;
	s12 =	smul.u32 $0x500, s10  }
0xb: {  	s21 =	sshrl.u32 s11, $0x2;
	s7 =	sadd.s32 s6, s7;
	s6 =	smul.u32 $0x50, s10  }
0xc: {  	s18 =	sadd.s32 s9, s0;
	s13 =	sadd.s32 s21, s3;
	s10 =	smul.u32 $0x28000, s10  }
0xd: {  	s9 =	sor.u32 $0x1C07, s23;
	s1 =	sadd.s32 s1, s22;
	s21 =	simm.s32 $0x80  }
0xe: {  	s22 =	simm.s32 $0x100;
	s23 =	simm.s32 $0x180;
	s7 =	sshrl.u32 s7, $0x3  }
0xf: {  	s8 =	sadd.s32 $0xEA00, s18;
	s1 =	sshll.u32 s1, $0xB;
	s0 =	sadd.s32 s7, s0  }
0x10: {  	[dreg:$0x4] =	wrdreg s8;
	s8 =	sadd.s32 s2, s12;
	s10 =	sadd.s32 s5, s10  }
0x11: {  	s7 =	ssub.s32 s19, s20;
	s12 =	sadd.s32 $0x10, s8;
	[dreg:$0x7] =	wrdreg s10  }
0x12: {  	s1 =	sadd.s32 s1, s5;
	s24 =	sadd.s32 $0x20, s8;
	[dreg:$0x5] =	wrdreg s12  }
0x13: {  	s19 =	sshrl.u32 s13, $0x3;
	s25 =	sadd.s32 $0x30, s8;
	[dreg:$0x6] =	wrdreg s24  }
0x14: {  	s20 =	simm.s32 $0x7;
	s10 =	sadd.s32 $0x800, s10;
	[dreg:$0x8] =	wrdreg s25  }
0x15: {  	s0 =	sadd.s32 $0x85200, s0;
	s26 =	smax.u32 s7, $0x1;
	[dreg:$0x9] =	wrdreg s10  }
0x16: {  	s17 =	sadd.s32 $0x1800, s1;
	s18 =	sadd.s32 $0x1000, s1;
	[dreg:$0xa] =	wrdreg s0  }
0x17: {  	s1 =	simm.s32 $0x0;
	[dreg:$0xb] =	wrdreg s26;
	s24 =	simm.s32 $0x200  }
0x18: {  	s25 =	simm.s32 $0x4200;
	s26 =	simm.s32 $0x5;
	s0 =	simm.s32 $0x4  }
.LBB2_1:
0x19: {  	s7 =	rddreg [dreg:$0x4]  }
0x1a: {  	[spmem:s19], [sflag:s9] =	dma.local [hbm:s7], $0x2780  }
0x1b: {  	_ =	swait.ge [sflag:s20], $0x2780  }
0x1c: {  	[sflag:s20] =	ssyncset.done $0x0  }
0x1d: {  	[sflag:s20] =	ssyncadd.s32 $0xFFFFD880  }
0x1e: {  	[bflag:$0x0] =	sbarrier.arrive $0xFFFF  }
0x1f: {  	[tilespmem:s4], [sflag:$0x1] =	stream.linear.gather [hbm4b:s8+s4], $0x80, $0x38;
	[tilespmem:$0x1BE00] =	vst v63  }
0x20: {  	s12 =	rddreg [dreg:$0x5]  }
0x21: {  	[tilespmem:s21], [sflag:$0x2] =	stream.linear.gather [hbm4b:s12+s4], $0x80, $0x38;
	[tilespmem:$0x1BE00] =	vst v63  }
0x22: {  	s13 =	rddreg [dreg:$0x6]  }
0x23: {  	[tilespmem:s22], [sflag:$0x3] =	stream.linear.gather [hbm4b:s13+s4], $0x80, $0x38;
	[tilespmem:$0x1BE00] =	vst v63  }
0x24: {  	s14 =	rddreg [dreg:$0x8]  }
0x25: {  	[tilespmem:s23], [sflag:$0x4] =	stream.linear.gather [hbm4b:s14+s4], $0x80, $0x38;
	[tilespmem:$0x1BE00] =	vst v63  }
0x26: {  	s15 =	rddreg [dreg:$0x7]  }
0x27: {  	[tilespmem:s24], [sflag:$0x5] =	stream.linear.gather [hbm4b:s15+s4], $0x4000, $0x38;
	[tilespmem:$0x1BE00] =	vst v63  }
0x28: {  	s16 =	rddreg [dreg:$0x9]  }
0x29: {  	[tilespmem:s25], [sflag:$0x6] =	stream.linear.gather [hbm4b:s16+s4], $0x4000, $0x38;
	[tilespmem:$0x1BE00] =	vst v63  }
0x2a: {  	_ =	swait.ge [sflag:s26], $0x4000  }
0x2b: {  	[sflag:s26] =	ssyncset.done $0x0  }
0x2c: {  	[sflag:s26] =	ssyncadd.s32 $0xFFFFC000  }
0x2d: {  	_ =	swait.ge [sflag:s28], $0x80  }
0x2e: {  	s10 =	smin.u32 s4, $0x4B;
	[sflag:s28] =	ssyncset.done $0x0  }
0x2f: {  	s7 =	sadd.s32 $0x4, s10;
	[sflag:s28] =	ssyncadd.s32 $0xFFFFFF80  }
0x30: {  	[spmem:s3] =	stream.indirect.scatter.add.f32 [tilespmem:s24], [sflag:$0x7], $0x80, s4, s21, $0xb8;
	[tilespmem:$0x1BE00] =	vst v63  }
0x31: {  	s10 =	sadd.s32 s6, s7;
	s7 =	sshll.u32 s7, $0x4;
	_ =	swait.ge [sflag:s20], $0x4000  }
0x32: {  	s11 =	sshll.u32 s10, $0x4;
	s7 =	sand.u32 $0x70, s7;
	[sflag:s20] =	ssyncset.done $0x0  }
0x33: {  	s11 =	sand.u32 $0x1FF80, s11;
	s7 =	sadd.s32 s2, s7;
	[sflag:s20] =	ssyncadd.s32 $0xFFFFC000  }
0x34: {  	[tilespmem:s24], [sflag:$0x5] =	stream.linear.gather [hbm4b:s18+s4], $0x4000, $0x38;
	[tilespmem:$0x1BE00] =	vst v63  }
0x35: {  	s7 =	sadd.s32 s11, s7  }
0x36: {  	[tilespmem:s4], [sflag:$0x1] =	stream.linear.gather [hbm4b:s7+s4], $0x80, $0x38;
	[tilespmem:$0x1BE00] =	vst v63  }
0x37: {  	_ =	swait.ge [sflag:s29], $0x4000  }
0x38: {  	[sflag:s29] =	ssyncset.done $0x0  }
0x39: {  	[sflag:s29] =	ssyncadd.s32 $0xFFFFC000  }
0x3a: {  	_ =	swait.ge [sflag:s30], $0x80  }
0x3b: {  	s11 =	smin.u32 s4, $0x4A;
	[sflag:s30] =	ssyncset.done $0x0  }
0x3c: {  	s7 =	sadd.s32 $0x5, s11;
	[sflag:s30] =	ssyncadd.s32 $0xFFFFFF80  }
0x3d: {  	[spmem:s3] =	stream.indirect.scatter.add.f32 [tilespmem:s25], [sflag:$0x7], $0x80, s21, s21, $0xb8;
	[tilespmem:$0x1BE00] =	vst v63  }
0x3e: {  	s12 =	sadd.s32 s6, s7;
	s7 =	sshll.u32 s7, $0x4;
	_ =	swait.ge [sflag:s20], $0x4000  }
0x3f: {  	s13 =	sshll.u32 s12, $0x4;
	s7 =	sand.u32 $0x70, s7;
	[sflag:s20] =	ssyncset.done $0x0  }
0x40: {  	s13 =	sand.u32 $0x1FF80, s13;
	s7 =	sadd.s32 s2, s7;
	[sflag:s20] =	ssyncadd.s32 $0xFFFFC000  }
0x41: {  	[tilespmem:s25], [sflag:$0x6] =	stream.linear.gather [hbm4b:s17+s4], $0x4000, $0x38;
	[tilespmem:$0x1BE00] =	vst v63  }
0x42: {  	s7 =	sadd.s32 s13, s7  }
0x43: {  	[tilespmem:s21], [sflag:$0x2] =	stream.linear.gather [hbm4b:s7+s4], $0x80, $0x38;
	[tilespmem:$0x1BE00] =	vst v63  }
0x44: {  	_ =	swait.ge [sflag:s26], $0x4000  }
0x45: {  	[sflag:s26] =	ssyncset.done $0x0  }
0x46: {  	[sflag:s26] =	ssyncadd.s32 $0xFFFFC000  }
0x47: {  	_ =	swait.ge [sflag:s31], $0x80  }
0x48: {  	s10 =	sshll.u32 s10, $0xB;
	s13 =	smin.u32 s4, $0x49;
	[sflag:s31] =	ssyncset.done $0x0  }
0x49: {  	s10 =	sadd.s32 s5, s10;
	s7 =	sadd.s32 $0x6, s13;
	[sflag:s31] =	ssyncadd.s32 $0xFFFFFF80  }
0x4a: {  	[spmem:s3] =	stream.indirect.scatter.add.f32 [tilespmem:s24], [sflag:$0x7], $0x80, s22, s21, $0xb8;
	[tilespmem:$0x1BE00] =	vst v63  }
0x4b: {  	s14 =	sadd.s32 s6, s7;
	s7 =	sshll.u32 s7, $0x4;
	_ =	swait.ge [sflag:s20], $0x4000  }
0x4c: {  	s13 =	sshll.u32 s14, $0x4;
	s7 =	sand.u32 $0x70, s7;
	[sflag:s20] =	ssyncset.done $0x0  }
0x4d: {  	s13 =	sand.u32 $0x1FF80, s13;
	s7 =	sadd.s32 s2, s7;
	[sflag:s20] =	ssyncadd.s32 $0xFFFFC000  }
0x4e: {  	[tilespmem:s24], [sflag:$0x5] =	stream.linear.gather [hbm4b:s10+s4], $0x4000, $0x38;
	[tilespmem:$0x1BE00] =	vst v63  }
0x4f: {  	s7 =	sadd.s32 s13, s7  }
0x50: {  	[tilespmem:s22], [sflag:$0x3] =	stream.linear.gather [hbm4b:s7+s4], $0x80, $0x38;
	[tilespmem:$0x1BE00] =	vst v63  }
0x51: {  	_ =	swait.ge [sflag:s29], $0x4000  }
0x52: {  	s15 =	smin.u32 s4, $0x48;
	[sflag:s29] =	ssyncset.done $0x0  }
0x53: {  	s16 =	sadd.s32 $0x7, s15;
	[sflag:s29] =	ssyncadd.s32 $0xFFFFC000  }
0x54: {  	s15 =	sshll.u32 s16, $0x4;
	s11 =	sadd.s32 $0x2000, s17;
	_ =	swait.ge [sflag:s0], $0x80  }
0x55: {  	s14 =	sshll.u32 s12, $0xB;
	s13 =	sadd.s32 s6, s16;
	[sflag:s0] =	ssyncset.done $0x0  }
0x56: {  	s10 =	sadd.s32 $0x2000, s18;
	s7 =	simm.s32 $0x4;
	[sflag:s0] =	ssyncadd.s32 $0xFFFFFF80  }
0x57: {  	[spmem:s3] =	stream.indirect.scatter.add.f32 [tilespmem:s25], [sflag:$0x7], $0x80, s23, s21, $0xb8;
	[tilespmem:$0x1BE00] =	vst v63  }
.LBB2_2:
0x58: {  	_ =	swait.ge [sflag:s20], $0x4000;
	s13 =	sshll.u32 s13, $0x4;
	s15 =	sand.u32 $0x70, s15  }
0x59: {  	s14 =	sadd.s32 s5, s14;
	[sflag:s20] =	ssyncset.done $0x0;
	s13 =	sand.u32 $0x1FF80, s13  }
0x5a: {  	p0 =	sne.s32 s7, $0x4C;
	s15 =	sadd.s32 s2, s15;
	[sflag:s20] =	ssyncadd.s32 $0xFFFFC000  }
0x5b: {  	[tilespmem:s25], [sflag:$0x6] =	stream.linear.gather [hbm4b:s14+s4], $0x4000, $0x38;
	[tilespmem:$0x1BE00] =	vst v63  }
0x5c: {  	s14 =	sadd.s32 s13, s15;
	s13 =	smov.u32 s7;
	s7 =	sadd.s32 $0x4, s7  }
0x5d: {  	[tilespmem:s23], [sflag:$0x4] =	stream.linear.gather [hbm4b:s14+s4], $0x80, $0x38;
	[tilespmem:$0x1BE00] =	vst v63  }
0x5e: {  	_ =	swait.ge [sflag:s26], $0x4000  }
0x5f: {  	s14 =	smin.u32 s13, $0x4B;
	[sflag:s26] =	ssyncset.done $0x0  }
0x60: {  	s14 =	sadd.s32 $0x4, s14;
	[sflag:s26] =	ssyncadd.s32 $0xFFFFC000  }
0x61: {  	s15 =	sadd.s32 s6, s14;
	s14 =	sshll.u32 s14, $0x4;
	_ =	swait.ge [sflag:s28], $0x80  }
0x62: {  	s16 =	sshll.u32 s15, $0x4;
	s14 =	sand.u32 $0x70, s14;
	[sflag:s28] =	ssyncset.done $0x0  }
0x63: {  	s16 =	sand.u32 $0x1FF80, s16;
	s14 =	sadd.s32 s2, s14;
	[sflag:s28] =	ssyncadd.s32 $0xFFFFFF80  }
0x64: {  	[spmem:s3] =	stream.indirect.scatter.add.f32 [tilespmem:s24], [sflag:$0x7], $0x80, s4, s21, $0xb8;
	[tilespmem:$0x1BE00] =	vst v63  }
0x65: {  	s14 =	sadd.s32 s16, s14;
	_ =	swait.ge [sflag:s20], $0x4000  }
0x66: {  	[sflag:s20] =	ssyncset.done $0x0  }
0x67: {  	[sflag:s20] =	ssyncadd.s32 $0xFFFFC000  }
0x68: {  	[tilespmem:s24], [sflag:$0x5] =	stream.linear.gather [hbm4b:s10+s4], $0x4000, $0x38;
	[tilespmem:$0x1BE00] =	vst v63  }
0x69: {  	_ = 	snop  }
0x6a: {  	[tilespmem:s4], [sflag:$0x1] =	stream.linear.gather [hbm4b:s14+s4], $0x80, $0x38;
	[tilespmem:$0x1BE00] =	vst v63  }
0x6b: {  	_ =	swait.ge [sflag:s29], $0x4000  }
0x6c: {  	[sflag:s29] =	ssyncset.done $0x0  }
0x6d: {  	s14 =	smin.u32 s13, $0x4A;
	[sflag:s29] =	ssyncadd.s32 $0xFFFFC000  }
0x6e: {  	s14 =	sadd.s32 $0x5, s14;
	_ =	swait.ge [sflag:s30], $0x80  }
0x6f: {  	s16 =	sadd.s32 s6, s14;
	s14 =	sshll.u32 s14, $0x4;
	[sflag:s30] =	ssyncset.done $0x0  }
0x70: {  	s12 =	sshll.u32 s16, $0x4;
	s14 =	sand.u32 $0x70, s14;
	[sflag:s30] =	ssyncadd.s32 $0xFFFFFF80  }
0x71: {  	[spmem:s3] =	stream.indirect.scatter.add.f32 [tilespmem:s25], [sflag:$0x7], $0x80, s21, s21, $0xb8;
	[tilespmem:$0x1BE00] =	vst v63  }
0x72: {  	s12 =	sand.u32 $0x1FF80, s12;
	s14 =	sadd.s32 s2, s14;
	_ =	swait.ge [sflag:s20], $0x4000  }
0x73: {  	s12 =	sadd.s32 s12, s14;
	s14 =	sshll.u32 s16, $0xB;
	[sflag:s20] =	ssyncset.done $0x0  }
0x74: {  	[sflag:s20] =	ssyncadd.s32 $0xFFFFC000  }
0x75: {  	[tilespmem:s25], [sflag:$0x6] =	stream.linear.gather [hbm4b:s11+s4], $0x4000, $0x38;
	[tilespmem:$0x1BE00] =	vst v63  }
0x76: {  	_ = 	snop  }
0x77: {  	[tilespmem:s21], [sflag:$0x2] =	stream.linear.gather [hbm4b:s12+s4], $0x80, $0x38;
	[tilespmem:$0x1BE00] =	vst v63  }
0x78: {  	_ =	swait.ge [sflag:s26], $0x4000  }
0x79: {  	[sflag:s26] =	ssyncset.done $0x0  }
0x7a: {  	[sflag:s26] =	ssyncadd.s32 $0xFFFFC000  }
0x7b: {  	s12 =	smin.u32 s13, $0x49;
	_ =	swait.ge [sflag:s31], $0x80  }
0x7c: {  	s15 =	sshll.u32 s15, $0xB;
	s12 =	sadd.s32 $0x6, s12;
	[sflag:s31] =	ssyncset.done $0x0  }
0x7d: {  	s16 =	sadd.s32 s6, s12;
	[sflag:s31] =	ssyncadd.s32 $0xFFFFFF80  }
0x7e: {  	[spmem:s3] =	stream.indirect.scatter.add.f32 [tilespmem:s24], [sflag:$0x7], $0x80, s22, s21, $0xb8;
	[tilespmem:$0x1BE00] =	vst v63  }
0x7f: {  	s12 =	sshll.u32 s12, $0x4;
	s16 =	sshll.u32 s16, $0x4;
	_ =	swait.ge [sflag:s20], $0x4000  }
0x80: {  	s12 =	sand.u32 $0x70, s12;
	s16 =	sand.u32 $0x1FF80, s16;
	[sflag:s20] =	ssyncset.done $0x0  }
0x81: {  	s15 =	sadd.s32 s5, s15;
	s12 =	sadd.s32 s2, s12;
	[sflag:s20] =	ssyncadd.s32 $0xFFFFC000  }
0x82: {  	[tilespmem:s24], [sflag:$0x5] =	stream.linear.gather [hbm4b:s15+s4], $0x4000, $0x38;
	[tilespmem:$0x1BE00] =	vst v63  }
0x83: {  	s12 =	sadd.s32 s16, s12  }
0x84: {  	[tilespmem:s22], [sflag:$0x3] =	stream.linear.gather [hbm4b:s12+s4], $0x80, $0x38;
	[tilespmem:$0x1BE00] =	vst v63  }
0x85: {  	_ =	swait.ge [sflag:s29], $0x4000  }
0x86: {  	[sflag:s29] =	ssyncset.done $0x0  }
0x87: {  	[sflag:s29] =	ssyncadd.s32 $0xFFFFC000  }
.Ltmp0:
0x88: {  	_ =	swait.ge [sflag:s0], $0x80;
	(pc) =	sbr.rel @p0 .LBB2_2-.Ltmp0, $4  }
0x89: {  	s12 =	smin.u32 s13, $0x48;
	[sflag:s0] =	ssyncset.done $0x0  }
0x8a: {  	s10 =	sadd.s32 $0x2000, s10;
	s12 =	sadd.s32 $0x7, s12;
	[sflag:s0] =	ssyncadd.s32 $0xFFFFFF80  }
0x8b: {  	s11 =	sadd.s32 $0x2000, s11;
	s13 =	sadd.s32 s6, s12;
	s15 =	sshll.u32 s12, $0x4  }
0x8c: {  	[spmem:s3] =	stream.indirect.scatter.add.f32 [tilespmem:s25], [sflag:$0x7], $0x80, s23, s21, $0xb8;
	[tilespmem:$0x1BE00] =	vst v63  }
0x8d: {  	_ =	swait.ge [sflag:s20], $0x4000;
	s7 =	sshll.u32 s13, $0x4  }
0x8e: {  	s10 =	sand.u32 $0x70, s15;
	s11 =	sadd.s32 s5, s14;
	[sflag:s20] =	ssyncset.done $0x0  }
0x8f: {  	s7 =	sand.u32 $0x1FF80, s7;
	s10 =	sadd.s32 s2, s10;
	[sflag:s20] =	ssyncadd.s32 $0xFFFFC000  }
0x90: {  	[tilespmem:s25], [sflag:$0x6] =	stream.linear.gather [hbm4b:s11+s4], $0x4000, $0x38;
	[tilespmem:$0x1BE00] =	vst v63  }
0x91: {  	s7 =	sadd.s32 s7, s10  }
0x92: {  	[tilespmem:s23], [sflag:$0x4] =	stream.linear.gather [hbm4b:s7+s4], $0x80, $0x38;
	[tilespmem:$0x1BE00] =	vst v63  }
0x93: {  	_ =	swait.ge [sflag:s26], $0x4000  }
0x94: {  	[sflag:s26] =	ssyncset.done $0x0  }
0x95: {  	[sflag:s26] =	ssyncadd.s32 $0xFFFFC000  }
0x96: {  	_ =	swait.ge [sflag:s29], $0x4000  }
0x97: {  	[sflag:s29] =	ssyncset.done $0x0  }
0x98: {  	[sflag:s29] =	ssyncadd.s32 $0xFFFFC000  }
0x99: {  	_ =	swait.ge [sflag:s28], $0x80  }
0x9a: {  	[sflag:s28] =	ssyncset.done $0x0  }
0x9b: {  	[sflag:s28] =	ssyncadd.s32 $0xFFFFFF80  }
0x9c: {  	_ =	swait.ge [sflag:s30], $0x80  }
0x9d: {  	[sflag:s30] =	ssyncset.done $0x0  }
0x9e: {  	[sflag:s30] =	ssyncadd.s32 $0xFFFFFF80  }
0x9f: {  	_ =	swait.ge [sflag:s31], $0x80  }
0xa0: {  	[sflag:s31] =	ssyncset.done $0x0  }
0xa1: {  	[sflag:s31] =	ssyncadd.s32 $0xFFFFFF80  }
0xa2: {  	_ =	swait.ge [sflag:s0], $0x80  }
0xa3: {  	[sflag:s0] =	ssyncset.done $0x0  }
0xa4: {  	[sflag:s0] =	ssyncadd.s32 $0xFFFFFF80  }
0xa5: {  	[bflag:$0x0] =	sbarrier.arrive $0xFFFF  }
0xa6: {  	s15 =	rddreg [dreg:$0xa]  }
0xa7: {  	[hbm:s15], [sflag:s9] =	dma.local [spmem:s19], $0x2780  }
0xa8: {  	_ =	swait.ge [sflag:s20], $0x2780  }
0xa9: {  	s1 =	sadd.s32 $0x1, s1;
	s16 =	rddreg [dreg:$0xb]  }
0xaa: {  	p0 =	sne.s32 s1, s16  }
.Ltmp1:
0xab: {  	_ = 	snop;
	(pc) =	sbr.rel @p0 .LBB2_1-.Ltmp1, $3  }
0xac: {  	_ =	sdelay $0x1  }
0xad: {  	[sflag:s20] =	ssyncset.done $0x0  }
0xae: {  	[sflag:s20] =	ssyncadd.s32 $0xFFFFD880  }
0xaf: {  	_ =	sfence.sel $0x180000  }
0xb0: {  	[bflag:$0x0] =	sbarrier.arrive $0xFFFF  }
0xb1: {  	_ =	strace $0x9000004A  }
0xb2: {  	s0 =	stileid.u32;
	[bflag:$0x2] =	sbarrier.arrive $0xFFFF  }
0xb3: {  	p0 =	sne.s32 s0, $0x0;
	s0 =	rddreg [dreg:$0x3]  }
0xb4: {  	s0 =	sadd.s32 @!p0 $0x100000, s0  }
0xb5: {  	[sflag:s0] =	ssyncadd.tile.s32 @!p0 $0x1;
	_ =	shalt  }
.Lfunc_end2:
_tile_overlayer_lowered:
.L_overlay_start_2:
0xb6: {  	(tag) =	ssettag $0x2  }
0xb7: {  	s0 =	rddreg [dreg:$0x0];
	s2 =	stileid.u32  }
0xb8: {  	s1 =	rddreg [dreg:$0x1];
	p0 =	sne.s32 s2, $0x0  }
0xb9: {  	s3 =	rddreg [dreg:$0x2];
	[bflag:$0x3] =	sbarrier.arrive $0xFFFF;
	s2 =	simm.s32 @!p0 $0x1C07  }
0xba: {  	[timem:s3], [sflag:s2] =	dma.local @!p0 [hbm:s0], s1  }
0xbb: {  	s0 =	simm.s32 @!p0 $0x7  }
0xbc: {  	_ =	swait.ge @!p0 [sflag:s0], s1  }
0xbd: {  	s1 =	ssub.s32 @!p0 $0x0, s1;
	[sflag:s0] =	ssyncset.done @!p0 $0x0  }
0xbe: {  	[sflag:s0] =	ssyncadd.s32 @!p0 s1  }
0xbf: {  	[bflag:$0x3] =	sbarrier.arrive $0xFFFF  }
0xc0: {  	_ =	shalt  }

</sc_bundles>
